<compile_context>
chip_gen: v7x
topology: tpu7x:2x2x1
jax: 0.10.2.dev20260603
libtpu: 0.0.44.dev20260713+nightly
codegen_flags: <defaults>
</compile_context>

<pallas_src>
import functools

import jax
import jax.numpy as jnp
from jax import lax
from jax.experimental import pallas as pl
from jax.experimental.pallas import tpu as pltpu
from jax.experimental.pallas import tpu_sc as plsc

B, T, F, VOCAB, D = 1024, 50, 26, 1000000, 16
ROW = 1 + D
NBT = B // 128
NBB = B // 64
TPAD = 56
NCHUNK = T * NBB
NW = 32
NSLOT = NCHUNK // NW
IDS = F * 64
NBATCH = IDS // 128
EVR = IDS // 16


@functools.cache
def _build_embed_sc():
  mesh = plsc.VectorSubcoreMesh(core_axis_name="c", subcore_axis_name="s")
  return functools.partial(
      pl.kernel,
      out_type=jax.ShapeDtypeStruct((ROW, F, TPAD, B), jnp.float32),
      mesh=mesh,
      compiler_params=pltpu.CompilerParams(
          needs_layout_passes=False, use_tc_tiling_on_sc=False),
      scratch_types=[
          pltpu.VMEM((F, 2, 64), jnp.float32),
          pltpu.VMEM((IDS, 16), jnp.float32),
          pltpu.VMEM((IDS, 17), jnp.float32),
          pltpu.VMEM((ROW, F, 64), jnp.float32),
          pltpu.VMEM((NBATCH, 128), jnp.int32),
          pltpu.SemaphoreType.DMA,
          pltpu.SemaphoreType.DMA,
      ],
  )(_embed_sc)


def _embed_sc(x_hbm, tab_hbm, out_hbm, xbuf, rows, rows17, obuf, idxb,
              sem, semo):
  w = lax.axis_index("s") * 2 + lax.axis_index("c")
  rowv0 = lax.iota(jnp.int32, 16)

  def prep(cid):
    @pl.when(cid < NCHUNK)
    def _():
      t = cid // NBB
      bt = (cid % NBB) // 2
      h = cid % 2
      pltpu.sync_copy(x_hbm.at[t, :, bt, :, h, :], xbuf)
      for k in range(EVR):
        f, j = k // 4, k % 4
        v = xbuf[f, 1, pl.ds(j * 16, 16)]
        idxb[k // 8, pl.ds((k % 8) * 16, 16)] = v.astype(jnp.int32)
      for g in range(NBATCH):
        pltpu.async_copy(
            tab_hbm.at[idxb.at[g]], rows.at[pl.ds(g * 128, 128)], sem)

  def body(s, carry):
    cid = s * NW + w
    t = cid // NBB
    bb = cid % NBB

    for g in range(NBATCH):
      pltpu.make_async_copy(
          tab_hbm.at[idxb.at[g]], rows.at[pl.ds(g * 128, 128)], sem).wait()

    def rbody(q, rc):
      for u in range(8):
        sl = q * 8 + u
        rows17[sl, pl.ds(0, 16)] = rows[sl, :]
      return rc

    lax.fori_loop(0, IDS // 8, rbody, 0)

    for k in range(EVR):
      f, j = k // 4, k % 4
      obuf[0, f, pl.ds(j * 16, 16)] = xbuf[f, 0, pl.ds(j * 16, 16)]

    def mbody(mm, mc):
      for u in range(2):
        m = mm * 2 + u
        rowv = rowv0 + m * 16
        f = m // 4
        col = (m % 4) * 16
        for r in range(1, ROW):
          v = plsc.load_gather(
              rows17, [rowv, jnp.full((16,), r - 1, jnp.int32)])
          obuf[r, f, pl.ds(col, 16)] = v
      return mc

    lax.fori_loop(0, EVR // 2, mbody, 0)
    pltpu.async_copy(obuf, out_hbm.at[:, :, t, pl.ds(bb * 64, 64)], semo)

    prep(cid + NW)

    pltpu.make_async_copy(
        obuf, out_hbm.at[:, :, t, pl.ds(bb * 64, 64)], semo).wait()
    return carry

  prep(w)
  lax.fori_loop(0, NSLOT, body, 0)


def kernel(X, table):
  x6 = (X.transpose(1, 3, 2, 0)
          .reshape(T, F, 2, NBT, 128)
          .transpose(0, 1, 3, 2, 4)
          .reshape(T, F, NBT, 2, 2, 64))
  out = _build_embed_sc()(x6, table)
  return out.transpose(3, 2, 0, 1)[:, :T]

# --- scband reference (transcript-rebuilt; emitter-appended) ---
"""Pipeline reference for scband-embedding-block-86887188398590 (READ-ONLY COPY).

The authoritative reference and input builder live on the scoring server;
editing this copy changes nothing except your own understanding.
"""

import jax, jax.numpy as jnp
import numpy as np

B, T, F, VOCAB, D = 1024, 50, 26, 1000000, 16

def setup_inputs(seed: int = 0) -> dict:
    key = jax.random.key(seed)
    k1, k2 = jax.random.split(key)
    X = jax.random.randint(k1, (B, T, 2, F), 0, VOCAB).astype(jnp.float32)
    table = jax.random.normal(k2, (VOCAB, D), dtype=jnp.float32)
    return {"X": X, "table": table}

def reference(X, table):
    # X: [B, T, 2, F]; channel 0 = continuous feature, channel 1 = categorical id
    catego_X = X[:, :, 1, :].astype(jnp.int32)          # [B, T, F]
    embedded_X = jnp.take(table, catego_X, axis=0)      # [B, T, F, D]
    cont = X[:, :, 0, :][..., None]                     # [B, T, F, 1]
    out = jnp.concatenate((cont, embedded_X), axis=3)   # [B, T, F, 1+D]
    return jnp.transpose(out, (0, 1, 3, 2))             # [B, T, 1+D, F]

if __name__ == "__main__":
    import jax
    _d = setup_inputs()
    print(jax.jit(kernel)(*tuple(_d.values())))

</pallas_src>

<mosaic_0001>
#map = affine_map<(d0, d1) -> (0, 0, 0, 0, 0, 0)>
#map1 = affine_map<(d0, d1) -> (0, 0)>
#map2 = affine_map<(d0, d1) -> (0, 0, 0, 0)>
module attributes {stable_mosaic.version = 14 : i64} {
  func.func @_embed_sc(%arg0: i32, %arg1: i32, %arg2: memref<50x26x8x2x2x64xf32, #tpu.memory_space<hbm>>, %arg3: memref<1000000x16xf32, #tpu.memory_space<hbm>>, %arg4: memref<17x26x56x1024xf32, #tpu.memory_space<hbm>>, %arg5: memref<26x2x64xf32, #tpu.memory_space<vmem>>, %arg6: memref<1664x16xf32, #tpu.memory_space<vmem>>, %arg7: memref<1664x17xf32, #tpu.memory_space<vmem>>, %arg8: memref<17x26x64xf32, #tpu.memory_space<vmem>>, %arg9: memref<13x128xi32, #tpu.memory_space<vmem>>, %arg10: memref<!tpu.dma_semaphore, #tpu.memory_space<semaphore_mem>>, %arg11: memref<!tpu.dma_semaphore, #tpu.memory_space<semaphore_mem>>) attributes {dimension_semantics = [#tpu.dimension_semantics<core_parallel>, #tpu.dimension_semantics<subcore_parallel>], iteration_bounds = array<i64: 2, 16>, scalar_prefetch = 0 : i64, scratch_operands = 7 : i64, tpu.core_type = #tpu.core_type<sc_vector_subcore>, window_params = [{transform_indices = #map}, {transform_indices = #map1}, {transform_indices = #map2}]} {
    %mul3A = arith.constant 2 : i32
    %mul3A_0 = arith.muli %arg1, %mul3A : i32
    %add3A = arith.addi %mul3A_0, %arg0 : i32
    %iota3A = tpu.iota {dimensions = array<i32: 0>} : vector<16xi32>
    %lt3A = arith.constant 800 : i32
    %lt3A_1 = arith.cmpi slt, %add3A, %lt3A : i32
    %convert_element_type3A = arith.extui %lt3A_1 : i1 to i32
    %cond3A = arith.constant 0 : i32
    %cond3A_2 = arith.cmpi ne, %convert_element_type3A, %cond3A : i32
    scf.if %cond3A_2 {
      %jit3A = arith.constant 16 : i32
      %div3A = arith.divsi %add3A, %jit3A : i32
      %sign3A = arith.constant 0 : i32
      %sign3A_8 = arith.cmpi sgt, %add3A, %sign3A : i32
      %sign3A_9 = arith.extui %sign3A_8 : i1 to i32
      %sign3A_10 = arith.constant 0 : i32
      %sign3A_11 = arith.cmpi slt, %add3A, %sign3A_10 : i32
      %sign3A_12 = arith.extui %sign3A_11 : i1 to i32
      %sign3A_13 = arith.subi %sign3A_9, %sign3A_12 : i32
      %sign3A_14 = arith.constant 0 : i32
      %sign3A_15 = arith.cmpi sgt, %jit3A, %sign3A_14 : i32
      %sign3A_16 = arith.extui %sign3A_15 : i1 to i32
      %sign3A_17 = arith.constant 0 : i32
      %sign3A_18 = arith.cmpi slt, %jit3A, %sign3A_17 : i32
      %sign3A_19 = arith.extui %sign3A_18 : i1 to i32
      %sign3A_20 = arith.subi %sign3A_16, %sign3A_19 : i32
      %ne3A = arith.cmpi ne, %sign3A_13, %sign3A_20 : i32
      %rem3A = arith.remsi %add3A, %jit3A : i32
      %ne3A_21 = arith.constant 0 : i32
      %ne3A_22 = arith.cmpi ne, %rem3A, %ne3A_21 : i32
      %and3A = arith.andi %ne3A, %ne3A_22 : i1
      %sub3A = arith.constant 1 : i32
      %sub3A_23 = arith.subi %div3A, %sub3A : i32
      %select_n3A = arith.select %and3A, %sub3A_23, %div3A : i32
      %jit3A_24 = arith.constant 16 : i32
      %eq3A = arith.constant 0 : i32
      %eq3A_25 = arith.cmpi eq, %jit3A_24, %eq3A : i32
      %jit3A_26 = arith.constant 1 : i32
      %select_n3A_27 = arith.select %eq3A_25, %jit3A_26, %jit3A_24 : i32
      %rem3A_28 = arith.remsi %add3A, %select_n3A_27 : i32
      %ne3A_29 = arith.constant 0 : i32
      %ne3A_30 = arith.cmpi ne, %rem3A_28, %ne3A_29 : i32
      %lt3A_31 = arith.constant 0 : i32
      %lt3A_32 = arith.cmpi slt, %rem3A_28, %lt3A_31 : i32
      %lt3A_33 = arith.constant 0 : i32
      %lt3A_34 = arith.cmpi slt, %select_n3A_27, %lt3A_33 : i32
      %ne3A_35 = arith.xori %lt3A_32, %lt3A_34 : i1
      %and3A_36 = arith.andi %ne3A_35, %ne3A_30 : i1
      %add3A_37 = arith.addi %rem3A_28, %select_n3A_27 : i32
      %select_n3A_38 = arith.select %and3A_36, %add3A_37, %rem3A_28 : i32
      %jit3A_39 = arith.constant 2 : i32
      %div3A_40 = arith.divsi %select_n3A_38, %jit3A_39 : i32
      %sign3A_41 = arith.constant 0 : i32
      %sign3A_42 = arith.cmpi sgt, %select_n3A_38, %sign3A_41 : i32
      %sign3A_43 = arith.extui %sign3A_42 : i1 to i32
      %sign3A_44 = arith.constant 0 : i32
      %sign3A_45 = arith.cmpi slt, %select_n3A_38, %sign3A_44 : i32
      %sign3A_46 = arith.extui %sign3A_45 : i1 to i32
      %sign3A_47 = arith.subi %sign3A_43, %sign3A_46 : i32
      %sign3A_48 = arith.constant 0 : i32
      %sign3A_49 = arith.cmpi sgt, %jit3A_39, %sign3A_48 : i32
      %sign3A_50 = arith.extui %sign3A_49 : i1 to i32
      %sign3A_51 = arith.constant 0 : i32
      %sign3A_52 = arith.cmpi slt, %jit3A_39, %sign3A_51 : i32
      %sign3A_53 = arith.extui %sign3A_52 : i1 to i32
      %sign3A_54 = arith.subi %sign3A_50, %sign3A_53 : i32
      %ne3A_55 = arith.cmpi ne, %sign3A_47, %sign3A_54 : i32
      %rem3A_56 = arith.remsi %select_n3A_38, %jit3A_39 : i32
      %ne3A_57 = arith.constant 0 : i32
      %ne3A_58 = arith.cmpi ne, %rem3A_56, %ne3A_57 : i32
      %and3A_59 = arith.andi %ne3A_55, %ne3A_58 : i1
      %sub3A_60 = arith.constant 1 : i32
      %sub3A_61 = arith.subi %div3A_40, %sub3A_60 : i32
      %select_n3A_62 = arith.select %and3A_59, %sub3A_61, %div3A_40 : i32
      %jit3A_63 = arith.constant 2 : i32
      %eq3A_64 = arith.constant 0 : i32
      %eq3A_65 = arith.cmpi eq, %jit3A_63, %eq3A_64 : i32
      %jit3A_66 = arith.constant 1 : i32
      %select_n3A_67 = arith.select %eq3A_65, %jit3A_66, %jit3A_63 : i32
      %rem3A_68 = arith.remsi %add3A, %select_n3A_67 : i32
      %ne3A_69 = arith.constant 0 : i32
      %ne3A_70 = arith.cmpi ne, %rem3A_68, %ne3A_69 : i32
      %lt3A_71 = arith.constant 0 : i32
      %lt3A_72 = arith.cmpi slt, %rem3A_68, %lt3A_71 : i32
      %lt3A_73 = arith.constant 0 : i32
      %lt3A_74 = arith.cmpi slt, %select_n3A_67, %lt3A_73 : i32
      %ne3A_75 = arith.xori %lt3A_72, %lt3A_74 : i1
      %and3A_76 = arith.andi %ne3A_75, %ne3A_70 : i1
      %add3A_77 = arith.addi %rem3A_68, %select_n3A_67 : i32
      %select_n3A_78 = arith.select %and3A_76, %add3A_77, %rem3A_68 : i32
      "tpu.region"() ({
        %run_scoped3A = tpu.sem_alloc : memref<!tpu.dma_semaphore, #tpu.memory_space<semaphore_mem>>
        %dma_start3A_1350 = arith.constant 0 : i32
        %dma_start3A_1351 = arith.constant 0 : i32
        %dma_start3A_1352 = arith.constant 0 : i32
        %dma_start3A_1353 = tpu.memref_slice %arg2[%select_n3A, %dma_start3A_1350, %select_n3A_62, %dma_start3A_1351, %select_n3A_78, %dma_start3A_1352] : memref<50x26x8x2x2x64xf32, #tpu.memory_space<hbm>> -> memref<1x26x1x2x1x64xf32, #tpu.memory_space<hbm>>
        %dma_start3A_1354 = tpu.memref_squeeze %dma_start3A_1353 : memref<1x26x1x2x1x64xf32, #tpu.memory_space<hbm>> -> memref<26x2x64xf32, #tpu.memory_space<hbm>>
        %dma_start3A_1355 = arith.constant 0 : i32
        %dma_start3A_1356 = arith.constant 0 : i32
        %dma_start3A_1357 = arith.constant 0 : i32
        %dma_start3A_1358 = tpu.memref_slice %arg2[%select_n3A, %dma_start3A_1355, %select_n3A_62, %dma_start3A_1356, %select_n3A_78, %dma_start3A_1357] : memref<50x26x8x2x2x64xf32, #tpu.memory_space<hbm>> -> memref<1x26x1x2x1x64xf32, #tpu.memory_space<hbm>>
        %dma_start3A_1359 = tpu.memref_squeeze %dma_start3A_1358 : memref<1x26x1x2x1x64xf32, #tpu.memory_space<hbm>> -> memref<26x2x64xf32, #tpu.memory_space<hbm>>
        tpu.enqueue_dma source(%dma_start3A_1359 : memref<26x2x64xf32, #tpu.memory_space<hbm>>) target(%arg5 : memref<26x2x64xf32, #tpu.memory_space<vmem>>) target_semaphore(%run_scoped3A : memref<!tpu.dma_semaphore, #tpu.memory_space<semaphore_mem>>)
        %dma_wait3A = arith.constant 0 : i32
        %dma_wait3A_1360 = arith.constant 0 : i32
        %dma_wait3A_1361 = arith.constant 0 : i32
        %dma_wait3A_1362 = tpu.memref_slice %arg2[%select_n3A, %dma_wait3A, %select_n3A_62, %dma_wait3A_1360, %select_n3A_78, %dma_wait3A_1361] : memref<50x26x8x2x2x64xf32, #tpu.memory_space<hbm>> -> memref<1x26x1x2x1x64xf32, #tpu.memory_space<hbm>>
        %dma_wait3A_1363 = tpu.memref_squeeze %dma_wait3A_1362 : memref<1x26x1x2x1x64xf32, #tpu.memory_space<hbm>> -> memref<26x2x64xf32, #tpu.memory_space<hbm>>
        %dma_wait3A_1364 = arith.constant 0 : i32
        %dma_wait3A_1365 = arith.constant 0 : i32
        %dma_wait3A_1366 = arith.constant 0 : i32
        %dma_wait3A_1367 = tpu.memref_slice %arg2[%select_n3A, %dma_wait3A_1364, %select_n3A_62, %dma_wait3A_1365, %select_n3A_78, %dma_wait3A_1366] : memref<50x26x8x2x2x64xf32, #tpu.memory_space<hbm>> -> memref<1x26x1x2x1x64xf32, #tpu.memory_space<hbm>>
        %dma_wait3A_1368 = tpu.memref_squeeze %dma_wait3A_1367 : memref<1x26x1x2x1x64xf32, #tpu.memory_space<hbm>> -> memref<26x2x64xf32, #tpu.memory_space<hbm>>
        tpu.wait_dma2 semaphore(%run_scoped3A : memref<!tpu.dma_semaphore, #tpu.memory_space<semaphore_mem>>) src(%dma_wait3A_1368 : memref<26x2x64xf32, #tpu.memory_space<hbm>>) dst(%arg5 : memref<26x2x64xf32, #tpu.memory_space<vmem>>)
        tpu.yield
      }) : () -> ()
      %get3A = arith.constant 0 : i32
      %get3A_79 = arith.constant 1 : i32
      %get3A_80 = arith.index_cast %get3A : i32 to index
      %get3A_81 = arith.index_cast %get3A_79 : i32 to index
      %get3A_82 = arith.constant 0 : index
      %get3A_83 = tpu.vector_load %arg5[%get3A_80, %get3A_81, %get3A_82] {strides = array<i32>} : memref<26x2x64xf32, #tpu.memory_space<vmem>>, vector<16xf32>,
      %convert_element_type3A_84 = arith.fptosi %get3A_83 : vector<16xf32> to vector<16xi32>
      %swap3A = arith.constant 0 : i32
      %swap3A_85 = arith.index_cast %swap3A : i32 to index
      %swap3A_86 = arith.constant 0 : index
      %swap3A_87 = tpu.vector_load %arg9[%swap3A_85, %swap3A_86] {strides = array<i32>} : memref<13x128xi32, #tpu.memory_space<vmem>>, vector<16xi32>,
      tpu.vector_store %arg9[%swap3A_85, %swap3A_86], %convert_element_type3A_84 {strides = array<i32>} : memref<13x128xi32, #tpu.memory_space<vmem>>, vector<16xi32>,
      %get3A_88 = arith.constant 0 : i32
      %get3A_89 = arith.constant 1 : i32
      %get3A_90 = arith.index_cast %get3A_88 : i32 to index
      %get3A_91 = arith.index_cast %get3A_89 : i32 to index
      %get3A_92 = arith.constant 16 : index
      %get3A_93 = tpu.vector_load %arg5[%get3A_90, %get3A_91, %get3A_92] {strides = array<i32>} : memref<26x2x64xf32, #tpu.memory_space<vmem>>, vector<16xf32>,
      %convert_element_type3A_94 = arith.fptosi %get3A_93 : vector<16xf32> to vector<16xi32>
      %swap3A_95 = arith.constant 0 : i32
      %swap3A_96 = arith.index_cast %swap3A_95 : i32 to index
      %swap3A_97 = arith.constant 16 : index
      %swap3A_98 = tpu.vector_load %arg9[%swap3A_96, %swap3A_97] {strides = array<i32>} : memref<13x128xi32, #tpu.memory_space<vmem>>, vector<16xi32>,
      tpu.vector_store %arg9[%swap3A_96, %swap3A_97], %convert_element_type3A_94 {strides = array<i32>} : memref<13x128xi32, #tpu.memory_space<vmem>>, vector<16xi32>,
      %get3A_99 = arith.constant 0 : i32
      %get3A_100 = arith.constant 1 : i32
      %get3A_101 = arith.index_cast %get3A_99 : i32 to index
      %get3A_102 = arith.index_cast %get3A_100 : i32 to index
      %get3A_103 = arith.constant 32 : index
      %get3A_104 = tpu.vector_load %arg5[%get3A_101, %get3A_102, %get3A_103] {strides = array<i32>} : memref<26x2x64xf32, #tpu.memory_space<vmem>>, vector<16xf32>,
      %convert_element_type3A_105 = arith.fptosi %get3A_104 : vector<16xf32> to vector<16xi32>
      %swap3A_106 = arith.constant 0 : i32
      %swap3A_107 = arith.index_cast %swap3A_106 : i32 to index
      %swap3A_108 = arith.constant 32 : index
      %swap3A_109 = tpu.vector_load %arg9[%swap3A_107, %swap3A_108] {strides = array<i32>} : memref<13x128xi32, #tpu.memory_space<vmem>>, vector<16xi32>,
      tpu.vector_store %arg9[%swap3A_107, %swap3A_108], %convert_element_type3A_105 {strides = array<i32>} : memref<13x128xi32, #tpu.memory_space<vmem>>, vector<16xi32>,
      %get3A_110 = arith.constant 0 : i32
      %get3A_111 = arith.constant 1 : i32
      %get3A_112 = arith.index_cast %get3A_110 : i32 to index
      %get3A_113 = arith.index_cast %get3A_111 : i32 to index
      %get3A_114 = arith.constant 48 : index
      %get3A_115 = tpu.vector_load %arg5[%get3A_112, %get3A_113, %get3A_114] {strides = array<i32>} : memref<26x2x64xf32, #tpu.memory_space<vmem>>, vector<16xf32>,
      %convert_element_type3A_116 = arith.fptosi %get3A_115 : vector<16xf32> to vector<16xi32>
      %swap3A_117 = arith.constant 0 : i32
      %swap3A_118 = arith.index_cast %swap3A_117 : i32 to index
      %swap3A_119 = arith.constant 48 : index
      %swap3A_120 = tpu.vector_load %arg9[%swap3A_118, %swap3A_119] {strides = array<i32>} : memref<13x128xi32, #tpu.memory_space<vmem>>, vector<16xi32>,
      tpu.vector_store %arg9[%swap3A_118, %swap3A_119], %convert_element_type3A_116 {strides = array<i32>} : memref<13x128xi32, #tpu.memory_space<vmem>>, vector<16xi32>,
      %get3A_121 = arith.constant 1 : i32
      %get3A_122 = arith.constant 1 : i32
      %get3A_123 = arith.index_cast %get3A_121 : i32 to index
      %get3A_124 = arith.index_cast %get3A_122 : i32 to index
      %get3A_125 = arith.constant 0 : index
      %get3A_126 = tpu.vector_load %arg5[%get3A_123, %get3A_124, %get3A_125] {strides = array<i32>} : memref<26x2x64xf32, #tpu.memory_space<vmem>>, vector<16xf32>,
      %convert_element_type3A_127 = arith.fptosi %get3A_126 : vector<16xf32> to vector<16xi32>
      %swap3A_128 = arith.constant 0 : i32
      %swap3A_129 = arith.index_cast %swap3A_128 : i32 to index
      %swap3A_130 = arith.constant 64 : index
      %swap3A_131 = tpu.vector_load %arg9[%swap3A_129, %swap3A_130] {strides = array<i32>} : memref<13x128xi32, #tpu.memory_space<vmem>>, vector<16xi32>,
      tpu.vector_store %arg9[%swap3A_129, %swap3A_130], %convert_element_type3A_127 {strides = array<i32>} : memref<13x128xi32, #tpu.memory_space<vmem>>, vector<16xi32>,
      %get3A_132 = arith.constant 1 : i32
      %get3A_133 = arith.constant 1 : i32
      %get3A_134 = arith.index_cast %get3A_132 : i32 to index
      %get3A_135 = arith.index_cast %get3A_133 : i32 to index
      %get3A_136 = arith.constant 16 : index
      %get3A_137 = tpu.vector_load %arg5[%get3A_134, %get3A_135, %get3A_136] {strides = array<i32>} : memref<26x2x64xf32, #tpu.memory_space<vmem>>, vector<16xf32>,
      %convert_element_type3A_138 = arith.fptosi %get3A_137 : vector<16xf32> to vector<16xi32>
      %swap3A_139 = arith.constant 0 : i32
      %swap3A_140 = arith.index_cast %swap3A_139 : i32 to index
      %swap3A_141 = arith.constant 80 : index
      %swap3A_142 = tpu.vector_load %arg9[%swap3A_140, %swap3A_141] {strides = array<i32>} : memref<13x128xi32, #tpu.memory_space<vmem>>, vector<16xi32>,
      tpu.vector_store %arg9[%swap3A_140, %swap3A_141], %convert_element_type3A_138 {strides = array<i32>} : memref<13x128xi32, #tpu.memory_space<vmem>>, vector<16xi32>,
      %get3A_143 = arith.constant 1 : i32
      %get3A_144 = arith.constant 1 : i32
      %get3A_145 = arith.index_cast %get3A_143 : i32 to index
      %get3A_146 = arith.index_cast %get3A_144 : i32 to index
      %get3A_147 = arith.constant 32 : index
      %get3A_148 = tpu.vector_load %arg5[%get3A_145, %get3A_146, %get3A_147] {strides = array<i32>} : memref<26x2x64xf32, #tpu.memory_space<vmem>>, vector<16xf32>,
      %convert_element_type3A_149 = arith.fptosi %get3A_148 : vector<16xf32> to vector<16xi32>
      %swap3A_150 = arith.constant 0 : i32
      %swap3A_151 = arith.index_cast %swap3A_150 : i32 to index
      %swap3A_152 = arith.constant 96 : index
      %swap3A_153 = tpu.vector_load %arg9[%swap3A_151, %swap3A_152] {strides = array<i32>} : memref<13x128xi32, #tpu.memory_space<vmem>>, vector<16xi32>,
      tpu.vector_store %arg9[%swap3A_151, %swap3A_152], %convert_element_type3A_149 {strides = array<i32>} : memref<13x128xi32, #tpu.memory_space<vmem>>, vector<16xi32>,
      %get3A_154 = arith.constant 1 : i32
      %get3A_155 = arith.constant 1 : i32
      %get3A_156 = arith.index_cast %get3A_154 : i32 to index
      %get3A_157 = arith.index_cast %get3A_155 : i32 to index
      %get3A_158 = arith.constant 48 : index
      %get3A_159 = tpu.vector_load %arg5[%get3A_156, %get3A_157, %get3A_158] {strides = array<i32>} : memref<26x2x64xf32, #tpu.memory_space<vmem>>, vector<16xf32>,
      %convert_element_type3A_160 = arith.fptosi %get3A_159 : vector<16xf32> to vector<16xi32>
      %swap3A_161 = arith.constant 0 : i32
      %swap3A_162 = arith.index_cast %swap3A_161 : i32 to index
      %swap3A_163 = arith.constant 112 : index
      %swap3A_164 = tpu.vector_load %arg9[%swap3A_162, %swap3A_163] {strides = array<i32>} : memref<13x128xi32, #tpu.memory_space<vmem>>, vector<16xi32>,
      tpu.vector_store %arg9[%swap3A_162, %swap3A_163], %convert_element_type3A_160 {strides = array<i32>} : memref<13x128xi32, #tpu.memory_space<vmem>>, vector<16xi32>,
      %get3A_165 = arith.constant 2 : i32
      %get3A_166 = arith.constant 1 : i32
      %get3A_167 = arith.index_cast %get3A_165 : i32 to index
      %get3A_168 = arith.index_cast %get3A_166 : i32 to index
      %get3A_169 = arith.constant 0 : index
      %get3A_170 = tpu.vector_load %arg5[%get3A_167, %get3A_168, %get3A_169] {strides = array<i32>} : memref<26x2x64xf32, #tpu.memory_space<vmem>>, vector<16xf32>,
      %convert_element_type3A_171 = arith.fptosi %get3A_170 : vector<16xf32> to vector<16xi32>
      %swap3A_172 = arith.constant 1 : i32
      %swap3A_173 = arith.index_cast %swap3A_172 : i32 to index
      %swap3A_174 = arith.constant 0 : index
      %swap3A_175 = tpu.vector_load %arg9[%swap3A_173, %swap3A_174] {strides = array<i32>} : memref<13x128xi32, #tpu.memory_space<vmem>>, vector<16xi32>,
      tpu.vector_store %arg9[%swap3A_173, %swap3A_174], %convert_element_type3A_171 {strides = array<i32>} : memref<13x128xi32, #tpu.memory_space<vmem>>, vector<16xi32>,
      %get3A_176 = arith.constant 2 : i32
      %get3A_177 = arith.constant 1 : i32
      %get3A_178 = arith.index_cast %get3A_176 : i32 to index
      %get3A_179 = arith.index_cast %get3A_177 : i32 to index
      %get3A_180 = arith.constant 16 : index
      %get3A_181 = tpu.vector_load %arg5[%get3A_178, %get3A_179, %get3A_180] {strides = array<i32>} : memref<26x2x64xf32, #tpu.memory_space<vmem>>, vector<16xf32>,
      %convert_element_type3A_182 = arith.fptosi %get3A_181 : vector<16xf32> to vector<16xi32>
      %swap3A_183 = arith.constant 1 : i32
      %swap3A_184 = arith.index_cast %swap3A_183 : i32 to index
      %swap3A_185 = arith.constant 16 : index
      %swap3A_186 = tpu.vector_load %arg9[%swap3A_184, %swap3A_185] {strides = array<i32>} : memref<13x128xi32, #tpu.memory_space<vmem>>, vector<16xi32>,
      tpu.vector_store %arg9[%swap3A_184, %swap3A_185], %convert_element_type3A_182 {strides = array<i32>} : memref<13x128xi32, #tpu.memory_space<vmem>>, vector<16xi32>,
      %get3A_187 = arith.constant 2 : i32
      %get3A_188 = arith.constant 1 : i32
      %get3A_189 = arith.index_cast %get3A_187 : i32 to index
      %get3A_190 = arith.index_cast %get3A_188 : i32 to index
      %get3A_191 = arith.constant 32 : index
      %get3A_192 = tpu.vector_load %arg5[%get3A_189, %get3A_190, %get3A_191] {strides = array<i32>} : memref<26x2x64xf32, #tpu.memory_space<vmem>>, vector<16xf32>,
      %convert_element_type3A_193 = arith.fptosi %get3A_192 : vector<16xf32> to vector<16xi32>
      %swap3A_194 = arith.constant 1 : i32
      %swap3A_195 = arith.index_cast %swap3A_194 : i32 to index
      %swap3A_196 = arith.constant 32 : index
      %swap3A_197 = tpu.vector_load %arg9[%swap3A_195, %swap3A_196] {strides = array<i32>} : memref<13x128xi32, #tpu.memory_space<vmem>>, vector<16xi32>,
      tpu.vector_store %arg9[%swap3A_195, %swap3A_196], %convert_element_type3A_193 {strides = array<i32>} : memref<13x128xi32, #tpu.memory_space<vmem>>, vector<16xi32>,
      %get3A_198 = arith.constant 2 : i32
      %get3A_199 = arith.constant 1 : i32
      %get3A_200 = arith.index_cast %get3A_198 : i32 to index
      %get3A_201 = arith.index_cast %get3A_199 : i32 to index
      %get3A_202 = arith.constant 48 : index
      %get3A_203 = tpu.vector_load %arg5[%get3A_200, %get3A_201, %get3A_202] {strides = array<i32>} : memref<26x2x64xf32, #tpu.memory_space<vmem>>, vector<16xf32>,
      %convert_element_type3A_204 = arith.fptosi %get3A_203 : vector<16xf32> to vector<16xi32>
      %swap3A_205 = arith.constant 1 : i32
      %swap3A_206 = arith.index_cast %swap3A_205 : i32 to index
      %swap3A_207 = arith.constant 48 : index
      %swap3A_208 = tpu.vector_load %arg9[%swap3A_206, %swap3A_207] {strides = array<i32>} : memref<13x128xi32, #tpu.memory_space<vmem>>, vector<16xi32>,
      tpu.vector_store %arg9[%swap3A_206, %swap3A_207], %convert_element_type3A_204 {strides = array<i32>} : memref<13x128xi32, #tpu.memory_space<vmem>>, vector<16xi32>,
      %get3A_209 = arith.constant 3 : i32
      %get3A_210 = arith.constant 1 : i32
      %get3A_211 = arith.index_cast %get3A_209 : i32 to index
      %get3A_212 = arith.index_cast %get3A_210 : i32 to index
      %get3A_213 = arith.constant 0 : index
      %get3A_214 = tpu.vector_load %arg5[%get3A_211, %get3A_212, %get3A_213] {strides = array<i32>} : memref<26x2x64xf32, #tpu.memory_space<vmem>>, vector<16xf32>,
      %convert_element_type3A_215 = arith.fptosi %get3A_214 : vector<16xf32> to vector<16xi32>
      %swap3A_216 = arith.constant 1 : i32
      %swap3A_217 = arith.index_cast %swap3A_216 : i32 to index
      %swap3A_218 = arith.constant 64 : index
      %swap3A_219 = tpu.vector_load %arg9[%swap3A_217, %swap3A_218] {strides = array<i32>} : memref<13x128xi32, #tpu.memory_space<vmem>>, vector<16xi32>,
      tpu.vector_store %arg9[%swap3A_217, %swap3A_218], %convert_element_type3A_215 {strides = array<i32>} : memref<13x128xi32, #tpu.memory_space<vmem>>, vector<16xi32>,
      %get3A_220 = arith.constant 3 : i32
      %get3A_221 = arith.constant 1 : i32
      %get3A_222 = arith.index_cast %get3A_220 : i32 to index
      %get3A_223 = arith.index_cast %get3A_221 : i32 to index
      %get3A_224 = arith.constant 16 : index
      %get3A_225 = tpu.vector_load %arg5[%get3A_222, %get3A_223, %get3A_224] {strides = array<i32>} : memref<26x2x64xf32, #tpu.memory_space<vmem>>, vector<16xf32>,
      %convert_element_type3A_226 = arith.fptosi %get3A_225 : vector<16xf32> to vector<16xi32>
      %swap3A_227 = arith.constant 1 : i32
      %swap3A_228 = arith.index_cast %swap3A_227 : i32 to index
      %swap3A_229 = arith.constant 80 : index
      %swap3A_230 = tpu.vector_load %arg9[%swap3A_228, %swap3A_229] {strides = array<i32>} : memref<13x128xi32, #tpu.memory_space<vmem>>, vector<16xi32>,
      tpu.vector_store %arg9[%swap3A_228, %swap3A_229], %convert_element_type3A_226 {strides = array<i32>} : memref<13x128xi32, #tpu.memory_space<vmem>>, vector<16xi32>,
      %get3A_231 = arith.constant 3 : i32
      %get3A_232 = arith.constant 1 : i32
      %get3A_233 = arith.index_cast %get3A_231 : i32 to index
      %get3A_234 = arith.index_cast %get3A_232 : i32 to index
      %get3A_235 = arith.constant 32 : index
      %get3A_236 = tpu.vector_load %arg5[%get3A_233, %get3A_234, %get3A_235] {strides = array<i32>} : memref<26x2x64xf32, #tpu.memory_space<vmem>>, vector<16xf32>,
      %convert_element_type3A_237 = arith.fptosi %get3A_236 : vector<16xf32> to vector<16xi32>
      %swap3A_238 = arith.constant 1 : i32
      %swap3A_239 = arith.index_cast %swap3A_238 : i32 to index
      %swap3A_240 = arith.constant 96 : index
      %swap3A_241 = tpu.vector_load %arg9[%swap3A_239, %swap3A_240] {strides = array<i32>} : memref<13x128xi32, #tpu.memory_space<vmem>>, vector<16xi32>,
      tpu.vector_store %arg9[%swap3A_239, %swap3A_240], %convert_element_type3A_237 {strides = array<i32>} : memref<13x128xi32, #tpu.memory_space<vmem>>, vector<16xi32>,
      %get3A_242 = arith.constant 3 : i32
      %get3A_243 = arith.constant 1 : i32
      %get3A_244 = arith.index_cast %get3A_242 : i32 to index
      %get3A_245 = arith.index_cast %get3A_243 : i32 to index
      %get3A_246 = arith.constant 48 : index
      %get3A_247 = tpu.vector_load %arg5[%get3A_244, %get3A_245, %get3A_246] {strides = array<i32>} : memref<26x2x64xf32, #tpu.memory_space<vmem>>, vector<16xf32>,
      %convert_element_type3A_248 = arith.fptosi %get3A_247 : vector<16xf32> to vector<16xi32>
      %swap3A_249 = arith.constant 1 : i32
      %swap3A_250 = arith.index_cast %swap3A_249 : i32 to index
      %swap3A_251 = arith.constant 112 : index
      %swap3A_252 = tpu.vector_load %arg9[%swap3A_250, %swap3A_251] {strides = array<i32>} : memref<13x128xi32, #tpu.memory_space<vmem>>, vector<16xi32>,
      tpu.vector_store %arg9[%swap3A_250, %swap3A_251], %convert_element_type3A_248 {strides = array<i32>} : memref<13x128xi32, #tpu.memory_space<vmem>>, vector<16xi32>,
      %get3A_253 = arith.constant 4 : i32
      %get3A_254 = arith.constant 1 : i32
      %get3A_255 = arith.index_cast %get3A_253 : i32 to index
      %get3A_256 = arith.index_cast %get3A_254 : i32 to index
      %get3A_257 = arith.constant 0 : index
      %get3A_258 = tpu.vector_load %arg5[%get3A_255, %get3A_256, %get3A_257] {strides = array<i32>} : memref<26x2x64xf32, #tpu.memory_space<vmem>>, vector<16xf32>,
      %convert_element_type3A_259 = arith.fptosi %get3A_258 : vector<16xf32> to vector<16xi32>
      %swap3A_260 = arith.constant 2 : i32
      %swap3A_261 = arith.index_cast %swap3A_260 : i32 to index
      %swap3A_262 = arith.constant 0 : index
      %swap3A_263 = tpu.vector_load %arg9[%swap3A_261, %swap3A_262] {strides = array<i32>} : memref<13x128xi32, #tpu.memory_space<vmem>>, vector<16xi32>,
      tpu.vector_store %arg9[%swap3A_261, %swap3A_262], %convert_element_type3A_259 {strides = array<i32>} : memref<13x128xi32, #tpu.memory_space<vmem>>, vector<16xi32>,
      %get3A_264 = arith.constant 4 : i32
      %get3A_265 = arith.constant 1 : i32
      %get3A_266 = arith.index_cast %get3A_264 : i32 to index
      %get3A_267 = arith.index_cast %get3A_265 : i32 to index
      %get3A_268 = arith.constant 16 : index
      %get3A_269 = tpu.vector_load %arg5[%get3A_266, %get3A_267, %get3A_268] {strides = array<i32>} : memref<26x2x64xf32, #tpu.memory_space<vmem>>, vector<16xf32>,
      %convert_element_type3A_270 = arith.fptosi %get3A_269 : vector<16xf32> to vector<16xi32>
      %swap3A_271 = arith.constant 2 : i32
      %swap3A_272 = arith.index_cast %swap3A_271 : i32 to index
      %swap3A_273 = arith.constant 16 : index
      %swap3A_274 = tpu.vector_load %arg9[%swap3A_272, %swap3A_273] {strides = array<i32>} : memref<13x128xi32, #tpu.memory_space<vmem>>, vector<16xi32>,
      tpu.vector_store %arg9[%swap3A_272, %swap3A_273], %convert_element_type3A_270 {strides = array<i32>} : memref<13x128xi32, #tpu.memory_space<vmem>>, vector<16xi32>,
      %get3A_275 = arith.constant 4 : i32
      %get3A_276 = arith.constant 1 : i32
      %get3A_277 = arith.index_cast %get3A_275 : i32 to index
      %get3A_278 = arith.index_cast %get3A_276 : i32 to index
      %get3A_279 = arith.constant 32 : index
      %get3A_280 = tpu.vector_load %arg5[%get3A_277, %get3A_278, %get3A_279] {strides = array<i32>} : memref<26x2x64xf32, #tpu.memory_space<vmem>>, vector<16xf32>,
      %convert_element_type3A_281 = arith.fptosi %get3A_280 : vector<16xf32> to vector<16xi32>
      %swap3A_282 = arith.constant 2 : i32
      %swap3A_283 = arith.index_cast %swap3A_282 : i32 to index
      %swap3A_284 = arith.constant 32 : index
      %swap3A_285 = tpu.vector_load %arg9[%swap3A_283, %swap3A_284] {strides = array<i32>} : memref<13x128xi32, #tpu.memory_space<vmem>>, vector<16xi32>,
      tpu.vector_store %arg9[%swap3A_283, %swap3A_284], %convert_element_type3A_281 {strides = array<i32>} : memref<13x128xi32, #tpu.memory_space<vmem>>, vector<16xi32>,
      %get3A_286 = arith.constant 4 : i32
      %get3A_287 = arith.constant 1 : i32
      %get3A_288 = arith.index_cast %get3A_286 : i32 to index
      %get3A_289 = arith.index_cast %get3A_287 : i32 to index
      %get3A_290 = arith.constant 48 : index
      %get3A_291 = tpu.vector_load %arg5[%get3A_288, %get3A_289, %get3A_290] {strides = array<i32>} : memref<26x2x64xf32, #tpu.memory_space<vmem>>, vector<16xf32>,
      %convert_element_type3A_292 = arith.fptosi %get3A_291 : vector<16xf32> to vector<16xi32>
      %swap3A_293 = arith.constant 2 : i32
      %swap3A_294 = arith.index_cast %swap3A_293 : i32 to index
      %swap3A_295 = arith.constant 48 : index
      %swap3A_296 = tpu.vector_load %arg9[%swap3A_294, %swap3A_295] {strides = array<i32>} : memref<13x128xi32, #tpu.memory_space<vmem>>, vector<16xi32>,
      tpu.vector_store %arg9[%swap3A_294, %swap3A_295], %convert_element_type3A_292 {strides = array<i32>} : memref<13x128xi32, #tpu.memory_space<vmem>>, vector<16xi32>,
      %get3A_297 = arith.constant 5 : i32
      %get3A_298 = arith.constant 1 : i32
      %get3A_299 = arith.index_cast %get3A_297 : i32 to index
      %get3A_300 = arith.index_cast %get3A_298 : i32 to index
      %get3A_301 = arith.constant 0 : index
      %get3A_302 = tpu.vector_load %arg5[%get3A_299, %get3A_300, %get3A_301] {strides = array<i32>} : memref<26x2x64xf32, #tpu.memory_space<vmem>>, vector<16xf32>,
      %convert_element_type3A_303 = arith.fptosi %get3A_302 : vector<16xf32> to vector<16xi32>
      %swap3A_304 = arith.constant 2 : i32
      %swap3A_305 = arith.index_cast %swap3A_304 : i32 to index
      %swap3A_306 = arith.constant 64 : index
      %swap3A_307 = tpu.vector_load %arg9[%swap3A_305, %swap3A_306] {strides = array<i32>} : memref<13x128xi32, #tpu.memory_space<vmem>>, vector<16xi32>,
      tpu.vector_store %arg9[%swap3A_305, %swap3A_306], %convert_element_type3A_303 {strides = array<i32>} : memref<13x128xi32, #tpu.memory_space<vmem>>, vector<16xi32>,
      %get3A_308 = arith.constant 5 : i32
      %get3A_309 = arith.constant 1 : i32
      %get3A_310 = arith.index_cast %get3A_308 : i32 to index
      %get3A_311 = arith.index_cast %get3A_309 : i32 to index
      %get3A_312 = arith.constant 16 : index
      %get3A_313 = tpu.vector_load %arg5[%get3A_310, %get3A_311, %get3A_312] {strides = array<i32>} : memref<26x2x64xf32, #tpu.memory_space<vmem>>, vector<16xf32>,
      %convert_element_type3A_314 = arith.fptosi %get3A_313 : vector<16xf32> to vector<16xi32>
      %swap3A_315 = arith.constant 2 : i32
      %swap3A_316 = arith.index_cast %swap3A_315 : i32 to index
      %swap3A_317 = arith.constant 80 : index
      %swap3A_318 = tpu.vector_load %arg9[%swap3A_316, %swap3A_317] {strides = array<i32>} : memref<13x128xi32, #tpu.memory_space<vmem>>, vector<16xi32>,
      tpu.vector_store %arg9[%swap3A_316, %swap3A_317], %convert_element_type3A_314 {strides = array<i32>} : memref<13x128xi32, #tpu.memory_space<vmem>>, vector<16xi32>,
      %get3A_319 = arith.constant 5 : i32
      %get3A_320 = arith.constant 1 : i32
      %get3A_321 = arith.index_cast %get3A_319 : i32 to index
      %get3A_322 = arith.index_cast %get3A_320 : i32 to index
      %get3A_323 = arith.constant 32 : index
      %get3A_324 = tpu.vector_load %arg5[%get3A_321, %get3A_322, %get3A_323] {strides = array<i32>} : memref<26x2x64xf32, #tpu.memory_space<vmem>>, vector<16xf32>,
      %convert_element_type3A_325 = arith.fptosi %get3A_324 : vector<16xf32> to vector<16xi32>
      %swap3A_326 = arith.constant 2 : i32
      %swap3A_327 = arith.index_cast %swap3A_326 : i32 to index
      %swap3A_328 = arith.constant 96 : index
      %swap3A_329 = tpu.vector_load %arg9[%swap3A_327, %swap3A_328] {strides = array<i32>} : memref<13x128xi32, #tpu.memory_space<vmem>>, vector<16xi32>,
      tpu.vector_store %arg9[%swap3A_327, %swap3A_328], %convert_element_type3A_325 {strides = array<i32>} : memref<13x128xi32, #tpu.memory_space<vmem>>, vector<16xi32>,
      %get3A_330 = arith.constant 5 : i32
      %get3A_331 = arith.constant 1 : i32
      %get3A_332 = arith.index_cast %get3A_330 : i32 to index
      %get3A_333 = arith.index_cast %get3A_331 : i32 to index
      %get3A_334 = arith.constant 48 : index
      %get3A_335 = tpu.vector_load %arg5[%get3A_332, %get3A_333, %get3A_334] {strides = array<i32>} : memref<26x2x64xf32, #tpu.memory_space<vmem>>, vector<16xf32>,
      %convert_element_type3A_336 = arith.fptosi %get3A_335 : vector<16xf32> to vector<16xi32>
      %swap3A_337 = arith.constant 2 : i32
      %swap3A_338 = arith.index_cast %swap3A_337 : i32 to index
      %swap3A_339 = arith.constant 112 : index
      %swap3A_340 = tpu.vector_load %arg9[%swap3A_338, %swap3A_339] {strides = array<i32>} : memref<13x128xi32, #tpu.memory_space<vmem>>, vector<16xi32>,
      tpu.vector_store %arg9[%swap3A_338, %swap3A_339], %convert_element_type3A_336 {strides = array<i32>} : memref<13x128xi32, #tpu.memory_space<vmem>>, vector<16xi32>,
      %get3A_341 = arith.constant 6 : i32
      %get3A_342 = arith.constant 1 : i32
      %get3A_343 = arith.index_cast %get3A_341 : i32 to index
      %get3A_344 = arith.index_cast %get3A_342 : i32 to index
      %get3A_345 = arith.constant 0 : index
      %get3A_346 = tpu.vector_load %arg5[%get3A_343, %get3A_344, %get3A_345] {strides = array<i32>} : memref<26x2x64xf32, #tpu.memory_space<vmem>>, vector<16xf32>,
      %convert_element_type3A_347 = arith.fptosi %get3A_346 : vector<16xf32> to vector<16xi32>
      %swap3A_348 = arith.constant 3 : i32
      %swap3A_349 = arith.index_cast %swap3A_348 : i32 to index
      %swap3A_350 = arith.constant 0 : index
      %swap3A_351 = tpu.vector_load %arg9[%swap3A_349, %swap3A_350] {strides = array<i32>} : memref<13x128xi32, #tpu.memory_space<vmem>>, vector<16xi32>,
      tpu.vector_store %arg9[%swap3A_349, %swap3A_350], %convert_element_type3A_347 {strides = array<i32>} : memref<13x128xi32, #tpu.memory_space<vmem>>, vector<16xi32>,
      %get3A_352 = arith.constant 6 : i32
      %get3A_353 = arith.constant 1 : i32
      %get3A_354 = arith.index_cast %get3A_352 : i32 to index
      %get3A_355 = arith.index_cast %get3A_353 : i32 to index
      %get3A_356 = arith.constant 16 : index
      %get3A_357 = tpu.vector_load %arg5[%get3A_354, %get3A_355, %get3A_356] {strides = array<i32>} : memref<26x2x64xf32, #tpu.memory_space<vmem>>, vector<16xf32>,
      %convert_element_type3A_358 = arith.fptosi %get3A_357 : vector<16xf32> to vector<16xi32>
      %swap3A_359 = arith.constant 3 : i32
      %swap3A_360 = arith.index_cast %swap3A_359 : i32 to index
      %swap3A_361 = arith.constant 16 : index
      %swap3A_362 = tpu.vector_load %arg9[%swap3A_360, %swap3A_361] {strides = array<i32>} : memref<13x128xi32, #tpu.memory_space<vmem>>, vector<16xi32>,
      tpu.vector_store %arg9[%swap3A_360, %swap3A_361], %convert_element_type3A_358 {strides = array<i32>} : memref<13x128xi32, #tpu.memory_space<vmem>>, vector<16xi32>,
      %get3A_363 = arith.constant 6 : i32
      %get3A_364 = arith.constant 1 : i32
      %get3A_365 = arith.index_cast %get3A_363 : i32 to index
      %get3A_366 = arith.index_cast %get3A_364 : i32 to index
      %get3A_367 = arith.constant 32 : index
      %get3A_368 = tpu.vector_load %arg5[%get3A_365, %get3A_366, %get3A_367] {strides = array<i32>} : memref<26x2x64xf32, #tpu.memory_space<vmem>>, vector<16xf32>,
      %convert_element_type3A_369 = arith.fptosi %get3A_368 : vector<16xf32> to vector<16xi32>
      %swap3A_370 = arith.constant 3 : i32
      %swap3A_371 = arith.index_cast %swap3A_370 : i32 to index
      %swap3A_372 = arith.constant 32 : index
      %swap3A_373 = tpu.vector_load %arg9[%swap3A_371, %swap3A_372] {strides = array<i32>} : memref<13x128xi32, #tpu.memory_space<vmem>>, vector<16xi32>,
      tpu.vector_store %arg9[%swap3A_371, %swap3A_372], %convert_element_type3A_369 {strides = array<i32>} : memref<13x128xi32, #tpu.memory_space<vmem>>, vector<16xi32>,
      %get3A_374 = arith.constant 6 : i32
      %get3A_375 = arith.constant 1 : i32
      %get3A_376 = arith.index_cast %get3A_374 : i32 to index
      %get3A_377 = arith.index_cast %get3A_375 : i32 to index
      %get3A_378 = arith.constant 48 : index
      %get3A_379 = tpu.vector_load %arg5[%get3A_376, %get3A_377, %get3A_378] {strides = array<i32>} : memref<26x2x64xf32, #tpu.memory_space<vmem>>, vector<16xf32>,
      %convert_element_type3A_380 = arith.fptosi %get3A_379 : vector<16xf32> to vector<16xi32>
      %swap3A_381 = arith.constant 3 : i32
      %swap3A_382 = arith.index_cast %swap3A_381 : i32 to index
      %swap3A_383 = arith.constant 48 : index
      %swap3A_384 = tpu.vector_load %arg9[%swap3A_382, %swap3A_383] {strides = array<i32>} : memref<13x128xi32, #tpu.memory_space<vmem>>, vector<16xi32>,
      tpu.vector_store %arg9[%swap3A_382, %swap3A_383], %convert_element_type3A_380 {strides = array<i32>} : memref<13x128xi32, #tpu.memory_space<vmem>>, vector<16xi32>,
      %get3A_385 = arith.constant 7 : i32
      %get3A_386 = arith.constant 1 : i32
      %get3A_387 = arith.index_cast %get3A_385 : i32 to index
      %get3A_388 = arith.index_cast %get3A_386 : i32 to index
      %get3A_389 = arith.constant 0 : index
      %get3A_390 = tpu.vector_load %arg5[%get3A_387, %get3A_388, %get3A_389] {strides = array<i32>} : memref<26x2x64xf32, #tpu.memory_space<vmem>>, vector<16xf32>,
      %convert_element_type3A_391 = arith.fptosi %get3A_390 : vector<16xf32> to vector<16xi32>
      %swap3A_392 = arith.constant 3 : i32
      %swap3A_393 = arith.index_cast %swap3A_392 : i32 to index
      %swap3A_394 = arith.constant 64 : index
      %swap3A_395 = tpu.vector_load %arg9[%swap3A_393, %swap3A_394] {strides = array<i32>} : memref<13x128xi32, #tpu.memory_space<vmem>>, vector<16xi32>,
      tpu.vector_store %arg9[%swap3A_393, %swap3A_394], %convert_element_type3A_391 {strides = array<i32>} : memref<13x128xi32, #tpu.memory_space<vmem>>, vector<16xi32>,
      %get3A_396 = arith.constant 7 : i32
      %get3A_397 = arith.constant 1 : i32
      %get3A_398 = arith.index_cast %get3A_396 : i32 to index
      %get3A_399 = arith.index_cast %get3A_397 : i32 to index
      %get3A_400 = arith.constant 16 : index
      %get3A_401 = tpu.vector_load %arg5[%get3A_398, %get3A_399, %get3A_400] {strides = array<i32>} : memref<26x2x64xf32, #tpu.memory_space<vmem>>, vector<16xf32>,
      %convert_element_type3A_402 = arith.fptosi %get3A_401 : vector<16xf32> to vector<16xi32>
      %swap3A_403 = arith.constant 3 : i32
      %swap3A_404 = arith.index_cast %swap3A_403 : i32 to index
      %swap3A_405 = arith.constant 80 : index
      %swap3A_406 = tpu.vector_load %arg9[%swap3A_404, %swap3A_405] {strides = array<i32>} : memref<13x128xi32, #tpu.memory_space<vmem>>, vector<16xi32>,
      tpu.vector_store %arg9[%swap3A_404, %swap3A_405], %convert_element_type3A_402 {strides = array<i32>} : memref<13x128xi32, #tpu.memory_space<vmem>>, vector<16xi32>,
      %get3A_407 = arith.constant 7 : i32
      %get3A_408 = arith.constant 1 : i32
      %get3A_409 = arith.index_cast %get3A_407 : i32 to index
      %get3A_410 = arith.index_cast %get3A_408 : i32 to index
      %get3A_411 = arith.constant 32 : index
      %get3A_412 = tpu.vector_load %arg5[%get3A_409, %get3A_410, %get3A_411] {strides = array<i32>} : memref<26x2x64xf32, #tpu.memory_space<vmem>>, vector<16xf32>,
      %convert_element_type3A_413 = arith.fptosi %get3A_412 : vector<16xf32> to vector<16xi32>
      %swap3A_414 = arith.constant 3 : i32
      %swap3A_415 = arith.index_cast %swap3A_414 : i32 to index
      %swap3A_416 = arith.constant 96 : index
      %swap3A_417 = tpu.vector_load %arg9[%swap3A_415, %swap3A_416] {strides = array<i32>} : memref<13x128xi32, #tpu.memory_space<vmem>>, vector<16xi32>,
      tpu.vector_store %arg9[%swap3A_415, %swap3A_416], %convert_element_type3A_413 {strides = array<i32>} : memref<13x128xi32, #tpu.memory_space<vmem>>, vector<16xi32>,
      %get3A_418 = arith.constant 7 : i32
      %get3A_419 = arith.constant 1 : i32
      %get3A_420 = arith.index_cast %get3A_418 : i32 to index
      %get3A_421 = arith.index_cast %get3A_419 : i32 to index
      %get3A_422 = arith.constant 48 : index
      %get3A_423 = tpu.vector_load %arg5[%get3A_420, %get3A_421, %get3A_422] {strides = array<i32>} : memref<26x2x64xf32, #tpu.memory_space<vmem>>, vector<16xf32>,
      %convert_element_type3A_424 = arith.fptosi %get3A_423 : vector<16xf32> to vector<16xi32>
      %swap3A_425 = arith.constant 3 : i32
      %swap3A_426 = arith.index_cast %swap3A_425 : i32 to index
      %swap3A_427 = arith.constant 112 : index
      %swap3A_428 = tpu.vector_load %arg9[%swap3A_426, %swap3A_427] {strides = array<i32>} : memref<13x128xi32, #tpu.memory_space<vmem>>, vector<16xi32>,
      tpu.vector_store %arg9[%swap3A_426, %swap3A_427], %convert_element_type3A_424 {strides = array<i32>} : memref<13x128xi32, #tpu.memory_space<vmem>>, vector<16xi32>,
      %get3A_429 = arith.constant 8 : i32
      %get3A_430 = arith.constant 1 : i32
      %get3A_431 = arith.index_cast %get3A_429 : i32 to index
      %get3A_432 = arith.index_cast %get3A_430 : i32 to index
      %get3A_433 = arith.constant 0 : index
      %get3A_434 = tpu.vector_load %arg5[%get3A_431, %get3A_432, %get3A_433] {strides = array<i32>} : memref<26x2x64xf32, #tpu.memory_space<vmem>>, vector<16xf32>,
      %convert_element_type3A_435 = arith.fptosi %get3A_434 : vector<16xf32> to vector<16xi32>
      %swap3A_436 = arith.constant 4 : i32
      %swap3A_437 = arith.index_cast %swap3A_436 : i32 to index
      %swap3A_438 = arith.constant 0 : index
      %swap3A_439 = tpu.vector_load %arg9[%swap3A_437, %swap3A_438] {strides = array<i32>} : memref<13x128xi32, #tpu.memory_space<vmem>>, vector<16xi32>,
      tpu.vector_store %arg9[%swap3A_437, %swap3A_438], %convert_element_type3A_435 {strides = array<i32>} : memref<13x128xi32, #tpu.memory_space<vmem>>, vector<16xi32>,
      %get3A_440 = arith.constant 8 : i32
      %get3A_441 = arith.constant 1 : i32
      %get3A_442 = arith.index_cast %get3A_440 : i32 to index
      %get3A_443 = arith.index_cast %get3A_441 : i32 to index
      %get3A_444 = arith.constant 16 : index
      %get3A_445 = tpu.vector_load %arg5[%get3A_442, %get3A_443, %get3A_444] {strides = array<i32>} : memref<26x2x64xf32, #tpu.memory_space<vmem>>, vector<16xf32>,
      %convert_element_type3A_446 = arith.fptosi %get3A_445 : vector<16xf32> to vector<16xi32>
      %swap3A_447 = arith.constant 4 : i32
      %swap3A_448 = arith.index_cast %swap3A_447 : i32 to index
      %swap3A_449 = arith.constant 16 : index
      %swap3A_450 = tpu.vector_load %arg9[%swap3A_448, %swap3A_449] {strides = array<i32>} : memref<13x128xi32, #tpu.memory_space<vmem>>, vector<16xi32>,
      tpu.vector_store %arg9[%swap3A_448, %swap3A_449], %convert_element_type3A_446 {strides = array<i32>} : memref<13x128xi32, #tpu.memory_space<vmem>>, vector<16xi32>,
      %get3A_451 = arith.constant 8 : i32
      %get3A_452 = arith.constant 1 : i32
      %get3A_453 = arith.index_cast %get3A_451 : i32 to index
      %get3A_454 = arith.index_cast %get3A_452 : i32 to index
      %get3A_455 = arith.constant 32 : index
      %get3A_456 = tpu.vector_load %arg5[%get3A_453, %get3A_454, %get3A_455] {strides = array<i32>} : memref<26x2x64xf32, #tpu.memory_space<vmem>>, vector<16xf32>,
      %convert_element_type3A_457 = arith.fptosi %get3A_456 : vector<16xf32> to vector<16xi32>
      %swap3A_458 = arith.constant 4 : i32
      %swap3A_459 = arith.index_cast %swap3A_458 : i32 to index
      %swap3A_460 = arith.constant 32 : index
      %swap3A_461 = tpu.vector_load %arg9[%swap3A_459, %swap3A_460] {strides = array<i32>} : memref<13x128xi32, #tpu.memory_space<vmem>>, vector<16xi32>,
      tpu.vector_store %arg9[%swap3A_459, %swap3A_460], %convert_element_type3A_457 {strides = array<i32>} : memref<13x128xi32, #tpu.memory_space<vmem>>, vector<16xi32>,
      %get3A_462 = arith.constant 8 : i32
      %get3A_463 = arith.constant 1 : i32
      %get3A_464 = arith.index_cast %get3A_462 : i32 to index
      %get3A_465 = arith.index_cast %get3A_463 : i32 to index
      %get3A_466 = arith.constant 48 : index
      %get3A_467 = tpu.vector_load %arg5[%get3A_464, %get3A_465, %get3A_466] {strides = array<i32>} : memref<26x2x64xf32, #tpu.memory_space<vmem>>, vector<16xf32>,
      %convert_element_type3A_468 = arith.fptosi %get3A_467 : vector<16xf32> to vector<16xi32>
      %swap3A_469 = arith.constant 4 : i32
      %swap3A_470 = arith.index_cast %swap3A_469 : i32 to index
      %swap3A_471 = arith.constant 48 : index
      %swap3A_472 = tpu.vector_load %arg9[%swap3A_470, %swap3A_471] {strides = array<i32>} : memref<13x128xi32, #tpu.memory_space<vmem>>, vector<16xi32>,
      tpu.vector_store %arg9[%swap3A_470, %swap3A_471], %convert_element_type3A_468 {strides = array<i32>} : memref<13x128xi32, #tpu.memory_space<vmem>>, vector<16xi32>,
      %get3A_473 = arith.constant 9 : i32
      %get3A_474 = arith.constant 1 : i32
      %get3A_475 = arith.index_cast %get3A_473 : i32 to index
      %get3A_476 = arith.index_cast %get3A_474 : i32 to index
      %get3A_477 = arith.constant 0 : index
      %get3A_478 = tpu.vector_load %arg5[%get3A_475, %get3A_476, %get3A_477] {strides = array<i32>} : memref<26x2x64xf32, #tpu.memory_space<vmem>>, vector<16xf32>,
      %convert_element_type3A_479 = arith.fptosi %get3A_478 : vector<16xf32> to vector<16xi32>
      %swap3A_480 = arith.constant 4 : i32
      %swap3A_481 = arith.index_cast %swap3A_480 : i32 to index
      %swap3A_482 = arith.constant 64 : index
      %swap3A_483 = tpu.vector_load %arg9[%swap3A_481, %swap3A_482] {strides = array<i32>} : memref<13x128xi32, #tpu.memory_space<vmem>>, vector<16xi32>,
      tpu.vector_store %arg9[%swap3A_481, %swap3A_482], %convert_element_type3A_479 {strides = array<i32>} : memref<13x128xi32, #tpu.memory_space<vmem>>, vector<16xi32>,
      %get3A_484 = arith.constant 9 : i32
      %get3A_485 = arith.constant 1 : i32
      %get3A_486 = arith.index_cast %get3A_484 : i32 to index
      %get3A_487 = arith.index_cast %get3A_485 : i32 to index
      %get3A_488 = arith.constant 16 : index
      %get3A_489 = tpu.vector_load %arg5[%get3A_486, %get3A_487, %get3A_488] {strides = array<i32>} : memref<26x2x64xf32, #tpu.memory_space<vmem>>, vector<16xf32>,
      %convert_element_type3A_490 = arith.fptosi %get3A_489 : vector<16xf32> to vector<16xi32>
      %swap3A_491 = arith.constant 4 : i32
      %swap3A_492 = arith.index_cast %swap3A_491 : i32 to index
      %swap3A_493 = arith.constant 80 : index
      %swap3A_494 = tpu.vector_load %arg9[%swap3A_492, %swap3A_493] {strides = array<i32>} : memref<13x128xi32, #tpu.memory_space<vmem>>, vector<16xi32>,
      tpu.vector_store %arg9[%swap3A_492, %swap3A_493], %convert_element_type3A_490 {strides = array<i32>} : memref<13x128xi32, #tpu.memory_space<vmem>>, vector<16xi32>,
      %get3A_495 = arith.constant 9 : i32
      %get3A_496 = arith.constant 1 : i32
      %get3A_497 = arith.index_cast %get3A_495 : i32 to index
      %get3A_498 = arith.index_cast %get3A_496 : i32 to index
      %get3A_499 = arith.constant 32 : index
      %get3A_500 = tpu.vector_load %arg5[%get3A_497, %get3A_498, %get3A_499] {strides = array<i32>} : memref<26x2x64xf32, #tpu.memory_space<vmem>>, vector<16xf32>,
      %convert_element_type3A_501 = arith.fptosi %get3A_500 : vector<16xf32> to vector<16xi32>
      %swap3A_502 = arith.constant 4 : i32
      %swap3A_503 = arith.index_cast %swap3A_502 : i32 to index
      %swap3A_504 = arith.constant 96 : index
      %swap3A_505 = tpu.vector_load %arg9[%swap3A_503, %swap3A_504] {strides = array<i32>} : memref<13x128xi32, #tpu.memory_space<vmem>>, vector<16xi32>,
      tpu.vector_store %arg9[%swap3A_503, %swap3A_504], %convert_element_type3A_501 {strides = array<i32>} : memref<13x128xi32, #tpu.memory_space<vmem>>, vector<16xi32>,
      %get3A_506 = arith.constant 9 : i32
      %get3A_507 = arith.constant 1 : i32
      %get3A_508 = arith.index_cast %get3A_506 : i32 to index
      %get3A_509 = arith.index_cast %get3A_507 : i32 to index
      %get3A_510 = arith.constant 48 : index
      %get3A_511 = tpu.vector_load %arg5[%get3A_508, %get3A_509, %get3A_510] {strides = array<i32>} : memref<26x2x64xf32, #tpu.memory_space<vmem>>, vector<16xf32>,
      %convert_element_type3A_512 = arith.fptosi %get3A_511 : vector<16xf32> to vector<16xi32>
      %swap3A_513 = arith.constant 4 : i32
      %swap3A_514 = arith.index_cast %swap3A_513 : i32 to index
      %swap3A_515 = arith.constant 112 : index
      %swap3A_516 = tpu.vector_load %arg9[%swap3A_514, %swap3A_515] {strides = array<i32>} : memref<13x128xi32, #tpu.memory_space<vmem>>, vector<16xi32>,
      tpu.vector_store %arg9[%swap3A_514, %swap3A_515], %convert_element_type3A_512 {strides = array<i32>} : memref<13x128xi32, #tpu.memory_space<vmem>>, vector<16xi32>,
      %get3A_517 = arith.constant 10 : i32
      %get3A_518 = arith.constant 1 : i32
      %get3A_519 = arith.index_cast %get3A_517 : i32 to index
      %get3A_520 = arith.index_cast %get3A_518 : i32 to index
      %get3A_521 = arith.constant 0 : index
      %get3A_522 = tpu.vector_load %arg5[%get3A_519, %get3A_520, %get3A_521] {strides = array<i32>} : memref<26x2x64xf32, #tpu.memory_space<vmem>>, vector<16xf32>,
      %convert_element_type3A_523 = arith.fptosi %get3A_522 : vector<16xf32> to vector<16xi32>
      %swap3A_524 = arith.constant 5 : i32
      %swap3A_525 = arith.index_cast %swap3A_524 : i32 to index
      %swap3A_526 = arith.constant 0 : index
      %swap3A_527 = tpu.vector_load %arg9[%swap3A_525, %swap3A_526] {strides = array<i32>} : memref<13x128xi32, #tpu.memory_space<vmem>>, vector<16xi32>,
      tpu.vector_store %arg9[%swap3A_525, %swap3A_526], %convert_element_type3A_523 {strides = array<i32>} : memref<13x128xi32, #tpu.memory_space<vmem>>, vector<16xi32>,
      %get3A_528 = arith.constant 10 : i32
      %get3A_529 = arith.constant 1 : i32
      %get3A_530 = arith.index_cast %get3A_528 : i32 to index
      %get3A_531 = arith.index_cast %get3A_529 : i32 to index
      %get3A_532 = arith.constant 16 : index
      %get3A_533 = tpu.vector_load %arg5[%get3A_530, %get3A_531, %get3A_532] {strides = array<i32>} : memref<26x2x64xf32, #tpu.memory_space<vmem>>, vector<16xf32>,
      %convert_element_type3A_534 = arith.fptosi %get3A_533 : vector<16xf32> to vector<16xi32>
      %swap3A_535 = arith.constant 5 : i32
      %swap3A_536 = arith.index_cast %swap3A_535 : i32 to index
      %swap3A_537 = arith.constant 16 : index
      %swap3A_538 = tpu.vector_load %arg9[%swap3A_536, %swap3A_537] {strides = array<i32>} : memref<13x128xi32, #tpu.memory_space<vmem>>, vector<16xi32>,
      tpu.vector_store %arg9[%swap3A_536, %swap3A_537], %convert_element_type3A_534 {strides = array<i32>} : memref<13x128xi32, #tpu.memory_space<vmem>>, vector<16xi32>,
      %get3A_539 = arith.constant 10 : i32
      %get3A_540 = arith.constant 1 : i32
      %get3A_541 = arith.index_cast %get3A_539 : i32 to index
      %get3A_542 = arith.index_cast %get3A_540 : i32 to index
      %get3A_543 = arith.constant 32 : index
      %get3A_544 = tpu.vector_load %arg5[%get3A_541, %get3A_542, %get3A_543] {strides = array<i32>} : memref<26x2x64xf32, #tpu.memory_space<vmem>>, vector<16xf32>,
      %convert_element_type3A_545 = arith.fptosi %get3A_544 : vector<16xf32> to vector<16xi32>
      %swap3A_546 = arith.constant 5 : i32
      %swap3A_547 = arith.index_cast %swap3A_546 : i32 to index
      %swap3A_548 = arith.constant 32 : index
      %swap3A_549 = tpu.vector_load %arg9[%swap3A_547, %swap3A_548] {strides = array<i32>} : memref<13x128xi32, #tpu.memory_space<vmem>>, vector<16xi32>,
      tpu.vector_store %arg9[%swap3A_547, %swap3A_548], %convert_element_type3A_545 {strides = array<i32>} : memref<13x128xi32, #tpu.memory_space<vmem>>, vector<16xi32>,
      %get3A_550 = arith.constant 10 : i32
      %get3A_551 = arith.constant 1 : i32
      %get3A_552 = arith.index_cast %get3A_550 : i32 to index
      %get3A_553 = arith.index_cast %get3A_551 : i32 to index
      %get3A_554 = arith.constant 48 : index
      %get3A_555 = tpu.vector_load %arg5[%get3A_552, %get3A_553, %get3A_554] {strides = array<i32>} : memref<26x2x64xf32, #tpu.memory_space<vmem>>, vector<16xf32>,
      %convert_element_type3A_556 = arith.fptosi %get3A_555 : vector<16xf32> to vector<16xi32>
      %swap3A_557 = arith.constant 5 : i32
      %swap3A_558 = arith.index_cast %swap3A_557 : i32 to index
      %swap3A_559 = arith.constant 48 : index
      %swap3A_560 = tpu.vector_load %arg9[%swap3A_558, %swap3A_559] {strides = array<i32>} : memref<13x128xi32, #tpu.memory_space<vmem>>, vector<16xi32>,
      tpu.vector_store %arg9[%swap3A_558, %swap3A_559], %convert_element_type3A_556 {strides = array<i32>} : memref<13x128xi32, #tpu.memory_space<vmem>>, vector<16xi32>,
      %get3A_561 = arith.constant 11 : i32
      %get3A_562 = arith.constant 1 : i32
      %get3A_563 = arith.index_cast %get3A_561 : i32 to index
      %get3A_564 = arith.index_cast %get3A_562 : i32 to index
      %get3A_565 = arith.constant 0 : index
      %get3A_566 = tpu.vector_load %arg5[%get3A_563, %get3A_564, %get3A_565] {strides = array<i32>} : memref<26x2x64xf32, #tpu.memory_space<vmem>>, vector<16xf32>,
      %convert_element_type3A_567 = arith.fptosi %get3A_566 : vector<16xf32> to vector<16xi32>
      %swap3A_568 = arith.constant 5 : i32
      %swap3A_569 = arith.index_cast %swap3A_568 : i32 to index
      %swap3A_570 = arith.constant 64 : index
      %swap3A_571 = tpu.vector_load %arg9[%swap3A_569, %swap3A_570] {strides = array<i32>} : memref<13x128xi32, #tpu.memory_space<vmem>>, vector<16xi32>,
      tpu.vector_store %arg9[%swap3A_569, %swap3A_570], %convert_element_type3A_567 {strides = array<i32>} : memref<13x128xi32, #tpu.memory_space<vmem>>, vector<16xi32>,
      %get3A_572 = arith.constant 11 : i32
      %get3A_573 = arith.constant 1 : i32
      %get3A_574 = arith.index_cast %get3A_572 : i32 to index
      %get3A_575 = arith.index_cast %get3A_573 : i32 to index
      %get3A_576 = arith.constant 16 : index
      %get3A_577 = tpu.vector_load %arg5[%get3A_574, %get3A_575, %get3A_576] {strides = array<i32>} : memref<26x2x64xf32, #tpu.memory_space<vmem>>, vector<16xf32>,
      %convert_element_type3A_578 = arith.fptosi %get3A_577 : vector<16xf32> to vector<16xi32>
      %swap3A_579 = arith.constant 5 : i32
      %swap3A_580 = arith.index_cast %swap3A_579 : i32 to index
      %swap3A_581 = arith.constant 80 : index
      %swap3A_582 = tpu.vector_load %arg9[%swap3A_580, %swap3A_581] {strides = array<i32>} : memref<13x128xi32, #tpu.memory_space<vmem>>, vector<16xi32>,
      tpu.vector_store %arg9[%swap3A_580, %swap3A_581], %convert_element_type3A_578 {strides = array<i32>} : memref<13x128xi32, #tpu.memory_space<vmem>>, vector<16xi32>,
      %get3A_583 = arith.constant 11 : i32
      %get3A_584 = arith.constant 1 : i32
      %get3A_585 = arith.index_cast %get3A_583 : i32 to index
      %get3A_586 = arith.index_cast %get3A_584 : i32 to index
      %get3A_587 = arith.constant 32 : index
      %get3A_588 = tpu.vector_load %arg5[%get3A_585, %get3A_586, %get3A_587] {strides = array<i32>} : memref<26x2x64xf32, #tpu.memory_space<vmem>>, vector<16xf32>,
      %convert_element_type3A_589 = arith.fptosi %get3A_588 : vector<16xf32> to vector<16xi32>
      %swap3A_590 = arith.constant 5 : i32
      %swap3A_591 = arith.index_cast %swap3A_590 : i32 to index
      %swap3A_592 = arith.constant 96 : index
      %swap3A_593 = tpu.vector_load %arg9[%swap3A_591, %swap3A_592] {strides = array<i32>} : memref<13x128xi32, #tpu.memory_space<vmem>>, vector<16xi32>,
      tpu.vector_store %arg9[%swap3A_591, %swap3A_592], %convert_element_type3A_589 {strides = array<i32>} : memref<13x128xi32, #tpu.memory_space<vmem>>, vector<16xi32>,
      %get3A_594 = arith.constant 11 : i32
      %get3A_595 = arith.constant 1 : i32
      %get3A_596 = arith.index_cast %get3A_594 : i32 to index
      %get3A_597 = arith.index_cast %get3A_595 : i32 to index
      %get3A_598 = arith.constant 48 : index
      %get3A_599 = tpu.vector_load %arg5[%get3A_596, %get3A_597, %get3A_598] {strides = array<i32>} : memref<26x2x64xf32, #tpu.memory_space<vmem>>, vector<16xf32>,
      %convert_element_type3A_600 = arith.fptosi %get3A_599 : vector<16xf32> to vector<16xi32>
      %swap3A_601 = arith.constant 5 : i32
      %swap3A_602 = arith.index_cast %swap3A_601 : i32 to index
      %swap3A_603 = arith.constant 112 : index
      %swap3A_604 = tpu.vector_load %arg9[%swap3A_602, %swap3A_603] {strides = array<i32>} : memref<13x128xi32, #tpu.memory_space<vmem>>, vector<16xi32>,
      tpu.vector_store %arg9[%swap3A_602, %swap3A_603], %convert_element_type3A_600 {strides = array<i32>} : memref<13x128xi32, #tpu.memory_space<vmem>>, vector<16xi32>,
      %get3A_605 = arith.constant 12 : i32
      %get3A_606 = arith.constant 1 : i32
      %get3A_607 = arith.index_cast %get3A_605 : i32 to index
      %get3A_608 = arith.index_cast %get3A_606 : i32 to index
      %get3A_609 = arith.constant 0 : index
      %get3A_610 = tpu.vector_load %arg5[%get3A_607, %get3A_608, %get3A_609] {strides = array<i32>} : memref<26x2x64xf32, #tpu.memory_space<vmem>>, vector<16xf32>,
      %convert_element_type3A_611 = arith.fptosi %get3A_610 : vector<16xf32> to vector<16xi32>
      %swap3A_612 = arith.constant 6 : i32
      %swap3A_613 = arith.index_cast %swap3A_612 : i32 to index
      %swap3A_614 = arith.constant 0 : index
      %swap3A_615 = tpu.vector_load %arg9[%swap3A_613, %swap3A_614] {strides = array<i32>} : memref<13x128xi32, #tpu.memory_space<vmem>>, vector<16xi32>,
      tpu.vector_store %arg9[%swap3A_613, %swap3A_614], %convert_element_type3A_611 {strides = array<i32>} : memref<13x128xi32, #tpu.memory_space<vmem>>, vector<16xi32>,
      %get3A_616 = arith.constant 12 : i32
      %get3A_617 = arith.constant 1 : i32
      %get3A_618 = arith.index_cast %get3A_616 : i32 to index
      %get3A_619 = arith.index_cast %get3A_617 : i32 to index
      %get3A_620 = arith.constant 16 : index
      %get3A_621 = tpu.vector_load %arg5[%get3A_618, %get3A_619, %get3A_620] {strides = array<i32>} : memref<26x2x64xf32, #tpu.memory_space<vmem>>, vector<16xf32>,
      %convert_element_type3A_622 = arith.fptosi %get3A_621 : vector<16xf32> to vector<16xi32>
      %swap3A_623 = arith.constant 6 : i32
      %swap3A_624 = arith.index_cast %swap3A_623 : i32 to index
      %swap3A_625 = arith.constant 16 : index
      %swap3A_626 = tpu.vector_load %arg9[%swap3A_624, %swap3A_625] {strides = array<i32>} : memref<13x128xi32, #tpu.memory_space<vmem>>, vector<16xi32>,
      tpu.vector_store %arg9[%swap3A_624, %swap3A_625], %convert_element_type3A_622 {strides = array<i32>} : memref<13x128xi32, #tpu.memory_space<vmem>>, vector<16xi32>,
      %get3A_627 = arith.constant 12 : i32
      %get3A_628 = arith.constant 1 : i32
      %get3A_629 = arith.index_cast %get3A_627 : i32 to index
      %get3A_630 = arith.index_cast %get3A_628 : i32 to index
      %get3A_631 = arith.constant 32 : index
      %get3A_632 = tpu.vector_load %arg5[%get3A_629, %get3A_630, %get3A_631] {strides = array<i32>} : memref<26x2x64xf32, #tpu.memory_space<vmem>>, vector<16xf32>,
      %convert_element_type3A_633 = arith.fptosi %get3A_632 : vector<16xf32> to vector<16xi32>
      %swap3A_634 = arith.constant 6 : i32
      %swap3A_635 = arith.index_cast %swap3A_634 : i32 to index
      %swap3A_636 = arith.constant 32 : index
      %swap3A_637 = tpu.vector_load %arg9[%swap3A_635, %swap3A_636] {strides = array<i32>} : memref<13x128xi32, #tpu.memory_space<vmem>>, vector<16xi32>,
      tpu.vector_store %arg9[%swap3A_635, %swap3A_636], %convert_element_type3A_633 {strides = array<i32>} : memref<13x128xi32, #tpu.memory_space<vmem>>, vector<16xi32>,
      %get3A_638 = arith.constant 12 : i32
      %get3A_639 = arith.constant 1 : i32
      %get3A_640 = arith.index_cast %get3A_638 : i32 to index
      %get3A_641 = arith.index_cast %get3A_639 : i32 to index
      %get3A_642 = arith.constant 48 : index
      %get3A_643 = tpu.vector_load %arg5[%get3A_640, %get3A_641, %get3A_642] {strides = array<i32>} : memref<26x2x64xf32, #tpu.memory_space<vmem>>, vector<16xf32>,
      %convert_element_type3A_644 = arith.fptosi %get3A_643 : vector<16xf32> to vector<16xi32>
      %swap3A_645 = arith.constant 6 : i32
      %swap3A_646 = arith.index_cast %swap3A_645 : i32 to index
      %swap3A_647 = arith.constant 48 : index
      %swap3A_648 = tpu.vector_load %arg9[%swap3A_646, %swap3A_647] {strides = array<i32>} : memref<13x128xi32, #tpu.memory_space<vmem>>, vector<16xi32>,
      tpu.vector_store %arg9[%swap3A_646, %swap3A_647], %convert_element_type3A_644 {strides = array<i32>} : memref<13x128xi32, #tpu.memory_space<vmem>>, vector<16xi32>,
      %get3A_649 = arith.constant 13 : i32
      %get3A_650 = arith.constant 1 : i32
      %get3A_651 = arith.index_cast %get3A_649 : i32 to index
      %get3A_652 = arith.index_cast %get3A_650 : i32 to index
      %get3A_653 = arith.constant 0 : index
      %get3A_654 = tpu.vector_load %arg5[%get3A_651, %get3A_652, %get3A_653] {strides = array<i32>} : memref<26x2x64xf32, #tpu.memory_space<vmem>>, vector<16xf32>,
      %convert_element_type3A_655 = arith.fptosi %get3A_654 : vector<16xf32> to vector<16xi32>
      %swap3A_656 = arith.constant 6 : i32
      %swap3A_657 = arith.index_cast %swap3A_656 : i32 to index
      %swap3A_658 = arith.constant 64 : index
      %swap3A_659 = tpu.vector_load %arg9[%swap3A_657, %swap3A_658] {strides = array<i32>} : memref<13x128xi32, #tpu.memory_space<vmem>>, vector<16xi32>,
      tpu.vector_store %arg9[%swap3A_657, %swap3A_658], %convert_element_type3A_655 {strides = array<i32>} : memref<13x128xi32, #tpu.memory_space<vmem>>, vector<16xi32>,
      %get3A_660 = arith.constant 13 : i32
      %get3A_661 = arith.constant 1 : i32
      %get3A_662 = arith.index_cast %get3A_660 : i32 to index
      %get3A_663 = arith.index_cast %get3A_661 : i32 to index
      %get3A_664 = arith.constant 16 : index
      %get3A_665 = tpu.vector_load %arg5[%get3A_662, %get3A_663, %get3A_664] {strides = array<i32>} : memref<26x2x64xf32, #tpu.memory_space<vmem>>, vector<16xf32>,
      %convert_element_type3A_666 = arith.fptosi %get3A_665 : vector<16xf32> to vector<16xi32>
      %swap3A_667 = arith.constant 6 : i32
      %swap3A_668 = arith.index_cast %swap3A_667 : i32 to index
      %swap3A_669 = arith.constant 80 : index
      %swap3A_670 = tpu.vector_load %arg9[%swap3A_668, %swap3A_669] {strides = array<i32>} : memref<13x128xi32, #tpu.memory_space<vmem>>, vector<16xi32>,
      tpu.vector_store %arg9[%swap3A_668, %swap3A_669], %convert_element_type3A_666 {strides = array<i32>} : memref<13x128xi32, #tpu.memory_space<vmem>>, vector<16xi32>,
      %get3A_671 = arith.constant 13 : i32
      %get3A_672 = arith.constant 1 : i32
      %get3A_673 = arith.index_cast %get3A_671 : i32 to index
      %get3A_674 = arith.index_cast %get3A_672 : i32 to index
      %get3A_675 = arith.constant 32 : index
      %get3A_676 = tpu.vector_load %arg5[%get3A_673, %get3A_674, %get3A_675] {strides = array<i32>} : memref<26x2x64xf32, #tpu.memory_space<vmem>>, vector<16xf32>,
      %convert_element_type3A_677 = arith.fptosi %get3A_676 : vector<16xf32> to vector<16xi32>
      %swap3A_678 = arith.constant 6 : i32
      %swap3A_679 = arith.index_cast %swap3A_678 : i32 to index
      %swap3A_680 = arith.constant 96 : index
      %swap3A_681 = tpu.vector_load %arg9[%swap3A_679, %swap3A_680] {strides = array<i32>} : memref<13x128xi32, #tpu.memory_space<vmem>>, vector<16xi32>,
      tpu.vector_store %arg9[%swap3A_679, %swap3A_680], %convert_element_type3A_677 {strides = array<i32>} : memref<13x128xi32, #tpu.memory_space<vmem>>, vector<16xi32>,
      %get3A_682 = arith.constant 13 : i32
      %get3A_683 = arith.constant 1 : i32
      %get3A_684 = arith.index_cast %get3A_682 : i32 to index
      %get3A_685 = arith.index_cast %get3A_683 : i32 to index
      %get3A_686 = arith.constant 48 : index
      %get3A_687 = tpu.vector_load %arg5[%get3A_684, %get3A_685, %get3A_686] {strides = array<i32>} : memref<26x2x64xf32, #tpu.memory_space<vmem>>, vector<16xf32>,
      %convert_element_type3A_688 = arith.fptosi %get3A_687 : vector<16xf32> to vector<16xi32>
      %swap3A_689 = arith.constant 6 : i32
      %swap3A_690 = arith.index_cast %swap3A_689 : i32 to index
      %swap3A_691 = arith.constant 112 : index
      %swap3A_692 = tpu.vector_load %arg9[%swap3A_690, %swap3A_691] {strides = array<i32>} : memref<13x128xi32, #tpu.memory_space<vmem>>, vector<16xi32>,
      tpu.vector_store %arg9[%swap3A_690, %swap3A_691], %convert_element_type3A_688 {strides = array<i32>} : memref<13x128xi32, #tpu.memory_space<vmem>>, vector<16xi32>,
      %get3A_693 = arith.constant 14 : i32
      %get3A_694 = arith.constant 1 : i32
      %get3A_695 = arith.index_cast %get3A_693 : i32 to index
      %get3A_696 = arith.index_cast %get3A_694 : i32 to index
      %get3A_697 = arith.constant 0 : index
      %get3A_698 = tpu.vector_load %arg5[%get3A_695, %get3A_696, %get3A_697] {strides = array<i32>} : memref<26x2x64xf32, #tpu.memory_space<vmem>>, vector<16xf32>,
      %convert_element_type3A_699 = arith.fptosi %get3A_698 : vector<16xf32> to vector<16xi32>
      %swap3A_700 = arith.constant 7 : i32
      %swap3A_701 = arith.index_cast %swap3A_700 : i32 to index
      %swap3A_702 = arith.constant 0 : index
      %swap3A_703 = tpu.vector_load %arg9[%swap3A_701, %swap3A_702] {strides = array<i32>} : memref<13x128xi32, #tpu.memory_space<vmem>>, vector<16xi32>,
      tpu.vector_store %arg9[%swap3A_701, %swap3A_702], %convert_element_type3A_699 {strides = array<i32>} : memref<13x128xi32, #tpu.memory_space<vmem>>, vector<16xi32>,
      %get3A_704 = arith.constant 14 : i32
      %get3A_705 = arith.constant 1 : i32
      %get3A_706 = arith.index_cast %get3A_704 : i32 to index
      %get3A_707 = arith.index_cast %get3A_705 : i32 to index
      %get3A_708 = arith.constant 16 : index
      %get3A_709 = tpu.vector_load %arg5[%get3A_706, %get3A_707, %get3A_708] {strides = array<i32>} : memref<26x2x64xf32, #tpu.memory_space<vmem>>, vector<16xf32>,
      %convert_element_type3A_710 = arith.fptosi %get3A_709 : vector<16xf32> to vector<16xi32>
      %swap3A_711 = arith.constant 7 : i32
      %swap3A_712 = arith.index_cast %swap3A_711 : i32 to index
      %swap3A_713 = arith.constant 16 : index
      %swap3A_714 = tpu.vector_load %arg9[%swap3A_712, %swap3A_713] {strides = array<i32>} : memref<13x128xi32, #tpu.memory_space<vmem>>, vector<16xi32>,
      tpu.vector_store %arg9[%swap3A_712, %swap3A_713], %convert_element_type3A_710 {strides = array<i32>} : memref<13x128xi32, #tpu.memory_space<vmem>>, vector<16xi32>,
      %get3A_715 = arith.constant 14 : i32
      %get3A_716 = arith.constant 1 : i32
      %get3A_717 = arith.index_cast %get3A_715 : i32 to index
      %get3A_718 = arith.index_cast %get3A_716 : i32 to index
      %get3A_719 = arith.constant 32 : index
      %get3A_720 = tpu.vector_load %arg5[%get3A_717, %get3A_718, %get3A_719] {strides = array<i32>} : memref<26x2x64xf32, #tpu.memory_space<vmem>>, vector<16xf32>,
      %convert_element_type3A_721 = arith.fptosi %get3A_720 : vector<16xf32> to vector<16xi32>
      %swap3A_722 = arith.constant 7 : i32
      %swap3A_723 = arith.index_cast %swap3A_722 : i32 to index
      %swap3A_724 = arith.constant 32 : index
      %swap3A_725 = tpu.vector_load %arg9[%swap3A_723, %swap3A_724] {strides = array<i32>} : memref<13x128xi32, #tpu.memory_space<vmem>>, vector<16xi32>,
      tpu.vector_store %arg9[%swap3A_723, %swap3A_724], %convert_element_type3A_721 {strides = array<i32>} : memref<13x128xi32, #tpu.memory_space<vmem>>, vector<16xi32>,
      %get3A_726 = arith.constant 14 : i32
      %get3A_727 = arith.constant 1 : i32
      %get3A_728 = arith.index_cast %get3A_726 : i32 to index
      %get3A_729 = arith.index_cast %get3A_727 : i32 to index
      %get3A_730 = arith.constant 48 : index
      %get3A_731 = tpu.vector_load %arg5[%get3A_728, %get3A_729, %get3A_730] {strides = array<i32>} : memref<26x2x64xf32, #tpu.memory_space<vmem>>, vector<16xf32>,
      %convert_element_type3A_732 = arith.fptosi %get3A_731 : vector<16xf32> to vector<16xi32>
      %swap3A_733 = arith.constant 7 : i32
      %swap3A_734 = arith.index_cast %swap3A_733 : i32 to index
      %swap3A_735 = arith.constant 48 : index
      %swap3A_736 = tpu.vector_load %arg9[%swap3A_734, %swap3A_735] {strides = array<i32>} : memref<13x128xi32, #tpu.memory_space<vmem>>, vector<16xi32>,
      tpu.vector_store %arg9[%swap3A_734, %swap3A_735], %convert_element_type3A_732 {strides = array<i32>} : memref<13x128xi32, #tpu.memory_space<vmem>>, vector<16xi32>,
      %get3A_737 = arith.constant 15 : i32
      %get3A_738 = arith.constant 1 : i32
      %get3A_739 = arith.index_cast %get3A_737 : i32 to index
      %get3A_740 = arith.index_cast %get3A_738 : i32 to index
      %get3A_741 = arith.constant 0 : index
      %get3A_742 = tpu.vector_load %arg5[%get3A_739, %get3A_740, %get3A_741] {strides = array<i32>} : memref<26x2x64xf32, #tpu.memory_space<vmem>>, vector<16xf32>,
      %convert_element_type3A_743 = arith.fptosi %get3A_742 : vector<16xf32> to vector<16xi32>
      %swap3A_744 = arith.constant 7 : i32
      %swap3A_745 = arith.index_cast %swap3A_744 : i32 to index
      %swap3A_746 = arith.constant 64 : index
      %swap3A_747 = tpu.vector_load %arg9[%swap3A_745, %swap3A_746] {strides = array<i32>} : memref<13x128xi32, #tpu.memory_space<vmem>>, vector<16xi32>,
      tpu.vector_store %arg9[%swap3A_745, %swap3A_746], %convert_element_type3A_743 {strides = array<i32>} : memref<13x128xi32, #tpu.memory_space<vmem>>, vector<16xi32>,
      %get3A_748 = arith.constant 15 : i32
      %get3A_749 = arith.constant 1 : i32
      %get3A_750 = arith.index_cast %get3A_748 : i32 to index
      %get3A_751 = arith.index_cast %get3A_749 : i32 to index
      %get3A_752 = arith.constant 16 : index
      %get3A_753 = tpu.vector_load %arg5[%get3A_750, %get3A_751, %get3A_752] {strides = array<i32>} : memref<26x2x64xf32, #tpu.memory_space<vmem>>, vector<16xf32>,
      %convert_element_type3A_754 = arith.fptosi %get3A_753 : vector<16xf32> to vector<16xi32>
      %swap3A_755 = arith.constant 7 : i32
      %swap3A_756 = arith.index_cast %swap3A_755 : i32 to index
      %swap3A_757 = arith.constant 80 : index
      %swap3A_758 = tpu.vector_load %arg9[%swap3A_756, %swap3A_757] {strides = array<i32>} : memref<13x128xi32, #tpu.memory_space<vmem>>, vector<16xi32>,
      tpu.vector_store %arg9[%swap3A_756, %swap3A_757], %convert_element_type3A_754 {strides = array<i32>} : memref<13x128xi32, #tpu.memory_space<vmem>>, vector<16xi32>,
      %get3A_759 = arith.constant 15 : i32
      %get3A_760 = arith.constant 1 : i32
      %get3A_761 = arith.index_cast %get3A_759 : i32 to index
      %get3A_762 = arith.index_cast %get3A_760 : i32 to index
      %get3A_763 = arith.constant 32 : index
      %get3A_764 = tpu.vector_load %arg5[%get3A_761, %get3A_762, %get3A_763] {strides = array<i32>} : memref<26x2x64xf32, #tpu.memory_space<vmem>>, vector<16xf32>,
      %convert_element_type3A_765 = arith.fptosi %get3A_764 : vector<16xf32> to vector<16xi32>
      %swap3A_766 = arith.constant 7 : i32
      %swap3A_767 = arith.index_cast %swap3A_766 : i32 to index
      %swap3A_768 = arith.constant 96 : index
      %swap3A_769 = tpu.vector_load %arg9[%swap3A_767, %swap3A_768] {strides = array<i32>} : memref<13x128xi32, #tpu.memory_space<vmem>>, vector<16xi32>,
      tpu.vector_store %arg9[%swap3A_767, %swap3A_768], %convert_element_type3A_765 {strides = array<i32>} : memref<13x128xi32, #tpu.memory_space<vmem>>, vector<16xi32>,
      %get3A_770 = arith.constant 15 : i32
      %get3A_771 = arith.constant 1 : i32
      %get3A_772 = arith.index_cast %get3A_770 : i32 to index
      %get3A_773 = arith.index_cast %get3A_771 : i32 to index
      %get3A_774 = arith.constant 48 : index
      %get3A_775 = tpu.vector_load %arg5[%get3A_772, %get3A_773, %get3A_774] {strides = array<i32>} : memref<26x2x64xf32, #tpu.memory_space<vmem>>, vector<16xf32>,
      %convert_element_type3A_776 = arith.fptosi %get3A_775 : vector<16xf32> to vector<16xi32>
      %swap3A_777 = arith.constant 7 : i32
      %swap3A_778 = arith.index_cast %swap3A_777 : i32 to index
      %swap3A_779 = arith.constant 112 : index
      %swap3A_780 = tpu.vector_load %arg9[%swap3A_778, %swap3A_779] {strides = array<i32>} : memref<13x128xi32, #tpu.memory_space<vmem>>, vector<16xi32>,
      tpu.vector_store %arg9[%swap3A_778, %swap3A_779], %convert_element_type3A_776 {strides = array<i32>} : memref<13x128xi32, #tpu.memory_space<vmem>>, vector<16xi32>,
      %get3A_781 = arith.constant 16 : i32
      %get3A_782 = arith.constant 1 : i32
      %get3A_783 = arith.index_cast %get3A_781 : i32 to index
      %get3A_784 = arith.index_cast %get3A_782 : i32 to index
      %get3A_785 = arith.constant 0 : index
      %get3A_786 = tpu.vector_load %arg5[%get3A_783, %get3A_784, %get3A_785] {strides = array<i32>} : memref<26x2x64xf32, #tpu.memory_space<vmem>>, vector<16xf32>,
      %convert_element_type3A_787 = arith.fptosi %get3A_786 : vector<16xf32> to vector<16xi32>
      %swap3A_788 = arith.constant 8 : i32
      %swap3A_789 = arith.index_cast %swap3A_788 : i32 to index
      %swap3A_790 = arith.constant 0 : index
      %swap3A_791 = tpu.vector_load %arg9[%swap3A_789, %swap3A_790] {strides = array<i32>} : memref<13x128xi32, #tpu.memory_space<vmem>>, vector<16xi32>,
      tpu.vector_store %arg9[%swap3A_789, %swap3A_790], %convert_element_type3A_787 {strides = array<i32>} : memref<13x128xi32, #tpu.memory_space<vmem>>, vector<16xi32>,
      %get3A_792 = arith.constant 16 : i32
      %get3A_793 = arith.constant 1 : i32
      %get3A_794 = arith.index_cast %get3A_792 : i32 to index
      %get3A_795 = arith.index_cast %get3A_793 : i32 to index
      %get3A_796 = arith.constant 16 : index
      %get3A_797 = tpu.vector_load %arg5[%get3A_794, %get3A_795, %get3A_796] {strides = array<i32>} : memref<26x2x64xf32, #tpu.memory_space<vmem>>, vector<16xf32>,
      %convert_element_type3A_798 = arith.fptosi %get3A_797 : vector<16xf32> to vector<16xi32>
      %swap3A_799 = arith.constant 8 : i32
      %swap3A_800 = arith.index_cast %swap3A_799 : i32 to index
      %swap3A_801 = arith.constant 16 : index
      %swap3A_802 = tpu.vector_load %arg9[%swap3A_800, %swap3A_801] {strides = array<i32>} : memref<13x128xi32, #tpu.memory_space<vmem>>, vector<16xi32>,
      tpu.vector_store %arg9[%swap3A_800, %swap3A_801], %convert_element_type3A_798 {strides = array<i32>} : memref<13x128xi32, #tpu.memory_space<vmem>>, vector<16xi32>,
      %get3A_803 = arith.constant 16 : i32
      %get3A_804 = arith.constant 1 : i32
      %get3A_805 = arith.index_cast %get3A_803 : i32 to index
      %get3A_806 = arith.index_cast %get3A_804 : i32 to index
      %get3A_807 = arith.constant 32 : index
      %get3A_808 = tpu.vector_load %arg5[%get3A_805, %get3A_806, %get3A_807] {strides = array<i32>} : memref<26x2x64xf32, #tpu.memory_space<vmem>>, vector<16xf32>,
      %convert_element_type3A_809 = arith.fptosi %get3A_808 : vector<16xf32> to vector<16xi32>
      %swap3A_810 = arith.constant 8 : i32
      %swap3A_811 = arith.index_cast %swap3A_810 : i32 to index
      %swap3A_812 = arith.constant 32 : index
      %swap3A_813 = tpu.vector_load %arg9[%swap3A_811, %swap3A_812] {strides = array<i32>} : memref<13x128xi32, #tpu.memory_space<vmem>>, vector<16xi32>,
      tpu.vector_store %arg9[%swap3A_811, %swap3A_812], %convert_element_type3A_809 {strides = array<i32>} : memref<13x128xi32, #tpu.memory_space<vmem>>, vector<16xi32>,
      %get3A_814 = arith.constant 16 : i32
      %get3A_815 = arith.constant 1 : i32
      %get3A_816 = arith.index_cast %get3A_814 : i32 to index
      %get3A_817 = arith.index_cast %get3A_815 : i32 to index
      %get3A_818 = arith.constant 48 : index
      %get3A_819 = tpu.vector_load %arg5[%get3A_816, %get3A_817, %get3A_818] {strides = array<i32>} : memref<26x2x64xf32, #tpu.memory_space<vmem>>, vector<16xf32>,
      %convert_element_type3A_820 = arith.fptosi %get3A_819 : vector<16xf32> to vector<16xi32>
      %swap3A_821 = arith.constant 8 : i32
      %swap3A_822 = arith.index_cast %swap3A_821 : i32 to index
      %swap3A_823 = arith.constant 48 : index
      %swap3A_824 = tpu.vector_load %arg9[%swap3A_822, %swap3A_823] {strides = array<i32>} : memref<13x128xi32, #tpu.memory_space<vmem>>, vector<16xi32>,
      tpu.vector_store %arg9[%swap3A_822, %swap3A_823], %convert_element_type3A_820 {strides = array<i32>} : memref<13x128xi32, #tpu.memory_space<vmem>>, vector<16xi32>,
      %get3A_825 = arith.constant 17 : i32
      %get3A_826 = arith.constant 1 : i32
      %get3A_827 = arith.index_cast %get3A_825 : i32 to index
      %get3A_828 = arith.index_cast %get3A_826 : i32 to index
      %get3A_829 = arith.constant 0 : index
      %get3A_830 = tpu.vector_load %arg5[%get3A_827, %get3A_828, %get3A_829] {strides = array<i32>} : memref<26x2x64xf32, #tpu.memory_space<vmem>>, vector<16xf32>,
      %convert_element_type3A_831 = arith.fptosi %get3A_830 : vector<16xf32> to vector<16xi32>
      %swap3A_832 = arith.constant 8 : i32
      %swap3A_833 = arith.index_cast %swap3A_832 : i32 to index
      %swap3A_834 = arith.constant 64 : index
      %swap3A_835 = tpu.vector_load %arg9[%swap3A_833, %swap3A_834] {strides = array<i32>} : memref<13x128xi32, #tpu.memory_space<vmem>>, vector<16xi32>,
      tpu.vector_store %arg9[%swap3A_833, %swap3A_834], %convert_element_type3A_831 {strides = array<i32>} : memref<13x128xi32, #tpu.memory_space<vmem>>, vector<16xi32>,
      %get3A_836 = arith.constant 17 : i32
      %get3A_837 = arith.constant 1 : i32
      %get3A_838 = arith.index_cast %get3A_836 : i32 to index
      %get3A_839 = arith.index_cast %get3A_837 : i32 to index
      %get3A_840 = arith.constant 16 : index
      %get3A_841 = tpu.vector_load %arg5[%get3A_838, %get3A_839, %get3A_840] {strides = array<i32>} : memref<26x2x64xf32, #tpu.memory_space<vmem>>, vector<16xf32>,
      %convert_element_type3A_842 = arith.fptosi %get3A_841 : vector<16xf32> to vector<16xi32>
      %swap3A_843 = arith.constant 8 : i32
      %swap3A_844 = arith.index_cast %swap3A_843 : i32 to index
      %swap3A_845 = arith.constant 80 : index
      %swap3A_846 = tpu.vector_load %arg9[%swap3A_844, %swap3A_845] {strides = array<i32>} : memref<13x128xi32, #tpu.memory_space<vmem>>, vector<16xi32>,
      tpu.vector_store %arg9[%swap3A_844, %swap3A_845], %convert_element_type3A_842 {strides = array<i32>} : memref<13x128xi32, #tpu.memory_space<vmem>>, vector<16xi32>,
      %get3A_847 = arith.constant 17 : i32
      %get3A_848 = arith.constant 1 : i32
      %get3A_849 = arith.index_cast %get3A_847 : i32 to index
      %get3A_850 = arith.index_cast %get3A_848 : i32 to index
      %get3A_851 = arith.constant 32 : index
      %get3A_852 = tpu.vector_load %arg5[%get3A_849, %get3A_850, %get3A_851] {strides = array<i32>} : memref<26x2x64xf32, #tpu.memory_space<vmem>>, vector<16xf32>,
      %convert_element_type3A_853 = arith.fptosi %get3A_852 : vector<16xf32> to vector<16xi32>
      %swap3A_854 = arith.constant 8 : i32
      %swap3A_855 = arith.index_cast %swap3A_854 : i32 to index
      %swap3A_856 = arith.constant 96 : index
      %swap3A_857 = tpu.vector_load %arg9[%swap3A_855, %swap3A_856] {strides = array<i32>} : memref<13x128xi32, #tpu.memory_space<vmem>>, vector<16xi32>,
      tpu.vector_store %arg9[%swap3A_855, %swap3A_856], %convert_element_type3A_853 {strides = array<i32>} : memref<13x128xi32, #tpu.memory_space<vmem>>, vector<16xi32>,
      %get3A_858 = arith.constant 17 : i32
      %get3A_859 = arith.constant 1 : i32
      %get3A_860 = arith.index_cast %get3A_858 : i32 to index
      %get3A_861 = arith.index_cast %get3A_859 : i32 to index
      %get3A_862 = arith.constant 48 : index
      %get3A_863 = tpu.vector_load %arg5[%get3A_860, %get3A_861, %get3A_862] {strides = array<i32>} : memref<26x2x64xf32, #tpu.memory_space<vmem>>, vector<16xf32>,
      %convert_element_type3A_864 = arith.fptosi %get3A_863 : vector<16xf32> to vector<16xi32>
      %swap3A_865 = arith.constant 8 : i32
      %swap3A_866 = arith.index_cast %swap3A_865 : i32 to index
      %swap3A_867 = arith.constant 112 : index
      %swap3A_868 = tpu.vector_load %arg9[%swap3A_866, %swap3A_867] {strides = array<i32>} : memref<13x128xi32, #tpu.memory_space<vmem>>, vector<16xi32>,
      tpu.vector_store %arg9[%swap3A_866, %swap3A_867], %convert_element_type3A_864 {strides = array<i32>} : memref<13x128xi32, #tpu.memory_space<vmem>>, vector<16xi32>,
      %get3A_869 = arith.constant 18 : i32
      %get3A_870 = arith.constant 1 : i32
      %get3A_871 = arith.index_cast %get3A_869 : i32 to index
      %get3A_872 = arith.index_cast %get3A_870 : i32 to index
      %get3A_873 = arith.constant 0 : index
      %get3A_874 = tpu.vector_load %arg5[%get3A_871, %get3A_872, %get3A_873] {strides = array<i32>} : memref<26x2x64xf32, #tpu.memory_space<vmem>>, vector<16xf32>,
      %convert_element_type3A_875 = arith.fptosi %get3A_874 : vector<16xf32> to vector<16xi32>
      %swap3A_876 = arith.constant 9 : i32
      %swap3A_877 = arith.index_cast %swap3A_876 : i32 to index
      %swap3A_878 = arith.constant 0 : index
      %swap3A_879 = tpu.vector_load %arg9[%swap3A_877, %swap3A_878] {strides = array<i32>} : memref<13x128xi32, #tpu.memory_space<vmem>>, vector<16xi32>,
      tpu.vector_store %arg9[%swap3A_877, %swap3A_878], %convert_element_type3A_875 {strides = array<i32>} : memref<13x128xi32, #tpu.memory_space<vmem>>, vector<16xi32>,
      %get3A_880 = arith.constant 18 : i32
      %get3A_881 = arith.constant 1 : i32
      %get3A_882 = arith.index_cast %get3A_880 : i32 to index
      %get3A_883 = arith.index_cast %get3A_881 : i32 to index
      %get3A_884 = arith.constant 16 : index
      %get3A_885 = tpu.vector_load %arg5[%get3A_882, %get3A_883, %get3A_884] {strides = array<i32>} : memref<26x2x64xf32, #tpu.memory_space<vmem>>, vector<16xf32>,
      %convert_element_type3A_886 = arith.fptosi %get3A_885 : vector<16xf32> to vector<16xi32>
      %swap3A_887 = arith.constant 9 : i32
      %swap3A_888 = arith.index_cast %swap3A_887 : i32 to index
      %swap3A_889 = arith.constant 16 : index
      %swap3A_890 = tpu.vector_load %arg9[%swap3A_888, %swap3A_889] {strides = array<i32>} : memref<13x128xi32, #tpu.memory_space<vmem>>, vector<16xi32>,
      tpu.vector_store %arg9[%swap3A_888, %swap3A_889], %convert_element_type3A_886 {strides = array<i32>} : memref<13x128xi32, #tpu.memory_space<vmem>>, vector<16xi32>,
      %get3A_891 = arith.constant 18 : i32
      %get3A_892 = arith.constant 1 : i32
      %get3A_893 = arith.index_cast %get3A_891 : i32 to index
      %get3A_894 = arith.index_cast %get3A_892 : i32 to index
      %get3A_895 = arith.constant 32 : index
      %get3A_896 = tpu.vector_load %arg5[%get3A_893, %get3A_894, %get3A_895] {strides = array<i32>} : memref<26x2x64xf32, #tpu.memory_space<vmem>>, vector<16xf32>,
      %convert_element_type3A_897 = arith.fptosi %get3A_896 : vector<16xf32> to vector<16xi32>
      %swap3A_898 = arith.constant 9 : i32
      %swap3A_899 = arith.index_cast %swap3A_898 : i32 to index
      %swap3A_900 = arith.constant 32 : index
      %swap3A_901 = tpu.vector_load %arg9[%swap3A_899, %swap3A_900] {strides = array<i32>} : memref<13x128xi32, #tpu.memory_space<vmem>>, vector<16xi32>,
      tpu.vector_store %arg9[%swap3A_899, %swap3A_900], %convert_element_type3A_897 {strides = array<i32>} : memref<13x128xi32, #tpu.memory_space<vmem>>, vector<16xi32>,
      %get3A_902 = arith.constant 18 : i32
      %get3A_903 = arith.constant 1 : i32
      %get3A_904 = arith.index_cast %get3A_902 : i32 to index
      %get3A_905 = arith.index_cast %get3A_903 : i32 to index
      %get3A_906 = arith.constant 48 : index
      %get3A_907 = tpu.vector_load %arg5[%get3A_904, %get3A_905, %get3A_906] {strides = array<i32>} : memref<26x2x64xf32, #tpu.memory_space<vmem>>, vector<16xf32>,
      %convert_element_type3A_908 = arith.fptosi %get3A_907 : vector<16xf32> to vector<16xi32>
      %swap3A_909 = arith.constant 9 : i32
      %swap3A_910 = arith.index_cast %swap3A_909 : i32 to index
      %swap3A_911 = arith.constant 48 : index
      %swap3A_912 = tpu.vector_load %arg9[%swap3A_910, %swap3A_911] {strides = array<i32>} : memref<13x128xi32, #tpu.memory_space<vmem>>, vector<16xi32>,
      tpu.vector_store %arg9[%swap3A_910, %swap3A_911], %convert_element_type3A_908 {strides = array<i32>} : memref<13x128xi32, #tpu.memory_space<vmem>>, vector<16xi32>,
      %get3A_913 = arith.constant 19 : i32
      %get3A_914 = arith.constant 1 : i32
      %get3A_915 = arith.index_cast %get3A_913 : i32 to index
      %get3A_916 = arith.index_cast %get3A_914 : i32 to index
      %get3A_917 = arith.constant 0 : index
      %get3A_918 = tpu.vector_load %arg5[%get3A_915, %get3A_916, %get3A_917] {strides = array<i32>} : memref<26x2x64xf32, #tpu.memory_space<vmem>>, vector<16xf32>,
      %convert_element_type3A_919 = arith.fptosi %get3A_918 : vector<16xf32> to vector<16xi32>
      %swap3A_920 = arith.constant 9 : i32
      %swap3A_921 = arith.index_cast %swap3A_920 : i32 to index
      %swap3A_922 = arith.constant 64 : index
      %swap3A_923 = tpu.vector_load %arg9[%swap3A_921, %swap3A_922] {strides = array<i32>} : memref<13x128xi32, #tpu.memory_space<vmem>>, vector<16xi32>,
      tpu.vector_store %arg9[%swap3A_921, %swap3A_922], %convert_element_type3A_919 {strides = array<i32>} : memref<13x128xi32, #tpu.memory_space<vmem>>, vector<16xi32>,
      %get3A_924 = arith.constant 19 : i32
      %get3A_925 = arith.constant 1 : i32
      %get3A_926 = arith.index_cast %get3A_924 : i32 to index
      %get3A_927 = arith.index_cast %get3A_925 : i32 to index
      %get3A_928 = arith.constant 16 : index
      %get3A_929 = tpu.vector_load %arg5[%get3A_926, %get3A_927, %get3A_928] {strides = array<i32>} : memref<26x2x64xf32, #tpu.memory_space<vmem>>, vector<16xf32>,
      %convert_element_type3A_930 = arith.fptosi %get3A_929 : vector<16xf32> to vector<16xi32>
      %swap3A_931 = arith.constant 9 : i32
      %swap3A_932 = arith.index_cast %swap3A_931 : i32 to index
      %swap3A_933 = arith.constant 80 : index
      %swap3A_934 = tpu.vector_load %arg9[%swap3A_932, %swap3A_933] {strides = array<i32>} : memref<13x128xi32, #tpu.memory_space<vmem>>, vector<16xi32>,
      tpu.vector_store %arg9[%swap3A_932, %swap3A_933], %convert_element_type3A_930 {strides = array<i32>} : memref<13x128xi32, #tpu.memory_space<vmem>>, vector<16xi32>,
      %get3A_935 = arith.constant 19 : i32
      %get3A_936 = arith.constant 1 : i32
      %get3A_937 = arith.index_cast %get3A_935 : i32 to index
      %get3A_938 = arith.index_cast %get3A_936 : i32 to index
      %get3A_939 = arith.constant 32 : index
      %get3A_940 = tpu.vector_load %arg5[%get3A_937, %get3A_938, %get3A_939] {strides = array<i32>} : memref<26x2x64xf32, #tpu.memory_space<vmem>>, vector<16xf32>,
      %convert_element_type3A_941 = arith.fptosi %get3A_940 : vector<16xf32> to vector<16xi32>
      %swap3A_942 = arith.constant 9 : i32
      %swap3A_943 = arith.index_cast %swap3A_942 : i32 to index
      %swap3A_944 = arith.constant 96 : index
      %swap3A_945 = tpu.vector_load %arg9[%swap3A_943, %swap3A_944] {strides = array<i32>} : memref<13x128xi32, #tpu.memory_space<vmem>>, vector<16xi32>,
      tpu.vector_store %arg9[%swap3A_943, %swap3A_944], %convert_element_type3A_941 {strides = array<i32>} : memref<13x128xi32, #tpu.memory_space<vmem>>, vector<16xi32>,
      %get3A_946 = arith.constant 19 : i32
      %get3A_947 = arith.constant 1 : i32
      %get3A_948 = arith.index_cast %get3A_946 : i32 to index
      %get3A_949 = arith.index_cast %get3A_947 : i32 to index
      %get3A_950 = arith.constant 48 : index
      %get3A_951 = tpu.vector_load %arg5[%get3A_948, %get3A_949, %get3A_950] {strides = array<i32>} : memref<26x2x64xf32, #tpu.memory_space<vmem>>, vector<16xf32>,
      %convert_element_type3A_952 = arith.fptosi %get3A_951 : vector<16xf32> to vector<16xi32>
      %swap3A_953 = arith.constant 9 : i32
      %swap3A_954 = arith.index_cast %swap3A_953 : i32 to index
      %swap3A_955 = arith.constant 112 : index
      %swap3A_956 = tpu.vector_load %arg9[%swap3A_954, %swap3A_955] {strides = array<i32>} : memref<13x128xi32, #tpu.memory_space<vmem>>, vector<16xi32>,
      tpu.vector_store %arg9[%swap3A_954, %swap3A_955], %convert_element_type3A_952 {strides = array<i32>} : memref<13x128xi32, #tpu.memory_space<vmem>>, vector<16xi32>,
      %get3A_957 = arith.constant 20 : i32
      %get3A_958 = arith.constant 1 : i32
      %get3A_959 = arith.index_cast %get3A_957 : i32 to index
      %get3A_960 = arith.index_cast %get3A_958 : i32 to index
      %get3A_961 = arith.constant 0 : index
      %get3A_962 = tpu.vector_load %arg5[%get3A_959, %get3A_960, %get3A_961] {strides = array<i32>} : memref<26x2x64xf32, #tpu.memory_space<vmem>>, vector<16xf32>,
      %convert_element_type3A_963 = arith.fptosi %get3A_962 : vector<16xf32> to vector<16xi32>
      %swap3A_964 = arith.constant 10 : i32
      %swap3A_965 = arith.index_cast %swap3A_964 : i32 to index
      %swap3A_966 = arith.constant 0 : index
      %swap3A_967 = tpu.vector_load %arg9[%swap3A_965, %swap3A_966] {strides = array<i32>} : memref<13x128xi32, #tpu.memory_space<vmem>>, vector<16xi32>,
      tpu.vector_store %arg9[%swap3A_965, %swap3A_966], %convert_element_type3A_963 {strides = array<i32>} : memref<13x128xi32, #tpu.memory_space<vmem>>, vector<16xi32>,
      %get3A_968 = arith.constant 20 : i32
      %get3A_969 = arith.constant 1 : i32
      %get3A_970 = arith.index_cast %get3A_968 : i32 to index
      %get3A_971 = arith.index_cast %get3A_969 : i32 to index
      %get3A_972 = arith.constant 16 : index
      %get3A_973 = tpu.vector_load %arg5[%get3A_970, %get3A_971, %get3A_972] {strides = array<i32>} : memref<26x2x64xf32, #tpu.memory_space<vmem>>, vector<16xf32>,
      %convert_element_type3A_974 = arith.fptosi %get3A_973 : vector<16xf32> to vector<16xi32>
      %swap3A_975 = arith.constant 10 : i32
      %swap3A_976 = arith.index_cast %swap3A_975 : i32 to index
      %swap3A_977 = arith.constant 16 : index
      %swap3A_978 = tpu.vector_load %arg9[%swap3A_976, %swap3A_977] {strides = array<i32>} : memref<13x128xi32, #tpu.memory_space<vmem>>, vector<16xi32>,
      tpu.vector_store %arg9[%swap3A_976, %swap3A_977], %convert_element_type3A_974 {strides = array<i32>} : memref<13x128xi32, #tpu.memory_space<vmem>>, vector<16xi32>,
      %get3A_979 = arith.constant 20 : i32
      %get3A_980 = arith.constant 1 : i32
      %get3A_981 = arith.index_cast %get3A_979 : i32 to index
      %get3A_982 = arith.index_cast %get3A_980 : i32 to index
      %get3A_983 = arith.constant 32 : index
      %get3A_984 = tpu.vector_load %arg5[%get3A_981, %get3A_982, %get3A_983] {strides = array<i32>} : memref<26x2x64xf32, #tpu.memory_space<vmem>>, vector<16xf32>,
      %convert_element_type3A_985 = arith.fptosi %get3A_984 : vector<16xf32> to vector<16xi32>
      %swap3A_986 = arith.constant 10 : i32
      %swap3A_987 = arith.index_cast %swap3A_986 : i32 to index
      %swap3A_988 = arith.constant 32 : index
      %swap3A_989 = tpu.vector_load %arg9[%swap3A_987, %swap3A_988] {strides = array<i32>} : memref<13x128xi32, #tpu.memory_space<vmem>>, vector<16xi32>,
      tpu.vector_store %arg9[%swap3A_987, %swap3A_988], %convert_element_type3A_985 {strides = array<i32>} : memref<13x128xi32, #tpu.memory_space<vmem>>, vector<16xi32>,
      %get3A_990 = arith.constant 20 : i32
      %get3A_991 = arith.constant 1 : i32
      %get3A_992 = arith.index_cast %get3A_990 : i32 to index
      %get3A_993 = arith.index_cast %get3A_991 : i32 to index
      %get3A_994 = arith.constant 48 : index
      %get3A_995 = tpu.vector_load %arg5[%get3A_992, %get3A_993, %get3A_994] {strides = array<i32>} : memref<26x2x64xf32, #tpu.memory_space<vmem>>, vector<16xf32>,
      %convert_element_type3A_996 = arith.fptosi %get3A_995 : vector<16xf32> to vector<16xi32>
      %swap3A_997 = arith.constant 10 : i32
      %swap3A_998 = arith.index_cast %swap3A_997 : i32 to index
      %swap3A_999 = arith.constant 48 : index
      %swap3A_1000 = tpu.vector_load %arg9[%swap3A_998, %swap3A_999] {strides = array<i32>} : memref<13x128xi32, #tpu.memory_space<vmem>>, vector<16xi32>,
      tpu.vector_store %arg9[%swap3A_998, %swap3A_999], %convert_element_type3A_996 {strides = array<i32>} : memref<13x128xi32, #tpu.memory_space<vmem>>, vector<16xi32>,
      %get3A_1001 = arith.constant 21 : i32
      %get3A_1002 = arith.constant 1 : i32
      %get3A_1003 = arith.index_cast %get3A_1001 : i32 to index
      %get3A_1004 = arith.index_cast %get3A_1002 : i32 to index
      %get3A_1005 = arith.constant 0 : index
      %get3A_1006 = tpu.vector_load %arg5[%get3A_1003, %get3A_1004, %get3A_1005] {strides = array<i32>} : memref<26x2x64xf32, #tpu.memory_space<vmem>>, vector<16xf32>,
      %convert_element_type3A_1007 = arith.fptosi %get3A_1006 : vector<16xf32> to vector<16xi32>
      %swap3A_1008 = arith.constant 10 : i32
      %swap3A_1009 = arith.index_cast %swap3A_1008 : i32 to index
      %swap3A_1010 = arith.constant 64 : index
      %swap3A_1011 = tpu.vector_load %arg9[%swap3A_1009, %swap3A_1010] {strides = array<i32>} : memref<13x128xi32, #tpu.memory_space<vmem>>, vector<16xi32>,
      tpu.vector_store %arg9[%swap3A_1009, %swap3A_1010], %convert_element_type3A_1007 {strides = array<i32>} : memref<13x128xi32, #tpu.memory_space<vmem>>, vector<16xi32>,
      %get3A_1012 = arith.constant 21 : i32
      %get3A_1013 = arith.constant 1 : i32
      %get3A_1014 = arith.index_cast %get3A_1012 : i32 to index
      %get3A_1015 = arith.index_cast %get3A_1013 : i32 to index
      %get3A_1016 = arith.constant 16 : index
      %get3A_1017 = tpu.vector_load %arg5[%get3A_1014, %get3A_1015, %get3A_1016] {strides = array<i32>} : memref<26x2x64xf32, #tpu.memory_space<vmem>>, vector<16xf32>,
      %convert_element_type3A_1018 = arith.fptosi %get3A_1017 : vector<16xf32> to vector<16xi32>
      %swap3A_1019 = arith.constant 10 : i32
      %swap3A_1020 = arith.index_cast %swap3A_1019 : i32 to index
      %swap3A_1021 = arith.constant 80 : index
      %swap3A_1022 = tpu.vector_load %arg9[%swap3A_1020, %swap3A_1021] {strides = array<i32>} : memref<13x128xi32, #tpu.memory_space<vmem>>, vector<16xi32>,
      tpu.vector_store %arg9[%swap3A_1020, %swap3A_1021], %convert_element_type3A_1018 {strides = array<i32>} : memref<13x128xi32, #tpu.memory_space<vmem>>, vector<16xi32>,
      %get3A_1023 = arith.constant 21 : i32
      %get3A_1024 = arith.constant 1 : i32
      %get3A_1025 = arith.index_cast %get3A_1023 : i32 to index
      %get3A_1026 = arith.index_cast %get3A_1024 : i32 to index
      %get3A_1027 = arith.constant 32 : index
      %get3A_1028 = tpu.vector_load %arg5[%get3A_1025, %get3A_1026, %get3A_1027] {strides = array<i32>} : memref<26x2x64xf32, #tpu.memory_space<vmem>>, vector<16xf32>,
      %convert_element_type3A_1029 = arith.fptosi %get3A_1028 : vector<16xf32> to vector<16xi32>
      %swap3A_1030 = arith.constant 10 : i32
      %swap3A_1031 = arith.index_cast %swap3A_1030 : i32 to index
      %swap3A_1032 = arith.constant 96 : index
      %swap3A_1033 = tpu.vector_load %arg9[%swap3A_1031, %swap3A_1032] {strides = array<i32>} : memref<13x128xi32, #tpu.memory_space<vmem>>, vector<16xi32>,
      tpu.vector_store %arg9[%swap3A_1031, %swap3A_1032], %convert_element_type3A_1029 {strides = array<i32>} : memref<13x128xi32, #tpu.memory_space<vmem>>, vector<16xi32>,
      %get3A_1034 = arith.constant 21 : i32
      %get3A_1035 = arith.constant 1 : i32
      %get3A_1036 = arith.index_cast %get3A_1034 : i32 to index
      %get3A_1037 = arith.index_cast %get3A_1035 : i32 to index
      %get3A_1038 = arith.constant 48 : index
      %get3A_1039 = tpu.vector_load %arg5[%get3A_1036, %get3A_1037, %get3A_1038] {strides = array<i32>} : memref<26x2x64xf32, #tpu.memory_space<vmem>>, vector<16xf32>,
      %convert_element_type3A_1040 = arith.fptosi %get3A_1039 : vector<16xf32> to vector<16xi32>
      %swap3A_1041 = arith.constant 10 : i32
      %swap3A_1042 = arith.index_cast %swap3A_1041 : i32 to index
      %swap3A_1043 = arith.constant 112 : index
      %swap3A_1044 = tpu.vector_load %arg9[%swap3A_1042, %swap3A_1043] {strides = array<i32>} : memref<13x128xi32, #tpu.memory_space<vmem>>, vector<16xi32>,
      tpu.vector_store %arg9[%swap3A_1042, %swap3A_1043], %convert_element_type3A_1040 {strides = array<i32>} : memref<13x128xi32, #tpu.memory_space<vmem>>, vector<16xi32>,
      %get3A_1045 = arith.constant 22 : i32
      %get3A_1046 = arith.constant 1 : i32
      %get3A_1047 = arith.index_cast %get3A_1045 : i32 to index
      %get3A_1048 = arith.index_cast %get3A_1046 : i32 to index
      %get3A_1049 = arith.constant 0 : index
      %get3A_1050 = tpu.vector_load %arg5[%get3A_1047, %get3A_1048, %get3A_1049] {strides = array<i32>} : memref<26x2x64xf32, #tpu.memory_space<vmem>>, vector<16xf32>,
      %convert_element_type3A_1051 = arith.fptosi %get3A_1050 : vector<16xf32> to vector<16xi32>
      %swap3A_1052 = arith.constant 11 : i32
      %swap3A_1053 = arith.index_cast %swap3A_1052 : i32 to index
      %swap3A_1054 = arith.constant 0 : index
      %swap3A_1055 = tpu.vector_load %arg9[%swap3A_1053, %swap3A_1054] {strides = array<i32>} : memref<13x128xi32, #tpu.memory_space<vmem>>, vector<16xi32>,
      tpu.vector_store %arg9[%swap3A_1053, %swap3A_1054], %convert_element_type3A_1051 {strides = array<i32>} : memref<13x128xi32, #tpu.memory_space<vmem>>, vector<16xi32>,
      %get3A_1056 = arith.constant 22 : i32
      %get3A_1057 = arith.constant 1 : i32
      %get3A_1058 = arith.index_cast %get3A_1056 : i32 to index
      %get3A_1059 = arith.index_cast %get3A_1057 : i32 to index
      %get3A_1060 = arith.constant 16 : index
      %get3A_1061 = tpu.vector_load %arg5[%get3A_1058, %get3A_1059, %get3A_1060] {strides = array<i32>} : memref<26x2x64xf32, #tpu.memory_space<vmem>>, vector<16xf32>,
      %convert_element_type3A_1062 = arith.fptosi %get3A_1061 : vector<16xf32> to vector<16xi32>
      %swap3A_1063 = arith.constant 11 : i32
      %swap3A_1064 = arith.index_cast %swap3A_1063 : i32 to index
      %swap3A_1065 = arith.constant 16 : index
      %swap3A_1066 = tpu.vector_load %arg9[%swap3A_1064, %swap3A_1065] {strides = array<i32>} : memref<13x128xi32, #tpu.memory_space<vmem>>, vector<16xi32>,
      tpu.vector_store %arg9[%swap3A_1064, %swap3A_1065], %convert_element_type3A_1062 {strides = array<i32>} : memref<13x128xi32, #tpu.memory_space<vmem>>, vector<16xi32>,
      %get3A_1067 = arith.constant 22 : i32
      %get3A_1068 = arith.constant 1 : i32
      %get3A_1069 = arith.index_cast %get3A_1067 : i32 to index
      %get3A_1070 = arith.index_cast %get3A_1068 : i32 to index
      %get3A_1071 = arith.constant 32 : index
      %get3A_1072 = tpu.vector_load %arg5[%get3A_1069, %get3A_1070, %get3A_1071] {strides = array<i32>} : memref<26x2x64xf32, #tpu.memory_space<vmem>>, vector<16xf32>,
      %convert_element_type3A_1073 = arith.fptosi %get3A_1072 : vector<16xf32> to vector<16xi32>
      %swap3A_1074 = arith.constant 11 : i32
      %swap3A_1075 = arith.index_cast %swap3A_1074 : i32 to index
      %swap3A_1076 = arith.constant 32 : index
      %swap3A_1077 = tpu.vector_load %arg9[%swap3A_1075, %swap3A_1076] {strides = array<i32>} : memref<13x128xi32, #tpu.memory_space<vmem>>, vector<16xi32>,
      tpu.vector_store %arg9[%swap3A_1075, %swap3A_1076], %convert_element_type3A_1073 {strides = array<i32>} : memref<13x128xi32, #tpu.memory_space<vmem>>, vector<16xi32>,
      %get3A_1078 = arith.constant 22 : i32
      %get3A_1079 = arith.constant 1 : i32
      %get3A_1080 = arith.index_cast %get3A_1078 : i32 to index
      %get3A_1081 = arith.index_cast %get3A_1079 : i32 to index
      %get3A_1082 = arith.constant 48 : index
      %get3A_1083 = tpu.vector_load %arg5[%get3A_1080, %get3A_1081, %get3A_1082] {strides = array<i32>} : memref<26x2x64xf32, #tpu.memory_space<vmem>>, vector<16xf32>,
      %convert_element_type3A_1084 = arith.fptosi %get3A_1083 : vector<16xf32> to vector<16xi32>
      %swap3A_1085 = arith.constant 11 : i32
      %swap3A_1086 = arith.index_cast %swap3A_1085 : i32 to index
      %swap3A_1087 = arith.constant 48 : index
      %swap3A_1088 = tpu.vector_load %arg9[%swap3A_1086, %swap3A_1087] {strides = array<i32>} : memref<13x128xi32, #tpu.memory_space<vmem>>, vector<16xi32>,
      tpu.vector_store %arg9[%swap3A_1086, %swap3A_1087], %convert_element_type3A_1084 {strides = array<i32>} : memref<13x128xi32, #tpu.memory_space<vmem>>, vector<16xi32>,
      %get3A_1089 = arith.constant 23 : i32
      %get3A_1090 = arith.constant 1 : i32
      %get3A_1091 = arith.index_cast %get3A_1089 : i32 to index
      %get3A_1092 = arith.index_cast %get3A_1090 : i32 to index
      %get3A_1093 = arith.constant 0 : index
      %get3A_1094 = tpu.vector_load %arg5[%get3A_1091, %get3A_1092, %get3A_1093] {strides = array<i32>} : memref<26x2x64xf32, #tpu.memory_space<vmem>>, vector<16xf32>,
      %convert_element_type3A_1095 = arith.fptosi %get3A_1094 : vector<16xf32> to vector<16xi32>
      %swap3A_1096 = arith.constant 11 : i32
      %swap3A_1097 = arith.index_cast %swap3A_1096 : i32 to index
      %swap3A_1098 = arith.constant 64 : index
      %swap3A_1099 = tpu.vector_load %arg9[%swap3A_1097, %swap3A_1098] {strides = array<i32>} : memref<13x128xi32, #tpu.memory_space<vmem>>, vector<16xi32>,
      tpu.vector_store %arg9[%swap3A_1097, %swap3A_1098], %convert_element_type3A_1095 {strides = array<i32>} : memref<13x128xi32, #tpu.memory_space<vmem>>, vector<16xi32>,
      %get3A_1100 = arith.constant 23 : i32
      %get3A_1101 = arith.constant 1 : i32
      %get3A_1102 = arith.index_cast %get3A_1100 : i32 to index
      %get3A_1103 = arith.index_cast %get3A_1101 : i32 to index
      %get3A_1104 = arith.constant 16 : index
      %get3A_1105 = tpu.vector_load %arg5[%get3A_1102, %get3A_1103, %get3A_1104] {strides = array<i32>} : memref<26x2x64xf32, #tpu.memory_space<vmem>>, vector<16xf32>,
      %convert_element_type3A_1106 = arith.fptosi %get3A_1105 : vector<16xf32> to vector<16xi32>
      %swap3A_1107 = arith.constant 11 : i32
      %swap3A_1108 = arith.index_cast %swap3A_1107 : i32 to index
      %swap3A_1109 = arith.constant 80 : index
      %swap3A_1110 = tpu.vector_load %arg9[%swap3A_1108, %swap3A_1109] {strides = array<i32>} : memref<13x128xi32, #tpu.memory_space<vmem>>, vector<16xi32>,
      tpu.vector_store %arg9[%swap3A_1108, %swap3A_1109], %convert_element_type3A_1106 {strides = array<i32>} : memref<13x128xi32, #tpu.memory_space<vmem>>, vector<16xi32>,
      %get3A_1111 = arith.constant 23 : i32
      %get3A_1112 = arith.constant 1 : i32
      %get3A_1113 = arith.index_cast %get3A_1111 : i32 to index
      %get3A_1114 = arith.index_cast %get3A_1112 : i32 to index
      %get3A_1115 = arith.constant 32 : index
      %get3A_1116 = tpu.vector_load %arg5[%get3A_1113, %get3A_1114, %get3A_1115] {strides = array<i32>} : memref<26x2x64xf32, #tpu.memory_space<vmem>>, vector<16xf32>,
      %convert_element_type3A_1117 = arith.fptosi %get3A_1116 : vector<16xf32> to vector<16xi32>
      %swap3A_1118 = arith.constant 11 : i32
      %swap3A_1119 = arith.index_cast %swap3A_1118 : i32 to index
      %swap3A_1120 = arith.constant 96 : index
      %swap3A_1121 = tpu.vector_load %arg9[%swap3A_1119, %swap3A_1120] {strides = array<i32>} : memref<13x128xi32, #tpu.memory_space<vmem>>, vector<16xi32>,
      tpu.vector_store %arg9[%swap3A_1119, %swap3A_1120], %convert_element_type3A_1117 {strides = array<i32>} : memref<13x128xi32, #tpu.memory_space<vmem>>, vector<16xi32>,
      %get3A_1122 = arith.constant 23 : i32
      %get3A_1123 = arith.constant 1 : i32
      %get3A_1124 = arith.index_cast %get3A_1122 : i32 to index
      %get3A_1125 = arith.index_cast %get3A_1123 : i32 to index
      %get3A_1126 = arith.constant 48 : index
      %get3A_1127 = tpu.vector_load %arg5[%get3A_1124, %get3A_1125, %get3A_1126] {strides = array<i32>} : memref<26x2x64xf32, #tpu.memory_space<vmem>>, vector<16xf32>,
      %convert_element_type3A_1128 = arith.fptosi %get3A_1127 : vector<16xf32> to vector<16xi32>
      %swap3A_1129 = arith.constant 11 : i32
      %swap3A_1130 = arith.index_cast %swap3A_1129 : i32 to index
      %swap3A_1131 = arith.constant 112 : index
      %swap3A_1132 = tpu.vector_load %arg9[%swap3A_1130, %swap3A_1131] {strides = array<i32>} : memref<13x128xi32, #tpu.memory_space<vmem>>, vector<16xi32>,
      tpu.vector_store %arg9[%swap3A_1130, %swap3A_1131], %convert_element_type3A_1128 {strides = array<i32>} : memref<13x128xi32, #tpu.memory_space<vmem>>, vector<16xi32>,
      %get3A_1133 = arith.constant 24 : i32
      %get3A_1134 = arith.constant 1 : i32
      %get3A_1135 = arith.index_cast %get3A_1133 : i32 to index
      %get3A_1136 = arith.index_cast %get3A_1134 : i32 to index
      %get3A_1137 = arith.constant 0 : index
      %get3A_1138 = tpu.vector_load %arg5[%get3A_1135, %get3A_1136, %get3A_1137] {strides = array<i32>} : memref<26x2x64xf32, #tpu.memory_space<vmem>>, vector<16xf32>,
      %convert_element_type3A_1139 = arith.fptosi %get3A_1138 : vector<16xf32> to vector<16xi32>
      %swap3A_1140 = arith.constant 12 : i32
      %swap3A_1141 = arith.index_cast %swap3A_1140 : i32 to index
      %swap3A_1142 = arith.constant 0 : index
      %swap3A_1143 = tpu.vector_load %arg9[%swap3A_1141, %swap3A_1142] {strides = array<i32>} : memref<13x128xi32, #tpu.memory_space<vmem>>, vector<16xi32>,
      tpu.vector_store %arg9[%swap3A_1141, %swap3A_1142], %convert_element_type3A_1139 {strides = array<i32>} : memref<13x128xi32, #tpu.memory_space<vmem>>, vector<16xi32>,
      %get3A_1144 = arith.constant 24 : i32
      %get3A_1145 = arith.constant 1 : i32
      %get3A_1146 = arith.index_cast %get3A_1144 : i32 to index
      %get3A_1147 = arith.index_cast %get3A_1145 : i32 to index
      %get3A_1148 = arith.constant 16 : index
      %get3A_1149 = tpu.vector_load %arg5[%get3A_1146, %get3A_1147, %get3A_1148] {strides = array<i32>} : memref<26x2x64xf32, #tpu.memory_space<vmem>>, vector<16xf32>,
      %convert_element_type3A_1150 = arith.fptosi %get3A_1149 : vector<16xf32> to vector<16xi32>
      %swap3A_1151 = arith.constant 12 : i32
      %swap3A_1152 = arith.index_cast %swap3A_1151 : i32 to index
      %swap3A_1153 = arith.constant 16 : index
      %swap3A_1154 = tpu.vector_load %arg9[%swap3A_1152, %swap3A_1153] {strides = array<i32>} : memref<13x128xi32, #tpu.memory_space<vmem>>, vector<16xi32>,
      tpu.vector_store %arg9[%swap3A_1152, %swap3A_1153], %convert_element_type3A_1150 {strides = array<i32>} : memref<13x128xi32, #tpu.memory_space<vmem>>, vector<16xi32>,
      %get3A_1155 = arith.constant 24 : i32
      %get3A_1156 = arith.constant 1 : i32
      %get3A_1157 = arith.index_cast %get3A_1155 : i32 to index
      %get3A_1158 = arith.index_cast %get3A_1156 : i32 to index
      %get3A_1159 = arith.constant 32 : index
      %get3A_1160 = tpu.vector_load %arg5[%get3A_1157, %get3A_1158, %get3A_1159] {strides = array<i32>} : memref<26x2x64xf32, #tpu.memory_space<vmem>>, vector<16xf32>,
      %convert_element_type3A_1161 = arith.fptosi %get3A_1160 : vector<16xf32> to vector<16xi32>
      %swap3A_1162 = arith.constant 12 : i32
      %swap3A_1163 = arith.index_cast %swap3A_1162 : i32 to index
      %swap3A_1164 = arith.constant 32 : index
      %swap3A_1165 = tpu.vector_load %arg9[%swap3A_1163, %swap3A_1164] {strides = array<i32>} : memref<13x128xi32, #tpu.memory_space<vmem>>, vector<16xi32>,
      tpu.vector_store %arg9[%swap3A_1163, %swap3A_1164], %convert_element_type3A_1161 {strides = array<i32>} : memref<13x128xi32, #tpu.memory_space<vmem>>, vector<16xi32>,
      %get3A_1166 = arith.constant 24 : i32
      %get3A_1167 = arith.constant 1 : i32
      %get3A_1168 = arith.index_cast %get3A_1166 : i32 to index
      %get3A_1169 = arith.index_cast %get3A_1167 : i32 to index
      %get3A_1170 = arith.constant 48 : index
      %get3A_1171 = tpu.vector_load %arg5[%get3A_1168, %get3A_1169, %get3A_1170] {strides = array<i32>} : memref<26x2x64xf32, #tpu.memory_space<vmem>>, vector<16xf32>,
      %convert_element_type3A_1172 = arith.fptosi %get3A_1171 : vector<16xf32> to vector<16xi32>
      %swap3A_1173 = arith.constant 12 : i32
      %swap3A_1174 = arith.index_cast %swap3A_1173 : i32 to index
      %swap3A_1175 = arith.constant 48 : index
      %swap3A_1176 = tpu.vector_load %arg9[%swap3A_1174, %swap3A_1175] {strides = array<i32>} : memref<13x128xi32, #tpu.memory_space<vmem>>, vector<16xi32>,
      tpu.vector_store %arg9[%swap3A_1174, %swap3A_1175], %convert_element_type3A_1172 {strides = array<i32>} : memref<13x128xi32, #tpu.memory_space<vmem>>, vector<16xi32>,
      %get3A_1177 = arith.constant 25 : i32
      %get3A_1178 = arith.constant 1 : i32
      %get3A_1179 = arith.index_cast %get3A_1177 : i32 to index
      %get3A_1180 = arith.index_cast %get3A_1178 : i32 to index
      %get3A_1181 = arith.constant 0 : index
      %get3A_1182 = tpu.vector_load %arg5[%get3A_1179, %get3A_1180, %get3A_1181] {strides = array<i32>} : memref<26x2x64xf32, #tpu.memory_space<vmem>>, vector<16xf32>,
      %convert_element_type3A_1183 = arith.fptosi %get3A_1182 : vector<16xf32> to vector<16xi32>
      %swap3A_1184 = arith.constant 12 : i32
      %swap3A_1185 = arith.index_cast %swap3A_1184 : i32 to index
      %swap3A_1186 = arith.constant 64 : index
      %swap3A_1187 = tpu.vector_load %arg9[%swap3A_1185, %swap3A_1186] {strides = array<i32>} : memref<13x128xi32, #tpu.memory_space<vmem>>, vector<16xi32>,
      tpu.vector_store %arg9[%swap3A_1185, %swap3A_1186], %convert_element_type3A_1183 {strides = array<i32>} : memref<13x128xi32, #tpu.memory_space<vmem>>, vector<16xi32>,
      %get3A_1188 = arith.constant 25 : i32
      %get3A_1189 = arith.constant 1 : i32
      %get3A_1190 = arith.index_cast %get3A_1188 : i32 to index
      %get3A_1191 = arith.index_cast %get3A_1189 : i32 to index
      %get3A_1192 = arith.constant 16 : index
      %get3A_1193 = tpu.vector_load %arg5[%get3A_1190, %get3A_1191, %get3A_1192] {strides = array<i32>} : memref<26x2x64xf32, #tpu.memory_space<vmem>>, vector<16xf32>,
      %convert_element_type3A_1194 = arith.fptosi %get3A_1193 : vector<16xf32> to vector<16xi32>
      %swap3A_1195 = arith.constant 12 : i32
      %swap3A_1196 = arith.index_cast %swap3A_1195 : i32 to index
      %swap3A_1197 = arith.constant 80 : index
      %swap3A_1198 = tpu.vector_load %arg9[%swap3A_1196, %swap3A_1197] {strides = array<i32>} : memref<13x128xi32, #tpu.memory_space<vmem>>, vector<16xi32>,
      tpu.vector_store %arg9[%swap3A_1196, %swap3A_1197], %convert_element_type3A_1194 {strides = array<i32>} : memref<13x128xi32, #tpu.memory_space<vmem>>, vector<16xi32>,
      %get3A_1199 = arith.constant 25 : i32
      %get3A_1200 = arith.constant 1 : i32
      %get3A_1201 = arith.index_cast %get3A_1199 : i32 to index
      %get3A_1202 = arith.index_cast %get3A_1200 : i32 to index
      %get3A_1203 = arith.constant 32 : index
      %get3A_1204 = tpu.vector_load %arg5[%get3A_1201, %get3A_1202, %get3A_1203] {strides = array<i32>} : memref<26x2x64xf32, #tpu.memory_space<vmem>>, vector<16xf32>,
      %convert_element_type3A_1205 = arith.fptosi %get3A_1204 : vector<16xf32> to vector<16xi32>
      %swap3A_1206 = arith.constant 12 : i32
      %swap3A_1207 = arith.index_cast %swap3A_1206 : i32 to index
      %swap3A_1208 = arith.constant 96 : index
      %swap3A_1209 = tpu.vector_load %arg9[%swap3A_1207, %swap3A_1208] {strides = array<i32>} : memref<13x128xi32, #tpu.memory_space<vmem>>, vector<16xi32>,
      tpu.vector_store %arg9[%swap3A_1207, %swap3A_1208], %convert_element_type3A_1205 {strides = array<i32>} : memref<13x128xi32, #tpu.memory_space<vmem>>, vector<16xi32>,
      %get3A_1210 = arith.constant 25 : i32
      %get3A_1211 = arith.constant 1 : i32
      %get3A_1212 = arith.index_cast %get3A_1210 : i32 to index
      %get3A_1213 = arith.index_cast %get3A_1211 : i32 to index
      %get3A_1214 = arith.constant 48 : index
      %get3A_1215 = tpu.vector_load %arg5[%get3A_1212, %get3A_1213, %get3A_1214] {strides = array<i32>} : memref<26x2x64xf32, #tpu.memory_space<vmem>>, vector<16xf32>,
      %convert_element_type3A_1216 = arith.fptosi %get3A_1215 : vector<16xf32> to vector<16xi32>
      %swap3A_1217 = arith.constant 12 : i32
      %swap3A_1218 = arith.index_cast %swap3A_1217 : i32 to index
      %swap3A_1219 = arith.constant 112 : index
      %swap3A_1220 = tpu.vector_load %arg9[%swap3A_1218, %swap3A_1219] {strides = array<i32>} : memref<13x128xi32, #tpu.memory_space<vmem>>, vector<16xi32>,
      tpu.vector_store %arg9[%swap3A_1218, %swap3A_1219], %convert_element_type3A_1216 {strides = array<i32>} : memref<13x128xi32, #tpu.memory_space<vmem>>, vector<16xi32>,
      %dma_start3A = arith.constant 0 : i32
      %dma_start3A_1221 = arith.constant 0 : i32
      %dma_start3A_1222 = arith.constant 0 : i32
      %dma_start3A_1223 = tpu.memref_slice %arg6[%dma_start3A_1221, %dma_start3A_1222] : memref<1664x16xf32, #tpu.memory_space<vmem>> -> memref<128x16xf32, #tpu.memory_space<vmem>>
      %dma_start3A_1224 = arith.constant 0 : i32
      %dma_start3A_1225 = tpu.memref_slice %arg9[%dma_start3A, %dma_start3A_1224] : memref<13x128xi32, #tpu.memory_space<vmem>> -> memref<1x128xi32, #tpu.memory_space<vmem>>
      %dma_start3A_1226 = tpu.memref_squeeze %dma_start3A_1225 : memref<1x128xi32, #tpu.memory_space<vmem>> -> memref<128xi32, #tpu.memory_space<vmem>>
      %dma_start3A_1227 = arith.constant 0 : i32
      %dma_start3A_1228 = arith.constant 0 : i32
      %dma_start3A_1229 = tpu.memref_slice %arg3[%dma_start3A_1227, %dma_start3A_1228] : memref<1000000x16xf32, #tpu.memory_space<hbm>> -> memref<1000000x16xf32, #tpu.memory_space<hbm>>
      tpu.enqueue_indirect_dma source(%dma_start3A_1229 : memref<1000000x16xf32, #tpu.memory_space<hbm>>) target(%dma_start3A_1223 : memref<128x16xf32, #tpu.memory_space<vmem>>) offsets(%dma_start3A_1226 : memref<128xi32, #tpu.memory_space<vmem>>) semaphore(%arg10 : memref<!tpu.dma_semaphore, #tpu.memory_space<semaphore_mem>>)
      %dma_start3A_1230 = arith.constant 1 : i32
      %dma_start3A_1231 = arith.constant 128 : i32
      %dma_start3A_1232 = arith.constant 0 : i32
      %dma_start3A_1233 = tpu.memref_slice %arg6[%dma_start3A_1231, %dma_start3A_1232] : memref<1664x16xf32, #tpu.memory_space<vmem>> -> memref<128x16xf32, #tpu.memory_space<vmem>>
      %dma_start3A_1234 = arith.constant 0 : i32
      %dma_start3A_1235 = tpu.memref_slice %arg9[%dma_start3A_1230, %dma_start3A_1234] : memref<13x128xi32, #tpu.memory_space<vmem>> -> memref<1x128xi32, #tpu.memory_space<vmem>>
      %dma_start3A_1236 = tpu.memref_squeeze %dma_start3A_1235 : memref<1x128xi32, #tpu.memory_space<vmem>> -> memref<128xi32, #tpu.memory_space<vmem>>
      %dma_start3A_1237 = arith.constant 0 : i32
      %dma_start3A_1238 = arith.constant 0 : i32
      %dma_start3A_1239 = tpu.memref_slice %arg3[%dma_start3A_1237, %dma_start3A_1238] : memref<1000000x16xf32, #tpu.memory_space<hbm>> -> memref<1000000x16xf32, #tpu.memory_space<hbm>>
      tpu.enqueue_indirect_dma source(%dma_start3A_1239 : memref<1000000x16xf32, #tpu.memory_space<hbm>>) target(%dma_start3A_1233 : memref<128x16xf32, #tpu.memory_space<vmem>>) offsets(%dma_start3A_1236 : memref<128xi32, #tpu.memory_space<vmem>>) semaphore(%arg10 : memref<!tpu.dma_semaphore, #tpu.memory_space<semaphore_mem>>)
      %dma_start3A_1240 = arith.constant 2 : i32
      %dma_start3A_1241 = arith.constant 256 : i32
      %dma_start3A_1242 = arith.constant 0 : i32
      %dma_start3A_1243 = tpu.memref_slice %arg6[%dma_start3A_1241, %dma_start3A_1242] : memref<1664x16xf32, #tpu.memory_space<vmem>> -> memref<128x16xf32, #tpu.memory_space<vmem>>
      %dma_start3A_1244 = arith.constant 0 : i32
      %dma_start3A_1245 = tpu.memref_slice %arg9[%dma_start3A_1240, %dma_start3A_1244] : memref<13x128xi32, #tpu.memory_space<vmem>> -> memref<1x128xi32, #tpu.memory_space<vmem>>
      %dma_start3A_1246 = tpu.memref_squeeze %dma_start3A_1245 : memref<1x128xi32, #tpu.memory_space<vmem>> -> memref<128xi32, #tpu.memory_space<vmem>>
      %dma_start3A_1247 = arith.constant 0 : i32
      %dma_start3A_1248 = arith.constant 0 : i32
      %dma_start3A_1249 = tpu.memref_slice %arg3[%dma_start3A_1247, %dma_start3A_1248] : memref<1000000x16xf32, #tpu.memory_space<hbm>> -> memref<1000000x16xf32, #tpu.memory_space<hbm>>
      tpu.enqueue_indirect_dma source(%dma_start3A_1249 : memref<1000000x16xf32, #tpu.memory_space<hbm>>) target(%dma_start3A_1243 : memref<128x16xf32, #tpu.memory_space<vmem>>) offsets(%dma_start3A_1246 : memref<128xi32, #tpu.memory_space<vmem>>) semaphore(%arg10 : memref<!tpu.dma_semaphore, #tpu.memory_space<semaphore_mem>>)
      %dma_start3A_1250 = arith.constant 3 : i32
      %dma_start3A_1251 = arith.constant 384 : i32
      %dma_start3A_1252 = arith.constant 0 : i32
      %dma_start3A_1253 = tpu.memref_slice %arg6[%dma_start3A_1251, %dma_start3A_1252] : memref<1664x16xf32, #tpu.memory_space<vmem>> -> memref<128x16xf32, #tpu.memory_space<vmem>>
      %dma_start3A_1254 = arith.constant 0 : i32
      %dma_start3A_1255 = tpu.memref_slice %arg9[%dma_start3A_1250, %dma_start3A_1254] : memref<13x128xi32, #tpu.memory_space<vmem>> -> memref<1x128xi32, #tpu.memory_space<vmem>>
      %dma_start3A_1256 = tpu.memref_squeeze %dma_start3A_1255 : memref<1x128xi32, #tpu.memory_space<vmem>> -> memref<128xi32, #tpu.memory_space<vmem>>
      %dma_start3A_1257 = arith.constant 0 : i32
      %dma_start3A_1258 = arith.constant 0 : i32
      %dma_start3A_1259 = tpu.memref_slice %arg3[%dma_start3A_1257, %dma_start3A_1258] : memref<1000000x16xf32, #tpu.memory_space<hbm>> -> memref<1000000x16xf32, #tpu.memory_space<hbm>>
      tpu.enqueue_indirect_dma source(%dma_start3A_1259 : memref<1000000x16xf32, #tpu.memory_space<hbm>>) target(%dma_start3A_1253 : memref<128x16xf32, #tpu.memory_space<vmem>>) offsets(%dma_start3A_1256 : memref<128xi32, #tpu.memory_space<vmem>>) semaphore(%arg10 : memref<!tpu.dma_semaphore, #tpu.memory_space<semaphore_mem>>)
      %dma_start3A_1260 = arith.constant 4 : i32
      %dma_start3A_1261 = arith.constant 512 : i32
      %dma_start3A_1262 = arith.constant 0 : i32
      %dma_start3A_1263 = tpu.memref_slice %arg6[%dma_start3A_1261, %dma_start3A_1262] : memref<1664x16xf32, #tpu.memory_space<vmem>> -> memref<128x16xf32, #tpu.memory_space<vmem>>
      %dma_start3A_1264 = arith.constant 0 : i32
      %dma_start3A_1265 = tpu.memref_slice %arg9[%dma_start3A_1260, %dma_start3A_1264] : memref<13x128xi32, #tpu.memory_space<vmem>> -> memref<1x128xi32, #tpu.memory_space<vmem>>
      %dma_start3A_1266 = tpu.memref_squeeze %dma_start3A_1265 : memref<1x128xi32, #tpu.memory_space<vmem>> -> memref<128xi32, #tpu.memory_space<vmem>>
      %dma_start3A_1267 = arith.constant 0 : i32
      %dma_start3A_1268 = arith.constant 0 : i32
      %dma_start3A_1269 = tpu.memref_slice %arg3[%dma_start3A_1267, %dma_start3A_1268] : memref<1000000x16xf32, #tpu.memory_space<hbm>> -> memref<1000000x16xf32, #tpu.memory_space<hbm>>
      tpu.enqueue_indirect_dma source(%dma_start3A_1269 : memref<1000000x16xf32, #tpu.memory_space<hbm>>) target(%dma_start3A_1263 : memref<128x16xf32, #tpu.memory_space<vmem>>) offsets(%dma_start3A_1266 : memref<128xi32, #tpu.memory_space<vmem>>) semaphore(%arg10 : memref<!tpu.dma_semaphore, #tpu.memory_space<semaphore_mem>>)
      %dma_start3A_1270 = arith.constant 5 : i32
      %dma_start3A_1271 = arith.constant 640 : i32
      %dma_start3A_1272 = arith.constant 0 : i32
      %dma_start3A_1273 = tpu.memref_slice %arg6[%dma_start3A_1271, %dma_start3A_1272] : memref<1664x16xf32, #tpu.memory_space<vmem>> -> memref<128x16xf32, #tpu.memory_space<vmem>>
      %dma_start3A_1274 = arith.constant 0 : i32
      %dma_start3A_1275 = tpu.memref_slice %arg9[%dma_start3A_1270, %dma_start3A_1274] : memref<13x128xi32, #tpu.memory_space<vmem>> -> memref<1x128xi32, #tpu.memory_space<vmem>>
      %dma_start3A_1276 = tpu.memref_squeeze %dma_start3A_1275 : memref<1x128xi32, #tpu.memory_space<vmem>> -> memref<128xi32, #tpu.memory_space<vmem>>
      %dma_start3A_1277 = arith.constant 0 : i32
      %dma_start3A_1278 = arith.constant 0 : i32
      %dma_start3A_1279 = tpu.memref_slice %arg3[%dma_start3A_1277, %dma_start3A_1278] : memref<1000000x16xf32, #tpu.memory_space<hbm>> -> memref<1000000x16xf32, #tpu.memory_space<hbm>>
      tpu.enqueue_indirect_dma source(%dma_start3A_1279 : memref<1000000x16xf32, #tpu.memory_space<hbm>>) target(%dma_start3A_1273 : memref<128x16xf32, #tpu.memory_space<vmem>>) offsets(%dma_start3A_1276 : memref<128xi32, #tpu.memory_space<vmem>>) semaphore(%arg10 : memref<!tpu.dma_semaphore, #tpu.memory_space<semaphore_mem>>)
      %dma_start3A_1280 = arith.constant 6 : i32
      %dma_start3A_1281 = arith.constant 768 : i32
      %dma_start3A_1282 = arith.constant 0 : i32
      %dma_start3A_1283 = tpu.memref_slice %arg6[%dma_start3A_1281, %dma_start3A_1282] : memref<1664x16xf32, #tpu.memory_space<vmem>> -> memref<128x16xf32, #tpu.memory_space<vmem>>
      %dma_start3A_1284 = arith.constant 0 : i32
      %dma_start3A_1285 = tpu.memref_slice %arg9[%dma_start3A_1280, %dma_start3A_1284] : memref<13x128xi32, #tpu.memory_space<vmem>> -> memref<1x128xi32, #tpu.memory_space<vmem>>
      %dma_start3A_1286 = tpu.memref_squeeze %dma_start3A_1285 : memref<1x128xi32, #tpu.memory_space<vmem>> -> memref<128xi32, #tpu.memory_space<vmem>>
      %dma_start3A_1287 = arith.constant 0 : i32
      %dma_start3A_1288 = arith.constant 0 : i32
      %dma_start3A_1289 = tpu.memref_slice %arg3[%dma_start3A_1287, %dma_start3A_1288] : memref<1000000x16xf32, #tpu.memory_space<hbm>> -> memref<1000000x16xf32, #tpu.memory_space<hbm>>
      tpu.enqueue_indirect_dma source(%dma_start3A_1289 : memref<1000000x16xf32, #tpu.memory_space<hbm>>) target(%dma_start3A_1283 : memref<128x16xf32, #tpu.memory_space<vmem>>) offsets(%dma_start3A_1286 : memref<128xi32, #tpu.memory_space<vmem>>) semaphore(%arg10 : memref<!tpu.dma_semaphore, #tpu.memory_space<semaphore_mem>>)
      %dma_start3A_1290 = arith.constant 7 : i32
      %dma_start3A_1291 = arith.constant 896 : i32
      %dma_start3A_1292 = arith.constant 0 : i32
      %dma_start3A_1293 = tpu.memref_slice %arg6[%dma_start3A_1291, %dma_start3A_1292] : memref<1664x16xf32, #tpu.memory_space<vmem>> -> memref<128x16xf32, #tpu.memory_space<vmem>>
      %dma_start3A_1294 = arith.constant 0 : i32
      %dma_start3A_1295 = tpu.memref_slice %arg9[%dma_start3A_1290, %dma_start3A_1294] : memref<13x128xi32, #tpu.memory_space<vmem>> -> memref<1x128xi32, #tpu.memory_space<vmem>>
      %dma_start3A_1296 = tpu.memref_squeeze %dma_start3A_1295 : memref<1x128xi32, #tpu.memory_space<vmem>> -> memref<128xi32, #tpu.memory_space<vmem>>
      %dma_start3A_1297 = arith.constant 0 : i32
      %dma_start3A_1298 = arith.constant 0 : i32
      %dma_start3A_1299 = tpu.memref_slice %arg3[%dma_start3A_1297, %dma_start3A_1298] : memref<1000000x16xf32, #tpu.memory_space<hbm>> -> memref<1000000x16xf32, #tpu.memory_space<hbm>>
      tpu.enqueue_indirect_dma source(%dma_start3A_1299 : memref<1000000x16xf32, #tpu.memory_space<hbm>>) target(%dma_start3A_1293 : memref<128x16xf32, #tpu.memory_space<vmem>>) offsets(%dma_start3A_1296 : memref<128xi32, #tpu.memory_space<vmem>>) semaphore(%arg10 : memref<!tpu.dma_semaphore, #tpu.memory_space<semaphore_mem>>)
      %dma_start3A_1300 = arith.constant 8 : i32
      %dma_start3A_1301 = arith.constant 1024 : i32
      %dma_start3A_1302 = arith.constant 0 : i32
      %dma_start3A_1303 = tpu.memref_slice %arg6[%dma_start3A_1301, %dma_start3A_1302] : memref<1664x16xf32, #tpu.memory_space<vmem>> -> memref<128x16xf32, #tpu.memory_space<vmem>>
      %dma_start3A_1304 = arith.constant 0 : i32
      %dma_start3A_1305 = tpu.memref_slice %arg9[%dma_start3A_1300, %dma_start3A_1304] : memref<13x128xi32, #tpu.memory_space<vmem>> -> memref<1x128xi32, #tpu.memory_space<vmem>>
      %dma_start3A_1306 = tpu.memref_squeeze %dma_start3A_1305 : memref<1x128xi32, #tpu.memory_space<vmem>> -> memref<128xi32, #tpu.memory_space<vmem>>
      %dma_start3A_1307 = arith.constant 0 : i32
      %dma_start3A_1308 = arith.constant 0 : i32
      %dma_start3A_1309 = tpu.memref_slice %arg3[%dma_start3A_1307, %dma_start3A_1308] : memref<1000000x16xf32, #tpu.memory_space<hbm>> -> memref<1000000x16xf32, #tpu.memory_space<hbm>>
      tpu.enqueue_indirect_dma source(%dma_start3A_1309 : memref<1000000x16xf32, #tpu.memory_space<hbm>>) target(%dma_start3A_1303 : memref<128x16xf32, #tpu.memory_space<vmem>>) offsets(%dma_start3A_1306 : memref<128xi32, #tpu.memory_space<vmem>>) semaphore(%arg10 : memref<!tpu.dma_semaphore, #tpu.memory_space<semaphore_mem>>)
      %dma_start3A_1310 = arith.constant 9 : i32
      %dma_start3A_1311 = arith.constant 1152 : i32
      %dma_start3A_1312 = arith.constant 0 : i32
      %dma_start3A_1313 = tpu.memref_slice %arg6[%dma_start3A_1311, %dma_start3A_1312] : memref<1664x16xf32, #tpu.memory_space<vmem>> -> memref<128x16xf32, #tpu.memory_space<vmem>>
      %dma_start3A_1314 = arith.constant 0 : i32
      %dma_start3A_1315 = tpu.memref_slice %arg9[%dma_start3A_1310, %dma_start3A_1314] : memref<13x128xi32, #tpu.memory_space<vmem>> -> memref<1x128xi32, #tpu.memory_space<vmem>>
      %dma_start3A_1316 = tpu.memref_squeeze %dma_start3A_1315 : memref<1x128xi32, #tpu.memory_space<vmem>> -> memref<128xi32, #tpu.memory_space<vmem>>
      %dma_start3A_1317 = arith.constant 0 : i32
      %dma_start3A_1318 = arith.constant 0 : i32
      %dma_start3A_1319 = tpu.memref_slice %arg3[%dma_start3A_1317, %dma_start3A_1318] : memref<1000000x16xf32, #tpu.memory_space<hbm>> -> memref<1000000x16xf32, #tpu.memory_space<hbm>>
      tpu.enqueue_indirect_dma source(%dma_start3A_1319 : memref<1000000x16xf32, #tpu.memory_space<hbm>>) target(%dma_start3A_1313 : memref<128x16xf32, #tpu.memory_space<vmem>>) offsets(%dma_start3A_1316 : memref<128xi32, #tpu.memory_space<vmem>>) semaphore(%arg10 : memref<!tpu.dma_semaphore, #tpu.memory_space<semaphore_mem>>)
      %dma_start3A_1320 = arith.constant 10 : i32
      %dma_start3A_1321 = arith.constant 1280 : i32
      %dma_start3A_1322 = arith.constant 0 : i32
      %dma_start3A_1323 = tpu.memref_slice %arg6[%dma_start3A_1321, %dma_start3A_1322] : memref<1664x16xf32, #tpu.memory_space<vmem>> -> memref<128x16xf32, #tpu.memory_space<vmem>>
      %dma_start3A_1324 = arith.constant 0 : i32
      %dma_start3A_1325 = tpu.memref_slice %arg9[%dma_start3A_1320, %dma_start3A_1324] : memref<13x128xi32, #tpu.memory_space<vmem>> -> memref<1x128xi32, #tpu.memory_space<vmem>>
      %dma_start3A_1326 = tpu.memref_squeeze %dma_start3A_1325 : memref<1x128xi32, #tpu.memory_space<vmem>> -> memref<128xi32, #tpu.memory_space<vmem>>
      %dma_start3A_1327 = arith.constant 0 : i32
      %dma_start3A_1328 = arith.constant 0 : i32
      %dma_start3A_1329 = tpu.memref_slice %arg3[%dma_start3A_1327, %dma_start3A_1328] : memref<1000000x16xf32, #tpu.memory_space<hbm>> -> memref<1000000x16xf32, #tpu.memory_space<hbm>>
      tpu.enqueue_indirect_dma source(%dma_start3A_1329 : memref<1000000x16xf32, #tpu.memory_space<hbm>>) target(%dma_start3A_1323 : memref<128x16xf32, #tpu.memory_space<vmem>>) offsets(%dma_start3A_1326 : memref<128xi32, #tpu.memory_space<vmem>>) semaphore(%arg10 : memref<!tpu.dma_semaphore, #tpu.memory_space<semaphore_mem>>)
      %dma_start3A_1330 = arith.constant 11 : i32
      %dma_start3A_1331 = arith.constant 1408 : i32
      %dma_start3A_1332 = arith.constant 0 : i32
      %dma_start3A_1333 = tpu.memref_slice %arg6[%dma_start3A_1331, %dma_start3A_1332] : memref<1664x16xf32, #tpu.memory_space<vmem>> -> memref<128x16xf32, #tpu.memory_space<vmem>>
      %dma_start3A_1334 = arith.constant 0 : i32
      %dma_start3A_1335 = tpu.memref_slice %arg9[%dma_start3A_1330, %dma_start3A_1334] : memref<13x128xi32, #tpu.memory_space<vmem>> -> memref<1x128xi32, #tpu.memory_space<vmem>>
      %dma_start3A_1336 = tpu.memref_squeeze %dma_start3A_1335 : memref<1x128xi32, #tpu.memory_space<vmem>> -> memref<128xi32, #tpu.memory_space<vmem>>
      %dma_start3A_1337 = arith.constant 0 : i32
      %dma_start3A_1338 = arith.constant 0 : i32
      %dma_start3A_1339 = tpu.memref_slice %arg3[%dma_start3A_1337, %dma_start3A_1338] : memref<1000000x16xf32, #tpu.memory_space<hbm>> -> memref<1000000x16xf32, #tpu.memory_space<hbm>>
      tpu.enqueue_indirect_dma source(%dma_start3A_1339 : memref<1000000x16xf32, #tpu.memory_space<hbm>>) target(%dma_start3A_1333 : memref<128x16xf32, #tpu.memory_space<vmem>>) offsets(%dma_start3A_1336 : memref<128xi32, #tpu.memory_space<vmem>>) semaphore(%arg10 : memref<!tpu.dma_semaphore, #tpu.memory_space<semaphore_mem>>)
      %dma_start3A_1340 = arith.constant 12 : i32
      %dma_start3A_1341 = arith.constant 1536 : i32
      %dma_start3A_1342 = arith.constant 0 : i32
      %dma_start3A_1343 = tpu.memref_slice %arg6[%dma_start3A_1341, %dma_start3A_1342] : memref<1664x16xf32, #tpu.memory_space<vmem>> -> memref<128x16xf32, #tpu.memory_space<vmem>>
      %dma_start3A_1344 = arith.constant 0 : i32
      %dma_start3A_1345 = tpu.memref_slice %arg9[%dma_start3A_1340, %dma_start3A_1344] : memref<13x128xi32, #tpu.memory_space<vmem>> -> memref<1x128xi32, #tpu.memory_space<vmem>>
      %dma_start3A_1346 = tpu.memref_squeeze %dma_start3A_1345 : memref<1x128xi32, #tpu.memory_space<vmem>> -> memref<128xi32, #tpu.memory_space<vmem>>
      %dma_start3A_1347 = arith.constant 0 : i32
      %dma_start3A_1348 = arith.constant 0 : i32
      %dma_start3A_1349 = tpu.memref_slice %arg3[%dma_start3A_1347, %dma_start3A_1348] : memref<1000000x16xf32, #tpu.memory_space<hbm>> -> memref<1000000x16xf32, #tpu.memory_space<hbm>>
      tpu.enqueue_indirect_dma source(%dma_start3A_1349 : memref<1000000x16xf32, #tpu.memory_space<hbm>>) target(%dma_start3A_1343 : memref<128x16xf32, #tpu.memory_space<vmem>>) offsets(%dma_start3A_1346 : memref<128xi32, #tpu.memory_space<vmem>>) semaphore(%arg10 : memref<!tpu.dma_semaphore, #tpu.memory_space<semaphore_mem>>)
    } else {
    }
    %scan3A = arith.constant 0 : i32
    %scan3A_3 = arith.constant 0 : i32
    %scan3A_4 = arith.constant 25 : i32
    %scan3A_5 = arith.addi %scan3A_3, %scan3A_4 : i32
    %scan3A_6 = arith.constant 1 : i32
    scf.for %scan3A_8 = %scan3A_3 to %scan3A_5 step %scan3A_6  : i32 {
      %mul3A_9 = arith.constant 32 : i32
      %mul3A_10 = arith.muli %scan3A_8, %mul3A_9 : i32
      %add3A_11 = arith.addi %mul3A_10, %add3A : i32
      %jit3A = arith.constant 16 : i32
      %div3A = arith.divsi %add3A_11, %jit3A : i32
      %sign3A = arith.constant 0 : i32
      %sign3A_12 = arith.cmpi sgt, %add3A_11, %sign3A : i32
      %sign3A_13 = arith.extui %sign3A_12 : i1 to i32
      %sign3A_14 = arith.constant 0 : i32
      %sign3A_15 = arith.cmpi slt, %add3A_11, %sign3A_14 : i32
      %sign3A_16 = arith.extui %sign3A_15 : i1 to i32
      %sign3A_17 = arith.subi %sign3A_13, %sign3A_16 : i32
      %sign3A_18 = arith.constant 0 : i32
      %sign3A_19 = arith.cmpi sgt, %jit3A, %sign3A_18 : i32
      %sign3A_20 = arith.extui %sign3A_19 : i1 to i32
      %sign3A_21 = arith.constant 0 : i32
      %sign3A_22 = arith.cmpi slt, %jit3A, %sign3A_21 : i32
      %sign3A_23 = arith.extui %sign3A_22 : i1 to i32
      %sign3A_24 = arith.subi %sign3A_20, %sign3A_23 : i32
      %ne3A = arith.cmpi ne, %sign3A_17, %sign3A_24 : i32
      %rem3A = arith.remsi %add3A_11, %jit3A : i32
      %ne3A_25 = arith.constant 0 : i32
      %ne3A_26 = arith.cmpi ne, %rem3A, %ne3A_25 : i32
      %and3A = arith.andi %ne3A, %ne3A_26 : i1
      %sub3A = arith.constant 1 : i32
      %sub3A_27 = arith.subi %div3A, %sub3A : i32
      %select_n3A = arith.select %and3A, %sub3A_27, %div3A : i32
      %jit3A_28 = arith.constant 16 : i32
      %eq3A = arith.constant 0 : i32
      %eq3A_29 = arith.cmpi eq, %jit3A_28, %eq3A : i32
      %jit3A_30 = arith.constant 1 : i32
      %select_n3A_31 = arith.select %eq3A_29, %jit3A_30, %jit3A_28 : i32
      %rem3A_32 = arith.remsi %add3A_11, %select_n3A_31 : i32
      %ne3A_33 = arith.constant 0 : i32
      %ne3A_34 = arith.cmpi ne, %rem3A_32, %ne3A_33 : i32
      %lt3A_35 = arith.constant 0 : i32
      %lt3A_36 = arith.cmpi slt, %rem3A_32, %lt3A_35 : i32
      %lt3A_37 = arith.constant 0 : i32
      %lt3A_38 = arith.cmpi slt, %select_n3A_31, %lt3A_37 : i32
      %ne3A_39 = arith.xori %lt3A_36, %lt3A_38 : i1
      %and3A_40 = arith.andi %ne3A_39, %ne3A_34 : i1
      %add3A_41 = arith.addi %rem3A_32, %select_n3A_31 : i32
      %select_n3A_42 = arith.select %and3A_40, %add3A_41, %rem3A_32 : i32
      %dma_wait3A = arith.constant 0 : i32
      %dma_wait3A_43 = arith.constant 0 : i32
      %dma_wait3A_44 = arith.constant 0 : i32
      %dma_wait3A_45 = tpu.memref_slice %arg6[%dma_wait3A_43, %dma_wait3A_44] : memref<1664x16xf32, #tpu.memory_space<vmem>> -> memref<128x16xf32, #tpu.memory_space<vmem>>
      %dma_wait3A_46 = arith.constant 0 : i32
      %dma_wait3A_47 = tpu.memref_slice %arg9[%dma_wait3A, %dma_wait3A_46] : memref<13x128xi32, #tpu.memory_space<vmem>> -> memref<1x128xi32, #tpu.memory_space<vmem>>
      %dma_wait3A_48 = tpu.memref_squeeze %dma_wait3A_47 : memref<1x128xi32, #tpu.memory_space<vmem>> -> memref<128xi32, #tpu.memory_space<vmem>>
      %dma_wait3A_49 = arith.constant 0 : i32
      %dma_wait3A_50 = arith.constant 0 : i32
      %dma_wait3A_51 = tpu.memref_slice %arg3[%dma_wait3A_49, %dma_wait3A_50] : memref<1000000x16xf32, #tpu.memory_space<hbm>> -> memref<1000000x16xf32, #tpu.memory_space<hbm>>
      tpu.wait_indirect_dma semaphore(%arg10 : memref<!tpu.dma_semaphore, #tpu.memory_space<semaphore_mem>>) src(%dma_wait3A_51 : memref<1000000x16xf32, #tpu.memory_space<hbm>>) dst(%dma_wait3A_45 : memref<128x16xf32, #tpu.memory_space<vmem>>)
      %dma_wait3A_52 = arith.constant 1 : i32
      %dma_wait3A_53 = arith.constant 128 : i32
      %dma_wait3A_54 = arith.constant 0 : i32
      %dma_wait3A_55 = tpu.memref_slice %arg6[%dma_wait3A_53, %dma_wait3A_54] : memref<1664x16xf32, #tpu.memory_space<vmem>> -> memref<128x16xf32, #tpu.memory_space<vmem>>
      %dma_wait3A_56 = arith.constant 0 : i32
      %dma_wait3A_57 = tpu.memref_slice %arg9[%dma_wait3A_52, %dma_wait3A_56] : memref<13x128xi32, #tpu.memory_space<vmem>> -> memref<1x128xi32, #tpu.memory_space<vmem>>
      %dma_wait3A_58 = tpu.memref_squeeze %dma_wait3A_57 : memref<1x128xi32, #tpu.memory_space<vmem>> -> memref<128xi32, #tpu.memory_space<vmem>>
      %dma_wait3A_59 = arith.constant 0 : i32
      %dma_wait3A_60 = arith.constant 0 : i32
      %dma_wait3A_61 = tpu.memref_slice %arg3[%dma_wait3A_59, %dma_wait3A_60] : memref<1000000x16xf32, #tpu.memory_space<hbm>> -> memref<1000000x16xf32, #tpu.memory_space<hbm>>
      tpu.wait_indirect_dma semaphore(%arg10 : memref<!tpu.dma_semaphore, #tpu.memory_space<semaphore_mem>>) src(%dma_wait3A_61 : memref<1000000x16xf32, #tpu.memory_space<hbm>>) dst(%dma_wait3A_55 : memref<128x16xf32, #tpu.memory_space<vmem>>)
      %dma_wait3A_62 = arith.constant 2 : i32
      %dma_wait3A_63 = arith.constant 256 : i32
      %dma_wait3A_64 = arith.constant 0 : i32
      %dma_wait3A_65 = tpu.memref_slice %arg6[%dma_wait3A_63, %dma_wait3A_64] : memref<1664x16xf32, #tpu.memory_space<vmem>> -> memref<128x16xf32, #tpu.memory_space<vmem>>
      %dma_wait3A_66 = arith.constant 0 : i32
      %dma_wait3A_67 = tpu.memref_slice %arg9[%dma_wait3A_62, %dma_wait3A_66] : memref<13x128xi32, #tpu.memory_space<vmem>> -> memref<1x128xi32, #tpu.memory_space<vmem>>
      %dma_wait3A_68 = tpu.memref_squeeze %dma_wait3A_67 : memref<1x128xi32, #tpu.memory_space<vmem>> -> memref<128xi32, #tpu.memory_space<vmem>>
      %dma_wait3A_69 = arith.constant 0 : i32
      %dma_wait3A_70 = arith.constant 0 : i32
      %dma_wait3A_71 = tpu.memref_slice %arg3[%dma_wait3A_69, %dma_wait3A_70] : memref<1000000x16xf32, #tpu.memory_space<hbm>> -> memref<1000000x16xf32, #tpu.memory_space<hbm>>
      tpu.wait_indirect_dma semaphore(%arg10 : memref<!tpu.dma_semaphore, #tpu.memory_space<semaphore_mem>>) src(%dma_wait3A_71 : memref<1000000x16xf32, #tpu.memory_space<hbm>>) dst(%dma_wait3A_65 : memref<128x16xf32, #tpu.memory_space<vmem>>)
      %dma_wait3A_72 = arith.constant 3 : i32
      %dma_wait3A_73 = arith.constant 384 : i32
      %dma_wait3A_74 = arith.constant 0 : i32
      %dma_wait3A_75 = tpu.memref_slice %arg6[%dma_wait3A_73, %dma_wait3A_74] : memref<1664x16xf32, #tpu.memory_space<vmem>> -> memref<128x16xf32, #tpu.memory_space<vmem>>
      %dma_wait3A_76 = arith.constant 0 : i32
      %dma_wait3A_77 = tpu.memref_slice %arg9[%dma_wait3A_72, %dma_wait3A_76] : memref<13x128xi32, #tpu.memory_space<vmem>> -> memref<1x128xi32, #tpu.memory_space<vmem>>
      %dma_wait3A_78 = tpu.memref_squeeze %dma_wait3A_77 : memref<1x128xi32, #tpu.memory_space<vmem>> -> memref<128xi32, #tpu.memory_space<vmem>>
      %dma_wait3A_79 = arith.constant 0 : i32
      %dma_wait3A_80 = arith.constant 0 : i32
      %dma_wait3A_81 = tpu.memref_slice %arg3[%dma_wait3A_79, %dma_wait3A_80] : memref<1000000x16xf32, #tpu.memory_space<hbm>> -> memref<1000000x16xf32, #tpu.memory_space<hbm>>
      tpu.wait_indirect_dma semaphore(%arg10 : memref<!tpu.dma_semaphore, #tpu.memory_space<semaphore_mem>>) src(%dma_wait3A_81 : memref<1000000x16xf32, #tpu.memory_space<hbm>>) dst(%dma_wait3A_75 : memref<128x16xf32, #tpu.memory_space<vmem>>)
      %dma_wait3A_82 = arith.constant 4 : i32
      %dma_wait3A_83 = arith.constant 512 : i32
      %dma_wait3A_84 = arith.constant 0 : i32
      %dma_wait3A_85 = tpu.memref_slice %arg6[%dma_wait3A_83, %dma_wait3A_84] : memref<1664x16xf32, #tpu.memory_space<vmem>> -> memref<128x16xf32, #tpu.memory_space<vmem>>
      %dma_wait3A_86 = arith.constant 0 : i32
      %dma_wait3A_87 = tpu.memref_slice %arg9[%dma_wait3A_82, %dma_wait3A_86] : memref<13x128xi32, #tpu.memory_space<vmem>> -> memref<1x128xi32, #tpu.memory_space<vmem>>
      %dma_wait3A_88 = tpu.memref_squeeze %dma_wait3A_87 : memref<1x128xi32, #tpu.memory_space<vmem>> -> memref<128xi32, #tpu.memory_space<vmem>>
      %dma_wait3A_89 = arith.constant 0 : i32
      %dma_wait3A_90 = arith.constant 0 : i32
      %dma_wait3A_91 = tpu.memref_slice %arg3[%dma_wait3A_89, %dma_wait3A_90] : memref<1000000x16xf32, #tpu.memory_space<hbm>> -> memref<1000000x16xf32, #tpu.memory_space<hbm>>
      tpu.wait_indirect_dma semaphore(%arg10 : memref<!tpu.dma_semaphore, #tpu.memory_space<semaphore_mem>>) src(%dma_wait3A_91 : memref<1000000x16xf32, #tpu.memory_space<hbm>>) dst(%dma_wait3A_85 : memref<128x16xf32, #tpu.memory_space<vmem>>)
      %dma_wait3A_92 = arith.constant 5 : i32
      %dma_wait3A_93 = arith.constant 640 : i32
      %dma_wait3A_94 = arith.constant 0 : i32
      %dma_wait3A_95 = tpu.memref_slice %arg6[%dma_wait3A_93, %dma_wait3A_94] : memref<1664x16xf32, #tpu.memory_space<vmem>> -> memref<128x16xf32, #tpu.memory_space<vmem>>
      %dma_wait3A_96 = arith.constant 0 : i32
      %dma_wait3A_97 = tpu.memref_slice %arg9[%dma_wait3A_92, %dma_wait3A_96] : memref<13x128xi32, #tpu.memory_space<vmem>> -> memref<1x128xi32, #tpu.memory_space<vmem>>
      %dma_wait3A_98 = tpu.memref_squeeze %dma_wait3A_97 : memref<1x128xi32, #tpu.memory_space<vmem>> -> memref<128xi32, #tpu.memory_space<vmem>>
      %dma_wait3A_99 = arith.constant 0 : i32
      %dma_wait3A_100 = arith.constant 0 : i32
      %dma_wait3A_101 = tpu.memref_slice %arg3[%dma_wait3A_99, %dma_wait3A_100] : memref<1000000x16xf32, #tpu.memory_space<hbm>> -> memref<1000000x16xf32, #tpu.memory_space<hbm>>
      tpu.wait_indirect_dma semaphore(%arg10 : memref<!tpu.dma_semaphore, #tpu.memory_space<semaphore_mem>>) src(%dma_wait3A_101 : memref<1000000x16xf32, #tpu.memory_space<hbm>>) dst(%dma_wait3A_95 : memref<128x16xf32, #tpu.memory_space<vmem>>)
      %dma_wait3A_102 = arith.constant 6 : i32
      %dma_wait3A_103 = arith.constant 768 : i32
      %dma_wait3A_104 = arith.constant 0 : i32
      %dma_wait3A_105 = tpu.memref_slice %arg6[%dma_wait3A_103, %dma_wait3A_104] : memref<1664x16xf32, #tpu.memory_space<vmem>> -> memref<128x16xf32, #tpu.memory_space<vmem>>
      %dma_wait3A_106 = arith.constant 0 : i32
      %dma_wait3A_107 = tpu.memref_slice %arg9[%dma_wait3A_102, %dma_wait3A_106] : memref<13x128xi32, #tpu.memory_space<vmem>> -> memref<1x128xi32, #tpu.memory_space<vmem>>
      %dma_wait3A_108 = tpu.memref_squeeze %dma_wait3A_107 : memref<1x128xi32, #tpu.memory_space<vmem>> -> memref<128xi32, #tpu.memory_space<vmem>>
      %dma_wait3A_109 = arith.constant 0 : i32
      %dma_wait3A_110 = arith.constant 0 : i32
      %dma_wait3A_111 = tpu.memref_slice %arg3[%dma_wait3A_109, %dma_wait3A_110] : memref<1000000x16xf32, #tpu.memory_space<hbm>> -> memref<1000000x16xf32, #tpu.memory_space<hbm>>
      tpu.wait_indirect_dma semaphore(%arg10 : memref<!tpu.dma_semaphore, #tpu.memory_space<semaphore_mem>>) src(%dma_wait3A_111 : memref<1000000x16xf32, #tpu.memory_space<hbm>>) dst(%dma_wait3A_105 : memref<128x16xf32, #tpu.memory_space<vmem>>)
      %dma_wait3A_112 = arith.constant 7 : i32
      %dma_wait3A_113 = arith.constant 896 : i32
      %dma_wait3A_114 = arith.constant 0 : i32
      %dma_wait3A_115 = tpu.memref_slice %arg6[%dma_wait3A_113, %dma_wait3A_114] : memref<1664x16xf32, #tpu.memory_space<vmem>> -> memref<128x16xf32, #tpu.memory_space<vmem>>
      %dma_wait3A_116 = arith.constant 0 : i32
      %dma_wait3A_117 = tpu.memref_slice %arg9[%dma_wait3A_112, %dma_wait3A_116] : memref<13x128xi32, #tpu.memory_space<vmem>> -> memref<1x128xi32, #tpu.memory_space<vmem>>
      %dma_wait3A_118 = tpu.memref_squeeze %dma_wait3A_117 : memref<1x128xi32, #tpu.memory_space<vmem>> -> memref<128xi32, #tpu.memory_space<vmem>>
      %dma_wait3A_119 = arith.constant 0 : i32
      %dma_wait3A_120 = arith.constant 0 : i32
      %dma_wait3A_121 = tpu.memref_slice %arg3[%dma_wait3A_119, %dma_wait3A_120] : memref<1000000x16xf32, #tpu.memory_space<hbm>> -> memref<1000000x16xf32, #tpu.memory_space<hbm>>
      tpu.wait_indirect_dma semaphore(%arg10 : memref<!tpu.dma_semaphore, #tpu.memory_space<semaphore_mem>>) src(%dma_wait3A_121 : memref<1000000x16xf32, #tpu.memory_space<hbm>>) dst(%dma_wait3A_115 : memref<128x16xf32, #tpu.memory_space<vmem>>)
      %dma_wait3A_122 = arith.constant 8 : i32
      %dma_wait3A_123 = arith.constant 1024 : i32
      %dma_wait3A_124 = arith.constant 0 : i32
      %dma_wait3A_125 = tpu.memref_slice %arg6[%dma_wait3A_123, %dma_wait3A_124] : memref<1664x16xf32, #tpu.memory_space<vmem>> -> memref<128x16xf32, #tpu.memory_space<vmem>>
      %dma_wait3A_126 = arith.constant 0 : i32
      %dma_wait3A_127 = tpu.memref_slice %arg9[%dma_wait3A_122, %dma_wait3A_126] : memref<13x128xi32, #tpu.memory_space<vmem>> -> memref<1x128xi32, #tpu.memory_space<vmem>>
      %dma_wait3A_128 = tpu.memref_squeeze %dma_wait3A_127 : memref<1x128xi32, #tpu.memory_space<vmem>> -> memref<128xi32, #tpu.memory_space<vmem>>
      %dma_wait3A_129 = arith.constant 0 : i32
      %dma_wait3A_130 = arith.constant 0 : i32
      %dma_wait3A_131 = tpu.memref_slice %arg3[%dma_wait3A_129, %dma_wait3A_130] : memref<1000000x16xf32, #tpu.memory_space<hbm>> -> memref<1000000x16xf32, #tpu.memory_space<hbm>>
      tpu.wait_indirect_dma semaphore(%arg10 : memref<!tpu.dma_semaphore, #tpu.memory_space<semaphore_mem>>) src(%dma_wait3A_131 : memref<1000000x16xf32, #tpu.memory_space<hbm>>) dst(%dma_wait3A_125 : memref<128x16xf32, #tpu.memory_space<vmem>>)
      %dma_wait3A_132 = arith.constant 9 : i32
      %dma_wait3A_133 = arith.constant 1152 : i32
      %dma_wait3A_134 = arith.constant 0 : i32
      %dma_wait3A_135 = tpu.memref_slice %arg6[%dma_wait3A_133, %dma_wait3A_134] : memref<1664x16xf32, #tpu.memory_space<vmem>> -> memref<128x16xf32, #tpu.memory_space<vmem>>
      %dma_wait3A_136 = arith.constant 0 : i32
      %dma_wait3A_137 = tpu.memref_slice %arg9[%dma_wait3A_132, %dma_wait3A_136] : memref<13x128xi32, #tpu.memory_space<vmem>> -> memref<1x128xi32, #tpu.memory_space<vmem>>
      %dma_wait3A_138 = tpu.memref_squeeze %dma_wait3A_137 : memref<1x128xi32, #tpu.memory_space<vmem>> -> memref<128xi32, #tpu.memory_space<vmem>>
      %dma_wait3A_139 = arith.constant 0 : i32
      %dma_wait3A_140 = arith.constant 0 : i32
      %dma_wait3A_141 = tpu.memref_slice %arg3[%dma_wait3A_139, %dma_wait3A_140] : memref<1000000x16xf32, #tpu.memory_space<hbm>> -> memref<1000000x16xf32, #tpu.memory_space<hbm>>
      tpu.wait_indirect_dma semaphore(%arg10 : memref<!tpu.dma_semaphore, #tpu.memory_space<semaphore_mem>>) src(%dma_wait3A_141 : memref<1000000x16xf32, #tpu.memory_space<hbm>>) dst(%dma_wait3A_135 : memref<128x16xf32, #tpu.memory_space<vmem>>)
      %dma_wait3A_142 = arith.constant 10 : i32
      %dma_wait3A_143 = arith.constant 1280 : i32
      %dma_wait3A_144 = arith.constant 0 : i32
      %dma_wait3A_145 = tpu.memref_slice %arg6[%dma_wait3A_143, %dma_wait3A_144] : memref<1664x16xf32, #tpu.memory_space<vmem>> -> memref<128x16xf32, #tpu.memory_space<vmem>>
      %dma_wait3A_146 = arith.constant 0 : i32
      %dma_wait3A_147 = tpu.memref_slice %arg9[%dma_wait3A_142, %dma_wait3A_146] : memref<13x128xi32, #tpu.memory_space<vmem>> -> memref<1x128xi32, #tpu.memory_space<vmem>>
      %dma_wait3A_148 = tpu.memref_squeeze %dma_wait3A_147 : memref<1x128xi32, #tpu.memory_space<vmem>> -> memref<128xi32, #tpu.memory_space<vmem>>
      %dma_wait3A_149 = arith.constant 0 : i32
      %dma_wait3A_150 = arith.constant 0 : i32
      %dma_wait3A_151 = tpu.memref_slice %arg3[%dma_wait3A_149, %dma_wait3A_150] : memref<1000000x16xf32, #tpu.memory_space<hbm>> -> memref<1000000x16xf32, #tpu.memory_space<hbm>>
      tpu.wait_indirect_dma semaphore(%arg10 : memref<!tpu.dma_semaphore, #tpu.memory_space<semaphore_mem>>) src(%dma_wait3A_151 : memref<1000000x16xf32, #tpu.memory_space<hbm>>) dst(%dma_wait3A_145 : memref<128x16xf32, #tpu.memory_space<vmem>>)
      %dma_wait3A_152 = arith.constant 11 : i32
      %dma_wait3A_153 = arith.constant 1408 : i32
      %dma_wait3A_154 = arith.constant 0 : i32
      %dma_wait3A_155 = tpu.memref_slice %arg6[%dma_wait3A_153, %dma_wait3A_154] : memref<1664x16xf32, #tpu.memory_space<vmem>> -> memref<128x16xf32, #tpu.memory_space<vmem>>
      %dma_wait3A_156 = arith.constant 0 : i32
      %dma_wait3A_157 = tpu.memref_slice %arg9[%dma_wait3A_152, %dma_wait3A_156] : memref<13x128xi32, #tpu.memory_space<vmem>> -> memref<1x128xi32, #tpu.memory_space<vmem>>
      %dma_wait3A_158 = tpu.memref_squeeze %dma_wait3A_157 : memref<1x128xi32, #tpu.memory_space<vmem>> -> memref<128xi32, #tpu.memory_space<vmem>>
      %dma_wait3A_159 = arith.constant 0 : i32
      %dma_wait3A_160 = arith.constant 0 : i32
      %dma_wait3A_161 = tpu.memref_slice %arg3[%dma_wait3A_159, %dma_wait3A_160] : memref<1000000x16xf32, #tpu.memory_space<hbm>> -> memref<1000000x16xf32, #tpu.memory_space<hbm>>
      tpu.wait_indirect_dma semaphore(%arg10 : memref<!tpu.dma_semaphore, #tpu.memory_space<semaphore_mem>>) src(%dma_wait3A_161 : memref<1000000x16xf32, #tpu.memory_space<hbm>>) dst(%dma_wait3A_155 : memref<128x16xf32, #tpu.memory_space<vmem>>)
      %dma_wait3A_162 = arith.constant 12 : i32
      %dma_wait3A_163 = arith.constant 1536 : i32
      %dma_wait3A_164 = arith.constant 0 : i32
      %dma_wait3A_165 = tpu.memref_slice %arg6[%dma_wait3A_163, %dma_wait3A_164] : memref<1664x16xf32, #tpu.memory_space<vmem>> -> memref<128x16xf32, #tpu.memory_space<vmem>>
      %dma_wait3A_166 = arith.constant 0 : i32
      %dma_wait3A_167 = tpu.memref_slice %arg9[%dma_wait3A_162, %dma_wait3A_166] : memref<13x128xi32, #tpu.memory_space<vmem>> -> memref<1x128xi32, #tpu.memory_space<vmem>>
      %dma_wait3A_168 = tpu.memref_squeeze %dma_wait3A_167 : memref<1x128xi32, #tpu.memory_space<vmem>> -> memref<128xi32, #tpu.memory_space<vmem>>
      %dma_wait3A_169 = arith.constant 0 : i32
      %dma_wait3A_170 = arith.constant 0 : i32
      %dma_wait3A_171 = tpu.memref_slice %arg3[%dma_wait3A_169, %dma_wait3A_170] : memref<1000000x16xf32, #tpu.memory_space<hbm>> -> memref<1000000x16xf32, #tpu.memory_space<hbm>>
      tpu.wait_indirect_dma semaphore(%arg10 : memref<!tpu.dma_semaphore, #tpu.memory_space<semaphore_mem>>) src(%dma_wait3A_171 : memref<1000000x16xf32, #tpu.memory_space<hbm>>) dst(%dma_wait3A_165 : memref<128x16xf32, #tpu.memory_space<vmem>>)
      %scan3A_172 = arith.constant 0 : i32
      %scan3A_173 = arith.constant 0 : i32
      %scan3A_174 = arith.constant 208 : i32
      %scan3A_175 = arith.addi %scan3A_173, %scan3A_174 : i32
      %scan3A_176 = arith.constant 1 : i32
      scf.for %scan3A_1456 = %scan3A_173 to %scan3A_175 step %scan3A_176  : i32 {
        %mul3A_1457 = arith.constant 8 : i32
        %mul3A_1458 = arith.muli %scan3A_1456, %mul3A_1457 : i32
        %add3A_1459 = arith.constant 0 : i32
        %add3A_1460 = arith.addi %mul3A_1458, %add3A_1459 : i32
        %get3A_1461 = arith.index_cast %add3A_1460 : i32 to index
        %get3A_1462 = arith.constant 0 : index
        %get3A_1463 = tpu.vector_load %arg6[%get3A_1461, %get3A_1462] {strides = array<i32>} : memref<1664x16xf32, #tpu.memory_space<vmem>>, vector<16xf32>,
        %swap3A_1464 = arith.index_cast %add3A_1460 : i32 to index
        %swap3A_1465 = arith.constant 0 : index
        %swap3A_1466 = tpu.vector_load %arg7[%swap3A_1464, %swap3A_1465] {strides = array<i32>} : memref<1664x17xf32, #tpu.memory_space<vmem>>, vector<16xf32>,
        tpu.vector_store %arg7[%swap3A_1464, %swap3A_1465], %get3A_1463 {strides = array<i32>} : memref<1664x17xf32, #tpu.memory_space<vmem>>, vector<16xf32>,
        %mul3A_1467 = arith.constant 8 : i32
        %mul3A_1468 = arith.muli %scan3A_1456, %mul3A_1467 : i32
        %add3A_1469 = arith.constant 1 : i32
        %add3A_1470 = arith.addi %mul3A_1468, %add3A_1469 : i32
        %get3A_1471 = arith.index_cast %add3A_1470 : i32 to index
        %get3A_1472 = arith.constant 0 : index
        %get3A_1473 = tpu.vector_load %arg6[%get3A_1471, %get3A_1472] {strides = array<i32>} : memref<1664x16xf32, #tpu.memory_space<vmem>>, vector<16xf32>,
        %swap3A_1474 = arith.index_cast %add3A_1470 : i32 to index
        %swap3A_1475 = arith.constant 0 : index
        %swap3A_1476 = tpu.vector_load %arg7[%swap3A_1474, %swap3A_1475] {strides = array<i32>} : memref<1664x17xf32, #tpu.memory_space<vmem>>, vector<16xf32>,
        tpu.vector_store %arg7[%swap3A_1474, %swap3A_1475], %get3A_1473 {strides = array<i32>} : memref<1664x17xf32, #tpu.memory_space<vmem>>, vector<16xf32>,
        %mul3A_1477 = arith.constant 8 : i32
        %mul3A_1478 = arith.muli %scan3A_1456, %mul3A_1477 : i32
        %add3A_1479 = arith.constant 2 : i32
        %add3A_1480 = arith.addi %mul3A_1478, %add3A_1479 : i32
        %get3A_1481 = arith.index_cast %add3A_1480 : i32 to index
        %get3A_1482 = arith.constant 0 : index
        %get3A_1483 = tpu.vector_load %arg6[%get3A_1481, %get3A_1482] {strides = array<i32>} : memref<1664x16xf32, #tpu.memory_space<vmem>>, vector<16xf32>,
        %swap3A_1484 = arith.index_cast %add3A_1480 : i32 to index
        %swap3A_1485 = arith.constant 0 : index
        %swap3A_1486 = tpu.vector_load %arg7[%swap3A_1484, %swap3A_1485] {strides = array<i32>} : memref<1664x17xf32, #tpu.memory_space<vmem>>, vector<16xf32>,
        tpu.vector_store %arg7[%swap3A_1484, %swap3A_1485], %get3A_1483 {strides = array<i32>} : memref<1664x17xf32, #tpu.memory_space<vmem>>, vector<16xf32>,
        %mul3A_1487 = arith.constant 8 : i32
        %mul3A_1488 = arith.muli %scan3A_1456, %mul3A_1487 : i32
        %add3A_1489 = arith.constant 3 : i32
        %add3A_1490 = arith.addi %mul3A_1488, %add3A_1489 : i32
        %get3A_1491 = arith.index_cast %add3A_1490 : i32 to index
        %get3A_1492 = arith.constant 0 : index
        %get3A_1493 = tpu.vector_load %arg6[%get3A_1491, %get3A_1492] {strides = array<i32>} : memref<1664x16xf32, #tpu.memory_space<vmem>>, vector<16xf32>,
        %swap3A_1494 = arith.index_cast %add3A_1490 : i32 to index
        %swap3A_1495 = arith.constant 0 : index
        %swap3A_1496 = tpu.vector_load %arg7[%swap3A_1494, %swap3A_1495] {strides = array<i32>} : memref<1664x17xf32, #tpu.memory_space<vmem>>, vector<16xf32>,
        tpu.vector_store %arg7[%swap3A_1494, %swap3A_1495], %get3A_1493 {strides = array<i32>} : memref<1664x17xf32, #tpu.memory_space<vmem>>, vector<16xf32>,
        %mul3A_1497 = arith.constant 8 : i32
        %mul3A_1498 = arith.muli %scan3A_1456, %mul3A_1497 : i32
        %add3A_1499 = arith.constant 4 : i32
        %add3A_1500 = arith.addi %mul3A_1498, %add3A_1499 : i32
        %get3A_1501 = arith.index_cast %add3A_1500 : i32 to index
        %get3A_1502 = arith.constant 0 : index
        %get3A_1503 = tpu.vector_load %arg6[%get3A_1501, %get3A_1502] {strides = array<i32>} : memref<1664x16xf32, #tpu.memory_space<vmem>>, vector<16xf32>,
        %swap3A_1504 = arith.index_cast %add3A_1500 : i32 to index
        %swap3A_1505 = arith.constant 0 : index
        %swap3A_1506 = tpu.vector_load %arg7[%swap3A_1504, %swap3A_1505] {strides = array<i32>} : memref<1664x17xf32, #tpu.memory_space<vmem>>, vector<16xf32>,
        tpu.vector_store %arg7[%swap3A_1504, %swap3A_1505], %get3A_1503 {strides = array<i32>} : memref<1664x17xf32, #tpu.memory_space<vmem>>, vector<16xf32>,
        %mul3A_1507 = arith.constant 8 : i32
        %mul3A_1508 = arith.muli %scan3A_1456, %mul3A_1507 : i32
        %add3A_1509 = arith.constant 5 : i32
        %add3A_1510 = arith.addi %mul3A_1508, %add3A_1509 : i32
        %get3A_1511 = arith.index_cast %add3A_1510 : i32 to index
        %get3A_1512 = arith.constant 0 : index
        %get3A_1513 = tpu.vector_load %arg6[%get3A_1511, %get3A_1512] {strides = array<i32>} : memref<1664x16xf32, #tpu.memory_space<vmem>>, vector<16xf32>,
        %swap3A_1514 = arith.index_cast %add3A_1510 : i32 to index
        %swap3A_1515 = arith.constant 0 : index
        %swap3A_1516 = tpu.vector_load %arg7[%swap3A_1514, %swap3A_1515] {strides = array<i32>} : memref<1664x17xf32, #tpu.memory_space<vmem>>, vector<16xf32>,
        tpu.vector_store %arg7[%swap3A_1514, %swap3A_1515], %get3A_1513 {strides = array<i32>} : memref<1664x17xf32, #tpu.memory_space<vmem>>, vector<16xf32>,
        %mul3A_1517 = arith.constant 8 : i32
        %mul3A_1518 = arith.muli %scan3A_1456, %mul3A_1517 : i32
        %add3A_1519 = arith.constant 6 : i32
        %add3A_1520 = arith.addi %mul3A_1518, %add3A_1519 : i32
        %get3A_1521 = arith.index_cast %add3A_1520 : i32 to index
        %get3A_1522 = arith.constant 0 : index
        %get3A_1523 = tpu.vector_load %arg6[%get3A_1521, %get3A_1522] {strides = array<i32>} : memref<1664x16xf32, #tpu.memory_space<vmem>>, vector<16xf32>,
        %swap3A_1524 = arith.index_cast %add3A_1520 : i32 to index
        %swap3A_1525 = arith.constant 0 : index
        %swap3A_1526 = tpu.vector_load %arg7[%swap3A_1524, %swap3A_1525] {strides = array<i32>} : memref<1664x17xf32, #tpu.memory_space<vmem>>, vector<16xf32>,
        tpu.vector_store %arg7[%swap3A_1524, %swap3A_1525], %get3A_1523 {strides = array<i32>} : memref<1664x17xf32, #tpu.memory_space<vmem>>, vector<16xf32>,
        %mul3A_1527 = arith.constant 8 : i32
        %mul3A_1528 = arith.muli %scan3A_1456, %mul3A_1527 : i32
        %add3A_1529 = arith.constant 7 : i32
        %add3A_1530 = arith.addi %mul3A_1528, %add3A_1529 : i32
        %get3A_1531 = arith.index_cast %add3A_1530 : i32 to index
        %get3A_1532 = arith.constant 0 : index
        %get3A_1533 = tpu.vector_load %arg6[%get3A_1531, %get3A_1532] {strides = array<i32>} : memref<1664x16xf32, #tpu.memory_space<vmem>>, vector<16xf32>,
        %swap3A_1534 = arith.index_cast %add3A_1530 : i32 to index
        %swap3A_1535 = arith.constant 0 : index
        %swap3A_1536 = tpu.vector_load %arg7[%swap3A_1534, %swap3A_1535] {strides = array<i32>} : memref<1664x17xf32, #tpu.memory_space<vmem>>, vector<16xf32>,
        tpu.vector_store %arg7[%swap3A_1534, %swap3A_1535], %get3A_1533 {strides = array<i32>} : memref<1664x17xf32, #tpu.memory_space<vmem>>, vector<16xf32>,
      }
      %scan3A_177 = arith.constant 208 : i32
      %get3A = arith.constant 0 : i32
      %get3A_178 = arith.constant 0 : i32
      %get3A_179 = arith.index_cast %get3A : i32 to index
      %get3A_180 = arith.index_cast %get3A_178 : i32 to index
      %get3A_181 = arith.constant 0 : index
      %get3A_182 = tpu.vector_load %arg5[%get3A_179, %get3A_180, %get3A_181] {strides = array<i32>} : memref<26x2x64xf32, #tpu.memory_space<vmem>>, vector<16xf32>,
      %swap3A = arith.constant 0 : i32
      %swap3A_183 = arith.constant 0 : i32
      %swap3A_184 = arith.index_cast %swap3A : i32 to index
      %swap3A_185 = arith.index_cast %swap3A_183 : i32 to index
      %swap3A_186 = arith.constant 0 : index
      %swap3A_187 = tpu.vector_load %arg8[%swap3A_184, %swap3A_185, %swap3A_186] {strides = array<i32>} : memref<17x26x64xf32, #tpu.memory_space<vmem>>, vector<16xf32>,
      tpu.vector_store %arg8[%swap3A_184, %swap3A_185, %swap3A_186], %get3A_182 {strides = array<i32>} : memref<17x26x64xf32, #tpu.memory_space<vmem>>, vector<16xf32>,
      %get3A_188 = arith.constant 0 : i32
      %get3A_189 = arith.constant 0 : i32
      %get3A_190 = arith.index_cast %get3A_188 : i32 to index
      %get3A_191 = arith.index_cast %get3A_189 : i32 to index
      %get3A_192 = arith.constant 16 : index
      %get3A_193 = tpu.vector_load %arg5[%get3A_190, %get3A_191, %get3A_192] {strides = array<i32>} : memref<26x2x64xf32, #tpu.memory_space<vmem>>, vector<16xf32>,
      %swap3A_194 = arith.constant 0 : i32
      %swap3A_195 = arith.constant 0 : i32
      %swap3A_196 = arith.index_cast %swap3A_194 : i32 to index
      %swap3A_197 = arith.index_cast %swap3A_195 : i32 to index
      %swap3A_198 = arith.constant 16 : index
      %swap3A_199 = tpu.vector_load %arg8[%swap3A_196, %swap3A_197, %swap3A_198] {strides = array<i32>} : memref<17x26x64xf32, #tpu.memory_space<vmem>>, vector<16xf32>,
      tpu.vector_store %arg8[%swap3A_196, %swap3A_197, %swap3A_198], %get3A_193 {strides = array<i32>} : memref<17x26x64xf32, #tpu.memory_space<vmem>>, vector<16xf32>,
      %get3A_200 = arith.constant 0 : i32
      %get3A_201 = arith.constant 0 : i32
      %get3A_202 = arith.index_cast %get3A_200 : i32 to index
      %get3A_203 = arith.index_cast %get3A_201 : i32 to index
      %get3A_204 = arith.constant 32 : index
      %get3A_205 = tpu.vector_load %arg5[%get3A_202, %get3A_203, %get3A_204] {strides = array<i32>} : memref<26x2x64xf32, #tpu.memory_space<vmem>>, vector<16xf32>,
      %swap3A_206 = arith.constant 0 : i32
      %swap3A_207 = arith.constant 0 : i32
      %swap3A_208 = arith.index_cast %swap3A_206 : i32 to index
      %swap3A_209 = arith.index_cast %swap3A_207 : i32 to index
      %swap3A_210 = arith.constant 32 : index
      %swap3A_211 = tpu.vector_load %arg8[%swap3A_208, %swap3A_209, %swap3A_210] {strides = array<i32>} : memref<17x26x64xf32, #tpu.memory_space<vmem>>, vector<16xf32>,
      tpu.vector_store %arg8[%swap3A_208, %swap3A_209, %swap3A_210], %get3A_205 {strides = array<i32>} : memref<17x26x64xf32, #tpu.memory_space<vmem>>, vector<16xf32>,
      %get3A_212 = arith.constant 0 : i32
      %get3A_213 = arith.constant 0 : i32
      %get3A_214 = arith.index_cast %get3A_212 : i32 to index
      %get3A_215 = arith.index_cast %get3A_213 : i32 to index
      %get3A_216 = arith.constant 48 : index
      %get3A_217 = tpu.vector_load %arg5[%get3A_214, %get3A_215, %get3A_216] {strides = array<i32>} : memref<26x2x64xf32, #tpu.memory_space<vmem>>, vector<16xf32>,
      %swap3A_218 = arith.constant 0 : i32
      %swap3A_219 = arith.constant 0 : i32
      %swap3A_220 = arith.index_cast %swap3A_218 : i32 to index
      %swap3A_221 = arith.index_cast %swap3A_219 : i32 to index
      %swap3A_222 = arith.constant 48 : index
      %swap3A_223 = tpu.vector_load %arg8[%swap3A_220, %swap3A_221, %swap3A_222] {strides = array<i32>} : memref<17x26x64xf32, #tpu.memory_space<vmem>>, vector<16xf32>,
      tpu.vector_store %arg8[%swap3A_220, %swap3A_221, %swap3A_222], %get3A_217 {strides = array<i32>} : memref<17x26x64xf32, #tpu.memory_space<vmem>>, vector<16xf32>,
      %get3A_224 = arith.constant 1 : i32
      %get3A_225 = arith.constant 0 : i32
      %get3A_226 = arith.index_cast %get3A_224 : i32 to index
      %get3A_227 = arith.index_cast %get3A_225 : i32 to index
      %get3A_228 = arith.constant 0 : index
      %get3A_229 = tpu.vector_load %arg5[%get3A_226, %get3A_227, %get3A_228] {strides = array<i32>} : memref<26x2x64xf32, #tpu.memory_space<vmem>>, vector<16xf32>,
      %swap3A_230 = arith.constant 0 : i32
      %swap3A_231 = arith.constant 1 : i32
      %swap3A_232 = arith.index_cast %swap3A_230 : i32 to index
      %swap3A_233 = arith.index_cast %swap3A_231 : i32 to index
      %swap3A_234 = arith.constant 0 : index
      %swap3A_235 = tpu.vector_load %arg8[%swap3A_232, %swap3A_233, %swap3A_234] {strides = array<i32>} : memref<17x26x64xf32, #tpu.memory_space<vmem>>, vector<16xf32>,
      tpu.vector_store %arg8[%swap3A_232, %swap3A_233, %swap3A_234], %get3A_229 {strides = array<i32>} : memref<17x26x64xf32, #tpu.memory_space<vmem>>, vector<16xf32>,
      %get3A_236 = arith.constant 1 : i32
      %get3A_237 = arith.constant 0 : i32
      %get3A_238 = arith.index_cast %get3A_236 : i32 to index
      %get3A_239 = arith.index_cast %get3A_237 : i32 to index
      %get3A_240 = arith.constant 16 : index
      %get3A_241 = tpu.vector_load %arg5[%get3A_238, %get3A_239, %get3A_240] {strides = array<i32>} : memref<26x2x64xf32, #tpu.memory_space<vmem>>, vector<16xf32>,
      %swap3A_242 = arith.constant 0 : i32
      %swap3A_243 = arith.constant 1 : i32
      %swap3A_244 = arith.index_cast %swap3A_242 : i32 to index
      %swap3A_245 = arith.index_cast %swap3A_243 : i32 to index
      %swap3A_246 = arith.constant 16 : index
      %swap3A_247 = tpu.vector_load %arg8[%swap3A_244, %swap3A_245, %swap3A_246] {strides = array<i32>} : memref<17x26x64xf32, #tpu.memory_space<vmem>>, vector<16xf32>,
      tpu.vector_store %arg8[%swap3A_244, %swap3A_245, %swap3A_246], %get3A_241 {strides = array<i32>} : memref<17x26x64xf32, #tpu.memory_space<vmem>>, vector<16xf32>,
      %get3A_248 = arith.constant 1 : i32
      %get3A_249 = arith.constant 0 : i32
      %get3A_250 = arith.index_cast %get3A_248 : i32 to index
      %get3A_251 = arith.index_cast %get3A_249 : i32 to index
      %get3A_252 = arith.constant 32 : index
      %get3A_253 = tpu.vector_load %arg5[%get3A_250, %get3A_251, %get3A_252] {strides = array<i32>} : memref<26x2x64xf32, #tpu.memory_space<vmem>>, vector<16xf32>,
      %swap3A_254 = arith.constant 0 : i32
      %swap3A_255 = arith.constant 1 : i32
      %swap3A_256 = arith.index_cast %swap3A_254 : i32 to index
      %swap3A_257 = arith.index_cast %swap3A_255 : i32 to index
      %swap3A_258 = arith.constant 32 : index
      %swap3A_259 = tpu.vector_load %arg8[%swap3A_256, %swap3A_257, %swap3A_258] {strides = array<i32>} : memref<17x26x64xf32, #tpu.memory_space<vmem>>, vector<16xf32>,
      tpu.vector_store %arg8[%swap3A_256, %swap3A_257, %swap3A_258], %get3A_253 {strides = array<i32>} : memref<17x26x64xf32, #tpu.memory_space<vmem>>, vector<16xf32>,
      %get3A_260 = arith.constant 1 : i32
      %get3A_261 = arith.constant 0 : i32
      %get3A_262 = arith.index_cast %get3A_260 : i32 to index
      %get3A_263 = arith.index_cast %get3A_261 : i32 to index
      %get3A_264 = arith.constant 48 : index
      %get3A_265 = tpu.vector_load %arg5[%get3A_262, %get3A_263, %get3A_264] {strides = array<i32>} : memref<26x2x64xf32, #tpu.memory_space<vmem>>, vector<16xf32>,
      %swap3A_266 = arith.constant 0 : i32
      %swap3A_267 = arith.constant 1 : i32
      %swap3A_268 = arith.index_cast %swap3A_266 : i32 to index
      %swap3A_269 = arith.index_cast %swap3A_267 : i32 to index
      %swap3A_270 = arith.constant 48 : index
      %swap3A_271 = tpu.vector_load %arg8[%swap3A_268, %swap3A_269, %swap3A_270] {strides = array<i32>} : memref<17x26x64xf32, #tpu.memory_space<vmem>>, vector<16xf32>,
      tpu.vector_store %arg8[%swap3A_268, %swap3A_269, %swap3A_270], %get3A_265 {strides = array<i32>} : memref<17x26x64xf32, #tpu.memory_space<vmem>>, vector<16xf32>,
      %get3A_272 = arith.constant 2 : i32
      %get3A_273 = arith.constant 0 : i32
      %get3A_274 = arith.index_cast %get3A_272 : i32 to index
      %get3A_275 = arith.index_cast %get3A_273 : i32 to index
      %get3A_276 = arith.constant 0 : index
      %get3A_277 = tpu.vector_load %arg5[%get3A_274, %get3A_275, %get3A_276] {strides = array<i32>} : memref<26x2x64xf32, #tpu.memory_space<vmem>>, vector<16xf32>,
      %swap3A_278 = arith.constant 0 : i32
      %swap3A_279 = arith.constant 2 : i32
      %swap3A_280 = arith.index_cast %swap3A_278 : i32 to index
      %swap3A_281 = arith.index_cast %swap3A_279 : i32 to index
      %swap3A_282 = arith.constant 0 : index
      %swap3A_283 = tpu.vector_load %arg8[%swap3A_280, %swap3A_281, %swap3A_282] {strides = array<i32>} : memref<17x26x64xf32, #tpu.memory_space<vmem>>, vector<16xf32>,
      tpu.vector_store %arg8[%swap3A_280, %swap3A_281, %swap3A_282], %get3A_277 {strides = array<i32>} : memref<17x26x64xf32, #tpu.memory_space<vmem>>, vector<16xf32>,
      %get3A_284 = arith.constant 2 : i32
      %get3A_285 = arith.constant 0 : i32
      %get3A_286 = arith.index_cast %get3A_284 : i32 to index
      %get3A_287 = arith.index_cast %get3A_285 : i32 to index
      %get3A_288 = arith.constant 16 : index
      %get3A_289 = tpu.vector_load %arg5[%get3A_286, %get3A_287, %get3A_288] {strides = array<i32>} : memref<26x2x64xf32, #tpu.memory_space<vmem>>, vector<16xf32>,
      %swap3A_290 = arith.constant 0 : i32
      %swap3A_291 = arith.constant 2 : i32
      %swap3A_292 = arith.index_cast %swap3A_290 : i32 to index
      %swap3A_293 = arith.index_cast %swap3A_291 : i32 to index
      %swap3A_294 = arith.constant 16 : index
      %swap3A_295 = tpu.vector_load %arg8[%swap3A_292, %swap3A_293, %swap3A_294] {strides = array<i32>} : memref<17x26x64xf32, #tpu.memory_space<vmem>>, vector<16xf32>,
      tpu.vector_store %arg8[%swap3A_292, %swap3A_293, %swap3A_294], %get3A_289 {strides = array<i32>} : memref<17x26x64xf32, #tpu.memory_space<vmem>>, vector<16xf32>,
      %get3A_296 = arith.constant 2 : i32
      %get3A_297 = arith.constant 0 : i32
      %get3A_298 = arith.index_cast %get3A_296 : i32 to index
      %get3A_299 = arith.index_cast %get3A_297 : i32 to index
      %get3A_300 = arith.constant 32 : index
      %get3A_301 = tpu.vector_load %arg5[%get3A_298, %get3A_299, %get3A_300] {strides = array<i32>} : memref<26x2x64xf32, #tpu.memory_space<vmem>>, vector<16xf32>,
      %swap3A_302 = arith.constant 0 : i32
      %swap3A_303 = arith.constant 2 : i32
      %swap3A_304 = arith.index_cast %swap3A_302 : i32 to index
      %swap3A_305 = arith.index_cast %swap3A_303 : i32 to index
      %swap3A_306 = arith.constant 32 : index
      %swap3A_307 = tpu.vector_load %arg8[%swap3A_304, %swap3A_305, %swap3A_306] {strides = array<i32>} : memref<17x26x64xf32, #tpu.memory_space<vmem>>, vector<16xf32>,
      tpu.vector_store %arg8[%swap3A_304, %swap3A_305, %swap3A_306], %get3A_301 {strides = array<i32>} : memref<17x26x64xf32, #tpu.memory_space<vmem>>, vector<16xf32>,
      %get3A_308 = arith.constant 2 : i32
      %get3A_309 = arith.constant 0 : i32
      %get3A_310 = arith.index_cast %get3A_308 : i32 to index
      %get3A_311 = arith.index_cast %get3A_309 : i32 to index
      %get3A_312 = arith.constant 48 : index
      %get3A_313 = tpu.vector_load %arg5[%get3A_310, %get3A_311, %get3A_312] {strides = array<i32>} : memref<26x2x64xf32, #tpu.memory_space<vmem>>, vector<16xf32>,
      %swap3A_314 = arith.constant 0 : i32
      %swap3A_315 = arith.constant 2 : i32
      %swap3A_316 = arith.index_cast %swap3A_314 : i32 to index
      %swap3A_317 = arith.index_cast %swap3A_315 : i32 to index
      %swap3A_318 = arith.constant 48 : index
      %swap3A_319 = tpu.vector_load %arg8[%swap3A_316, %swap3A_317, %swap3A_318] {strides = array<i32>} : memref<17x26x64xf32, #tpu.memory_space<vmem>>, vector<16xf32>,
      tpu.vector_store %arg8[%swap3A_316, %swap3A_317, %swap3A_318], %get3A_313 {strides = array<i32>} : memref<17x26x64xf32, #tpu.memory_space<vmem>>, vector<16xf32>,
      %get3A_320 = arith.constant 3 : i32
      %get3A_321 = arith.constant 0 : i32
      %get3A_322 = arith.index_cast %get3A_320 : i32 to index
      %get3A_323 = arith.index_cast %get3A_321 : i32 to index
      %get3A_324 = arith.constant 0 : index
      %get3A_325 = tpu.vector_load %arg5[%get3A_322, %get3A_323, %get3A_324] {strides = array<i32>} : memref<26x2x64xf32, #tpu.memory_space<vmem>>, vector<16xf32>,
      %swap3A_326 = arith.constant 0 : i32
      %swap3A_327 = arith.constant 3 : i32
      %swap3A_328 = arith.index_cast %swap3A_326 : i32 to index
      %swap3A_329 = arith.index_cast %swap3A_327 : i32 to index
      %swap3A_330 = arith.constant 0 : index
      %swap3A_331 = tpu.vector_load %arg8[%swap3A_328, %swap3A_329, %swap3A_330] {strides = array<i32>} : memref<17x26x64xf32, #tpu.memory_space<vmem>>, vector<16xf32>,
      tpu.vector_store %arg8[%swap3A_328, %swap3A_329, %swap3A_330], %get3A_325 {strides = array<i32>} : memref<17x26x64xf32, #tpu.memory_space<vmem>>, vector<16xf32>,
      %get3A_332 = arith.constant 3 : i32
      %get3A_333 = arith.constant 0 : i32
      %get3A_334 = arith.index_cast %get3A_332 : i32 to index
      %get3A_335 = arith.index_cast %get3A_333 : i32 to index
      %get3A_336 = arith.constant 16 : index
      %get3A_337 = tpu.vector_load %arg5[%get3A_334, %get3A_335, %get3A_336] {strides = array<i32>} : memref<26x2x64xf32, #tpu.memory_space<vmem>>, vector<16xf32>,
      %swap3A_338 = arith.constant 0 : i32
      %swap3A_339 = arith.constant 3 : i32
      %swap3A_340 = arith.index_cast %swap3A_338 : i32 to index
      %swap3A_341 = arith.index_cast %swap3A_339 : i32 to index
      %swap3A_342 = arith.constant 16 : index
      %swap3A_343 = tpu.vector_load %arg8[%swap3A_340, %swap3A_341, %swap3A_342] {strides = array<i32>} : memref<17x26x64xf32, #tpu.memory_space<vmem>>, vector<16xf32>,
      tpu.vector_store %arg8[%swap3A_340, %swap3A_341, %swap3A_342], %get3A_337 {strides = array<i32>} : memref<17x26x64xf32, #tpu.memory_space<vmem>>, vector<16xf32>,
      %get3A_344 = arith.constant 3 : i32
      %get3A_345 = arith.constant 0 : i32
      %get3A_346 = arith.index_cast %get3A_344 : i32 to index
      %get3A_347 = arith.index_cast %get3A_345 : i32 to index
      %get3A_348 = arith.constant 32 : index
      %get3A_349 = tpu.vector_load %arg5[%get3A_346, %get3A_347, %get3A_348] {strides = array<i32>} : memref<26x2x64xf32, #tpu.memory_space<vmem>>, vector<16xf32>,
      %swap3A_350 = arith.constant 0 : i32
      %swap3A_351 = arith.constant 3 : i32
      %swap3A_352 = arith.index_cast %swap3A_350 : i32 to index
      %swap3A_353 = arith.index_cast %swap3A_351 : i32 to index
      %swap3A_354 = arith.constant 32 : index
      %swap3A_355 = tpu.vector_load %arg8[%swap3A_352, %swap3A_353, %swap3A_354] {strides = array<i32>} : memref<17x26x64xf32, #tpu.memory_space<vmem>>, vector<16xf32>,
      tpu.vector_store %arg8[%swap3A_352, %swap3A_353, %swap3A_354], %get3A_349 {strides = array<i32>} : memref<17x26x64xf32, #tpu.memory_space<vmem>>, vector<16xf32>,
      %get3A_356 = arith.constant 3 : i32
      %get3A_357 = arith.constant 0 : i32
      %get3A_358 = arith.index_cast %get3A_356 : i32 to index
      %get3A_359 = arith.index_cast %get3A_357 : i32 to index
      %get3A_360 = arith.constant 48 : index
      %get3A_361 = tpu.vector_load %arg5[%get3A_358, %get3A_359, %get3A_360] {strides = array<i32>} : memref<26x2x64xf32, #tpu.memory_space<vmem>>, vector<16xf32>,
      %swap3A_362 = arith.constant 0 : i32
      %swap3A_363 = arith.constant 3 : i32
      %swap3A_364 = arith.index_cast %swap3A_362 : i32 to index
      %swap3A_365 = arith.index_cast %swap3A_363 : i32 to index
      %swap3A_366 = arith.constant 48 : index
      %swap3A_367 = tpu.vector_load %arg8[%swap3A_364, %swap3A_365, %swap3A_366] {strides = array<i32>} : memref<17x26x64xf32, #tpu.memory_space<vmem>>, vector<16xf32>,
      tpu.vector_store %arg8[%swap3A_364, %swap3A_365, %swap3A_366], %get3A_361 {strides = array<i32>} : memref<17x26x64xf32, #tpu.memory_space<vmem>>, vector<16xf32>,
      %get3A_368 = arith.constant 4 : i32
      %get3A_369 = arith.constant 0 : i32
      %get3A_370 = arith.index_cast %get3A_368 : i32 to index
      %get3A_371 = arith.index_cast %get3A_369 : i32 to index
      %get3A_372 = arith.constant 0 : index
      %get3A_373 = tpu.vector_load %arg5[%get3A_370, %get3A_371, %get3A_372] {strides = array<i32>} : memref<26x2x64xf32, #tpu.memory_space<vmem>>, vector<16xf32>,
      %swap3A_374 = arith.constant 0 : i32
      %swap3A_375 = arith.constant 4 : i32
      %swap3A_376 = arith.index_cast %swap3A_374 : i32 to index
      %swap3A_377 = arith.index_cast %swap3A_375 : i32 to index
      %swap3A_378 = arith.constant 0 : index
      %swap3A_379 = tpu.vector_load %arg8[%swap3A_376, %swap3A_377, %swap3A_378] {strides = array<i32>} : memref<17x26x64xf32, #tpu.memory_space<vmem>>, vector<16xf32>,
      tpu.vector_store %arg8[%swap3A_376, %swap3A_377, %swap3A_378], %get3A_373 {strides = array<i32>} : memref<17x26x64xf32, #tpu.memory_space<vmem>>, vector<16xf32>,
      %get3A_380 = arith.constant 4 : i32
      %get3A_381 = arith.constant 0 : i32
      %get3A_382 = arith.index_cast %get3A_380 : i32 to index
      %get3A_383 = arith.index_cast %get3A_381 : i32 to index
      %get3A_384 = arith.constant 16 : index
      %get3A_385 = tpu.vector_load %arg5[%get3A_382, %get3A_383, %get3A_384] {strides = array<i32>} : memref<26x2x64xf32, #tpu.memory_space<vmem>>, vector<16xf32>,
      %swap3A_386 = arith.constant 0 : i32
      %swap3A_387 = arith.constant 4 : i32
      %swap3A_388 = arith.index_cast %swap3A_386 : i32 to index
      %swap3A_389 = arith.index_cast %swap3A_387 : i32 to index
      %swap3A_390 = arith.constant 16 : index
      %swap3A_391 = tpu.vector_load %arg8[%swap3A_388, %swap3A_389, %swap3A_390] {strides = array<i32>} : memref<17x26x64xf32, #tpu.memory_space<vmem>>, vector<16xf32>,
      tpu.vector_store %arg8[%swap3A_388, %swap3A_389, %swap3A_390], %get3A_385 {strides = array<i32>} : memref<17x26x64xf32, #tpu.memory_space<vmem>>, vector<16xf32>,
      %get3A_392 = arith.constant 4 : i32
      %get3A_393 = arith.constant 0 : i32
      %get3A_394 = arith.index_cast %get3A_392 : i32 to index
      %get3A_395 = arith.index_cast %get3A_393 : i32 to index
      %get3A_396 = arith.constant 32 : index
      %get3A_397 = tpu.vector_load %arg5[%get3A_394, %get3A_395, %get3A_396] {strides = array<i32>} : memref<26x2x64xf32, #tpu.memory_space<vmem>>, vector<16xf32>,
      %swap3A_398 = arith.constant 0 : i32
      %swap3A_399 = arith.constant 4 : i32
      %swap3A_400 = arith.index_cast %swap3A_398 : i32 to index
      %swap3A_401 = arith.index_cast %swap3A_399 : i32 to index
      %swap3A_402 = arith.constant 32 : index
      %swap3A_403 = tpu.vector_load %arg8[%swap3A_400, %swap3A_401, %swap3A_402] {strides = array<i32>} : memref<17x26x64xf32, #tpu.memory_space<vmem>>, vector<16xf32>,
      tpu.vector_store %arg8[%swap3A_400, %swap3A_401, %swap3A_402], %get3A_397 {strides = array<i32>} : memref<17x26x64xf32, #tpu.memory_space<vmem>>, vector<16xf32>,
      %get3A_404 = arith.constant 4 : i32
      %get3A_405 = arith.constant 0 : i32
      %get3A_406 = arith.index_cast %get3A_404 : i32 to index
      %get3A_407 = arith.index_cast %get3A_405 : i32 to index
      %get3A_408 = arith.constant 48 : index
      %get3A_409 = tpu.vector_load %arg5[%get3A_406, %get3A_407, %get3A_408] {strides = array<i32>} : memref<26x2x64xf32, #tpu.memory_space<vmem>>, vector<16xf32>,
      %swap3A_410 = arith.constant 0 : i32
      %swap3A_411 = arith.constant 4 : i32
      %swap3A_412 = arith.index_cast %swap3A_410 : i32 to index
      %swap3A_413 = arith.index_cast %swap3A_411 : i32 to index
      %swap3A_414 = arith.constant 48 : index
      %swap3A_415 = tpu.vector_load %arg8[%swap3A_412, %swap3A_413, %swap3A_414] {strides = array<i32>} : memref<17x26x64xf32, #tpu.memory_space<vmem>>, vector<16xf32>,
      tpu.vector_store %arg8[%swap3A_412, %swap3A_413, %swap3A_414], %get3A_409 {strides = array<i32>} : memref<17x26x64xf32, #tpu.memory_space<vmem>>, vector<16xf32>,
      %get3A_416 = arith.constant 5 : i32
      %get3A_417 = arith.constant 0 : i32
      %get3A_418 = arith.index_cast %get3A_416 : i32 to index
      %get3A_419 = arith.index_cast %get3A_417 : i32 to index
      %get3A_420 = arith.constant 0 : index
      %get3A_421 = tpu.vector_load %arg5[%get3A_418, %get3A_419, %get3A_420] {strides = array<i32>} : memref<26x2x64xf32, #tpu.memory_space<vmem>>, vector<16xf32>,
      %swap3A_422 = arith.constant 0 : i32
      %swap3A_423 = arith.constant 5 : i32
      %swap3A_424 = arith.index_cast %swap3A_422 : i32 to index
      %swap3A_425 = arith.index_cast %swap3A_423 : i32 to index
      %swap3A_426 = arith.constant 0 : index
      %swap3A_427 = tpu.vector_load %arg8[%swap3A_424, %swap3A_425, %swap3A_426] {strides = array<i32>} : memref<17x26x64xf32, #tpu.memory_space<vmem>>, vector<16xf32>,
      tpu.vector_store %arg8[%swap3A_424, %swap3A_425, %swap3A_426], %get3A_421 {strides = array<i32>} : memref<17x26x64xf32, #tpu.memory_space<vmem>>, vector<16xf32>,
      %get3A_428 = arith.constant 5 : i32
      %get3A_429 = arith.constant 0 : i32
      %get3A_430 = arith.index_cast %get3A_428 : i32 to index
      %get3A_431 = arith.index_cast %get3A_429 : i32 to index
      %get3A_432 = arith.constant 16 : index
      %get3A_433 = tpu.vector_load %arg5[%get3A_430, %get3A_431, %get3A_432] {strides = array<i32>} : memref<26x2x64xf32, #tpu.memory_space<vmem>>, vector<16xf32>,
      %swap3A_434 = arith.constant 0 : i32
      %swap3A_435 = arith.constant 5 : i32
      %swap3A_436 = arith.index_cast %swap3A_434 : i32 to index
      %swap3A_437 = arith.index_cast %swap3A_435 : i32 to index
      %swap3A_438 = arith.constant 16 : index
      %swap3A_439 = tpu.vector_load %arg8[%swap3A_436, %swap3A_437, %swap3A_438] {strides = array<i32>} : memref<17x26x64xf32, #tpu.memory_space<vmem>>, vector<16xf32>,
      tpu.vector_store %arg8[%swap3A_436, %swap3A_437, %swap3A_438], %get3A_433 {strides = array<i32>} : memref<17x26x64xf32, #tpu.memory_space<vmem>>, vector<16xf32>,
      %get3A_440 = arith.constant 5 : i32
      %get3A_441 = arith.constant 0 : i32
      %get3A_442 = arith.index_cast %get3A_440 : i32 to index
      %get3A_443 = arith.index_cast %get3A_441 : i32 to index
      %get3A_444 = arith.constant 32 : index
      %get3A_445 = tpu.vector_load %arg5[%get3A_442, %get3A_443, %get3A_444] {strides = array<i32>} : memref<26x2x64xf32, #tpu.memory_space<vmem>>, vector<16xf32>,
      %swap3A_446 = arith.constant 0 : i32
      %swap3A_447 = arith.constant 5 : i32
      %swap3A_448 = arith.index_cast %swap3A_446 : i32 to index
      %swap3A_449 = arith.index_cast %swap3A_447 : i32 to index
      %swap3A_450 = arith.constant 32 : index
      %swap3A_451 = tpu.vector_load %arg8[%swap3A_448, %swap3A_449, %swap3A_450] {strides = array<i32>} : memref<17x26x64xf32, #tpu.memory_space<vmem>>, vector<16xf32>,
      tpu.vector_store %arg8[%swap3A_448, %swap3A_449, %swap3A_450], %get3A_445 {strides = array<i32>} : memref<17x26x64xf32, #tpu.memory_space<vmem>>, vector<16xf32>,
      %get3A_452 = arith.constant 5 : i32
      %get3A_453 = arith.constant 0 : i32
      %get3A_454 = arith.index_cast %get3A_452 : i32 to index
      %get3A_455 = arith.index_cast %get3A_453 : i32 to index
      %get3A_456 = arith.constant 48 : index
      %get3A_457 = tpu.vector_load %arg5[%get3A_454, %get3A_455, %get3A_456] {strides = array<i32>} : memref<26x2x64xf32, #tpu.memory_space<vmem>>, vector<16xf32>,
      %swap3A_458 = arith.constant 0 : i32
      %swap3A_459 = arith.constant 5 : i32
      %swap3A_460 = arith.index_cast %swap3A_458 : i32 to index
      %swap3A_461 = arith.index_cast %swap3A_459 : i32 to index
      %swap3A_462 = arith.constant 48 : index
      %swap3A_463 = tpu.vector_load %arg8[%swap3A_460, %swap3A_461, %swap3A_462] {strides = array<i32>} : memref<17x26x64xf32, #tpu.memory_space<vmem>>, vector<16xf32>,
      tpu.vector_store %arg8[%swap3A_460, %swap3A_461, %swap3A_462], %get3A_457 {strides = array<i32>} : memref<17x26x64xf32, #tpu.memory_space<vmem>>, vector<16xf32>,
      %get3A_464 = arith.constant 6 : i32
      %get3A_465 = arith.constant 0 : i32
      %get3A_466 = arith.index_cast %get3A_464 : i32 to index
      %get3A_467 = arith.index_cast %get3A_465 : i32 to index
      %get3A_468 = arith.constant 0 : index
      %get3A_469 = tpu.vector_load %arg5[%get3A_466, %get3A_467, %get3A_468] {strides = array<i32>} : memref<26x2x64xf32, #tpu.memory_space<vmem>>, vector<16xf32>,
      %swap3A_470 = arith.constant 0 : i32
      %swap3A_471 = arith.constant 6 : i32
      %swap3A_472 = arith.index_cast %swap3A_470 : i32 to index
      %swap3A_473 = arith.index_cast %swap3A_471 : i32 to index
      %swap3A_474 = arith.constant 0 : index
      %swap3A_475 = tpu.vector_load %arg8[%swap3A_472, %swap3A_473, %swap3A_474] {strides = array<i32>} : memref<17x26x64xf32, #tpu.memory_space<vmem>>, vector<16xf32>,
      tpu.vector_store %arg8[%swap3A_472, %swap3A_473, %swap3A_474], %get3A_469 {strides = array<i32>} : memref<17x26x64xf32, #tpu.memory_space<vmem>>, vector<16xf32>,
      %get3A_476 = arith.constant 6 : i32
      %get3A_477 = arith.constant 0 : i32
      %get3A_478 = arith.index_cast %get3A_476 : i32 to index
      %get3A_479 = arith.index_cast %get3A_477 : i32 to index
      %get3A_480 = arith.constant 16 : index
      %get3A_481 = tpu.vector_load %arg5[%get3A_478, %get3A_479, %get3A_480] {strides = array<i32>} : memref<26x2x64xf32, #tpu.memory_space<vmem>>, vector<16xf32>,
      %swap3A_482 = arith.constant 0 : i32
      %swap3A_483 = arith.constant 6 : i32
      %swap3A_484 = arith.index_cast %swap3A_482 : i32 to index
      %swap3A_485 = arith.index_cast %swap3A_483 : i32 to index
      %swap3A_486 = arith.constant 16 : index
      %swap3A_487 = tpu.vector_load %arg8[%swap3A_484, %swap3A_485, %swap3A_486] {strides = array<i32>} : memref<17x26x64xf32, #tpu.memory_space<vmem>>, vector<16xf32>,
      tpu.vector_store %arg8[%swap3A_484, %swap3A_485, %swap3A_486], %get3A_481 {strides = array<i32>} : memref<17x26x64xf32, #tpu.memory_space<vmem>>, vector<16xf32>,
      %get3A_488 = arith.constant 6 : i32
      %get3A_489 = arith.constant 0 : i32
      %get3A_490 = arith.index_cast %get3A_488 : i32 to index
      %get3A_491 = arith.index_cast %get3A_489 : i32 to index
      %get3A_492 = arith.constant 32 : index
      %get3A_493 = tpu.vector_load %arg5[%get3A_490, %get3A_491, %get3A_492] {strides = array<i32>} : memref<26x2x64xf32, #tpu.memory_space<vmem>>, vector<16xf32>,
      %swap3A_494 = arith.constant 0 : i32
      %swap3A_495 = arith.constant 6 : i32
      %swap3A_496 = arith.index_cast %swap3A_494 : i32 to index
      %swap3A_497 = arith.index_cast %swap3A_495 : i32 to index
      %swap3A_498 = arith.constant 32 : index
      %swap3A_499 = tpu.vector_load %arg8[%swap3A_496, %swap3A_497, %swap3A_498] {strides = array<i32>} : memref<17x26x64xf32, #tpu.memory_space<vmem>>, vector<16xf32>,
      tpu.vector_store %arg8[%swap3A_496, %swap3A_497, %swap3A_498], %get3A_493 {strides = array<i32>} : memref<17x26x64xf32, #tpu.memory_space<vmem>>, vector<16xf32>,
      %get3A_500 = arith.constant 6 : i32
      %get3A_501 = arith.constant 0 : i32
      %get3A_502 = arith.index_cast %get3A_500 : i32 to index
      %get3A_503 = arith.index_cast %get3A_501 : i32 to index
      %get3A_504 = arith.constant 48 : index
      %get3A_505 = tpu.vector_load %arg5[%get3A_502, %get3A_503, %get3A_504] {strides = array<i32>} : memref<26x2x64xf32, #tpu.memory_space<vmem>>, vector<16xf32>,
      %swap3A_506 = arith.constant 0 : i32
      %swap3A_507 = arith.constant 6 : i32
      %swap3A_508 = arith.index_cast %swap3A_506 : i32 to index
      %swap3A_509 = arith.index_cast %swap3A_507 : i32 to index
      %swap3A_510 = arith.constant 48 : index
      %swap3A_511 = tpu.vector_load %arg8[%swap3A_508, %swap3A_509, %swap3A_510] {strides = array<i32>} : memref<17x26x64xf32, #tpu.memory_space<vmem>>, vector<16xf32>,
      tpu.vector_store %arg8[%swap3A_508, %swap3A_509, %swap3A_510], %get3A_505 {strides = array<i32>} : memref<17x26x64xf32, #tpu.memory_space<vmem>>, vector<16xf32>,
      %get3A_512 = arith.constant 7 : i32
      %get3A_513 = arith.constant 0 : i32
      %get3A_514 = arith.index_cast %get3A_512 : i32 to index
      %get3A_515 = arith.index_cast %get3A_513 : i32 to index
      %get3A_516 = arith.constant 0 : index
      %get3A_517 = tpu.vector_load %arg5[%get3A_514, %get3A_515, %get3A_516] {strides = array<i32>} : memref<26x2x64xf32, #tpu.memory_space<vmem>>, vector<16xf32>,
      %swap3A_518 = arith.constant 0 : i32
      %swap3A_519 = arith.constant 7 : i32
      %swap3A_520 = arith.index_cast %swap3A_518 : i32 to index
      %swap3A_521 = arith.index_cast %swap3A_519 : i32 to index
      %swap3A_522 = arith.constant 0 : index
      %swap3A_523 = tpu.vector_load %arg8[%swap3A_520, %swap3A_521, %swap3A_522] {strides = array<i32>} : memref<17x26x64xf32, #tpu.memory_space<vmem>>, vector<16xf32>,
      tpu.vector_store %arg8[%swap3A_520, %swap3A_521, %swap3A_522], %get3A_517 {strides = array<i32>} : memref<17x26x64xf32, #tpu.memory_space<vmem>>, vector<16xf32>,
      %get3A_524 = arith.constant 7 : i32
      %get3A_525 = arith.constant 0 : i32
      %get3A_526 = arith.index_cast %get3A_524 : i32 to index
      %get3A_527 = arith.index_cast %get3A_525 : i32 to index
      %get3A_528 = arith.constant 16 : index
      %get3A_529 = tpu.vector_load %arg5[%get3A_526, %get3A_527, %get3A_528] {strides = array<i32>} : memref<26x2x64xf32, #tpu.memory_space<vmem>>, vector<16xf32>,
      %swap3A_530 = arith.constant 0 : i32
      %swap3A_531 = arith.constant 7 : i32
      %swap3A_532 = arith.index_cast %swap3A_530 : i32 to index
      %swap3A_533 = arith.index_cast %swap3A_531 : i32 to index
      %swap3A_534 = arith.constant 16 : index
      %swap3A_535 = tpu.vector_load %arg8[%swap3A_532, %swap3A_533, %swap3A_534] {strides = array<i32>} : memref<17x26x64xf32, #tpu.memory_space<vmem>>, vector<16xf32>,
      tpu.vector_store %arg8[%swap3A_532, %swap3A_533, %swap3A_534], %get3A_529 {strides = array<i32>} : memref<17x26x64xf32, #tpu.memory_space<vmem>>, vector<16xf32>,
      %get3A_536 = arith.constant 7 : i32
      %get3A_537 = arith.constant 0 : i32
      %get3A_538 = arith.index_cast %get3A_536 : i32 to index
      %get3A_539 = arith.index_cast %get3A_537 : i32 to index
      %get3A_540 = arith.constant 32 : index
      %get3A_541 = tpu.vector_load %arg5[%get3A_538, %get3A_539, %get3A_540] {strides = array<i32>} : memref<26x2x64xf32, #tpu.memory_space<vmem>>, vector<16xf32>,
      %swap3A_542 = arith.constant 0 : i32
      %swap3A_543 = arith.constant 7 : i32
      %swap3A_544 = arith.index_cast %swap3A_542 : i32 to index
      %swap3A_545 = arith.index_cast %swap3A_543 : i32 to index
      %swap3A_546 = arith.constant 32 : index
      %swap3A_547 = tpu.vector_load %arg8[%swap3A_544, %swap3A_545, %swap3A_546] {strides = array<i32>} : memref<17x26x64xf32, #tpu.memory_space<vmem>>, vector<16xf32>,
      tpu.vector_store %arg8[%swap3A_544, %swap3A_545, %swap3A_546], %get3A_541 {strides = array<i32>} : memref<17x26x64xf32, #tpu.memory_space<vmem>>, vector<16xf32>,
      %get3A_548 = arith.constant 7 : i32
      %get3A_549 = arith.constant 0 : i32
      %get3A_550 = arith.index_cast %get3A_548 : i32 to index
      %get3A_551 = arith.index_cast %get3A_549 : i32 to index
      %get3A_552 = arith.constant 48 : index
      %get3A_553 = tpu.vector_load %arg5[%get3A_550, %get3A_551, %get3A_552] {strides = array<i32>} : memref<26x2x64xf32, #tpu.memory_space<vmem>>, vector<16xf32>,
      %swap3A_554 = arith.constant 0 : i32
      %swap3A_555 = arith.constant 7 : i32
      %swap3A_556 = arith.index_cast %swap3A_554 : i32 to index
      %swap3A_557 = arith.index_cast %swap3A_555 : i32 to index
      %swap3A_558 = arith.constant 48 : index
      %swap3A_559 = tpu.vector_load %arg8[%swap3A_556, %swap3A_557, %swap3A_558] {strides = array<i32>} : memref<17x26x64xf32, #tpu.memory_space<vmem>>, vector<16xf32>,
      tpu.vector_store %arg8[%swap3A_556, %swap3A_557, %swap3A_558], %get3A_553 {strides = array<i32>} : memref<17x26x64xf32, #tpu.memory_space<vmem>>, vector<16xf32>,
      %get3A_560 = arith.constant 8 : i32
      %get3A_561 = arith.constant 0 : i32
      %get3A_562 = arith.index_cast %get3A_560 : i32 to index
      %get3A_563 = arith.index_cast %get3A_561 : i32 to index
      %get3A_564 = arith.constant 0 : index
      %get3A_565 = tpu.vector_load %arg5[%get3A_562, %get3A_563, %get3A_564] {strides = array<i32>} : memref<26x2x64xf32, #tpu.memory_space<vmem>>, vector<16xf32>,
      %swap3A_566 = arith.constant 0 : i32
      %swap3A_567 = arith.constant 8 : i32
      %swap3A_568 = arith.index_cast %swap3A_566 : i32 to index
      %swap3A_569 = arith.index_cast %swap3A_567 : i32 to index
      %swap3A_570 = arith.constant 0 : index
      %swap3A_571 = tpu.vector_load %arg8[%swap3A_568, %swap3A_569, %swap3A_570] {strides = array<i32>} : memref<17x26x64xf32, #tpu.memory_space<vmem>>, vector<16xf32>,
      tpu.vector_store %arg8[%swap3A_568, %swap3A_569, %swap3A_570], %get3A_565 {strides = array<i32>} : memref<17x26x64xf32, #tpu.memory_space<vmem>>, vector<16xf32>,
      %get3A_572 = arith.constant 8 : i32
      %get3A_573 = arith.constant 0 : i32
      %get3A_574 = arith.index_cast %get3A_572 : i32 to index
      %get3A_575 = arith.index_cast %get3A_573 : i32 to index
      %get3A_576 = arith.constant 16 : index
      %get3A_577 = tpu.vector_load %arg5[%get3A_574, %get3A_575, %get3A_576] {strides = array<i32>} : memref<26x2x64xf32, #tpu.memory_space<vmem>>, vector<16xf32>,
      %swap3A_578 = arith.constant 0 : i32
      %swap3A_579 = arith.constant 8 : i32
      %swap3A_580 = arith.index_cast %swap3A_578 : i32 to index
      %swap3A_581 = arith.index_cast %swap3A_579 : i32 to index
      %swap3A_582 = arith.constant 16 : index
      %swap3A_583 = tpu.vector_load %arg8[%swap3A_580, %swap3A_581, %swap3A_582] {strides = array<i32>} : memref<17x26x64xf32, #tpu.memory_space<vmem>>, vector<16xf32>,
      tpu.vector_store %arg8[%swap3A_580, %swap3A_581, %swap3A_582], %get3A_577 {strides = array<i32>} : memref<17x26x64xf32, #tpu.memory_space<vmem>>, vector<16xf32>,
      %get3A_584 = arith.constant 8 : i32
      %get3A_585 = arith.constant 0 : i32
      %get3A_586 = arith.index_cast %get3A_584 : i32 to index
      %get3A_587 = arith.index_cast %get3A_585 : i32 to index
      %get3A_588 = arith.constant 32 : index
      %get3A_589 = tpu.vector_load %arg5[%get3A_586, %get3A_587, %get3A_588] {strides = array<i32>} : memref<26x2x64xf32, #tpu.memory_space<vmem>>, vector<16xf32>,
      %swap3A_590 = arith.constant 0 : i32
      %swap3A_591 = arith.constant 8 : i32
      %swap3A_592 = arith.index_cast %swap3A_590 : i32 to index
      %swap3A_593 = arith.index_cast %swap3A_591 : i32 to index
      %swap3A_594 = arith.constant 32 : index
      %swap3A_595 = tpu.vector_load %arg8[%swap3A_592, %swap3A_593, %swap3A_594] {strides = array<i32>} : memref<17x26x64xf32, #tpu.memory_space<vmem>>, vector<16xf32>,
      tpu.vector_store %arg8[%swap3A_592, %swap3A_593, %swap3A_594], %get3A_589 {strides = array<i32>} : memref<17x26x64xf32, #tpu.memory_space<vmem>>, vector<16xf32>,
      %get3A_596 = arith.constant 8 : i32
      %get3A_597 = arith.constant 0 : i32
      %get3A_598 = arith.index_cast %get3A_596 : i32 to index
      %get3A_599 = arith.index_cast %get3A_597 : i32 to index
      %get3A_600 = arith.constant 48 : index
      %get3A_601 = tpu.vector_load %arg5[%get3A_598, %get3A_599, %get3A_600] {strides = array<i32>} : memref<26x2x64xf32, #tpu.memory_space<vmem>>, vector<16xf32>,
      %swap3A_602 = arith.constant 0 : i32
      %swap3A_603 = arith.constant 8 : i32
      %swap3A_604 = arith.index_cast %swap3A_602 : i32 to index
      %swap3A_605 = arith.index_cast %swap3A_603 : i32 to index
      %swap3A_606 = arith.constant 48 : index
      %swap3A_607 = tpu.vector_load %arg8[%swap3A_604, %swap3A_605, %swap3A_606] {strides = array<i32>} : memref<17x26x64xf32, #tpu.memory_space<vmem>>, vector<16xf32>,
      tpu.vector_store %arg8[%swap3A_604, %swap3A_605, %swap3A_606], %get3A_601 {strides = array<i32>} : memref<17x26x64xf32, #tpu.memory_space<vmem>>, vector<16xf32>,
      %get3A_608 = arith.constant 9 : i32
      %get3A_609 = arith.constant 0 : i32
      %get3A_610 = arith.index_cast %get3A_608 : i32 to index
      %get3A_611 = arith.index_cast %get3A_609 : i32 to index
      %get3A_612 = arith.constant 0 : index
      %get3A_613 = tpu.vector_load %arg5[%get3A_610, %get3A_611, %get3A_612] {strides = array<i32>} : memref<26x2x64xf32, #tpu.memory_space<vmem>>, vector<16xf32>,
      %swap3A_614 = arith.constant 0 : i32
      %swap3A_615 = arith.constant 9 : i32
      %swap3A_616 = arith.index_cast %swap3A_614 : i32 to index
      %swap3A_617 = arith.index_cast %swap3A_615 : i32 to index
      %swap3A_618 = arith.constant 0 : index
      %swap3A_619 = tpu.vector_load %arg8[%swap3A_616, %swap3A_617, %swap3A_618] {strides = array<i32>} : memref<17x26x64xf32, #tpu.memory_space<vmem>>, vector<16xf32>,
      tpu.vector_store %arg8[%swap3A_616, %swap3A_617, %swap3A_618], %get3A_613 {strides = array<i32>} : memref<17x26x64xf32, #tpu.memory_space<vmem>>, vector<16xf32>,
      %get3A_620 = arith.constant 9 : i32
      %get3A_621 = arith.constant 0 : i32
      %get3A_622 = arith.index_cast %get3A_620 : i32 to index
      %get3A_623 = arith.index_cast %get3A_621 : i32 to index
      %get3A_624 = arith.constant 16 : index
      %get3A_625 = tpu.vector_load %arg5[%get3A_622, %get3A_623, %get3A_624] {strides = array<i32>} : memref<26x2x64xf32, #tpu.memory_space<vmem>>, vector<16xf32>,
      %swap3A_626 = arith.constant 0 : i32
      %swap3A_627 = arith.constant 9 : i32
      %swap3A_628 = arith.index_cast %swap3A_626 : i32 to index
      %swap3A_629 = arith.index_cast %swap3A_627 : i32 to index
      %swap3A_630 = arith.constant 16 : index
      %swap3A_631 = tpu.vector_load %arg8[%swap3A_628, %swap3A_629, %swap3A_630] {strides = array<i32>} : memref<17x26x64xf32, #tpu.memory_space<vmem>>, vector<16xf32>,
      tpu.vector_store %arg8[%swap3A_628, %swap3A_629, %swap3A_630], %get3A_625 {strides = array<i32>} : memref<17x26x64xf32, #tpu.memory_space<vmem>>, vector<16xf32>,
      %get3A_632 = arith.constant 9 : i32
      %get3A_633 = arith.constant 0 : i32
      %get3A_634 = arith.index_cast %get3A_632 : i32 to index
      %get3A_635 = arith.index_cast %get3A_633 : i32 to index
      %get3A_636 = arith.constant 32 : index
      %get3A_637 = tpu.vector_load %arg5[%get3A_634, %get3A_635, %get3A_636] {strides = array<i32>} : memref<26x2x64xf32, #tpu.memory_space<vmem>>, vector<16xf32>,
      %swap3A_638 = arith.constant 0 : i32
      %swap3A_639 = arith.constant 9 : i32
      %swap3A_640 = arith.index_cast %swap3A_638 : i32 to index
      %swap3A_641 = arith.index_cast %swap3A_639 : i32 to index
      %swap3A_642 = arith.constant 32 : index
      %swap3A_643 = tpu.vector_load %arg8[%swap3A_640, %swap3A_641, %swap3A_642] {strides = array<i32>} : memref<17x26x64xf32, #tpu.memory_space<vmem>>, vector<16xf32>,
      tpu.vector_store %arg8[%swap3A_640, %swap3A_641, %swap3A_642], %get3A_637 {strides = array<i32>} : memref<17x26x64xf32, #tpu.memory_space<vmem>>, vector<16xf32>,
      %get3A_644 = arith.constant 9 : i32
      %get3A_645 = arith.constant 0 : i32
      %get3A_646 = arith.index_cast %get3A_644 : i32 to index
      %get3A_647 = arith.index_cast %get3A_645 : i32 to index
      %get3A_648 = arith.constant 48 : index
      %get3A_649 = tpu.vector_load %arg5[%get3A_646, %get3A_647, %get3A_648] {strides = array<i32>} : memref<26x2x64xf32, #tpu.memory_space<vmem>>, vector<16xf32>,
      %swap3A_650 = arith.constant 0 : i32
      %swap3A_651 = arith.constant 9 : i32
      %swap3A_652 = arith.index_cast %swap3A_650 : i32 to index
      %swap3A_653 = arith.index_cast %swap3A_651 : i32 to index
      %swap3A_654 = arith.constant 48 : index
      %swap3A_655 = tpu.vector_load %arg8[%swap3A_652, %swap3A_653, %swap3A_654] {strides = array<i32>} : memref<17x26x64xf32, #tpu.memory_space<vmem>>, vector<16xf32>,
      tpu.vector_store %arg8[%swap3A_652, %swap3A_653, %swap3A_654], %get3A_649 {strides = array<i32>} : memref<17x26x64xf32, #tpu.memory_space<vmem>>, vector<16xf32>,
      %get3A_656 = arith.constant 10 : i32
      %get3A_657 = arith.constant 0 : i32
      %get3A_658 = arith.index_cast %get3A_656 : i32 to index
      %get3A_659 = arith.index_cast %get3A_657 : i32 to index
      %get3A_660 = arith.constant 0 : index
      %get3A_661 = tpu.vector_load %arg5[%get3A_658, %get3A_659, %get3A_660] {strides = array<i32>} : memref<26x2x64xf32, #tpu.memory_space<vmem>>, vector<16xf32>,
      %swap3A_662 = arith.constant 0 : i32
      %swap3A_663 = arith.constant 10 : i32
      %swap3A_664 = arith.index_cast %swap3A_662 : i32 to index
      %swap3A_665 = arith.index_cast %swap3A_663 : i32 to index
      %swap3A_666 = arith.constant 0 : index
      %swap3A_667 = tpu.vector_load %arg8[%swap3A_664, %swap3A_665, %swap3A_666] {strides = array<i32>} : memref<17x26x64xf32, #tpu.memory_space<vmem>>, vector<16xf32>,
      tpu.vector_store %arg8[%swap3A_664, %swap3A_665, %swap3A_666], %get3A_661 {strides = array<i32>} : memref<17x26x64xf32, #tpu.memory_space<vmem>>, vector<16xf32>,
      %get3A_668 = arith.constant 10 : i32
      %get3A_669 = arith.constant 0 : i32
      %get3A_670 = arith.index_cast %get3A_668 : i32 to index
      %get3A_671 = arith.index_cast %get3A_669 : i32 to index
      %get3A_672 = arith.constant 16 : index
      %get3A_673 = tpu.vector_load %arg5[%get3A_670, %get3A_671, %get3A_672] {strides = array<i32>} : memref<26x2x64xf32, #tpu.memory_space<vmem>>, vector<16xf32>,
      %swap3A_674 = arith.constant 0 : i32
      %swap3A_675 = arith.constant 10 : i32
      %swap3A_676 = arith.index_cast %swap3A_674 : i32 to index
      %swap3A_677 = arith.index_cast %swap3A_675 : i32 to index
      %swap3A_678 = arith.constant 16 : index
      %swap3A_679 = tpu.vector_load %arg8[%swap3A_676, %swap3A_677, %swap3A_678] {strides = array<i32>} : memref<17x26x64xf32, #tpu.memory_space<vmem>>, vector<16xf32>,
      tpu.vector_store %arg8[%swap3A_676, %swap3A_677, %swap3A_678], %get3A_673 {strides = array<i32>} : memref<17x26x64xf32, #tpu.memory_space<vmem>>, vector<16xf32>,
      %get3A_680 = arith.constant 10 : i32
      %get3A_681 = arith.constant 0 : i32
      %get3A_682 = arith.index_cast %get3A_680 : i32 to index
      %get3A_683 = arith.index_cast %get3A_681 : i32 to index
      %get3A_684 = arith.constant 32 : index
      %get3A_685 = tpu.vector_load %arg5[%get3A_682, %get3A_683, %get3A_684] {strides = array<i32>} : memref<26x2x64xf32, #tpu.memory_space<vmem>>, vector<16xf32>,
      %swap3A_686 = arith.constant 0 : i32
      %swap3A_687 = arith.constant 10 : i32
      %swap3A_688 = arith.index_cast %swap3A_686 : i32 to index
      %swap3A_689 = arith.index_cast %swap3A_687 : i32 to index
      %swap3A_690 = arith.constant 32 : index
      %swap3A_691 = tpu.vector_load %arg8[%swap3A_688, %swap3A_689, %swap3A_690] {strides = array<i32>} : memref<17x26x64xf32, #tpu.memory_space<vmem>>, vector<16xf32>,
      tpu.vector_store %arg8[%swap3A_688, %swap3A_689, %swap3A_690], %get3A_685 {strides = array<i32>} : memref<17x26x64xf32, #tpu.memory_space<vmem>>, vector<16xf32>,
      %get3A_692 = arith.constant 10 : i32
      %get3A_693 = arith.constant 0 : i32
      %get3A_694 = arith.index_cast %get3A_692 : i32 to index
      %get3A_695 = arith.index_cast %get3A_693 : i32 to index
      %get3A_696 = arith.constant 48 : index
      %get3A_697 = tpu.vector_load %arg5[%get3A_694, %get3A_695, %get3A_696] {strides = array<i32>} : memref<26x2x64xf32, #tpu.memory_space<vmem>>, vector<16xf32>,
      %swap3A_698 = arith.constant 0 : i32
      %swap3A_699 = arith.constant 10 : i32
      %swap3A_700 = arith.index_cast %swap3A_698 : i32 to index
      %swap3A_701 = arith.index_cast %swap3A_699 : i32 to index
      %swap3A_702 = arith.constant 48 : index
      %swap3A_703 = tpu.vector_load %arg8[%swap3A_700, %swap3A_701, %swap3A_702] {strides = array<i32>} : memref<17x26x64xf32, #tpu.memory_space<vmem>>, vector<16xf32>,
      tpu.vector_store %arg8[%swap3A_700, %swap3A_701, %swap3A_702], %get3A_697 {strides = array<i32>} : memref<17x26x64xf32, #tpu.memory_space<vmem>>, vector<16xf32>,
      %get3A_704 = arith.constant 11 : i32
      %get3A_705 = arith.constant 0 : i32
      %get3A_706 = arith.index_cast %get3A_704 : i32 to index
      %get3A_707 = arith.index_cast %get3A_705 : i32 to index
      %get3A_708 = arith.constant 0 : index
      %get3A_709 = tpu.vector_load %arg5[%get3A_706, %get3A_707, %get3A_708] {strides = array<i32>} : memref<26x2x64xf32, #tpu.memory_space<vmem>>, vector<16xf32>,
      %swap3A_710 = arith.constant 0 : i32
      %swap3A_711 = arith.constant 11 : i32
      %swap3A_712 = arith.index_cast %swap3A_710 : i32 to index
      %swap3A_713 = arith.index_cast %swap3A_711 : i32 to index
      %swap3A_714 = arith.constant 0 : index
      %swap3A_715 = tpu.vector_load %arg8[%swap3A_712, %swap3A_713, %swap3A_714] {strides = array<i32>} : memref<17x26x64xf32, #tpu.memory_space<vmem>>, vector<16xf32>,
      tpu.vector_store %arg8[%swap3A_712, %swap3A_713, %swap3A_714], %get3A_709 {strides = array<i32>} : memref<17x26x64xf32, #tpu.memory_space<vmem>>, vector<16xf32>,
      %get3A_716 = arith.constant 11 : i32
      %get3A_717 = arith.constant 0 : i32
      %get3A_718 = arith.index_cast %get3A_716 : i32 to index
      %get3A_719 = arith.index_cast %get3A_717 : i32 to index
      %get3A_720 = arith.constant 16 : index
      %get3A_721 = tpu.vector_load %arg5[%get3A_718, %get3A_719, %get3A_720] {strides = array<i32>} : memref<26x2x64xf32, #tpu.memory_space<vmem>>, vector<16xf32>,
      %swap3A_722 = arith.constant 0 : i32
      %swap3A_723 = arith.constant 11 : i32
      %swap3A_724 = arith.index_cast %swap3A_722 : i32 to index
      %swap3A_725 = arith.index_cast %swap3A_723 : i32 to index
      %swap3A_726 = arith.constant 16 : index
      %swap3A_727 = tpu.vector_load %arg8[%swap3A_724, %swap3A_725, %swap3A_726] {strides = array<i32>} : memref<17x26x64xf32, #tpu.memory_space<vmem>>, vector<16xf32>,
      tpu.vector_store %arg8[%swap3A_724, %swap3A_725, %swap3A_726], %get3A_721 {strides = array<i32>} : memref<17x26x64xf32, #tpu.memory_space<vmem>>, vector<16xf32>,
      %get3A_728 = arith.constant 11 : i32
      %get3A_729 = arith.constant 0 : i32
      %get3A_730 = arith.index_cast %get3A_728 : i32 to index
      %get3A_731 = arith.index_cast %get3A_729 : i32 to index
      %get3A_732 = arith.constant 32 : index
      %get3A_733 = tpu.vector_load %arg5[%get3A_730, %get3A_731, %get3A_732] {strides = array<i32>} : memref<26x2x64xf32, #tpu.memory_space<vmem>>, vector<16xf32>,
      %swap3A_734 = arith.constant 0 : i32
      %swap3A_735 = arith.constant 11 : i32
      %swap3A_736 = arith.index_cast %swap3A_734 : i32 to index
      %swap3A_737 = arith.index_cast %swap3A_735 : i32 to index
      %swap3A_738 = arith.constant 32 : index
      %swap3A_739 = tpu.vector_load %arg8[%swap3A_736, %swap3A_737, %swap3A_738] {strides = array<i32>} : memref<17x26x64xf32, #tpu.memory_space<vmem>>, vector<16xf32>,
      tpu.vector_store %arg8[%swap3A_736, %swap3A_737, %swap3A_738], %get3A_733 {strides = array<i32>} : memref<17x26x64xf32, #tpu.memory_space<vmem>>, vector<16xf32>,
      %get3A_740 = arith.constant 11 : i32
      %get3A_741 = arith.constant 0 : i32
      %get3A_742 = arith.index_cast %get3A_740 : i32 to index
      %get3A_743 = arith.index_cast %get3A_741 : i32 to index
      %get3A_744 = arith.constant 48 : index
      %get3A_745 = tpu.vector_load %arg5[%get3A_742, %get3A_743, %get3A_744] {strides = array<i32>} : memref<26x2x64xf32, #tpu.memory_space<vmem>>, vector<16xf32>,
      %swap3A_746 = arith.constant 0 : i32
      %swap3A_747 = arith.constant 11 : i32
      %swap3A_748 = arith.index_cast %swap3A_746 : i32 to index
      %swap3A_749 = arith.index_cast %swap3A_747 : i32 to index
      %swap3A_750 = arith.constant 48 : index
      %swap3A_751 = tpu.vector_load %arg8[%swap3A_748, %swap3A_749, %swap3A_750] {strides = array<i32>} : memref<17x26x64xf32, #tpu.memory_space<vmem>>, vector<16xf32>,
      tpu.vector_store %arg8[%swap3A_748, %swap3A_749, %swap3A_750], %get3A_745 {strides = array<i32>} : memref<17x26x64xf32, #tpu.memory_space<vmem>>, vector<16xf32>,
      %get3A_752 = arith.constant 12 : i32
      %get3A_753 = arith.constant 0 : i32
      %get3A_754 = arith.index_cast %get3A_752 : i32 to index
      %get3A_755 = arith.index_cast %get3A_753 : i32 to index
      %get3A_756 = arith.constant 0 : index
      %get3A_757 = tpu.vector_load %arg5[%get3A_754, %get3A_755, %get3A_756] {strides = array<i32>} : memref<26x2x64xf32, #tpu.memory_space<vmem>>, vector<16xf32>,
      %swap3A_758 = arith.constant 0 : i32
      %swap3A_759 = arith.constant 12 : i32
      %swap3A_760 = arith.index_cast %swap3A_758 : i32 to index
      %swap3A_761 = arith.index_cast %swap3A_759 : i32 to index
      %swap3A_762 = arith.constant 0 : index
      %swap3A_763 = tpu.vector_load %arg8[%swap3A_760, %swap3A_761, %swap3A_762] {strides = array<i32>} : memref<17x26x64xf32, #tpu.memory_space<vmem>>, vector<16xf32>,
      tpu.vector_store %arg8[%swap3A_760, %swap3A_761, %swap3A_762], %get3A_757 {strides = array<i32>} : memref<17x26x64xf32, #tpu.memory_space<vmem>>, vector<16xf32>,
      %get3A_764 = arith.constant 12 : i32
      %get3A_765 = arith.constant 0 : i32
      %get3A_766 = arith.index_cast %get3A_764 : i32 to index
      %get3A_767 = arith.index_cast %get3A_765 : i32 to index
      %get3A_768 = arith.constant 16 : index
      %get3A_769 = tpu.vector_load %arg5[%get3A_766, %get3A_767, %get3A_768] {strides = array<i32>} : memref<26x2x64xf32, #tpu.memory_space<vmem>>, vector<16xf32>,
      %swap3A_770 = arith.constant 0 : i32
      %swap3A_771 = arith.constant 12 : i32
      %swap3A_772 = arith.index_cast %swap3A_770 : i32 to index
      %swap3A_773 = arith.index_cast %swap3A_771 : i32 to index
      %swap3A_774 = arith.constant 16 : index
      %swap3A_775 = tpu.vector_load %arg8[%swap3A_772, %swap3A_773, %swap3A_774] {strides = array<i32>} : memref<17x26x64xf32, #tpu.memory_space<vmem>>, vector<16xf32>,
      tpu.vector_store %arg8[%swap3A_772, %swap3A_773, %swap3A_774], %get3A_769 {strides = array<i32>} : memref<17x26x64xf32, #tpu.memory_space<vmem>>, vector<16xf32>,
      %get3A_776 = arith.constant 12 : i32
      %get3A_777 = arith.constant 0 : i32
      %get3A_778 = arith.index_cast %get3A_776 : i32 to index
      %get3A_779 = arith.index_cast %get3A_777 : i32 to index
      %get3A_780 = arith.constant 32 : index
      %get3A_781 = tpu.vector_load %arg5[%get3A_778, %get3A_779, %get3A_780] {strides = array<i32>} : memref<26x2x64xf32, #tpu.memory_space<vmem>>, vector<16xf32>,
      %swap3A_782 = arith.constant 0 : i32
      %swap3A_783 = arith.constant 12 : i32
      %swap3A_784 = arith.index_cast %swap3A_782 : i32 to index
      %swap3A_785 = arith.index_cast %swap3A_783 : i32 to index
      %swap3A_786 = arith.constant 32 : index
      %swap3A_787 = tpu.vector_load %arg8[%swap3A_784, %swap3A_785, %swap3A_786] {strides = array<i32>} : memref<17x26x64xf32, #tpu.memory_space<vmem>>, vector<16xf32>,
      tpu.vector_store %arg8[%swap3A_784, %swap3A_785, %swap3A_786], %get3A_781 {strides = array<i32>} : memref<17x26x64xf32, #tpu.memory_space<vmem>>, vector<16xf32>,
      %get3A_788 = arith.constant 12 : i32
      %get3A_789 = arith.constant 0 : i32
      %get3A_790 = arith.index_cast %get3A_788 : i32 to index
      %get3A_791 = arith.index_cast %get3A_789 : i32 to index
      %get3A_792 = arith.constant 48 : index
      %get3A_793 = tpu.vector_load %arg5[%get3A_790, %get3A_791, %get3A_792] {strides = array<i32>} : memref<26x2x64xf32, #tpu.memory_space<vmem>>, vector<16xf32>,
      %swap3A_794 = arith.constant 0 : i32
      %swap3A_795 = arith.constant 12 : i32
      %swap3A_796 = arith.index_cast %swap3A_794 : i32 to index
      %swap3A_797 = arith.index_cast %swap3A_795 : i32 to index
      %swap3A_798 = arith.constant 48 : index
      %swap3A_799 = tpu.vector_load %arg8[%swap3A_796, %swap3A_797, %swap3A_798] {strides = array<i32>} : memref<17x26x64xf32, #tpu.memory_space<vmem>>, vector<16xf32>,
      tpu.vector_store %arg8[%swap3A_796, %swap3A_797, %swap3A_798], %get3A_793 {strides = array<i32>} : memref<17x26x64xf32, #tpu.memory_space<vmem>>, vector<16xf32>,
      %get3A_800 = arith.constant 13 : i32
      %get3A_801 = arith.constant 0 : i32
      %get3A_802 = arith.index_cast %get3A_800 : i32 to index
      %get3A_803 = arith.index_cast %get3A_801 : i32 to index
      %get3A_804 = arith.constant 0 : index
      %get3A_805 = tpu.vector_load %arg5[%get3A_802, %get3A_803, %get3A_804] {strides = array<i32>} : memref<26x2x64xf32, #tpu.memory_space<vmem>>, vector<16xf32>,
      %swap3A_806 = arith.constant 0 : i32
      %swap3A_807 = arith.constant 13 : i32
      %swap3A_808 = arith.index_cast %swap3A_806 : i32 to index
      %swap3A_809 = arith.index_cast %swap3A_807 : i32 to index
      %swap3A_810 = arith.constant 0 : index
      %swap3A_811 = tpu.vector_load %arg8[%swap3A_808, %swap3A_809, %swap3A_810] {strides = array<i32>} : memref<17x26x64xf32, #tpu.memory_space<vmem>>, vector<16xf32>,
      tpu.vector_store %arg8[%swap3A_808, %swap3A_809, %swap3A_810], %get3A_805 {strides = array<i32>} : memref<17x26x64xf32, #tpu.memory_space<vmem>>, vector<16xf32>,
      %get3A_812 = arith.constant 13 : i32
      %get3A_813 = arith.constant 0 : i32
      %get3A_814 = arith.index_cast %get3A_812 : i32 to index
      %get3A_815 = arith.index_cast %get3A_813 : i32 to index
      %get3A_816 = arith.constant 16 : index
      %get3A_817 = tpu.vector_load %arg5[%get3A_814, %get3A_815, %get3A_816] {strides = array<i32>} : memref<26x2x64xf32, #tpu.memory_space<vmem>>, vector<16xf32>,
      %swap3A_818 = arith.constant 0 : i32
      %swap3A_819 = arith.constant 13 : i32
      %swap3A_820 = arith.index_cast %swap3A_818 : i32 to index
      %swap3A_821 = arith.index_cast %swap3A_819 : i32 to index
      %swap3A_822 = arith.constant 16 : index
      %swap3A_823 = tpu.vector_load %arg8[%swap3A_820, %swap3A_821, %swap3A_822] {strides = array<i32>} : memref<17x26x64xf32, #tpu.memory_space<vmem>>, vector<16xf32>,
      tpu.vector_store %arg8[%swap3A_820, %swap3A_821, %swap3A_822], %get3A_817 {strides = array<i32>} : memref<17x26x64xf32, #tpu.memory_space<vmem>>, vector<16xf32>,
      %get3A_824 = arith.constant 13 : i32
      %get3A_825 = arith.constant 0 : i32
      %get3A_826 = arith.index_cast %get3A_824 : i32 to index
      %get3A_827 = arith.index_cast %get3A_825 : i32 to index
      %get3A_828 = arith.constant 32 : index
      %get3A_829 = tpu.vector_load %arg5[%get3A_826, %get3A_827, %get3A_828] {strides = array<i32>} : memref<26x2x64xf32, #tpu.memory_space<vmem>>, vector<16xf32>,
      %swap3A_830 = arith.constant 0 : i32
      %swap3A_831 = arith.constant 13 : i32
      %swap3A_832 = arith.index_cast %swap3A_830 : i32 to index
      %swap3A_833 = arith.index_cast %swap3A_831 : i32 to index
      %swap3A_834 = arith.constant 32 : index
      %swap3A_835 = tpu.vector_load %arg8[%swap3A_832, %swap3A_833, %swap3A_834] {strides = array<i32>} : memref<17x26x64xf32, #tpu.memory_space<vmem>>, vector<16xf32>,
      tpu.vector_store %arg8[%swap3A_832, %swap3A_833, %swap3A_834], %get3A_829 {strides = array<i32>} : memref<17x26x64xf32, #tpu.memory_space<vmem>>, vector<16xf32>,
      %get3A_836 = arith.constant 13 : i32
      %get3A_837 = arith.constant 0 : i32
      %get3A_838 = arith.index_cast %get3A_836 : i32 to index
      %get3A_839 = arith.index_cast %get3A_837 : i32 to index
      %get3A_840 = arith.constant 48 : index
      %get3A_841 = tpu.vector_load %arg5[%get3A_838, %get3A_839, %get3A_840] {strides = array<i32>} : memref<26x2x64xf32, #tpu.memory_space<vmem>>, vector<16xf32>,
      %swap3A_842 = arith.constant 0 : i32
      %swap3A_843 = arith.constant 13 : i32
      %swap3A_844 = arith.index_cast %swap3A_842 : i32 to index
      %swap3A_845 = arith.index_cast %swap3A_843 : i32 to index
      %swap3A_846 = arith.constant 48 : index
      %swap3A_847 = tpu.vector_load %arg8[%swap3A_844, %swap3A_845, %swap3A_846] {strides = array<i32>} : memref<17x26x64xf32, #tpu.memory_space<vmem>>, vector<16xf32>,
      tpu.vector_store %arg8[%swap3A_844, %swap3A_845, %swap3A_846], %get3A_841 {strides = array<i32>} : memref<17x26x64xf32, #tpu.memory_space<vmem>>, vector<16xf32>,
      %get3A_848 = arith.constant 14 : i32
      %get3A_849 = arith.constant 0 : i32
      %get3A_850 = arith.index_cast %get3A_848 : i32 to index
      %get3A_851 = arith.index_cast %get3A_849 : i32 to index
      %get3A_852 = arith.constant 0 : index
      %get3A_853 = tpu.vector_load %arg5[%get3A_850, %get3A_851, %get3A_852] {strides = array<i32>} : memref<26x2x64xf32, #tpu.memory_space<vmem>>, vector<16xf32>,
      %swap3A_854 = arith.constant 0 : i32
      %swap3A_855 = arith.constant 14 : i32
      %swap3A_856 = arith.index_cast %swap3A_854 : i32 to index
      %swap3A_857 = arith.index_cast %swap3A_855 : i32 to index
      %swap3A_858 = arith.constant 0 : index
      %swap3A_859 = tpu.vector_load %arg8[%swap3A_856, %swap3A_857, %swap3A_858] {strides = array<i32>} : memref<17x26x64xf32, #tpu.memory_space<vmem>>, vector<16xf32>,
      tpu.vector_store %arg8[%swap3A_856, %swap3A_857, %swap3A_858], %get3A_853 {strides = array<i32>} : memref<17x26x64xf32, #tpu.memory_space<vmem>>, vector<16xf32>,
      %get3A_860 = arith.constant 14 : i32
      %get3A_861 = arith.constant 0 : i32
      %get3A_862 = arith.index_cast %get3A_860 : i32 to index
      %get3A_863 = arith.index_cast %get3A_861 : i32 to index
      %get3A_864 = arith.constant 16 : index
      %get3A_865 = tpu.vector_load %arg5[%get3A_862, %get3A_863, %get3A_864] {strides = array<i32>} : memref<26x2x64xf32, #tpu.memory_space<vmem>>, vector<16xf32>,
      %swap3A_866 = arith.constant 0 : i32
      %swap3A_867 = arith.constant 14 : i32
      %swap3A_868 = arith.index_cast %swap3A_866 : i32 to index
      %swap3A_869 = arith.index_cast %swap3A_867 : i32 to index
      %swap3A_870 = arith.constant 16 : index
      %swap3A_871 = tpu.vector_load %arg8[%swap3A_868, %swap3A_869, %swap3A_870] {strides = array<i32>} : memref<17x26x64xf32, #tpu.memory_space<vmem>>, vector<16xf32>,
      tpu.vector_store %arg8[%swap3A_868, %swap3A_869, %swap3A_870], %get3A_865 {strides = array<i32>} : memref<17x26x64xf32, #tpu.memory_space<vmem>>, vector<16xf32>,
      %get3A_872 = arith.constant 14 : i32
      %get3A_873 = arith.constant 0 : i32
      %get3A_874 = arith.index_cast %get3A_872 : i32 to index
      %get3A_875 = arith.index_cast %get3A_873 : i32 to index
      %get3A_876 = arith.constant 32 : index
      %get3A_877 = tpu.vector_load %arg5[%get3A_874, %get3A_875, %get3A_876] {strides = array<i32>} : memref<26x2x64xf32, #tpu.memory_space<vmem>>, vector<16xf32>,
      %swap3A_878 = arith.constant 0 : i32
      %swap3A_879 = arith.constant 14 : i32
      %swap3A_880 = arith.index_cast %swap3A_878 : i32 to index
      %swap3A_881 = arith.index_cast %swap3A_879 : i32 to index
      %swap3A_882 = arith.constant 32 : index
      %swap3A_883 = tpu.vector_load %arg8[%swap3A_880, %swap3A_881, %swap3A_882] {strides = array<i32>} : memref<17x26x64xf32, #tpu.memory_space<vmem>>, vector<16xf32>,
      tpu.vector_store %arg8[%swap3A_880, %swap3A_881, %swap3A_882], %get3A_877 {strides = array<i32>} : memref<17x26x64xf32, #tpu.memory_space<vmem>>, vector<16xf32>,
      %get3A_884 = arith.constant 14 : i32
      %get3A_885 = arith.constant 0 : i32
      %get3A_886 = arith.index_cast %get3A_884 : i32 to index
      %get3A_887 = arith.index_cast %get3A_885 : i32 to index
      %get3A_888 = arith.constant 48 : index
      %get3A_889 = tpu.vector_load %arg5[%get3A_886, %get3A_887, %get3A_888] {strides = array<i32>} : memref<26x2x64xf32, #tpu.memory_space<vmem>>, vector<16xf32>,
      %swap3A_890 = arith.constant 0 : i32
      %swap3A_891 = arith.constant 14 : i32
      %swap3A_892 = arith.index_cast %swap3A_890 : i32 to index
      %swap3A_893 = arith.index_cast %swap3A_891 : i32 to index
      %swap3A_894 = arith.constant 48 : index
      %swap3A_895 = tpu.vector_load %arg8[%swap3A_892, %swap3A_893, %swap3A_894] {strides = array<i32>} : memref<17x26x64xf32, #tpu.memory_space<vmem>>, vector<16xf32>,
      tpu.vector_store %arg8[%swap3A_892, %swap3A_893, %swap3A_894], %get3A_889 {strides = array<i32>} : memref<17x26x64xf32, #tpu.memory_space<vmem>>, vector<16xf32>,
      %get3A_896 = arith.constant 15 : i32
      %get3A_897 = arith.constant 0 : i32
      %get3A_898 = arith.index_cast %get3A_896 : i32 to index
      %get3A_899 = arith.index_cast %get3A_897 : i32 to index
      %get3A_900 = arith.constant 0 : index
      %get3A_901 = tpu.vector_load %arg5[%get3A_898, %get3A_899, %get3A_900] {strides = array<i32>} : memref<26x2x64xf32, #tpu.memory_space<vmem>>, vector<16xf32>,
      %swap3A_902 = arith.constant 0 : i32
      %swap3A_903 = arith.constant 15 : i32
      %swap3A_904 = arith.index_cast %swap3A_902 : i32 to index
      %swap3A_905 = arith.index_cast %swap3A_903 : i32 to index
      %swap3A_906 = arith.constant 0 : index
      %swap3A_907 = tpu.vector_load %arg8[%swap3A_904, %swap3A_905, %swap3A_906] {strides = array<i32>} : memref<17x26x64xf32, #tpu.memory_space<vmem>>, vector<16xf32>,
      tpu.vector_store %arg8[%swap3A_904, %swap3A_905, %swap3A_906], %get3A_901 {strides = array<i32>} : memref<17x26x64xf32, #tpu.memory_space<vmem>>, vector<16xf32>,
      %get3A_908 = arith.constant 15 : i32
      %get3A_909 = arith.constant 0 : i32
      %get3A_910 = arith.index_cast %get3A_908 : i32 to index
      %get3A_911 = arith.index_cast %get3A_909 : i32 to index
      %get3A_912 = arith.constant 16 : index
      %get3A_913 = tpu.vector_load %arg5[%get3A_910, %get3A_911, %get3A_912] {strides = array<i32>} : memref<26x2x64xf32, #tpu.memory_space<vmem>>, vector<16xf32>,
      %swap3A_914 = arith.constant 0 : i32
      %swap3A_915 = arith.constant 15 : i32
      %swap3A_916 = arith.index_cast %swap3A_914 : i32 to index
      %swap3A_917 = arith.index_cast %swap3A_915 : i32 to index
      %swap3A_918 = arith.constant 16 : index
      %swap3A_919 = tpu.vector_load %arg8[%swap3A_916, %swap3A_917, %swap3A_918] {strides = array<i32>} : memref<17x26x64xf32, #tpu.memory_space<vmem>>, vector<16xf32>,
      tpu.vector_store %arg8[%swap3A_916, %swap3A_917, %swap3A_918], %get3A_913 {strides = array<i32>} : memref<17x26x64xf32, #tpu.memory_space<vmem>>, vector<16xf32>,
      %get3A_920 = arith.constant 15 : i32
      %get3A_921 = arith.constant 0 : i32
      %get3A_922 = arith.index_cast %get3A_920 : i32 to index
      %get3A_923 = arith.index_cast %get3A_921 : i32 to index
      %get3A_924 = arith.constant 32 : index
      %get3A_925 = tpu.vector_load %arg5[%get3A_922, %get3A_923, %get3A_924] {strides = array<i32>} : memref<26x2x64xf32, #tpu.memory_space<vmem>>, vector<16xf32>,
      %swap3A_926 = arith.constant 0 : i32
      %swap3A_927 = arith.constant 15 : i32
      %swap3A_928 = arith.index_cast %swap3A_926 : i32 to index
      %swap3A_929 = arith.index_cast %swap3A_927 : i32 to index
      %swap3A_930 = arith.constant 32 : index
      %swap3A_931 = tpu.vector_load %arg8[%swap3A_928, %swap3A_929, %swap3A_930] {strides = array<i32>} : memref<17x26x64xf32, #tpu.memory_space<vmem>>, vector<16xf32>,
      tpu.vector_store %arg8[%swap3A_928, %swap3A_929, %swap3A_930], %get3A_925 {strides = array<i32>} : memref<17x26x64xf32, #tpu.memory_space<vmem>>, vector<16xf32>,
      %get3A_932 = arith.constant 15 : i32
      %get3A_933 = arith.constant 0 : i32
      %get3A_934 = arith.index_cast %get3A_932 : i32 to index
      %get3A_935 = arith.index_cast %get3A_933 : i32 to index
      %get3A_936 = arith.constant 48 : index
      %get3A_937 = tpu.vector_load %arg5[%get3A_934, %get3A_935, %get3A_936] {strides = array<i32>} : memref<26x2x64xf32, #tpu.memory_space<vmem>>, vector<16xf32>,
      %swap3A_938 = arith.constant 0 : i32
      %swap3A_939 = arith.constant 15 : i32
      %swap3A_940 = arith.index_cast %swap3A_938 : i32 to index
      %swap3A_941 = arith.index_cast %swap3A_939 : i32 to index
      %swap3A_942 = arith.constant 48 : index
      %swap3A_943 = tpu.vector_load %arg8[%swap3A_940, %swap3A_941, %swap3A_942] {strides = array<i32>} : memref<17x26x64xf32, #tpu.memory_space<vmem>>, vector<16xf32>,
      tpu.vector_store %arg8[%swap3A_940, %swap3A_941, %swap3A_942], %get3A_937 {strides = array<i32>} : memref<17x26x64xf32, #tpu.memory_space<vmem>>, vector<16xf32>,
      %get3A_944 = arith.constant 16 : i32
      %get3A_945 = arith.constant 0 : i32
      %get3A_946 = arith.index_cast %get3A_944 : i32 to index
      %get3A_947 = arith.index_cast %get3A_945 : i32 to index
      %get3A_948 = arith.constant 0 : index
      %get3A_949 = tpu.vector_load %arg5[%get3A_946, %get3A_947, %get3A_948] {strides = array<i32>} : memref<26x2x64xf32, #tpu.memory_space<vmem>>, vector<16xf32>,
      %swap3A_950 = arith.constant 0 : i32
      %swap3A_951 = arith.constant 16 : i32
      %swap3A_952 = arith.index_cast %swap3A_950 : i32 to index
      %swap3A_953 = arith.index_cast %swap3A_951 : i32 to index
      %swap3A_954 = arith.constant 0 : index
      %swap3A_955 = tpu.vector_load %arg8[%swap3A_952, %swap3A_953, %swap3A_954] {strides = array<i32>} : memref<17x26x64xf32, #tpu.memory_space<vmem>>, vector<16xf32>,
      tpu.vector_store %arg8[%swap3A_952, %swap3A_953, %swap3A_954], %get3A_949 {strides = array<i32>} : memref<17x26x64xf32, #tpu.memory_space<vmem>>, vector<16xf32>,
      %get3A_956 = arith.constant 16 : i32
      %get3A_957 = arith.constant 0 : i32
      %get3A_958 = arith.index_cast %get3A_956 : i32 to index
      %get3A_959 = arith.index_cast %get3A_957 : i32 to index
      %get3A_960 = arith.constant 16 : index
      %get3A_961 = tpu.vector_load %arg5[%get3A_958, %get3A_959, %get3A_960] {strides = array<i32>} : memref<26x2x64xf32, #tpu.memory_space<vmem>>, vector<16xf32>,
      %swap3A_962 = arith.constant 0 : i32
      %swap3A_963 = arith.constant 16 : i32
      %swap3A_964 = arith.index_cast %swap3A_962 : i32 to index
      %swap3A_965 = arith.index_cast %swap3A_963 : i32 to index
      %swap3A_966 = arith.constant 16 : index
      %swap3A_967 = tpu.vector_load %arg8[%swap3A_964, %swap3A_965, %swap3A_966] {strides = array<i32>} : memref<17x26x64xf32, #tpu.memory_space<vmem>>, vector<16xf32>,
      tpu.vector_store %arg8[%swap3A_964, %swap3A_965, %swap3A_966], %get3A_961 {strides = array<i32>} : memref<17x26x64xf32, #tpu.memory_space<vmem>>, vector<16xf32>,
      %get3A_968 = arith.constant 16 : i32
      %get3A_969 = arith.constant 0 : i32
      %get3A_970 = arith.index_cast %get3A_968 : i32 to index
      %get3A_971 = arith.index_cast %get3A_969 : i32 to index
      %get3A_972 = arith.constant 32 : index
      %get3A_973 = tpu.vector_load %arg5[%get3A_970, %get3A_971, %get3A_972] {strides = array<i32>} : memref<26x2x64xf32, #tpu.memory_space<vmem>>, vector<16xf32>,
      %swap3A_974 = arith.constant 0 : i32
      %swap3A_975 = arith.constant 16 : i32
      %swap3A_976 = arith.index_cast %swap3A_974 : i32 to index
      %swap3A_977 = arith.index_cast %swap3A_975 : i32 to index
      %swap3A_978 = arith.constant 32 : index
      %swap3A_979 = tpu.vector_load %arg8[%swap3A_976, %swap3A_977, %swap3A_978] {strides = array<i32>} : memref<17x26x64xf32, #tpu.memory_space<vmem>>, vector<16xf32>,
      tpu.vector_store %arg8[%swap3A_976, %swap3A_977, %swap3A_978], %get3A_973 {strides = array<i32>} : memref<17x26x64xf32, #tpu.memory_space<vmem>>, vector<16xf32>,
      %get3A_980 = arith.constant 16 : i32
      %get3A_981 = arith.constant 0 : i32
      %get3A_982 = arith.index_cast %get3A_980 : i32 to index
      %get3A_983 = arith.index_cast %get3A_981 : i32 to index
      %get3A_984 = arith.constant 48 : index
      %get3A_985 = tpu.vector_load %arg5[%get3A_982, %get3A_983, %get3A_984] {strides = array<i32>} : memref<26x2x64xf32, #tpu.memory_space<vmem>>, vector<16xf32>,
      %swap3A_986 = arith.constant 0 : i32
      %swap3A_987 = arith.constant 16 : i32
      %swap3A_988 = arith.index_cast %swap3A_986 : i32 to index
      %swap3A_989 = arith.index_cast %swap3A_987 : i32 to index
      %swap3A_990 = arith.constant 48 : index
      %swap3A_991 = tpu.vector_load %arg8[%swap3A_988, %swap3A_989, %swap3A_990] {strides = array<i32>} : memref<17x26x64xf32, #tpu.memory_space<vmem>>, vector<16xf32>,
      tpu.vector_store %arg8[%swap3A_988, %swap3A_989, %swap3A_990], %get3A_985 {strides = array<i32>} : memref<17x26x64xf32, #tpu.memory_space<vmem>>, vector<16xf32>,
      %get3A_992 = arith.constant 17 : i32
      %get3A_993 = arith.constant 0 : i32
      %get3A_994 = arith.index_cast %get3A_992 : i32 to index
      %get3A_995 = arith.index_cast %get3A_993 : i32 to index
      %get3A_996 = arith.constant 0 : index
      %get3A_997 = tpu.vector_load %arg5[%get3A_994, %get3A_995, %get3A_996] {strides = array<i32>} : memref<26x2x64xf32, #tpu.memory_space<vmem>>, vector<16xf32>,
      %swap3A_998 = arith.constant 0 : i32
      %swap3A_999 = arith.constant 17 : i32
      %swap3A_1000 = arith.index_cast %swap3A_998 : i32 to index
      %swap3A_1001 = arith.index_cast %swap3A_999 : i32 to index
      %swap3A_1002 = arith.constant 0 : index
      %swap3A_1003 = tpu.vector_load %arg8[%swap3A_1000, %swap3A_1001, %swap3A_1002] {strides = array<i32>} : memref<17x26x64xf32, #tpu.memory_space<vmem>>, vector<16xf32>,
      tpu.vector_store %arg8[%swap3A_1000, %swap3A_1001, %swap3A_1002], %get3A_997 {strides = array<i32>} : memref<17x26x64xf32, #tpu.memory_space<vmem>>, vector<16xf32>,
      %get3A_1004 = arith.constant 17 : i32
      %get3A_1005 = arith.constant 0 : i32
      %get3A_1006 = arith.index_cast %get3A_1004 : i32 to index
      %get3A_1007 = arith.index_cast %get3A_1005 : i32 to index
      %get3A_1008 = arith.constant 16 : index
      %get3A_1009 = tpu.vector_load %arg5[%get3A_1006, %get3A_1007, %get3A_1008] {strides = array<i32>} : memref<26x2x64xf32, #tpu.memory_space<vmem>>, vector<16xf32>,
      %swap3A_1010 = arith.constant 0 : i32
      %swap3A_1011 = arith.constant 17 : i32
      %swap3A_1012 = arith.index_cast %swap3A_1010 : i32 to index
      %swap3A_1013 = arith.index_cast %swap3A_1011 : i32 to index
      %swap3A_1014 = arith.constant 16 : index
      %swap3A_1015 = tpu.vector_load %arg8[%swap3A_1012, %swap3A_1013, %swap3A_1014] {strides = array<i32>} : memref<17x26x64xf32, #tpu.memory_space<vmem>>, vector<16xf32>,
      tpu.vector_store %arg8[%swap3A_1012, %swap3A_1013, %swap3A_1014], %get3A_1009 {strides = array<i32>} : memref<17x26x64xf32, #tpu.memory_space<vmem>>, vector<16xf32>,
      %get3A_1016 = arith.constant 17 : i32
      %get3A_1017 = arith.constant 0 : i32
      %get3A_1018 = arith.index_cast %get3A_1016 : i32 to index
      %get3A_1019 = arith.index_cast %get3A_1017 : i32 to index
      %get3A_1020 = arith.constant 32 : index
      %get3A_1021 = tpu.vector_load %arg5[%get3A_1018, %get3A_1019, %get3A_1020] {strides = array<i32>} : memref<26x2x64xf32, #tpu.memory_space<vmem>>, vector<16xf32>,
      %swap3A_1022 = arith.constant 0 : i32
      %swap3A_1023 = arith.constant 17 : i32
      %swap3A_1024 = arith.index_cast %swap3A_1022 : i32 to index
      %swap3A_1025 = arith.index_cast %swap3A_1023 : i32 to index
      %swap3A_1026 = arith.constant 32 : index
      %swap3A_1027 = tpu.vector_load %arg8[%swap3A_1024, %swap3A_1025, %swap3A_1026] {strides = array<i32>} : memref<17x26x64xf32, #tpu.memory_space<vmem>>, vector<16xf32>,
      tpu.vector_store %arg8[%swap3A_1024, %swap3A_1025, %swap3A_1026], %get3A_1021 {strides = array<i32>} : memref<17x26x64xf32, #tpu.memory_space<vmem>>, vector<16xf32>,
      %get3A_1028 = arith.constant 17 : i32
      %get3A_1029 = arith.constant 0 : i32
      %get3A_1030 = arith.index_cast %get3A_1028 : i32 to index
      %get3A_1031 = arith.index_cast %get3A_1029 : i32 to index
      %get3A_1032 = arith.constant 48 : index
      %get3A_1033 = tpu.vector_load %arg5[%get3A_1030, %get3A_1031, %get3A_1032] {strides = array<i32>} : memref<26x2x64xf32, #tpu.memory_space<vmem>>, vector<16xf32>,
      %swap3A_1034 = arith.constant 0 : i32
      %swap3A_1035 = arith.constant 17 : i32
      %swap3A_1036 = arith.index_cast %swap3A_1034 : i32 to index
      %swap3A_1037 = arith.index_cast %swap3A_1035 : i32 to index
      %swap3A_1038 = arith.constant 48 : index
      %swap3A_1039 = tpu.vector_load %arg8[%swap3A_1036, %swap3A_1037, %swap3A_1038] {strides = array<i32>} : memref<17x26x64xf32, #tpu.memory_space<vmem>>, vector<16xf32>,
      tpu.vector_store %arg8[%swap3A_1036, %swap3A_1037, %swap3A_1038], %get3A_1033 {strides = array<i32>} : memref<17x26x64xf32, #tpu.memory_space<vmem>>, vector<16xf32>,
      %get3A_1040 = arith.constant 18 : i32
      %get3A_1041 = arith.constant 0 : i32
      %get3A_1042 = arith.index_cast %get3A_1040 : i32 to index
      %get3A_1043 = arith.index_cast %get3A_1041 : i32 to index
      %get3A_1044 = arith.constant 0 : index
      %get3A_1045 = tpu.vector_load %arg5[%get3A_1042, %get3A_1043, %get3A_1044] {strides = array<i32>} : memref<26x2x64xf32, #tpu.memory_space<vmem>>, vector<16xf32>,
      %swap3A_1046 = arith.constant 0 : i32
      %swap3A_1047 = arith.constant 18 : i32
      %swap3A_1048 = arith.index_cast %swap3A_1046 : i32 to index
      %swap3A_1049 = arith.index_cast %swap3A_1047 : i32 to index
      %swap3A_1050 = arith.constant 0 : index
      %swap3A_1051 = tpu.vector_load %arg8[%swap3A_1048, %swap3A_1049, %swap3A_1050] {strides = array<i32>} : memref<17x26x64xf32, #tpu.memory_space<vmem>>, vector<16xf32>,
      tpu.vector_store %arg8[%swap3A_1048, %swap3A_1049, %swap3A_1050], %get3A_1045 {strides = array<i32>} : memref<17x26x64xf32, #tpu.memory_space<vmem>>, vector<16xf32>,
      %get3A_1052 = arith.constant 18 : i32
      %get3A_1053 = arith.constant 0 : i32
      %get3A_1054 = arith.index_cast %get3A_1052 : i32 to index
      %get3A_1055 = arith.index_cast %get3A_1053 : i32 to index
      %get3A_1056 = arith.constant 16 : index
      %get3A_1057 = tpu.vector_load %arg5[%get3A_1054, %get3A_1055, %get3A_1056] {strides = array<i32>} : memref<26x2x64xf32, #tpu.memory_space<vmem>>, vector<16xf32>,
      %swap3A_1058 = arith.constant 0 : i32
      %swap3A_1059 = arith.constant 18 : i32
      %swap3A_1060 = arith.index_cast %swap3A_1058 : i32 to index
      %swap3A_1061 = arith.index_cast %swap3A_1059 : i32 to index
      %swap3A_1062 = arith.constant 16 : index
      %swap3A_1063 = tpu.vector_load %arg8[%swap3A_1060, %swap3A_1061, %swap3A_1062] {strides = array<i32>} : memref<17x26x64xf32, #tpu.memory_space<vmem>>, vector<16xf32>,
      tpu.vector_store %arg8[%swap3A_1060, %swap3A_1061, %swap3A_1062], %get3A_1057 {strides = array<i32>} : memref<17x26x64xf32, #tpu.memory_space<vmem>>, vector<16xf32>,
      %get3A_1064 = arith.constant 18 : i32
      %get3A_1065 = arith.constant 0 : i32
      %get3A_1066 = arith.index_cast %get3A_1064 : i32 to index
      %get3A_1067 = arith.index_cast %get3A_1065 : i32 to index
      %get3A_1068 = arith.constant 32 : index
      %get3A_1069 = tpu.vector_load %arg5[%get3A_1066, %get3A_1067, %get3A_1068] {strides = array<i32>} : memref<26x2x64xf32, #tpu.memory_space<vmem>>, vector<16xf32>,
      %swap3A_1070 = arith.constant 0 : i32
      %swap3A_1071 = arith.constant 18 : i32
      %swap3A_1072 = arith.index_cast %swap3A_1070 : i32 to index
      %swap3A_1073 = arith.index_cast %swap3A_1071 : i32 to index
      %swap3A_1074 = arith.constant 32 : index
      %swap3A_1075 = tpu.vector_load %arg8[%swap3A_1072, %swap3A_1073, %swap3A_1074] {strides = array<i32>} : memref<17x26x64xf32, #tpu.memory_space<vmem>>, vector<16xf32>,
      tpu.vector_store %arg8[%swap3A_1072, %swap3A_1073, %swap3A_1074], %get3A_1069 {strides = array<i32>} : memref<17x26x64xf32, #tpu.memory_space<vmem>>, vector<16xf32>,
      %get3A_1076 = arith.constant 18 : i32
      %get3A_1077 = arith.constant 0 : i32
      %get3A_1078 = arith.index_cast %get3A_1076 : i32 to index
      %get3A_1079 = arith.index_cast %get3A_1077 : i32 to index
      %get3A_1080 = arith.constant 48 : index
      %get3A_1081 = tpu.vector_load %arg5[%get3A_1078, %get3A_1079, %get3A_1080] {strides = array<i32>} : memref<26x2x64xf32, #tpu.memory_space<vmem>>, vector<16xf32>,
      %swap3A_1082 = arith.constant 0 : i32
      %swap3A_1083 = arith.constant 18 : i32
      %swap3A_1084 = arith.index_cast %swap3A_1082 : i32 to index
      %swap3A_1085 = arith.index_cast %swap3A_1083 : i32 to index
      %swap3A_1086 = arith.constant 48 : index
      %swap3A_1087 = tpu.vector_load %arg8[%swap3A_1084, %swap3A_1085, %swap3A_1086] {strides = array<i32>} : memref<17x26x64xf32, #tpu.memory_space<vmem>>, vector<16xf32>,
      tpu.vector_store %arg8[%swap3A_1084, %swap3A_1085, %swap3A_1086], %get3A_1081 {strides = array<i32>} : memref<17x26x64xf32, #tpu.memory_space<vmem>>, vector<16xf32>,
      %get3A_1088 = arith.constant 19 : i32
      %get3A_1089 = arith.constant 0 : i32
      %get3A_1090 = arith.index_cast %get3A_1088 : i32 to index
      %get3A_1091 = arith.index_cast %get3A_1089 : i32 to index
      %get3A_1092 = arith.constant 0 : index
      %get3A_1093 = tpu.vector_load %arg5[%get3A_1090, %get3A_1091, %get3A_1092] {strides = array<i32>} : memref<26x2x64xf32, #tpu.memory_space<vmem>>, vector<16xf32>,
      %swap3A_1094 = arith.constant 0 : i32
      %swap3A_1095 = arith.constant 19 : i32
      %swap3A_1096 = arith.index_cast %swap3A_1094 : i32 to index
      %swap3A_1097 = arith.index_cast %swap3A_1095 : i32 to index
      %swap3A_1098 = arith.constant 0 : index
      %swap3A_1099 = tpu.vector_load %arg8[%swap3A_1096, %swap3A_1097, %swap3A_1098] {strides = array<i32>} : memref<17x26x64xf32, #tpu.memory_space<vmem>>, vector<16xf32>,
      tpu.vector_store %arg8[%swap3A_1096, %swap3A_1097, %swap3A_1098], %get3A_1093 {strides = array<i32>} : memref<17x26x64xf32, #tpu.memory_space<vmem>>, vector<16xf32>,
      %get3A_1100 = arith.constant 19 : i32
      %get3A_1101 = arith.constant 0 : i32
      %get3A_1102 = arith.index_cast %get3A_1100 : i32 to index
      %get3A_1103 = arith.index_cast %get3A_1101 : i32 to index
      %get3A_1104 = arith.constant 16 : index
      %get3A_1105 = tpu.vector_load %arg5[%get3A_1102, %get3A_1103, %get3A_1104] {strides = array<i32>} : memref<26x2x64xf32, #tpu.memory_space<vmem>>, vector<16xf32>,
      %swap3A_1106 = arith.constant 0 : i32
      %swap3A_1107 = arith.constant 19 : i32
      %swap3A_1108 = arith.index_cast %swap3A_1106 : i32 to index
      %swap3A_1109 = arith.index_cast %swap3A_1107 : i32 to index
      %swap3A_1110 = arith.constant 16 : index
      %swap3A_1111 = tpu.vector_load %arg8[%swap3A_1108, %swap3A_1109, %swap3A_1110] {strides = array<i32>} : memref<17x26x64xf32, #tpu.memory_space<vmem>>, vector<16xf32>,
      tpu.vector_store %arg8[%swap3A_1108, %swap3A_1109, %swap3A_1110], %get3A_1105 {strides = array<i32>} : memref<17x26x64xf32, #tpu.memory_space<vmem>>, vector<16xf32>,
      %get3A_1112 = arith.constant 19 : i32
      %get3A_1113 = arith.constant 0 : i32
      %get3A_1114 = arith.index_cast %get3A_1112 : i32 to index
      %get3A_1115 = arith.index_cast %get3A_1113 : i32 to index
      %get3A_1116 = arith.constant 32 : index
      %get3A_1117 = tpu.vector_load %arg5[%get3A_1114, %get3A_1115, %get3A_1116] {strides = array<i32>} : memref<26x2x64xf32, #tpu.memory_space<vmem>>, vector<16xf32>,
      %swap3A_1118 = arith.constant 0 : i32
      %swap3A_1119 = arith.constant 19 : i32
      %swap3A_1120 = arith.index_cast %swap3A_1118 : i32 to index
      %swap3A_1121 = arith.index_cast %swap3A_1119 : i32 to index
      %swap3A_1122 = arith.constant 32 : index
      %swap3A_1123 = tpu.vector_load %arg8[%swap3A_1120, %swap3A_1121, %swap3A_1122] {strides = array<i32>} : memref<17x26x64xf32, #tpu.memory_space<vmem>>, vector<16xf32>,
      tpu.vector_store %arg8[%swap3A_1120, %swap3A_1121, %swap3A_1122], %get3A_1117 {strides = array<i32>} : memref<17x26x64xf32, #tpu.memory_space<vmem>>, vector<16xf32>,
      %get3A_1124 = arith.constant 19 : i32
      %get3A_1125 = arith.constant 0 : i32
      %get3A_1126 = arith.index_cast %get3A_1124 : i32 to index
      %get3A_1127 = arith.index_cast %get3A_1125 : i32 to index
      %get3A_1128 = arith.constant 48 : index
      %get3A_1129 = tpu.vector_load %arg5[%get3A_1126, %get3A_1127, %get3A_1128] {strides = array<i32>} : memref<26x2x64xf32, #tpu.memory_space<vmem>>, vector<16xf32>,
      %swap3A_1130 = arith.constant 0 : i32
      %swap3A_1131 = arith.constant 19 : i32
      %swap3A_1132 = arith.index_cast %swap3A_1130 : i32 to index
      %swap3A_1133 = arith.index_cast %swap3A_1131 : i32 to index
      %swap3A_1134 = arith.constant 48 : index
      %swap3A_1135 = tpu.vector_load %arg8[%swap3A_1132, %swap3A_1133, %swap3A_1134] {strides = array<i32>} : memref<17x26x64xf32, #tpu.memory_space<vmem>>, vector<16xf32>,
      tpu.vector_store %arg8[%swap3A_1132, %swap3A_1133, %swap3A_1134], %get3A_1129 {strides = array<i32>} : memref<17x26x64xf32, #tpu.memory_space<vmem>>, vector<16xf32>,
      %get3A_1136 = arith.constant 20 : i32
      %get3A_1137 = arith.constant 0 : i32
      %get3A_1138 = arith.index_cast %get3A_1136 : i32 to index
      %get3A_1139 = arith.index_cast %get3A_1137 : i32 to index
      %get3A_1140 = arith.constant 0 : index
      %get3A_1141 = tpu.vector_load %arg5[%get3A_1138, %get3A_1139, %get3A_1140] {strides = array<i32>} : memref<26x2x64xf32, #tpu.memory_space<vmem>>, vector<16xf32>,
      %swap3A_1142 = arith.constant 0 : i32
      %swap3A_1143 = arith.constant 20 : i32
      %swap3A_1144 = arith.index_cast %swap3A_1142 : i32 to index
      %swap3A_1145 = arith.index_cast %swap3A_1143 : i32 to index
      %swap3A_1146 = arith.constant 0 : index
      %swap3A_1147 = tpu.vector_load %arg8[%swap3A_1144, %swap3A_1145, %swap3A_1146] {strides = array<i32>} : memref<17x26x64xf32, #tpu.memory_space<vmem>>, vector<16xf32>,
      tpu.vector_store %arg8[%swap3A_1144, %swap3A_1145, %swap3A_1146], %get3A_1141 {strides = array<i32>} : memref<17x26x64xf32, #tpu.memory_space<vmem>>, vector<16xf32>,
      %get3A_1148 = arith.constant 20 : i32
      %get3A_1149 = arith.constant 0 : i32
      %get3A_1150 = arith.index_cast %get3A_1148 : i32 to index
      %get3A_1151 = arith.index_cast %get3A_1149 : i32 to index
      %get3A_1152 = arith.constant 16 : index
      %get3A_1153 = tpu.vector_load %arg5[%get3A_1150, %get3A_1151, %get3A_1152] {strides = array<i32>} : memref<26x2x64xf32, #tpu.memory_space<vmem>>, vector<16xf32>,
      %swap3A_1154 = arith.constant 0 : i32
      %swap3A_1155 = arith.constant 20 : i32
      %swap3A_1156 = arith.index_cast %swap3A_1154 : i32 to index
      %swap3A_1157 = arith.index_cast %swap3A_1155 : i32 to index
      %swap3A_1158 = arith.constant 16 : index
      %swap3A_1159 = tpu.vector_load %arg8[%swap3A_1156, %swap3A_1157, %swap3A_1158] {strides = array<i32>} : memref<17x26x64xf32, #tpu.memory_space<vmem>>, vector<16xf32>,
      tpu.vector_store %arg8[%swap3A_1156, %swap3A_1157, %swap3A_1158], %get3A_1153 {strides = array<i32>} : memref<17x26x64xf32, #tpu.memory_space<vmem>>, vector<16xf32>,
      %get3A_1160 = arith.constant 20 : i32
      %get3A_1161 = arith.constant 0 : i32
      %get3A_1162 = arith.index_cast %get3A_1160 : i32 to index
      %get3A_1163 = arith.index_cast %get3A_1161 : i32 to index
      %get3A_1164 = arith.constant 32 : index
      %get3A_1165 = tpu.vector_load %arg5[%get3A_1162, %get3A_1163, %get3A_1164] {strides = array<i32>} : memref<26x2x64xf32, #tpu.memory_space<vmem>>, vector<16xf32>,
      %swap3A_1166 = arith.constant 0 : i32
      %swap3A_1167 = arith.constant 20 : i32
      %swap3A_1168 = arith.index_cast %swap3A_1166 : i32 to index
      %swap3A_1169 = arith.index_cast %swap3A_1167 : i32 to index
      %swap3A_1170 = arith.constant 32 : index
      %swap3A_1171 = tpu.vector_load %arg8[%swap3A_1168, %swap3A_1169, %swap3A_1170] {strides = array<i32>} : memref<17x26x64xf32, #tpu.memory_space<vmem>>, vector<16xf32>,
      tpu.vector_store %arg8[%swap3A_1168, %swap3A_1169, %swap3A_1170], %get3A_1165 {strides = array<i32>} : memref<17x26x64xf32, #tpu.memory_space<vmem>>, vector<16xf32>,
      %get3A_1172 = arith.constant 20 : i32
      %get3A_1173 = arith.constant 0 : i32
      %get3A_1174 = arith.index_cast %get3A_1172 : i32 to index
      %get3A_1175 = arith.index_cast %get3A_1173 : i32 to index
      %get3A_1176 = arith.constant 48 : index
      %get3A_1177 = tpu.vector_load %arg5[%get3A_1174, %get3A_1175, %get3A_1176] {strides = array<i32>} : memref<26x2x64xf32, #tpu.memory_space<vmem>>, vector<16xf32>,
      %swap3A_1178 = arith.constant 0 : i32
      %swap3A_1179 = arith.constant 20 : i32
      %swap3A_1180 = arith.index_cast %swap3A_1178 : i32 to index
      %swap3A_1181 = arith.index_cast %swap3A_1179 : i32 to index
      %swap3A_1182 = arith.constant 48 : index
      %swap3A_1183 = tpu.vector_load %arg8[%swap3A_1180, %swap3A_1181, %swap3A_1182] {strides = array<i32>} : memref<17x26x64xf32, #tpu.memory_space<vmem>>, vector<16xf32>,
      tpu.vector_store %arg8[%swap3A_1180, %swap3A_1181, %swap3A_1182], %get3A_1177 {strides = array<i32>} : memref<17x26x64xf32, #tpu.memory_space<vmem>>, vector<16xf32>,
      %get3A_1184 = arith.constant 21 : i32
      %get3A_1185 = arith.constant 0 : i32
      %get3A_1186 = arith.index_cast %get3A_1184 : i32 to index
      %get3A_1187 = arith.index_cast %get3A_1185 : i32 to index
      %get3A_1188 = arith.constant 0 : index
      %get3A_1189 = tpu.vector_load %arg5[%get3A_1186, %get3A_1187, %get3A_1188] {strides = array<i32>} : memref<26x2x64xf32, #tpu.memory_space<vmem>>, vector<16xf32>,
      %swap3A_1190 = arith.constant 0 : i32
      %swap3A_1191 = arith.constant 21 : i32
      %swap3A_1192 = arith.index_cast %swap3A_1190 : i32 to index
      %swap3A_1193 = arith.index_cast %swap3A_1191 : i32 to index
      %swap3A_1194 = arith.constant 0 : index
      %swap3A_1195 = tpu.vector_load %arg8[%swap3A_1192, %swap3A_1193, %swap3A_1194] {strides = array<i32>} : memref<17x26x64xf32, #tpu.memory_space<vmem>>, vector<16xf32>,
      tpu.vector_store %arg8[%swap3A_1192, %swap3A_1193, %swap3A_1194], %get3A_1189 {strides = array<i32>} : memref<17x26x64xf32, #tpu.memory_space<vmem>>, vector<16xf32>,
      %get3A_1196 = arith.constant 21 : i32
      %get3A_1197 = arith.constant 0 : i32
      %get3A_1198 = arith.index_cast %get3A_1196 : i32 to index
      %get3A_1199 = arith.index_cast %get3A_1197 : i32 to index
      %get3A_1200 = arith.constant 16 : index
      %get3A_1201 = tpu.vector_load %arg5[%get3A_1198, %get3A_1199, %get3A_1200] {strides = array<i32>} : memref<26x2x64xf32, #tpu.memory_space<vmem>>, vector<16xf32>,
      %swap3A_1202 = arith.constant 0 : i32
      %swap3A_1203 = arith.constant 21 : i32
      %swap3A_1204 = arith.index_cast %swap3A_1202 : i32 to index
      %swap3A_1205 = arith.index_cast %swap3A_1203 : i32 to index
      %swap3A_1206 = arith.constant 16 : index
      %swap3A_1207 = tpu.vector_load %arg8[%swap3A_1204, %swap3A_1205, %swap3A_1206] {strides = array<i32>} : memref<17x26x64xf32, #tpu.memory_space<vmem>>, vector<16xf32>,
      tpu.vector_store %arg8[%swap3A_1204, %swap3A_1205, %swap3A_1206], %get3A_1201 {strides = array<i32>} : memref<17x26x64xf32, #tpu.memory_space<vmem>>, vector<16xf32>,
      %get3A_1208 = arith.constant 21 : i32
      %get3A_1209 = arith.constant 0 : i32
      %get3A_1210 = arith.index_cast %get3A_1208 : i32 to index
      %get3A_1211 = arith.index_cast %get3A_1209 : i32 to index
      %get3A_1212 = arith.constant 32 : index
      %get3A_1213 = tpu.vector_load %arg5[%get3A_1210, %get3A_1211, %get3A_1212] {strides = array<i32>} : memref<26x2x64xf32, #tpu.memory_space<vmem>>, vector<16xf32>,
      %swap3A_1214 = arith.constant 0 : i32
      %swap3A_1215 = arith.constant 21 : i32
      %swap3A_1216 = arith.index_cast %swap3A_1214 : i32 to index
      %swap3A_1217 = arith.index_cast %swap3A_1215 : i32 to index
      %swap3A_1218 = arith.constant 32 : index
      %swap3A_1219 = tpu.vector_load %arg8[%swap3A_1216, %swap3A_1217, %swap3A_1218] {strides = array<i32>} : memref<17x26x64xf32, #tpu.memory_space<vmem>>, vector<16xf32>,
      tpu.vector_store %arg8[%swap3A_1216, %swap3A_1217, %swap3A_1218], %get3A_1213 {strides = array<i32>} : memref<17x26x64xf32, #tpu.memory_space<vmem>>, vector<16xf32>,
      %get3A_1220 = arith.constant 21 : i32
      %get3A_1221 = arith.constant 0 : i32
      %get3A_1222 = arith.index_cast %get3A_1220 : i32 to index
      %get3A_1223 = arith.index_cast %get3A_1221 : i32 to index
      %get3A_1224 = arith.constant 48 : index
      %get3A_1225 = tpu.vector_load %arg5[%get3A_1222, %get3A_1223, %get3A_1224] {strides = array<i32>} : memref<26x2x64xf32, #tpu.memory_space<vmem>>, vector<16xf32>,
      %swap3A_1226 = arith.constant 0 : i32
      %swap3A_1227 = arith.constant 21 : i32
      %swap3A_1228 = arith.index_cast %swap3A_1226 : i32 to index
      %swap3A_1229 = arith.index_cast %swap3A_1227 : i32 to index
      %swap3A_1230 = arith.constant 48 : index
      %swap3A_1231 = tpu.vector_load %arg8[%swap3A_1228, %swap3A_1229, %swap3A_1230] {strides = array<i32>} : memref<17x26x64xf32, #tpu.memory_space<vmem>>, vector<16xf32>,
      tpu.vector_store %arg8[%swap3A_1228, %swap3A_1229, %swap3A_1230], %get3A_1225 {strides = array<i32>} : memref<17x26x64xf32, #tpu.memory_space<vmem>>, vector<16xf32>,
      %get3A_1232 = arith.constant 22 : i32
      %get3A_1233 = arith.constant 0 : i32
      %get3A_1234 = arith.index_cast %get3A_1232 : i32 to index
      %get3A_1235 = arith.index_cast %get3A_1233 : i32 to index
      %get3A_1236 = arith.constant 0 : index
      %get3A_1237 = tpu.vector_load %arg5[%get3A_1234, %get3A_1235, %get3A_1236] {strides = array<i32>} : memref<26x2x64xf32, #tpu.memory_space<vmem>>, vector<16xf32>,
      %swap3A_1238 = arith.constant 0 : i32
      %swap3A_1239 = arith.constant 22 : i32
      %swap3A_1240 = arith.index_cast %swap3A_1238 : i32 to index
      %swap3A_1241 = arith.index_cast %swap3A_1239 : i32 to index
      %swap3A_1242 = arith.constant 0 : index
      %swap3A_1243 = tpu.vector_load %arg8[%swap3A_1240, %swap3A_1241, %swap3A_1242] {strides = array<i32>} : memref<17x26x64xf32, #tpu.memory_space<vmem>>, vector<16xf32>,
      tpu.vector_store %arg8[%swap3A_1240, %swap3A_1241, %swap3A_1242], %get3A_1237 {strides = array<i32>} : memref<17x26x64xf32, #tpu.memory_space<vmem>>, vector<16xf32>,
      %get3A_1244 = arith.constant 22 : i32
      %get3A_1245 = arith.constant 0 : i32
      %get3A_1246 = arith.index_cast %get3A_1244 : i32 to index
      %get3A_1247 = arith.index_cast %get3A_1245 : i32 to index
      %get3A_1248 = arith.constant 16 : index
      %get3A_1249 = tpu.vector_load %arg5[%get3A_1246, %get3A_1247, %get3A_1248] {strides = array<i32>} : memref<26x2x64xf32, #tpu.memory_space<vmem>>, vector<16xf32>,
      %swap3A_1250 = arith.constant 0 : i32
      %swap3A_1251 = arith.constant 22 : i32
      %swap3A_1252 = arith.index_cast %swap3A_1250 : i32 to index
      %swap3A_1253 = arith.index_cast %swap3A_1251 : i32 to index
      %swap3A_1254 = arith.constant 16 : index
      %swap3A_1255 = tpu.vector_load %arg8[%swap3A_1252, %swap3A_1253, %swap3A_1254] {strides = array<i32>} : memref<17x26x64xf32, #tpu.memory_space<vmem>>, vector<16xf32>,
      tpu.vector_store %arg8[%swap3A_1252, %swap3A_1253, %swap3A_1254], %get3A_1249 {strides = array<i32>} : memref<17x26x64xf32, #tpu.memory_space<vmem>>, vector<16xf32>,
      %get3A_1256 = arith.constant 22 : i32
      %get3A_1257 = arith.constant 0 : i32
      %get3A_1258 = arith.index_cast %get3A_1256 : i32 to index
      %get3A_1259 = arith.index_cast %get3A_1257 : i32 to index
      %get3A_1260 = arith.constant 32 : index
      %get3A_1261 = tpu.vector_load %arg5[%get3A_1258, %get3A_1259, %get3A_1260] {strides = array<i32>} : memref<26x2x64xf32, #tpu.memory_space<vmem>>, vector<16xf32>,
      %swap3A_1262 = arith.constant 0 : i32
      %swap3A_1263 = arith.constant 22 : i32
      %swap3A_1264 = arith.index_cast %swap3A_1262 : i32 to index
      %swap3A_1265 = arith.index_cast %swap3A_1263 : i32 to index
      %swap3A_1266 = arith.constant 32 : index
      %swap3A_1267 = tpu.vector_load %arg8[%swap3A_1264, %swap3A_1265, %swap3A_1266] {strides = array<i32>} : memref<17x26x64xf32, #tpu.memory_space<vmem>>, vector<16xf32>,
      tpu.vector_store %arg8[%swap3A_1264, %swap3A_1265, %swap3A_1266], %get3A_1261 {strides = array<i32>} : memref<17x26x64xf32, #tpu.memory_space<vmem>>, vector<16xf32>,
      %get3A_1268 = arith.constant 22 : i32
      %get3A_1269 = arith.constant 0 : i32
      %get3A_1270 = arith.index_cast %get3A_1268 : i32 to index
      %get3A_1271 = arith.index_cast %get3A_1269 : i32 to index
      %get3A_1272 = arith.constant 48 : index
      %get3A_1273 = tpu.vector_load %arg5[%get3A_1270, %get3A_1271, %get3A_1272] {strides = array<i32>} : memref<26x2x64xf32, #tpu.memory_space<vmem>>, vector<16xf32>,
      %swap3A_1274 = arith.constant 0 : i32
      %swap3A_1275 = arith.constant 22 : i32
      %swap3A_1276 = arith.index_cast %swap3A_1274 : i32 to index
      %swap3A_1277 = arith.index_cast %swap3A_1275 : i32 to index
      %swap3A_1278 = arith.constant 48 : index
      %swap3A_1279 = tpu.vector_load %arg8[%swap3A_1276, %swap3A_1277, %swap3A_1278] {strides = array<i32>} : memref<17x26x64xf32, #tpu.memory_space<vmem>>, vector<16xf32>,
      tpu.vector_store %arg8[%swap3A_1276, %swap3A_1277, %swap3A_1278], %get3A_1273 {strides = array<i32>} : memref<17x26x64xf32, #tpu.memory_space<vmem>>, vector<16xf32>,
      %get3A_1280 = arith.constant 23 : i32
      %get3A_1281 = arith.constant 0 : i32
      %get3A_1282 = arith.index_cast %get3A_1280 : i32 to index
      %get3A_1283 = arith.index_cast %get3A_1281 : i32 to index
      %get3A_1284 = arith.constant 0 : index
      %get3A_1285 = tpu.vector_load %arg5[%get3A_1282, %get3A_1283, %get3A_1284] {strides = array<i32>} : memref<26x2x64xf32, #tpu.memory_space<vmem>>, vector<16xf32>,
      %swap3A_1286 = arith.constant 0 : i32
      %swap3A_1287 = arith.constant 23 : i32
      %swap3A_1288 = arith.index_cast %swap3A_1286 : i32 to index
      %swap3A_1289 = arith.index_cast %swap3A_1287 : i32 to index
      %swap3A_1290 = arith.constant 0 : index
      %swap3A_1291 = tpu.vector_load %arg8[%swap3A_1288, %swap3A_1289, %swap3A_1290] {strides = array<i32>} : memref<17x26x64xf32, #tpu.memory_space<vmem>>, vector<16xf32>,
      tpu.vector_store %arg8[%swap3A_1288, %swap3A_1289, %swap3A_1290], %get3A_1285 {strides = array<i32>} : memref<17x26x64xf32, #tpu.memory_space<vmem>>, vector<16xf32>,
      %get3A_1292 = arith.constant 23 : i32
      %get3A_1293 = arith.constant 0 : i32
      %get3A_1294 = arith.index_cast %get3A_1292 : i32 to index
      %get3A_1295 = arith.index_cast %get3A_1293 : i32 to index
      %get3A_1296 = arith.constant 16 : index
      %get3A_1297 = tpu.vector_load %arg5[%get3A_1294, %get3A_1295, %get3A_1296] {strides = array<i32>} : memref<26x2x64xf32, #tpu.memory_space<vmem>>, vector<16xf32>,
      %swap3A_1298 = arith.constant 0 : i32
      %swap3A_1299 = arith.constant 23 : i32
      %swap3A_1300 = arith.index_cast %swap3A_1298 : i32 to index
      %swap3A_1301 = arith.index_cast %swap3A_1299 : i32 to index
      %swap3A_1302 = arith.constant 16 : index
      %swap3A_1303 = tpu.vector_load %arg8[%swap3A_1300, %swap3A_1301, %swap3A_1302] {strides = array<i32>} : memref<17x26x64xf32, #tpu.memory_space<vmem>>, vector<16xf32>,
      tpu.vector_store %arg8[%swap3A_1300, %swap3A_1301, %swap3A_1302], %get3A_1297 {strides = array<i32>} : memref<17x26x64xf32, #tpu.memory_space<vmem>>, vector<16xf32>,
      %get3A_1304 = arith.constant 23 : i32
      %get3A_1305 = arith.constant 0 : i32
      %get3A_1306 = arith.index_cast %get3A_1304 : i32 to index
      %get3A_1307 = arith.index_cast %get3A_1305 : i32 to index
      %get3A_1308 = arith.constant 32 : index
      %get3A_1309 = tpu.vector_load %arg5[%get3A_1306, %get3A_1307, %get3A_1308] {strides = array<i32>} : memref<26x2x64xf32, #tpu.memory_space<vmem>>, vector<16xf32>,
      %swap3A_1310 = arith.constant 0 : i32
      %swap3A_1311 = arith.constant 23 : i32
      %swap3A_1312 = arith.index_cast %swap3A_1310 : i32 to index
      %swap3A_1313 = arith.index_cast %swap3A_1311 : i32 to index
      %swap3A_1314 = arith.constant 32 : index
      %swap3A_1315 = tpu.vector_load %arg8[%swap3A_1312, %swap3A_1313, %swap3A_1314] {strides = array<i32>} : memref<17x26x64xf32, #tpu.memory_space<vmem>>, vector<16xf32>,
      tpu.vector_store %arg8[%swap3A_1312, %swap3A_1313, %swap3A_1314], %get3A_1309 {strides = array<i32>} : memref<17x26x64xf32, #tpu.memory_space<vmem>>, vector<16xf32>,
      %get3A_1316 = arith.constant 23 : i32
      %get3A_1317 = arith.constant 0 : i32
      %get3A_1318 = arith.index_cast %get3A_1316 : i32 to index
      %get3A_1319 = arith.index_cast %get3A_1317 : i32 to index
      %get3A_1320 = arith.constant 48 : index
      %get3A_1321 = tpu.vector_load %arg5[%get3A_1318, %get3A_1319, %get3A_1320] {strides = array<i32>} : memref<26x2x64xf32, #tpu.memory_space<vmem>>, vector<16xf32>,
      %swap3A_1322 = arith.constant 0 : i32
      %swap3A_1323 = arith.constant 23 : i32
      %swap3A_1324 = arith.index_cast %swap3A_1322 : i32 to index
      %swap3A_1325 = arith.index_cast %swap3A_1323 : i32 to index
      %swap3A_1326 = arith.constant 48 : index
      %swap3A_1327 = tpu.vector_load %arg8[%swap3A_1324, %swap3A_1325, %swap3A_1326] {strides = array<i32>} : memref<17x26x64xf32, #tpu.memory_space<vmem>>, vector<16xf32>,
      tpu.vector_store %arg8[%swap3A_1324, %swap3A_1325, %swap3A_1326], %get3A_1321 {strides = array<i32>} : memref<17x26x64xf32, #tpu.memory_space<vmem>>, vector<16xf32>,
      %get3A_1328 = arith.constant 24 : i32
      %get3A_1329 = arith.constant 0 : i32
      %get3A_1330 = arith.index_cast %get3A_1328 : i32 to index
      %get3A_1331 = arith.index_cast %get3A_1329 : i32 to index
      %get3A_1332 = arith.constant 0 : index
      %get3A_1333 = tpu.vector_load %arg5[%get3A_1330, %get3A_1331, %get3A_1332] {strides = array<i32>} : memref<26x2x64xf32, #tpu.memory_space<vmem>>, vector<16xf32>,
      %swap3A_1334 = arith.constant 0 : i32
      %swap3A_1335 = arith.constant 24 : i32
      %swap3A_1336 = arith.index_cast %swap3A_1334 : i32 to index
      %swap3A_1337 = arith.index_cast %swap3A_1335 : i32 to index
      %swap3A_1338 = arith.constant 0 : index
      %swap3A_1339 = tpu.vector_load %arg8[%swap3A_1336, %swap3A_1337, %swap3A_1338] {strides = array<i32>} : memref<17x26x64xf32, #tpu.memory_space<vmem>>, vector<16xf32>,
      tpu.vector_store %arg8[%swap3A_1336, %swap3A_1337, %swap3A_1338], %get3A_1333 {strides = array<i32>} : memref<17x26x64xf32, #tpu.memory_space<vmem>>, vector<16xf32>,
      %get3A_1340 = arith.constant 24 : i32
      %get3A_1341 = arith.constant 0 : i32
      %get3A_1342 = arith.index_cast %get3A_1340 : i32 to index
      %get3A_1343 = arith.index_cast %get3A_1341 : i32 to index
      %get3A_1344 = arith.constant 16 : index
      %get3A_1345 = tpu.vector_load %arg5[%get3A_1342, %get3A_1343, %get3A_1344] {strides = array<i32>} : memref<26x2x64xf32, #tpu.memory_space<vmem>>, vector<16xf32>,
      %swap3A_1346 = arith.constant 0 : i32
      %swap3A_1347 = arith.constant 24 : i32
      %swap3A_1348 = arith.index_cast %swap3A_1346 : i32 to index
      %swap3A_1349 = arith.index_cast %swap3A_1347 : i32 to index
      %swap3A_1350 = arith.constant 16 : index
      %swap3A_1351 = tpu.vector_load %arg8[%swap3A_1348, %swap3A_1349, %swap3A_1350] {strides = array<i32>} : memref<17x26x64xf32, #tpu.memory_space<vmem>>, vector<16xf32>,
      tpu.vector_store %arg8[%swap3A_1348, %swap3A_1349, %swap3A_1350], %get3A_1345 {strides = array<i32>} : memref<17x26x64xf32, #tpu.memory_space<vmem>>, vector<16xf32>,
      %get3A_1352 = arith.constant 24 : i32
      %get3A_1353 = arith.constant 0 : i32
      %get3A_1354 = arith.index_cast %get3A_1352 : i32 to index
      %get3A_1355 = arith.index_cast %get3A_1353 : i32 to index
      %get3A_1356 = arith.constant 32 : index
      %get3A_1357 = tpu.vector_load %arg5[%get3A_1354, %get3A_1355, %get3A_1356] {strides = array<i32>} : memref<26x2x64xf32, #tpu.memory_space<vmem>>, vector<16xf32>,
      %swap3A_1358 = arith.constant 0 : i32
      %swap3A_1359 = arith.constant 24 : i32
      %swap3A_1360 = arith.index_cast %swap3A_1358 : i32 to index
      %swap3A_1361 = arith.index_cast %swap3A_1359 : i32 to index
      %swap3A_1362 = arith.constant 32 : index
      %swap3A_1363 = tpu.vector_load %arg8[%swap3A_1360, %swap3A_1361, %swap3A_1362] {strides = array<i32>} : memref<17x26x64xf32, #tpu.memory_space<vmem>>, vector<16xf32>,
      tpu.vector_store %arg8[%swap3A_1360, %swap3A_1361, %swap3A_1362], %get3A_1357 {strides = array<i32>} : memref<17x26x64xf32, #tpu.memory_space<vmem>>, vector<16xf32>,
      %get3A_1364 = arith.constant 24 : i32
      %get3A_1365 = arith.constant 0 : i32
      %get3A_1366 = arith.index_cast %get3A_1364 : i32 to index
      %get3A_1367 = arith.index_cast %get3A_1365 : i32 to index
      %get3A_1368 = arith.constant 48 : index
      %get3A_1369 = tpu.vector_load %arg5[%get3A_1366, %get3A_1367, %get3A_1368] {strides = array<i32>} : memref<26x2x64xf32, #tpu.memory_space<vmem>>, vector<16xf32>,
      %swap3A_1370 = arith.constant 0 : i32
      %swap3A_1371 = arith.constant 24 : i32
      %swap3A_1372 = arith.index_cast %swap3A_1370 : i32 to index
      %swap3A_1373 = arith.index_cast %swap3A_1371 : i32 to index
      %swap3A_1374 = arith.constant 48 : index
      %swap3A_1375 = tpu.vector_load %arg8[%swap3A_1372, %swap3A_1373, %swap3A_1374] {strides = array<i32>} : memref<17x26x64xf32, #tpu.memory_space<vmem>>, vector<16xf32>,
      tpu.vector_store %arg8[%swap3A_1372, %swap3A_1373, %swap3A_1374], %get3A_1369 {strides = array<i32>} : memref<17x26x64xf32, #tpu.memory_space<vmem>>, vector<16xf32>,
      %get3A_1376 = arith.constant 25 : i32
      %get3A_1377 = arith.constant 0 : i32
      %get3A_1378 = arith.index_cast %get3A_1376 : i32 to index
      %get3A_1379 = arith.index_cast %get3A_1377 : i32 to index
      %get3A_1380 = arith.constant 0 : index
      %get3A_1381 = tpu.vector_load %arg5[%get3A_1378, %get3A_1379, %get3A_1380] {strides = array<i32>} : memref<26x2x64xf32, #tpu.memory_space<vmem>>, vector<16xf32>,
      %swap3A_1382 = arith.constant 0 : i32
      %swap3A_1383 = arith.constant 25 : i32
      %swap3A_1384 = arith.index_cast %swap3A_1382 : i32 to index
      %swap3A_1385 = arith.index_cast %swap3A_1383 : i32 to index
      %swap3A_1386 = arith.constant 0 : index
      %swap3A_1387 = tpu.vector_load %arg8[%swap3A_1384, %swap3A_1385, %swap3A_1386] {strides = array<i32>} : memref<17x26x64xf32, #tpu.memory_space<vmem>>, vector<16xf32>,
      tpu.vector_store %arg8[%swap3A_1384, %swap3A_1385, %swap3A_1386], %get3A_1381 {strides = array<i32>} : memref<17x26x64xf32, #tpu.memory_space<vmem>>, vector<16xf32>,
      %get3A_1388 = arith.constant 25 : i32
      %get3A_1389 = arith.constant 0 : i32
      %get3A_1390 = arith.index_cast %get3A_1388 : i32 to index
      %get3A_1391 = arith.index_cast %get3A_1389 : i32 to index
      %get3A_1392 = arith.constant 16 : index
      %get3A_1393 = tpu.vector_load %arg5[%get3A_1390, %get3A_1391, %get3A_1392] {strides = array<i32>} : memref<26x2x64xf32, #tpu.memory_space<vmem>>, vector<16xf32>,
      %swap3A_1394 = arith.constant 0 : i32
      %swap3A_1395 = arith.constant 25 : i32
      %swap3A_1396 = arith.index_cast %swap3A_1394 : i32 to index
      %swap3A_1397 = arith.index_cast %swap3A_1395 : i32 to index
      %swap3A_1398 = arith.constant 16 : index
      %swap3A_1399 = tpu.vector_load %arg8[%swap3A_1396, %swap3A_1397, %swap3A_1398] {strides = array<i32>} : memref<17x26x64xf32, #tpu.memory_space<vmem>>, vector<16xf32>,
      tpu.vector_store %arg8[%swap3A_1396, %swap3A_1397, %swap3A_1398], %get3A_1393 {strides = array<i32>} : memref<17x26x64xf32, #tpu.memory_space<vmem>>, vector<16xf32>,
      %get3A_1400 = arith.constant 25 : i32
      %get3A_1401 = arith.constant 0 : i32
      %get3A_1402 = arith.index_cast %get3A_1400 : i32 to index
      %get3A_1403 = arith.index_cast %get3A_1401 : i32 to index
      %get3A_1404 = arith.constant 32 : index
      %get3A_1405 = tpu.vector_load %arg5[%get3A_1402, %get3A_1403, %get3A_1404] {strides = array<i32>} : memref<26x2x64xf32, #tpu.memory_space<vmem>>, vector<16xf32>,
      %swap3A_1406 = arith.constant 0 : i32
      %swap3A_1407 = arith.constant 25 : i32
      %swap3A_1408 = arith.index_cast %swap3A_1406 : i32 to index
      %swap3A_1409 = arith.index_cast %swap3A_1407 : i32 to index
      %swap3A_1410 = arith.constant 32 : index
      %swap3A_1411 = tpu.vector_load %arg8[%swap3A_1408, %swap3A_1409, %swap3A_1410] {strides = array<i32>} : memref<17x26x64xf32, #tpu.memory_space<vmem>>, vector<16xf32>,
      tpu.vector_store %arg8[%swap3A_1408, %swap3A_1409, %swap3A_1410], %get3A_1405 {strides = array<i32>} : memref<17x26x64xf32, #tpu.memory_space<vmem>>, vector<16xf32>,
      %get3A_1412 = arith.constant 25 : i32
      %get3A_1413 = arith.constant 0 : i32
      %get3A_1414 = arith.index_cast %get3A_1412 : i32 to index
      %get3A_1415 = arith.index_cast %get3A_1413 : i32 to index
      %get3A_1416 = arith.constant 48 : index
      %get3A_1417 = tpu.vector_load %arg5[%get3A_1414, %get3A_1415, %get3A_1416] {strides = array<i32>} : memref<26x2x64xf32, #tpu.memory_space<vmem>>, vector<16xf32>,
      %swap3A_1418 = arith.constant 0 : i32
      %swap3A_1419 = arith.constant 25 : i32
      %swap3A_1420 = arith.index_cast %swap3A_1418 : i32 to index
      %swap3A_1421 = arith.index_cast %swap3A_1419 : i32 to index
      %swap3A_1422 = arith.constant 48 : index
      %swap3A_1423 = tpu.vector_load %arg8[%swap3A_1420, %swap3A_1421, %swap3A_1422] {strides = array<i32>} : memref<17x26x64xf32, #tpu.memory_space<vmem>>, vector<16xf32>,
      tpu.vector_store %arg8[%swap3A_1420, %swap3A_1421, %swap3A_1422], %get3A_1417 {strides = array<i32>} : memref<17x26x64xf32, #tpu.memory_space<vmem>>, vector<16xf32>,
      %scan3A_1424 = arith.constant 0 : i32
      %scan3A_1425 = arith.constant 0 : i32
      %scan3A_1426 = arith.constant 52 : i32
      %scan3A_1427 = arith.addi %scan3A_1425, %scan3A_1426 : i32
      %scan3A_1428 = arith.constant 1 : i32
      scf.for %scan3A_1456 = %scan3A_1425 to %scan3A_1427 step %scan3A_1428  : i32 {
        %mul3A_1457 = arith.constant 2 : i32
        %mul3A_1458 = arith.muli %scan3A_1456, %mul3A_1457 : i32
        %add3A_1459 = arith.constant 0 : i32
        %add3A_1460 = arith.addi %mul3A_1458, %add3A_1459 : i32
        %mul3A_1461 = arith.constant 16 : i32
        %mul3A_1462 = arith.muli %add3A_1460, %mul3A_1461 : i32
        %add3A_1463 = vector.broadcast %mul3A_1462 : i32 to vector<16xi32>
        %add3A_1464 = arith.addi %iota3A, %add3A_1463 : vector<16xi32>
        %jit3A_1465 = arith.constant 4 : i32
        %div3A_1466 = arith.divsi %add3A_1460, %jit3A_1465 : i32
        %sign3A_1467 = arith.constant 0 : i32
        %sign3A_1468 = arith.cmpi sgt, %add3A_1460, %sign3A_1467 : i32
        %sign3A_1469 = arith.extui %sign3A_1468 : i1 to i32
        %sign3A_1470 = arith.constant 0 : i32
        %sign3A_1471 = arith.cmpi slt, %add3A_1460, %sign3A_1470 : i32
        %sign3A_1472 = arith.extui %sign3A_1471 : i1 to i32
        %sign3A_1473 = arith.subi %sign3A_1469, %sign3A_1472 : i32
        %sign3A_1474 = arith.constant 0 : i32
        %sign3A_1475 = arith.cmpi sgt, %jit3A_1465, %sign3A_1474 : i32
        %sign3A_1476 = arith.extui %sign3A_1475 : i1 to i32
        %sign3A_1477 = arith.constant 0 : i32
        %sign3A_1478 = arith.cmpi slt, %jit3A_1465, %sign3A_1477 : i32
        %sign3A_1479 = arith.extui %sign3A_1478 : i1 to i32
        %sign3A_1480 = arith.subi %sign3A_1476, %sign3A_1479 : i32
        %ne3A_1481 = arith.cmpi ne, %sign3A_1473, %sign3A_1480 : i32
        %rem3A_1482 = arith.remsi %add3A_1460, %jit3A_1465 : i32
        %ne3A_1483 = arith.constant 0 : i32
        %ne3A_1484 = arith.cmpi ne, %rem3A_1482, %ne3A_1483 : i32
        %and3A_1485 = arith.andi %ne3A_1481, %ne3A_1484 : i1
        %sub3A_1486 = arith.constant 1 : i32
        %sub3A_1487 = arith.subi %div3A_1466, %sub3A_1486 : i32
        %select_n3A_1488 = arith.select %and3A_1485, %sub3A_1487, %div3A_1466 : i32
        %jit3A_1489 = arith.constant 4 : i32
        %eq3A_1490 = arith.constant 0 : i32
        %eq3A_1491 = arith.cmpi eq, %jit3A_1489, %eq3A_1490 : i32
        %jit3A_1492 = arith.constant 1 : i32
        %select_n3A_1493 = arith.select %eq3A_1491, %jit3A_1492, %jit3A_1489 : i32
        %rem3A_1494 = arith.remsi %add3A_1460, %select_n3A_1493 : i32
        %ne3A_1495 = arith.constant 0 : i32
        %ne3A_1496 = arith.cmpi ne, %rem3A_1494, %ne3A_1495 : i32
        %lt3A_1497 = arith.constant 0 : i32
        %lt3A_1498 = arith.cmpi slt, %rem3A_1494, %lt3A_1497 : i32
        %lt3A_1499 = arith.constant 0 : i32
        %lt3A_1500 = arith.cmpi slt, %select_n3A_1493, %lt3A_1499 : i32
        %ne3A_1501 = arith.xori %lt3A_1498, %lt3A_1500 : i1
        %and3A_1502 = arith.andi %ne3A_1501, %ne3A_1496 : i1
        %add3A_1503 = arith.addi %rem3A_1494, %select_n3A_1493 : i32
        %select_n3A_1504 = arith.select %and3A_1502, %add3A_1503, %rem3A_1494 : i32
        %mul3A_1505 = arith.constant 16 : i32
        %mul3A_1506 = arith.muli %select_n3A_1504, %mul3A_1505 : i32
        %broadcast_in_dim3A = arith.constant 0 : i32
        %broadcast_in_dim3A_1507 = vector.broadcast %broadcast_in_dim3A : i32 to vector<16xi32>
        %gather3A = tpu.vector_load_idx %arg7[%add3A_1464, %broadcast_in_dim3A_1507] : memref<1664x17xf32, #tpu.memory_space<vmem>>[vector<16xi32>, vector<16xi32>], vector<16xf32>,
        %swap3A_1508 = arith.constant 1 : i32
        %swap3A_1509 = arith.index_cast %swap3A_1508 : i32 to index
        %swap3A_1510 = arith.index_cast %select_n3A_1488 : i32 to index
        %swap3A_1511 = arith.index_cast %mul3A_1506 : i32 to index
        %swap3A_1512 = tpu.vector_load %arg8[%swap3A_1509, %swap3A_1510, %swap3A_1511] {strides = array<i32>} : memref<17x26x64xf32, #tpu.memory_space<vmem>>, vector<16xf32>,
        tpu.vector_store %arg8[%swap3A_1509, %swap3A_1510, %swap3A_1511], %gather3A {strides = array<i32>} : memref<17x26x64xf32, #tpu.memory_space<vmem>>, vector<16xf32>,
        %broadcast_in_dim3A_1513 = arith.constant 1 : i32
        %broadcast_in_dim3A_1514 = vector.broadcast %broadcast_in_dim3A_1513 : i32 to vector<16xi32>
        %gather3A_1515 = tpu.vector_load_idx %arg7[%add3A_1464, %broadcast_in_dim3A_1514] : memref<1664x17xf32, #tpu.memory_space<vmem>>[vector<16xi32>, vector<16xi32>], vector<16xf32>,
        %swap3A_1516 = arith.constant 2 : i32
        %swap3A_1517 = arith.index_cast %swap3A_1516 : i32 to index
        %swap3A_1518 = arith.index_cast %select_n3A_1488 : i32 to index
        %swap3A_1519 = arith.index_cast %mul3A_1506 : i32 to index
        %swap3A_1520 = tpu.vector_load %arg8[%swap3A_1517, %swap3A_1518, %swap3A_1519] {strides = array<i32>} : memref<17x26x64xf32, #tpu.memory_space<vmem>>, vector<16xf32>,
        tpu.vector_store %arg8[%swap3A_1517, %swap3A_1518, %swap3A_1519], %gather3A_1515 {strides = array<i32>} : memref<17x26x64xf32, #tpu.memory_space<vmem>>, vector<16xf32>,
        %broadcast_in_dim3A_1521 = arith.constant 2 : i32
        %broadcast_in_dim3A_1522 = vector.broadcast %broadcast_in_dim3A_1521 : i32 to vector<16xi32>
        %gather3A_1523 = tpu.vector_load_idx %arg7[%add3A_1464, %broadcast_in_dim3A_1522] : memref<1664x17xf32, #tpu.memory_space<vmem>>[vector<16xi32>, vector<16xi32>], vector<16xf32>,
        %swap3A_1524 = arith.constant 3 : i32
        %swap3A_1525 = arith.index_cast %swap3A_1524 : i32 to index
        %swap3A_1526 = arith.index_cast %select_n3A_1488 : i32 to index
        %swap3A_1527 = arith.index_cast %mul3A_1506 : i32 to index
        %swap3A_1528 = tpu.vector_load %arg8[%swap3A_1525, %swap3A_1526, %swap3A_1527] {strides = array<i32>} : memref<17x26x64xf32, #tpu.memory_space<vmem>>, vector<16xf32>,
        tpu.vector_store %arg8[%swap3A_1525, %swap3A_1526, %swap3A_1527], %gather3A_1523 {strides = array<i32>} : memref<17x26x64xf32, #tpu.memory_space<vmem>>, vector<16xf32>,
        %broadcast_in_dim3A_1529 = arith.constant 3 : i32
        %broadcast_in_dim3A_1530 = vector.broadcast %broadcast_in_dim3A_1529 : i32 to vector<16xi32>
        %gather3A_1531 = tpu.vector_load_idx %arg7[%add3A_1464, %broadcast_in_dim3A_1530] : memref<1664x17xf32, #tpu.memory_space<vmem>>[vector<16xi32>, vector<16xi32>], vector<16xf32>,
        %swap3A_1532 = arith.constant 4 : i32
        %swap3A_1533 = arith.index_cast %swap3A_1532 : i32 to index
        %swap3A_1534 = arith.index_cast %select_n3A_1488 : i32 to index
        %swap3A_1535 = arith.index_cast %mul3A_1506 : i32 to index
        %swap3A_1536 = tpu.vector_load %arg8[%swap3A_1533, %swap3A_1534, %swap3A_1535] {strides = array<i32>} : memref<17x26x64xf32, #tpu.memory_space<vmem>>, vector<16xf32>,
        tpu.vector_store %arg8[%swap3A_1533, %swap3A_1534, %swap3A_1535], %gather3A_1531 {strides = array<i32>} : memref<17x26x64xf32, #tpu.memory_space<vmem>>, vector<16xf32>,
        %broadcast_in_dim3A_1537 = arith.constant 4 : i32
        %broadcast_in_dim3A_1538 = vector.broadcast %broadcast_in_dim3A_1537 : i32 to vector<16xi32>
        %gather3A_1539 = tpu.vector_load_idx %arg7[%add3A_1464, %broadcast_in_dim3A_1538] : memref<1664x17xf32, #tpu.memory_space<vmem>>[vector<16xi32>, vector<16xi32>], vector<16xf32>,
        %swap3A_1540 = arith.constant 5 : i32
        %swap3A_1541 = arith.index_cast %swap3A_1540 : i32 to index
        %swap3A_1542 = arith.index_cast %select_n3A_1488 : i32 to index
        %swap3A_1543 = arith.index_cast %mul3A_1506 : i32 to index
        %swap3A_1544 = tpu.vector_load %arg8[%swap3A_1541, %swap3A_1542, %swap3A_1543] {strides = array<i32>} : memref<17x26x64xf32, #tpu.memory_space<vmem>>, vector<16xf32>,
        tpu.vector_store %arg8[%swap3A_1541, %swap3A_1542, %swap3A_1543], %gather3A_1539 {strides = array<i32>} : memref<17x26x64xf32, #tpu.memory_space<vmem>>, vector<16xf32>,
        %broadcast_in_dim3A_1545 = arith.constant 5 : i32
        %broadcast_in_dim3A_1546 = vector.broadcast %broadcast_in_dim3A_1545 : i32 to vector<16xi32>
        %gather3A_1547 = tpu.vector_load_idx %arg7[%add3A_1464, %broadcast_in_dim3A_1546] : memref<1664x17xf32, #tpu.memory_space<vmem>>[vector<16xi32>, vector<16xi32>], vector<16xf32>,
        %swap3A_1548 = arith.constant 6 : i32
        %swap3A_1549 = arith.index_cast %swap3A_1548 : i32 to index
        %swap3A_1550 = arith.index_cast %select_n3A_1488 : i32 to index
        %swap3A_1551 = arith.index_cast %mul3A_1506 : i32 to index
        %swap3A_1552 = tpu.vector_load %arg8[%swap3A_1549, %swap3A_1550, %swap3A_1551] {strides = array<i32>} : memref<17x26x64xf32, #tpu.memory_space<vmem>>, vector<16xf32>,
        tpu.vector_store %arg8[%swap3A_1549, %swap3A_1550, %swap3A_1551], %gather3A_1547 {strides = array<i32>} : memref<17x26x64xf32, #tpu.memory_space<vmem>>, vector<16xf32>,
        %broadcast_in_dim3A_1553 = arith.constant 6 : i32
        %broadcast_in_dim3A_1554 = vector.broadcast %broadcast_in_dim3A_1553 : i32 to vector<16xi32>
        %gather3A_1555 = tpu.vector_load_idx %arg7[%add3A_1464, %broadcast_in_dim3A_1554] : memref<1664x17xf32, #tpu.memory_space<vmem>>[vector<16xi32>, vector<16xi32>], vector<16xf32>,
        %swap3A_1556 = arith.constant 7 : i32
        %swap3A_1557 = arith.index_cast %swap3A_1556 : i32 to index
        %swap3A_1558 = arith.index_cast %select_n3A_1488 : i32 to index
        %swap3A_1559 = arith.index_cast %mul3A_1506 : i32 to index
        %swap3A_1560 = tpu.vector_load %arg8[%swap3A_1557, %swap3A_1558, %swap3A_1559] {strides = array<i32>} : memref<17x26x64xf32, #tpu.memory_space<vmem>>, vector<16xf32>,
        tpu.vector_store %arg8[%swap3A_1557, %swap3A_1558, %swap3A_1559], %gather3A_1555 {strides = array<i32>} : memref<17x26x64xf32, #tpu.memory_space<vmem>>, vector<16xf32>,
        %broadcast_in_dim3A_1561 = arith.constant 7 : i32
        %broadcast_in_dim3A_1562 = vector.broadcast %broadcast_in_dim3A_1561 : i32 to vector<16xi32>
        %gather3A_1563 = tpu.vector_load_idx %arg7[%add3A_1464, %broadcast_in_dim3A_1562] : memref<1664x17xf32, #tpu.memory_space<vmem>>[vector<16xi32>, vector<16xi32>], vector<16xf32>,
        %swap3A_1564 = arith.constant 8 : i32
        %swap3A_1565 = arith.index_cast %swap3A_1564 : i32 to index
        %swap3A_1566 = arith.index_cast %select_n3A_1488 : i32 to index
        %swap3A_1567 = arith.index_cast %mul3A_1506 : i32 to index
        %swap3A_1568 = tpu.vector_load %arg8[%swap3A_1565, %swap3A_1566, %swap3A_1567] {strides = array<i32>} : memref<17x26x64xf32, #tpu.memory_space<vmem>>, vector<16xf32>,
        tpu.vector_store %arg8[%swap3A_1565, %swap3A_1566, %swap3A_1567], %gather3A_1563 {strides = array<i32>} : memref<17x26x64xf32, #tpu.memory_space<vmem>>, vector<16xf32>,
        %broadcast_in_dim3A_1569 = arith.constant 8 : i32
        %broadcast_in_dim3A_1570 = vector.broadcast %broadcast_in_dim3A_1569 : i32 to vector<16xi32>
        %gather3A_1571 = tpu.vector_load_idx %arg7[%add3A_1464, %broadcast_in_dim3A_1570] : memref<1664x17xf32, #tpu.memory_space<vmem>>[vector<16xi32>, vector<16xi32>], vector<16xf32>,
        %swap3A_1572 = arith.constant 9 : i32
        %swap3A_1573 = arith.index_cast %swap3A_1572 : i32 to index
        %swap3A_1574 = arith.index_cast %select_n3A_1488 : i32 to index
        %swap3A_1575 = arith.index_cast %mul3A_1506 : i32 to index
        %swap3A_1576 = tpu.vector_load %arg8[%swap3A_1573, %swap3A_1574, %swap3A_1575] {strides = array<i32>} : memref<17x26x64xf32, #tpu.memory_space<vmem>>, vector<16xf32>,
        tpu.vector_store %arg8[%swap3A_1573, %swap3A_1574, %swap3A_1575], %gather3A_1571 {strides = array<i32>} : memref<17x26x64xf32, #tpu.memory_space<vmem>>, vector<16xf32>,
        %broadcast_in_dim3A_1577 = arith.constant 9 : i32
        %broadcast_in_dim3A_1578 = vector.broadcast %broadcast_in_dim3A_1577 : i32 to vector<16xi32>
        %gather3A_1579 = tpu.vector_load_idx %arg7[%add3A_1464, %broadcast_in_dim3A_1578] : memref<1664x17xf32, #tpu.memory_space<vmem>>[vector<16xi32>, vector<16xi32>], vector<16xf32>,
        %swap3A_1580 = arith.constant 10 : i32
        %swap3A_1581 = arith.index_cast %swap3A_1580 : i32 to index
        %swap3A_1582 = arith.index_cast %select_n3A_1488 : i32 to index
        %swap3A_1583 = arith.index_cast %mul3A_1506 : i32 to index
        %swap3A_1584 = tpu.vector_load %arg8[%swap3A_1581, %swap3A_1582, %swap3A_1583] {strides = array<i32>} : memref<17x26x64xf32, #tpu.memory_space<vmem>>, vector<16xf32>,
        tpu.vector_store %arg8[%swap3A_1581, %swap3A_1582, %swap3A_1583], %gather3A_1579 {strides = array<i32>} : memref<17x26x64xf32, #tpu.memory_space<vmem>>, vector<16xf32>,
        %broadcast_in_dim3A_1585 = arith.constant 10 : i32
        %broadcast_in_dim3A_1586 = vector.broadcast %broadcast_in_dim3A_1585 : i32 to vector<16xi32>
        %gather3A_1587 = tpu.vector_load_idx %arg7[%add3A_1464, %broadcast_in_dim3A_1586] : memref<1664x17xf32, #tpu.memory_space<vmem>>[vector<16xi32>, vector<16xi32>], vector<16xf32>,
        %swap3A_1588 = arith.constant 11 : i32
        %swap3A_1589 = arith.index_cast %swap3A_1588 : i32 to index
        %swap3A_1590 = arith.index_cast %select_n3A_1488 : i32 to index
        %swap3A_1591 = arith.index_cast %mul3A_1506 : i32 to index
        %swap3A_1592 = tpu.vector_load %arg8[%swap3A_1589, %swap3A_1590, %swap3A_1591] {strides = array<i32>} : memref<17x26x64xf32, #tpu.memory_space<vmem>>, vector<16xf32>,
        tpu.vector_store %arg8[%swap3A_1589, %swap3A_1590, %swap3A_1591], %gather3A_1587 {strides = array<i32>} : memref<17x26x64xf32, #tpu.memory_space<vmem>>, vector<16xf32>,
        %broadcast_in_dim3A_1593 = arith.constant 11 : i32
        %broadcast_in_dim3A_1594 = vector.broadcast %broadcast_in_dim3A_1593 : i32 to vector<16xi32>
        %gather3A_1595 = tpu.vector_load_idx %arg7[%add3A_1464, %broadcast_in_dim3A_1594] : memref<1664x17xf32, #tpu.memory_space<vmem>>[vector<16xi32>, vector<16xi32>], vector<16xf32>,
        %swap3A_1596 = arith.constant 12 : i32
        %swap3A_1597 = arith.index_cast %swap3A_1596 : i32 to index
        %swap3A_1598 = arith.index_cast %select_n3A_1488 : i32 to index
        %swap3A_1599 = arith.index_cast %mul3A_1506 : i32 to index
        %swap3A_1600 = tpu.vector_load %arg8[%swap3A_1597, %swap3A_1598, %swap3A_1599] {strides = array<i32>} : memref<17x26x64xf32, #tpu.memory_space<vmem>>, vector<16xf32>,
        tpu.vector_store %arg8[%swap3A_1597, %swap3A_1598, %swap3A_1599], %gather3A_1595 {strides = array<i32>} : memref<17x26x64xf32, #tpu.memory_space<vmem>>, vector<16xf32>,
        %broadcast_in_dim3A_1601 = arith.constant 12 : i32
        %broadcast_in_dim3A_1602 = vector.broadcast %broadcast_in_dim3A_1601 : i32 to vector<16xi32>
        %gather3A_1603 = tpu.vector_load_idx %arg7[%add3A_1464, %broadcast_in_dim3A_1602] : memref<1664x17xf32, #tpu.memory_space<vmem>>[vector<16xi32>, vector<16xi32>], vector<16xf32>,
        %swap3A_1604 = arith.constant 13 : i32
        %swap3A_1605 = arith.index_cast %swap3A_1604 : i32 to index
        %swap3A_1606 = arith.index_cast %select_n3A_1488 : i32 to index
        %swap3A_1607 = arith.index_cast %mul3A_1506 : i32 to index
        %swap3A_1608 = tpu.vector_load %arg8[%swap3A_1605, %swap3A_1606, %swap3A_1607] {strides = array<i32>} : memref<17x26x64xf32, #tpu.memory_space<vmem>>, vector<16xf32>,
        tpu.vector_store %arg8[%swap3A_1605, %swap3A_1606, %swap3A_1607], %gather3A_1603 {strides = array<i32>} : memref<17x26x64xf32, #tpu.memory_space<vmem>>, vector<16xf32>,
        %broadcast_in_dim3A_1609 = arith.constant 13 : i32
        %broadcast_in_dim3A_1610 = vector.broadcast %broadcast_in_dim3A_1609 : i32 to vector<16xi32>
        %gather3A_1611 = tpu.vector_load_idx %arg7[%add3A_1464, %broadcast_in_dim3A_1610] : memref<1664x17xf32, #tpu.memory_space<vmem>>[vector<16xi32>, vector<16xi32>], vector<16xf32>,
        %swap3A_1612 = arith.constant 14 : i32
        %swap3A_1613 = arith.index_cast %swap3A_1612 : i32 to index
        %swap3A_1614 = arith.index_cast %select_n3A_1488 : i32 to index
        %swap3A_1615 = arith.index_cast %mul3A_1506 : i32 to index
        %swap3A_1616 = tpu.vector_load %arg8[%swap3A_1613, %swap3A_1614, %swap3A_1615] {strides = array<i32>} : memref<17x26x64xf32, #tpu.memory_space<vmem>>, vector<16xf32>,
        tpu.vector_store %arg8[%swap3A_1613, %swap3A_1614, %swap3A_1615], %gather3A_1611 {strides = array<i32>} : memref<17x26x64xf32, #tpu.memory_space<vmem>>, vector<16xf32>,
        %broadcast_in_dim3A_1617 = arith.constant 14 : i32
        %broadcast_in_dim3A_1618 = vector.broadcast %broadcast_in_dim3A_1617 : i32 to vector<16xi32>
        %gather3A_1619 = tpu.vector_load_idx %arg7[%add3A_1464, %broadcast_in_dim3A_1618] : memref<1664x17xf32, #tpu.memory_space<vmem>>[vector<16xi32>, vector<16xi32>], vector<16xf32>,
        %swap3A_1620 = arith.constant 15 : i32
        %swap3A_1621 = arith.index_cast %swap3A_1620 : i32 to index
        %swap3A_1622 = arith.index_cast %select_n3A_1488 : i32 to index
        %swap3A_1623 = arith.index_cast %mul3A_1506 : i32 to index
        %swap3A_1624 = tpu.vector_load %arg8[%swap3A_1621, %swap3A_1622, %swap3A_1623] {strides = array<i32>} : memref<17x26x64xf32, #tpu.memory_space<vmem>>, vector<16xf32>,
        tpu.vector_store %arg8[%swap3A_1621, %swap3A_1622, %swap3A_1623], %gather3A_1619 {strides = array<i32>} : memref<17x26x64xf32, #tpu.memory_space<vmem>>, vector<16xf32>,
        %broadcast_in_dim3A_1625 = arith.constant 15 : i32
        %broadcast_in_dim3A_1626 = vector.broadcast %broadcast_in_dim3A_1625 : i32 to vector<16xi32>
        %gather3A_1627 = tpu.vector_load_idx %arg7[%add3A_1464, %broadcast_in_dim3A_1626] : memref<1664x17xf32, #tpu.memory_space<vmem>>[vector<16xi32>, vector<16xi32>], vector<16xf32>,
        %swap3A_1628 = arith.constant 16 : i32
        %swap3A_1629 = arith.index_cast %swap3A_1628 : i32 to index
        %swap3A_1630 = arith.index_cast %select_n3A_1488 : i32 to index
        %swap3A_1631 = arith.index_cast %mul3A_1506 : i32 to index
        %swap3A_1632 = tpu.vector_load %arg8[%swap3A_1629, %swap3A_1630, %swap3A_1631] {strides = array<i32>} : memref<17x26x64xf32, #tpu.memory_space<vmem>>, vector<16xf32>,
        tpu.vector_store %arg8[%swap3A_1629, %swap3A_1630, %swap3A_1631], %gather3A_1627 {strides = array<i32>} : memref<17x26x64xf32, #tpu.memory_space<vmem>>, vector<16xf32>,
        %mul3A_1633 = arith.constant 2 : i32
        %mul3A_1634 = arith.muli %scan3A_1456, %mul3A_1633 : i32
        %add3A_1635 = arith.constant 1 : i32
        %add3A_1636 = arith.addi %mul3A_1634, %add3A_1635 : i32
        %mul3A_1637 = arith.constant 16 : i32
        %mul3A_1638 = arith.muli %add3A_1636, %mul3A_1637 : i32
        %add3A_1639 = vector.broadcast %mul3A_1638 : i32 to vector<16xi32>
        %add3A_1640 = arith.addi %iota3A, %add3A_1639 : vector<16xi32>
        %jit3A_1641 = arith.constant 4 : i32
        %div3A_1642 = arith.divsi %add3A_1636, %jit3A_1641 : i32
        %sign3A_1643 = arith.constant 0 : i32
        %sign3A_1644 = arith.cmpi sgt, %add3A_1636, %sign3A_1643 : i32
        %sign3A_1645 = arith.extui %sign3A_1644 : i1 to i32
        %sign3A_1646 = arith.constant 0 : i32
        %sign3A_1647 = arith.cmpi slt, %add3A_1636, %sign3A_1646 : i32
        %sign3A_1648 = arith.extui %sign3A_1647 : i1 to i32
        %sign3A_1649 = arith.subi %sign3A_1645, %sign3A_1648 : i32
        %sign3A_1650 = arith.constant 0 : i32
        %sign3A_1651 = arith.cmpi sgt, %jit3A_1641, %sign3A_1650 : i32
        %sign3A_1652 = arith.extui %sign3A_1651 : i1 to i32
        %sign3A_1653 = arith.constant 0 : i32
        %sign3A_1654 = arith.cmpi slt, %jit3A_1641, %sign3A_1653 : i32
        %sign3A_1655 = arith.extui %sign3A_1654 : i1 to i32
        %sign3A_1656 = arith.subi %sign3A_1652, %sign3A_1655 : i32
        %ne3A_1657 = arith.cmpi ne, %sign3A_1649, %sign3A_1656 : i32
        %rem3A_1658 = arith.remsi %add3A_1636, %jit3A_1641 : i32
        %ne3A_1659 = arith.constant 0 : i32
        %ne3A_1660 = arith.cmpi ne, %rem3A_1658, %ne3A_1659 : i32
        %and3A_1661 = arith.andi %ne3A_1657, %ne3A_1660 : i1
        %sub3A_1662 = arith.constant 1 : i32
        %sub3A_1663 = arith.subi %div3A_1642, %sub3A_1662 : i32
        %select_n3A_1664 = arith.select %and3A_1661, %sub3A_1663, %div3A_1642 : i32
        %jit3A_1665 = arith.constant 4 : i32
        %eq3A_1666 = arith.constant 0 : i32
        %eq3A_1667 = arith.cmpi eq, %jit3A_1665, %eq3A_1666 : i32
        %jit3A_1668 = arith.constant 1 : i32
        %select_n3A_1669 = arith.select %eq3A_1667, %jit3A_1668, %jit3A_1665 : i32
        %rem3A_1670 = arith.remsi %add3A_1636, %select_n3A_1669 : i32
        %ne3A_1671 = arith.constant 0 : i32
        %ne3A_1672 = arith.cmpi ne, %rem3A_1670, %ne3A_1671 : i32
        %lt3A_1673 = arith.constant 0 : i32
        %lt3A_1674 = arith.cmpi slt, %rem3A_1670, %lt3A_1673 : i32
        %lt3A_1675 = arith.constant 0 : i32
        %lt3A_1676 = arith.cmpi slt, %select_n3A_1669, %lt3A_1675 : i32
        %ne3A_1677 = arith.xori %lt3A_1674, %lt3A_1676 : i1
        %and3A_1678 = arith.andi %ne3A_1677, %ne3A_1672 : i1
        %add3A_1679 = arith.addi %rem3A_1670, %select_n3A_1669 : i32
        %select_n3A_1680 = arith.select %and3A_1678, %add3A_1679, %rem3A_1670 : i32
        %mul3A_1681 = arith.constant 16 : i32
        %mul3A_1682 = arith.muli %select_n3A_1680, %mul3A_1681 : i32
        %broadcast_in_dim3A_1683 = arith.constant 0 : i32
        %broadcast_in_dim3A_1684 = vector.broadcast %broadcast_in_dim3A_1683 : i32 to vector<16xi32>
        %gather3A_1685 = tpu.vector_load_idx %arg7[%add3A_1640, %broadcast_in_dim3A_1684] : memref<1664x17xf32, #tpu.memory_space<vmem>>[vector<16xi32>, vector<16xi32>], vector<16xf32>,
        %swap3A_1686 = arith.constant 1 : i32
        %swap3A_1687 = arith.index_cast %swap3A_1686 : i32 to index
        %swap3A_1688 = arith.index_cast %select_n3A_1664 : i32 to index
        %swap3A_1689 = arith.index_cast %mul3A_1682 : i32 to index
        %swap3A_1690 = tpu.vector_load %arg8[%swap3A_1687, %swap3A_1688, %swap3A_1689] {strides = array<i32>} : memref<17x26x64xf32, #tpu.memory_space<vmem>>, vector<16xf32>,
        tpu.vector_store %arg8[%swap3A_1687, %swap3A_1688, %swap3A_1689], %gather3A_1685 {strides = array<i32>} : memref<17x26x64xf32, #tpu.memory_space<vmem>>, vector<16xf32>,
        %broadcast_in_dim3A_1691 = arith.constant 1 : i32
        %broadcast_in_dim3A_1692 = vector.broadcast %broadcast_in_dim3A_1691 : i32 to vector<16xi32>
        %gather3A_1693 = tpu.vector_load_idx %arg7[%add3A_1640, %broadcast_in_dim3A_1692] : memref<1664x17xf32, #tpu.memory_space<vmem>>[vector<16xi32>, vector<16xi32>], vector<16xf32>,
        %swap3A_1694 = arith.constant 2 : i32
        %swap3A_1695 = arith.index_cast %swap3A_1694 : i32 to index
        %swap3A_1696 = arith.index_cast %select_n3A_1664 : i32 to index
        %swap3A_1697 = arith.index_cast %mul3A_1682 : i32 to index
        %swap3A_1698 = tpu.vector_load %arg8[%swap3A_1695, %swap3A_1696, %swap3A_1697] {strides = array<i32>} : memref<17x26x64xf32, #tpu.memory_space<vmem>>, vector<16xf32>,
        tpu.vector_store %arg8[%swap3A_1695, %swap3A_1696, %swap3A_1697], %gather3A_1693 {strides = array<i32>} : memref<17x26x64xf32, #tpu.memory_space<vmem>>, vector<16xf32>,
        %broadcast_in_dim3A_1699 = arith.constant 2 : i32
        %broadcast_in_dim3A_1700 = vector.broadcast %broadcast_in_dim3A_1699 : i32 to vector<16xi32>
        %gather3A_1701 = tpu.vector_load_idx %arg7[%add3A_1640, %broadcast_in_dim3A_1700] : memref<1664x17xf32, #tpu.memory_space<vmem>>[vector<16xi32>, vector<16xi32>], vector<16xf32>,
        %swap3A_1702 = arith.constant 3 : i32
        %swap3A_1703 = arith.index_cast %swap3A_1702 : i32 to index
        %swap3A_1704 = arith.index_cast %select_n3A_1664 : i32 to index
        %swap3A_1705 = arith.index_cast %mul3A_1682 : i32 to index
        %swap3A_1706 = tpu.vector_load %arg8[%swap3A_1703, %swap3A_1704, %swap3A_1705] {strides = array<i32>} : memref<17x26x64xf32, #tpu.memory_space<vmem>>, vector<16xf32>,
        tpu.vector_store %arg8[%swap3A_1703, %swap3A_1704, %swap3A_1705], %gather3A_1701 {strides = array<i32>} : memref<17x26x64xf32, #tpu.memory_space<vmem>>, vector<16xf32>,
        %broadcast_in_dim3A_1707 = arith.constant 3 : i32
        %broadcast_in_dim3A_1708 = vector.broadcast %broadcast_in_dim3A_1707 : i32 to vector<16xi32>
        %gather3A_1709 = tpu.vector_load_idx %arg7[%add3A_1640, %broadcast_in_dim3A_1708] : memref<1664x17xf32, #tpu.memory_space<vmem>>[vector<16xi32>, vector<16xi32>], vector<16xf32>,
        %swap3A_1710 = arith.constant 4 : i32
        %swap3A_1711 = arith.index_cast %swap3A_1710 : i32 to index
        %swap3A_1712 = arith.index_cast %select_n3A_1664 : i32 to index
        %swap3A_1713 = arith.index_cast %mul3A_1682 : i32 to index
        %swap3A_1714 = tpu.vector_load %arg8[%swap3A_1711, %swap3A_1712, %swap3A_1713] {strides = array<i32>} : memref<17x26x64xf32, #tpu.memory_space<vmem>>, vector<16xf32>,
        tpu.vector_store %arg8[%swap3A_1711, %swap3A_1712, %swap3A_1713], %gather3A_1709 {strides = array<i32>} : memref<17x26x64xf32, #tpu.memory_space<vmem>>, vector<16xf32>,
        %broadcast_in_dim3A_1715 = arith.constant 4 : i32
        %broadcast_in_dim3A_1716 = vector.broadcast %broadcast_in_dim3A_1715 : i32 to vector<16xi32>
        %gather3A_1717 = tpu.vector_load_idx %arg7[%add3A_1640, %broadcast_in_dim3A_1716] : memref<1664x17xf32, #tpu.memory_space<vmem>>[vector<16xi32>, vector<16xi32>], vector<16xf32>,
        %swap3A_1718 = arith.constant 5 : i32
        %swap3A_1719 = arith.index_cast %swap3A_1718 : i32 to index
        %swap3A_1720 = arith.index_cast %select_n3A_1664 : i32 to index
        %swap3A_1721 = arith.index_cast %mul3A_1682 : i32 to index
        %swap3A_1722 = tpu.vector_load %arg8[%swap3A_1719, %swap3A_1720, %swap3A_1721] {strides = array<i32>} : memref<17x26x64xf32, #tpu.memory_space<vmem>>, vector<16xf32>,
        tpu.vector_store %arg8[%swap3A_1719, %swap3A_1720, %swap3A_1721], %gather3A_1717 {strides = array<i32>} : memref<17x26x64xf32, #tpu.memory_space<vmem>>, vector<16xf32>,
        %broadcast_in_dim3A_1723 = arith.constant 5 : i32
        %broadcast_in_dim3A_1724 = vector.broadcast %broadcast_in_dim3A_1723 : i32 to vector<16xi32>
        %gather3A_1725 = tpu.vector_load_idx %arg7[%add3A_1640, %broadcast_in_dim3A_1724] : memref<1664x17xf32, #tpu.memory_space<vmem>>[vector<16xi32>, vector<16xi32>], vector<16xf32>,
        %swap3A_1726 = arith.constant 6 : i32
        %swap3A_1727 = arith.index_cast %swap3A_1726 : i32 to index
        %swap3A_1728 = arith.index_cast %select_n3A_1664 : i32 to index
        %swap3A_1729 = arith.index_cast %mul3A_1682 : i32 to index
        %swap3A_1730 = tpu.vector_load %arg8[%swap3A_1727, %swap3A_1728, %swap3A_1729] {strides = array<i32>} : memref<17x26x64xf32, #tpu.memory_space<vmem>>, vector<16xf32>,
        tpu.vector_store %arg8[%swap3A_1727, %swap3A_1728, %swap3A_1729], %gather3A_1725 {strides = array<i32>} : memref<17x26x64xf32, #tpu.memory_space<vmem>>, vector<16xf32>,
        %broadcast_in_dim3A_1731 = arith.constant 6 : i32
        %broadcast_in_dim3A_1732 = vector.broadcast %broadcast_in_dim3A_1731 : i32 to vector<16xi32>
        %gather3A_1733 = tpu.vector_load_idx %arg7[%add3A_1640, %broadcast_in_dim3A_1732] : memref<1664x17xf32, #tpu.memory_space<vmem>>[vector<16xi32>, vector<16xi32>], vector<16xf32>,
        %swap3A_1734 = arith.constant 7 : i32
        %swap3A_1735 = arith.index_cast %swap3A_1734 : i32 to index
        %swap3A_1736 = arith.index_cast %select_n3A_1664 : i32 to index
        %swap3A_1737 = arith.index_cast %mul3A_1682 : i32 to index
        %swap3A_1738 = tpu.vector_load %arg8[%swap3A_1735, %swap3A_1736, %swap3A_1737] {strides = array<i32>} : memref<17x26x64xf32, #tpu.memory_space<vmem>>, vector<16xf32>,
        tpu.vector_store %arg8[%swap3A_1735, %swap3A_1736, %swap3A_1737], %gather3A_1733 {strides = array<i32>} : memref<17x26x64xf32, #tpu.memory_space<vmem>>, vector<16xf32>,
        %broadcast_in_dim3A_1739 = arith.constant 7 : i32
        %broadcast_in_dim3A_1740 = vector.broadcast %broadcast_in_dim3A_1739 : i32 to vector<16xi32>
        %gather3A_1741 = tpu.vector_load_idx %arg7[%add3A_1640, %broadcast_in_dim3A_1740] : memref<1664x17xf32, #tpu.memory_space<vmem>>[vector<16xi32>, vector<16xi32>], vector<16xf32>,
        %swap3A_1742 = arith.constant 8 : i32
        %swap3A_1743 = arith.index_cast %swap3A_1742 : i32 to index
        %swap3A_1744 = arith.index_cast %select_n3A_1664 : i32 to index
        %swap3A_1745 = arith.index_cast %mul3A_1682 : i32 to index
        %swap3A_1746 = tpu.vector_load %arg8[%swap3A_1743, %swap3A_1744, %swap3A_1745] {strides = array<i32>} : memref<17x26x64xf32, #tpu.memory_space<vmem>>, vector<16xf32>,
        tpu.vector_store %arg8[%swap3A_1743, %swap3A_1744, %swap3A_1745], %gather3A_1741 {strides = array<i32>} : memref<17x26x64xf32, #tpu.memory_space<vmem>>, vector<16xf32>,
        %broadcast_in_dim3A_1747 = arith.constant 8 : i32
        %broadcast_in_dim3A_1748 = vector.broadcast %broadcast_in_dim3A_1747 : i32 to vector<16xi32>
        %gather3A_1749 = tpu.vector_load_idx %arg7[%add3A_1640, %broadcast_in_dim3A_1748] : memref<1664x17xf32, #tpu.memory_space<vmem>>[vector<16xi32>, vector<16xi32>], vector<16xf32>,
        %swap3A_1750 = arith.constant 9 : i32
        %swap3A_1751 = arith.index_cast %swap3A_1750 : i32 to index
        %swap3A_1752 = arith.index_cast %select_n3A_1664 : i32 to index
        %swap3A_1753 = arith.index_cast %mul3A_1682 : i32 to index
        %swap3A_1754 = tpu.vector_load %arg8[%swap3A_1751, %swap3A_1752, %swap3A_1753] {strides = array<i32>} : memref<17x26x64xf32, #tpu.memory_space<vmem>>, vector<16xf32>,
        tpu.vector_store %arg8[%swap3A_1751, %swap3A_1752, %swap3A_1753], %gather3A_1749 {strides = array<i32>} : memref<17x26x64xf32, #tpu.memory_space<vmem>>, vector<16xf32>,
        %broadcast_in_dim3A_1755 = arith.constant 9 : i32
        %broadcast_in_dim3A_1756 = vector.broadcast %broadcast_in_dim3A_1755 : i32 to vector<16xi32>
        %gather3A_1757 = tpu.vector_load_idx %arg7[%add3A_1640, %broadcast_in_dim3A_1756] : memref<1664x17xf32, #tpu.memory_space<vmem>>[vector<16xi32>, vector<16xi32>], vector<16xf32>,
        %swap3A_1758 = arith.constant 10 : i32
        %swap3A_1759 = arith.index_cast %swap3A_1758 : i32 to index
        %swap3A_1760 = arith.index_cast %select_n3A_1664 : i32 to index
        %swap3A_1761 = arith.index_cast %mul3A_1682 : i32 to index
        %swap3A_1762 = tpu.vector_load %arg8[%swap3A_1759, %swap3A_1760, %swap3A_1761] {strides = array<i32>} : memref<17x26x64xf32, #tpu.memory_space<vmem>>, vector<16xf32>,
        tpu.vector_store %arg8[%swap3A_1759, %swap3A_1760, %swap3A_1761], %gather3A_1757 {strides = array<i32>} : memref<17x26x64xf32, #tpu.memory_space<vmem>>, vector<16xf32>,
        %broadcast_in_dim3A_1763 = arith.constant 10 : i32
        %broadcast_in_dim3A_1764 = vector.broadcast %broadcast_in_dim3A_1763 : i32 to vector<16xi32>
        %gather3A_1765 = tpu.vector_load_idx %arg7[%add3A_1640, %broadcast_in_dim3A_1764] : memref<1664x17xf32, #tpu.memory_space<vmem>>[vector<16xi32>, vector<16xi32>], vector<16xf32>,
        %swap3A_1766 = arith.constant 11 : i32
        %swap3A_1767 = arith.index_cast %swap3A_1766 : i32 to index
        %swap3A_1768 = arith.index_cast %select_n3A_1664 : i32 to index
        %swap3A_1769 = arith.index_cast %mul3A_1682 : i32 to index
        %swap3A_1770 = tpu.vector_load %arg8[%swap3A_1767, %swap3A_1768, %swap3A_1769] {strides = array<i32>} : memref<17x26x64xf32, #tpu.memory_space<vmem>>, vector<16xf32>,
        tpu.vector_store %arg8[%swap3A_1767, %swap3A_1768, %swap3A_1769], %gather3A_1765 {strides = array<i32>} : memref<17x26x64xf32, #tpu.memory_space<vmem>>, vector<16xf32>,
        %broadcast_in_dim3A_1771 = arith.constant 11 : i32
        %broadcast_in_dim3A_1772 = vector.broadcast %broadcast_in_dim3A_1771 : i32 to vector<16xi32>
        %gather3A_1773 = tpu.vector_load_idx %arg7[%add3A_1640, %broadcast_in_dim3A_1772] : memref<1664x17xf32, #tpu.memory_space<vmem>>[vector<16xi32>, vector<16xi32>], vector<16xf32>,
        %swap3A_1774 = arith.constant 12 : i32
        %swap3A_1775 = arith.index_cast %swap3A_1774 : i32 to index
        %swap3A_1776 = arith.index_cast %select_n3A_1664 : i32 to index
        %swap3A_1777 = arith.index_cast %mul3A_1682 : i32 to index
        %swap3A_1778 = tpu.vector_load %arg8[%swap3A_1775, %swap3A_1776, %swap3A_1777] {strides = array<i32>} : memref<17x26x64xf32, #tpu.memory_space<vmem>>, vector<16xf32>,
        tpu.vector_store %arg8[%swap3A_1775, %swap3A_1776, %swap3A_1777], %gather3A_1773 {strides = array<i32>} : memref<17x26x64xf32, #tpu.memory_space<vmem>>, vector<16xf32>,
        %broadcast_in_dim3A_1779 = arith.constant 12 : i32
        %broadcast_in_dim3A_1780 = vector.broadcast %broadcast_in_dim3A_1779 : i32 to vector<16xi32>
        %gather3A_1781 = tpu.vector_load_idx %arg7[%add3A_1640, %broadcast_in_dim3A_1780] : memref<1664x17xf32, #tpu.memory_space<vmem>>[vector<16xi32>, vector<16xi32>], vector<16xf32>,
        %swap3A_1782 = arith.constant 13 : i32
        %swap3A_1783 = arith.index_cast %swap3A_1782 : i32 to index
        %swap3A_1784 = arith.index_cast %select_n3A_1664 : i32 to index
        %swap3A_1785 = arith.index_cast %mul3A_1682 : i32 to index
        %swap3A_1786 = tpu.vector_load %arg8[%swap3A_1783, %swap3A_1784, %swap3A_1785] {strides = array<i32>} : memref<17x26x64xf32, #tpu.memory_space<vmem>>, vector<16xf32>,
        tpu.vector_store %arg8[%swap3A_1783, %swap3A_1784, %swap3A_1785], %gather3A_1781 {strides = array<i32>} : memref<17x26x64xf32, #tpu.memory_space<vmem>>, vector<16xf32>,
        %broadcast_in_dim3A_1787 = arith.constant 13 : i32
        %broadcast_in_dim3A_1788 = vector.broadcast %broadcast_in_dim3A_1787 : i32 to vector<16xi32>
        %gather3A_1789 = tpu.vector_load_idx %arg7[%add3A_1640, %broadcast_in_dim3A_1788] : memref<1664x17xf32, #tpu.memory_space<vmem>>[vector<16xi32>, vector<16xi32>], vector<16xf32>,
        %swap3A_1790 = arith.constant 14 : i32
        %swap3A_1791 = arith.index_cast %swap3A_1790 : i32 to index
        %swap3A_1792 = arith.index_cast %select_n3A_1664 : i32 to index
        %swap3A_1793 = arith.index_cast %mul3A_1682 : i32 to index
        %swap3A_1794 = tpu.vector_load %arg8[%swap3A_1791, %swap3A_1792, %swap3A_1793] {strides = array<i32>} : memref<17x26x64xf32, #tpu.memory_space<vmem>>, vector<16xf32>,
        tpu.vector_store %arg8[%swap3A_1791, %swap3A_1792, %swap3A_1793], %gather3A_1789 {strides = array<i32>} : memref<17x26x64xf32, #tpu.memory_space<vmem>>, vector<16xf32>,
        %broadcast_in_dim3A_1795 = arith.constant 14 : i32
        %broadcast_in_dim3A_1796 = vector.broadcast %broadcast_in_dim3A_1795 : i32 to vector<16xi32>
        %gather3A_1797 = tpu.vector_load_idx %arg7[%add3A_1640, %broadcast_in_dim3A_1796] : memref<1664x17xf32, #tpu.memory_space<vmem>>[vector<16xi32>, vector<16xi32>], vector<16xf32>,
        %swap3A_1798 = arith.constant 15 : i32
        %swap3A_1799 = arith.index_cast %swap3A_1798 : i32 to index
        %swap3A_1800 = arith.index_cast %select_n3A_1664 : i32 to index
        %swap3A_1801 = arith.index_cast %mul3A_1682 : i32 to index
        %swap3A_1802 = tpu.vector_load %arg8[%swap3A_1799, %swap3A_1800, %swap3A_1801] {strides = array<i32>} : memref<17x26x64xf32, #tpu.memory_space<vmem>>, vector<16xf32>,
        tpu.vector_store %arg8[%swap3A_1799, %swap3A_1800, %swap3A_1801], %gather3A_1797 {strides = array<i32>} : memref<17x26x64xf32, #tpu.memory_space<vmem>>, vector<16xf32>,
        %broadcast_in_dim3A_1803 = arith.constant 15 : i32
        %broadcast_in_dim3A_1804 = vector.broadcast %broadcast_in_dim3A_1803 : i32 to vector<16xi32>
        %gather3A_1805 = tpu.vector_load_idx %arg7[%add3A_1640, %broadcast_in_dim3A_1804] : memref<1664x17xf32, #tpu.memory_space<vmem>>[vector<16xi32>, vector<16xi32>], vector<16xf32>,
        %swap3A_1806 = arith.constant 16 : i32
        %swap3A_1807 = arith.index_cast %swap3A_1806 : i32 to index
        %swap3A_1808 = arith.index_cast %select_n3A_1664 : i32 to index
        %swap3A_1809 = arith.index_cast %mul3A_1682 : i32 to index
        %swap3A_1810 = tpu.vector_load %arg8[%swap3A_1807, %swap3A_1808, %swap3A_1809] {strides = array<i32>} : memref<17x26x64xf32, #tpu.memory_space<vmem>>, vector<16xf32>,
        tpu.vector_store %arg8[%swap3A_1807, %swap3A_1808, %swap3A_1809], %gather3A_1805 {strides = array<i32>} : memref<17x26x64xf32, #tpu.memory_space<vmem>>, vector<16xf32>,
      }
      %scan3A_1429 = arith.constant 52 : i32
      %mul3A_1430 = arith.constant 64 : i32
      %mul3A_1431 = arith.muli %select_n3A_42, %mul3A_1430 : i32
      %dma_start3A = arith.constant 0 : i32
      %dma_start3A_1432 = arith.constant 0 : i32
      %dma_start3A_1433 = tpu.memref_slice %arg4[%dma_start3A, %dma_start3A_1432, %select_n3A, %mul3A_1431] : memref<17x26x56x1024xf32, #tpu.memory_space<hbm>> -> memref<17x26x1x64xf32, #tpu.memory_space<hbm>>
      %dma_start3A_1434 = tpu.memref_squeeze %dma_start3A_1433 : memref<17x26x1x64xf32, #tpu.memory_space<hbm>> -> memref<17x26x64xf32, #tpu.memory_space<hbm>>
      %dma_start3A_1435 = arith.constant 0 : i32
      %dma_start3A_1436 = arith.constant 0 : i32
      %dma_start3A_1437 = tpu.memref_slice %arg4[%dma_start3A_1435, %dma_start3A_1436, %select_n3A, %mul3A_1431] : memref<17x26x56x1024xf32, #tpu.memory_space<hbm>> -> memref<17x26x1x64xf32, #tpu.memory_space<hbm>>
      %dma_start3A_1438 = tpu.memref_squeeze %dma_start3A_1437 : memref<17x26x1x64xf32, #tpu.memory_space<hbm>> -> memref<17x26x64xf32, #tpu.memory_space<hbm>>
      tpu.enqueue_dma source(%arg8 : memref<17x26x64xf32, #tpu.memory_space<vmem>>) target(%dma_start3A_1438 : memref<17x26x64xf32, #tpu.memory_space<hbm>>) target_semaphore(%arg11 : memref<!tpu.dma_semaphore, #tpu.memory_space<semaphore_mem>>)
      %add3A_1439 = arith.constant 32 : i32
      %add3A_1440 = arith.addi %add3A_11, %add3A_1439 : i32
      %lt3A_1441 = arith.constant 800 : i32
      %lt3A_1442 = arith.cmpi slt, %add3A_1440, %lt3A_1441 : i32
      %convert_element_type3A_1443 = arith.extui %lt3A_1442 : i1 to i32
      %cond3A_1444 = arith.constant 0 : i32
      %cond3A_1445 = arith.cmpi ne, %convert_element_type3A_1443, %cond3A_1444 : i32
      scf.if %cond3A_1445 {
        %jit3A_1456 = arith.constant 16 : i32
        %div3A_1457 = arith.divsi %add3A_1440, %jit3A_1456 : i32
        %sign3A_1458 = arith.constant 0 : i32
        %sign3A_1459 = arith.cmpi sgt, %add3A_1440, %sign3A_1458 : i32
        %sign3A_1460 = arith.extui %sign3A_1459 : i1 to i32
        %sign3A_1461 = arith.constant 0 : i32
        %sign3A_1462 = arith.cmpi slt, %add3A_1440, %sign3A_1461 : i32
        %sign3A_1463 = arith.extui %sign3A_1462 : i1 to i32
        %sign3A_1464 = arith.subi %sign3A_1460, %sign3A_1463 : i32
        %sign3A_1465 = arith.constant 0 : i32
        %sign3A_1466 = arith.cmpi sgt, %jit3A_1456, %sign3A_1465 : i32
        %sign3A_1467 = arith.extui %sign3A_1466 : i1 to i32
        %sign3A_1468 = arith.constant 0 : i32
        %sign3A_1469 = arith.cmpi slt, %jit3A_1456, %sign3A_1468 : i32
        %sign3A_1470 = arith.extui %sign3A_1469 : i1 to i32
        %sign3A_1471 = arith.subi %sign3A_1467, %sign3A_1470 : i32
        %ne3A_1472 = arith.cmpi ne, %sign3A_1464, %sign3A_1471 : i32
        %rem3A_1473 = arith.remsi %add3A_1440, %jit3A_1456 : i32
        %ne3A_1474 = arith.constant 0 : i32
        %ne3A_1475 = arith.cmpi ne, %rem3A_1473, %ne3A_1474 : i32
        %and3A_1476 = arith.andi %ne3A_1472, %ne3A_1475 : i1
        %sub3A_1477 = arith.constant 1 : i32
        %sub3A_1478 = arith.subi %div3A_1457, %sub3A_1477 : i32
        %select_n3A_1479 = arith.select %and3A_1476, %sub3A_1478, %div3A_1457 : i32
        %jit3A_1480 = arith.constant 16 : i32
        %eq3A_1481 = arith.constant 0 : i32
        %eq3A_1482 = arith.cmpi eq, %jit3A_1480, %eq3A_1481 : i32
        %jit3A_1483 = arith.constant 1 : i32
        %select_n3A_1484 = arith.select %eq3A_1482, %jit3A_1483, %jit3A_1480 : i32
        %rem3A_1485 = arith.remsi %add3A_1440, %select_n3A_1484 : i32
        %ne3A_1486 = arith.constant 0 : i32
        %ne3A_1487 = arith.cmpi ne, %rem3A_1485, %ne3A_1486 : i32
        %lt3A_1488 = arith.constant 0 : i32
        %lt3A_1489 = arith.cmpi slt, %rem3A_1485, %lt3A_1488 : i32
        %lt3A_1490 = arith.constant 0 : i32
        %lt3A_1491 = arith.cmpi slt, %select_n3A_1484, %lt3A_1490 : i32
        %ne3A_1492 = arith.xori %lt3A_1489, %lt3A_1491 : i1
        %and3A_1493 = arith.andi %ne3A_1492, %ne3A_1487 : i1
        %add3A_1494 = arith.addi %rem3A_1485, %select_n3A_1484 : i32
        %select_n3A_1495 = arith.select %and3A_1493, %add3A_1494, %rem3A_1485 : i32
        %jit3A_1496 = arith.constant 2 : i32
        %div3A_1497 = arith.divsi %select_n3A_1495, %jit3A_1496 : i32
        %sign3A_1498 = arith.constant 0 : i32
        %sign3A_1499 = arith.cmpi sgt, %select_n3A_1495, %sign3A_1498 : i32
        %sign3A_1500 = arith.extui %sign3A_1499 : i1 to i32
        %sign3A_1501 = arith.constant 0 : i32
        %sign3A_1502 = arith.cmpi slt, %select_n3A_1495, %sign3A_1501 : i32
        %sign3A_1503 = arith.extui %sign3A_1502 : i1 to i32
        %sign3A_1504 = arith.subi %sign3A_1500, %sign3A_1503 : i32
        %sign3A_1505 = arith.constant 0 : i32
        %sign3A_1506 = arith.cmpi sgt, %jit3A_1496, %sign3A_1505 : i32
        %sign3A_1507 = arith.extui %sign3A_1506 : i1 to i32
        %sign3A_1508 = arith.constant 0 : i32
        %sign3A_1509 = arith.cmpi slt, %jit3A_1496, %sign3A_1508 : i32
        %sign3A_1510 = arith.extui %sign3A_1509 : i1 to i32
        %sign3A_1511 = arith.subi %sign3A_1507, %sign3A_1510 : i32
        %ne3A_1512 = arith.cmpi ne, %sign3A_1504, %sign3A_1511 : i32
        %rem3A_1513 = arith.remsi %select_n3A_1495, %jit3A_1496 : i32
        %ne3A_1514 = arith.constant 0 : i32
        %ne3A_1515 = arith.cmpi ne, %rem3A_1513, %ne3A_1514 : i32
        %and3A_1516 = arith.andi %ne3A_1512, %ne3A_1515 : i1
        %sub3A_1517 = arith.constant 1 : i32
        %sub3A_1518 = arith.subi %div3A_1497, %sub3A_1517 : i32
        %select_n3A_1519 = arith.select %and3A_1516, %sub3A_1518, %div3A_1497 : i32
        %jit3A_1520 = arith.constant 2 : i32
        %eq3A_1521 = arith.constant 0 : i32
        %eq3A_1522 = arith.cmpi eq, %jit3A_1520, %eq3A_1521 : i32
        %jit3A_1523 = arith.constant 1 : i32
        %select_n3A_1524 = arith.select %eq3A_1522, %jit3A_1523, %jit3A_1520 : i32
        %rem3A_1525 = arith.remsi %add3A_1440, %select_n3A_1524 : i32
        %ne3A_1526 = arith.constant 0 : i32
        %ne3A_1527 = arith.cmpi ne, %rem3A_1525, %ne3A_1526 : i32
        %lt3A_1528 = arith.constant 0 : i32
        %lt3A_1529 = arith.cmpi slt, %rem3A_1525, %lt3A_1528 : i32
        %lt3A_1530 = arith.constant 0 : i32
        %lt3A_1531 = arith.cmpi slt, %select_n3A_1524, %lt3A_1530 : i32
        %ne3A_1532 = arith.xori %lt3A_1529, %lt3A_1531 : i1
        %and3A_1533 = arith.andi %ne3A_1532, %ne3A_1527 : i1
        %add3A_1534 = arith.addi %rem3A_1525, %select_n3A_1524 : i32
        %select_n3A_1535 = arith.select %and3A_1533, %add3A_1534, %rem3A_1525 : i32
        "tpu.region"() ({
          %run_scoped3A = tpu.sem_alloc : memref<!tpu.dma_semaphore, #tpu.memory_space<semaphore_mem>>
          %dma_start3A_2810 = arith.constant 0 : i32
          %dma_start3A_2811 = arith.constant 0 : i32
          %dma_start3A_2812 = arith.constant 0 : i32
          %dma_start3A_2813 = tpu.memref_slice %arg2[%select_n3A_1479, %dma_start3A_2810, %select_n3A_1519, %dma_start3A_2811, %select_n3A_1535, %dma_start3A_2812] : memref<50x26x8x2x2x64xf32, #tpu.memory_space<hbm>> -> memref<1x26x1x2x1x64xf32, #tpu.memory_space<hbm>>
          %dma_start3A_2814 = tpu.memref_squeeze %dma_start3A_2813 : memref<1x26x1x2x1x64xf32, #tpu.memory_space<hbm>> -> memref<26x2x64xf32, #tpu.memory_space<hbm>>
          %dma_start3A_2815 = arith.constant 0 : i32
          %dma_start3A_2816 = arith.constant 0 : i32
          %dma_start3A_2817 = arith.constant 0 : i32
          %dma_start3A_2818 = tpu.memref_slice %arg2[%select_n3A_1479, %dma_start3A_2815, %select_n3A_1519, %dma_start3A_2816, %select_n3A_1535, %dma_start3A_2817] : memref<50x26x8x2x2x64xf32, #tpu.memory_space<hbm>> -> memref<1x26x1x2x1x64xf32, #tpu.memory_space<hbm>>
          %dma_start3A_2819 = tpu.memref_squeeze %dma_start3A_2818 : memref<1x26x1x2x1x64xf32, #tpu.memory_space<hbm>> -> memref<26x2x64xf32, #tpu.memory_space<hbm>>
          tpu.enqueue_dma source(%dma_start3A_2819 : memref<26x2x64xf32, #tpu.memory_space<hbm>>) target(%arg5 : memref<26x2x64xf32, #tpu.memory_space<vmem>>) target_semaphore(%run_scoped3A : memref<!tpu.dma_semaphore, #tpu.memory_space<semaphore_mem>>)
          %dma_wait3A_2820 = arith.constant 0 : i32
          %dma_wait3A_2821 = arith.constant 0 : i32
          %dma_wait3A_2822 = arith.constant 0 : i32
          %dma_wait3A_2823 = tpu.memref_slice %arg2[%select_n3A_1479, %dma_wait3A_2820, %select_n3A_1519, %dma_wait3A_2821, %select_n3A_1535, %dma_wait3A_2822] : memref<50x26x8x2x2x64xf32, #tpu.memory_space<hbm>> -> memref<1x26x1x2x1x64xf32, #tpu.memory_space<hbm>>
          %dma_wait3A_2824 = tpu.memref_squeeze %dma_wait3A_2823 : memref<1x26x1x2x1x64xf32, #tpu.memory_space<hbm>> -> memref<26x2x64xf32, #tpu.memory_space<hbm>>
          %dma_wait3A_2825 = arith.constant 0 : i32
          %dma_wait3A_2826 = arith.constant 0 : i32
          %dma_wait3A_2827 = arith.constant 0 : i32
          %dma_wait3A_2828 = tpu.memref_slice %arg2[%select_n3A_1479, %dma_wait3A_2825, %select_n3A_1519, %dma_wait3A_2826, %select_n3A_1535, %dma_wait3A_2827] : memref<50x26x8x2x2x64xf32, #tpu.memory_space<hbm>> -> memref<1x26x1x2x1x64xf32, #tpu.memory_space<hbm>>
          %dma_wait3A_2829 = tpu.memref_squeeze %dma_wait3A_2828 : memref<1x26x1x2x1x64xf32, #tpu.memory_space<hbm>> -> memref<26x2x64xf32, #tpu.memory_space<hbm>>
          tpu.wait_dma2 semaphore(%run_scoped3A : memref<!tpu.dma_semaphore, #tpu.memory_space<semaphore_mem>>) src(%dma_wait3A_2829 : memref<26x2x64xf32, #tpu.memory_space<hbm>>) dst(%arg5 : memref<26x2x64xf32, #tpu.memory_space<vmem>>)
          tpu.yield
        }) : () -> ()
        %get3A_1536 = arith.constant 0 : i32
        %get3A_1537 = arith.constant 1 : i32
        %get3A_1538 = arith.index_cast %get3A_1536 : i32 to index
        %get3A_1539 = arith.index_cast %get3A_1537 : i32 to index
        %get3A_1540 = arith.constant 0 : index
        %get3A_1541 = tpu.vector_load %arg5[%get3A_1538, %get3A_1539, %get3A_1540] {strides = array<i32>} : memref<26x2x64xf32, #tpu.memory_space<vmem>>, vector<16xf32>,
        %convert_element_type3A_1542 = arith.fptosi %get3A_1541 : vector<16xf32> to vector<16xi32>
        %swap3A_1543 = arith.constant 0 : i32
        %swap3A_1544 = arith.index_cast %swap3A_1543 : i32 to index
        %swap3A_1545 = arith.constant 0 : index
        %swap3A_1546 = tpu.vector_load %arg9[%swap3A_1544, %swap3A_1545] {strides = array<i32>} : memref<13x128xi32, #tpu.memory_space<vmem>>, vector<16xi32>,
        tpu.vector_store %arg9[%swap3A_1544, %swap3A_1545], %convert_element_type3A_1542 {strides = array<i32>} : memref<13x128xi32, #tpu.memory_space<vmem>>, vector<16xi32>,
        %get3A_1547 = arith.constant 0 : i32
        %get3A_1548 = arith.constant 1 : i32
        %get3A_1549 = arith.index_cast %get3A_1547 : i32 to index
        %get3A_1550 = arith.index_cast %get3A_1548 : i32 to index
        %get3A_1551 = arith.constant 16 : index
        %get3A_1552 = tpu.vector_load %arg5[%get3A_1549, %get3A_1550, %get3A_1551] {strides = array<i32>} : memref<26x2x64xf32, #tpu.memory_space<vmem>>, vector<16xf32>,
        %convert_element_type3A_1553 = arith.fptosi %get3A_1552 : vector<16xf32> to vector<16xi32>
        %swap3A_1554 = arith.constant 0 : i32
        %swap3A_1555 = arith.index_cast %swap3A_1554 : i32 to index
        %swap3A_1556 = arith.constant 16 : index
        %swap3A_1557 = tpu.vector_load %arg9[%swap3A_1555, %swap3A_1556] {strides = array<i32>} : memref<13x128xi32, #tpu.memory_space<vmem>>, vector<16xi32>,
        tpu.vector_store %arg9[%swap3A_1555, %swap3A_1556], %convert_element_type3A_1553 {strides = array<i32>} : memref<13x128xi32, #tpu.memory_space<vmem>>, vector<16xi32>,
        %get3A_1558 = arith.constant 0 : i32
        %get3A_1559 = arith.constant 1 : i32
        %get3A_1560 = arith.index_cast %get3A_1558 : i32 to index
        %get3A_1561 = arith.index_cast %get3A_1559 : i32 to index
        %get3A_1562 = arith.constant 32 : index
        %get3A_1563 = tpu.vector_load %arg5[%get3A_1560, %get3A_1561, %get3A_1562] {strides = array<i32>} : memref<26x2x64xf32, #tpu.memory_space<vmem>>, vector<16xf32>,
        %convert_element_type3A_1564 = arith.fptosi %get3A_1563 : vector<16xf32> to vector<16xi32>
        %swap3A_1565 = arith.constant 0 : i32
        %swap3A_1566 = arith.index_cast %swap3A_1565 : i32 to index
        %swap3A_1567 = arith.constant 32 : index
        %swap3A_1568 = tpu.vector_load %arg9[%swap3A_1566, %swap3A_1567] {strides = array<i32>} : memref<13x128xi32, #tpu.memory_space<vmem>>, vector<16xi32>,
        tpu.vector_store %arg9[%swap3A_1566, %swap3A_1567], %convert_element_type3A_1564 {strides = array<i32>} : memref<13x128xi32, #tpu.memory_space<vmem>>, vector<16xi32>,
        %get3A_1569 = arith.constant 0 : i32
        %get3A_1570 = arith.constant 1 : i32
        %get3A_1571 = arith.index_cast %get3A_1569 : i32 to index
        %get3A_1572 = arith.index_cast %get3A_1570 : i32 to index
        %get3A_1573 = arith.constant 48 : index
        %get3A_1574 = tpu.vector_load %arg5[%get3A_1571, %get3A_1572, %get3A_1573] {strides = array<i32>} : memref<26x2x64xf32, #tpu.memory_space<vmem>>, vector<16xf32>,
        %convert_element_type3A_1575 = arith.fptosi %get3A_1574 : vector<16xf32> to vector<16xi32>
        %swap3A_1576 = arith.constant 0 : i32
        %swap3A_1577 = arith.index_cast %swap3A_1576 : i32 to index
        %swap3A_1578 = arith.constant 48 : index
        %swap3A_1579 = tpu.vector_load %arg9[%swap3A_1577, %swap3A_1578] {strides = array<i32>} : memref<13x128xi32, #tpu.memory_space<vmem>>, vector<16xi32>,
        tpu.vector_store %arg9[%swap3A_1577, %swap3A_1578], %convert_element_type3A_1575 {strides = array<i32>} : memref<13x128xi32, #tpu.memory_space<vmem>>, vector<16xi32>,
        %get3A_1580 = arith.constant 1 : i32
        %get3A_1581 = arith.constant 1 : i32
        %get3A_1582 = arith.index_cast %get3A_1580 : i32 to index
        %get3A_1583 = arith.index_cast %get3A_1581 : i32 to index
        %get3A_1584 = arith.constant 0 : index
        %get3A_1585 = tpu.vector_load %arg5[%get3A_1582, %get3A_1583, %get3A_1584] {strides = array<i32>} : memref<26x2x64xf32, #tpu.memory_space<vmem>>, vector<16xf32>,
        %convert_element_type3A_1586 = arith.fptosi %get3A_1585 : vector<16xf32> to vector<16xi32>
        %swap3A_1587 = arith.constant 0 : i32
        %swap3A_1588 = arith.index_cast %swap3A_1587 : i32 to index
        %swap3A_1589 = arith.constant 64 : index
        %swap3A_1590 = tpu.vector_load %arg9[%swap3A_1588, %swap3A_1589] {strides = array<i32>} : memref<13x128xi32, #tpu.memory_space<vmem>>, vector<16xi32>,
        tpu.vector_store %arg9[%swap3A_1588, %swap3A_1589], %convert_element_type3A_1586 {strides = array<i32>} : memref<13x128xi32, #tpu.memory_space<vmem>>, vector<16xi32>,
        %get3A_1591 = arith.constant 1 : i32
        %get3A_1592 = arith.constant 1 : i32
        %get3A_1593 = arith.index_cast %get3A_1591 : i32 to index
        %get3A_1594 = arith.index_cast %get3A_1592 : i32 to index
        %get3A_1595 = arith.constant 16 : index
        %get3A_1596 = tpu.vector_load %arg5[%get3A_1593, %get3A_1594, %get3A_1595] {strides = array<i32>} : memref<26x2x64xf32, #tpu.memory_space<vmem>>, vector<16xf32>,
        %convert_element_type3A_1597 = arith.fptosi %get3A_1596 : vector<16xf32> to vector<16xi32>
        %swap3A_1598 = arith.constant 0 : i32
        %swap3A_1599 = arith.index_cast %swap3A_1598 : i32 to index
        %swap3A_1600 = arith.constant 80 : index
        %swap3A_1601 = tpu.vector_load %arg9[%swap3A_1599, %swap3A_1600] {strides = array<i32>} : memref<13x128xi32, #tpu.memory_space<vmem>>, vector<16xi32>,
        tpu.vector_store %arg9[%swap3A_1599, %swap3A_1600], %convert_element_type3A_1597 {strides = array<i32>} : memref<13x128xi32, #tpu.memory_space<vmem>>, vector<16xi32>,
        %get3A_1602 = arith.constant 1 : i32
        %get3A_1603 = arith.constant 1 : i32
        %get3A_1604 = arith.index_cast %get3A_1602 : i32 to index
        %get3A_1605 = arith.index_cast %get3A_1603 : i32 to index
        %get3A_1606 = arith.constant 32 : index
        %get3A_1607 = tpu.vector_load %arg5[%get3A_1604, %get3A_1605, %get3A_1606] {strides = array<i32>} : memref<26x2x64xf32, #tpu.memory_space<vmem>>, vector<16xf32>,
        %convert_element_type3A_1608 = arith.fptosi %get3A_1607 : vector<16xf32> to vector<16xi32>
        %swap3A_1609 = arith.constant 0 : i32
        %swap3A_1610 = arith.index_cast %swap3A_1609 : i32 to index
        %swap3A_1611 = arith.constant 96 : index
        %swap3A_1612 = tpu.vector_load %arg9[%swap3A_1610, %swap3A_1611] {strides = array<i32>} : memref<13x128xi32, #tpu.memory_space<vmem>>, vector<16xi32>,
        tpu.vector_store %arg9[%swap3A_1610, %swap3A_1611], %convert_element_type3A_1608 {strides = array<i32>} : memref<13x128xi32, #tpu.memory_space<vmem>>, vector<16xi32>,
        %get3A_1613 = arith.constant 1 : i32
        %get3A_1614 = arith.constant 1 : i32
        %get3A_1615 = arith.index_cast %get3A_1613 : i32 to index
        %get3A_1616 = arith.index_cast %get3A_1614 : i32 to index
        %get3A_1617 = arith.constant 48 : index
        %get3A_1618 = tpu.vector_load %arg5[%get3A_1615, %get3A_1616, %get3A_1617] {strides = array<i32>} : memref<26x2x64xf32, #tpu.memory_space<vmem>>, vector<16xf32>,
        %convert_element_type3A_1619 = arith.fptosi %get3A_1618 : vector<16xf32> to vector<16xi32>
        %swap3A_1620 = arith.constant 0 : i32
        %swap3A_1621 = arith.index_cast %swap3A_1620 : i32 to index
        %swap3A_1622 = arith.constant 112 : index
        %swap3A_1623 = tpu.vector_load %arg9[%swap3A_1621, %swap3A_1622] {strides = array<i32>} : memref<13x128xi32, #tpu.memory_space<vmem>>, vector<16xi32>,
        tpu.vector_store %arg9[%swap3A_1621, %swap3A_1622], %convert_element_type3A_1619 {strides = array<i32>} : memref<13x128xi32, #tpu.memory_space<vmem>>, vector<16xi32>,
        %get3A_1624 = arith.constant 2 : i32
        %get3A_1625 = arith.constant 1 : i32
        %get3A_1626 = arith.index_cast %get3A_1624 : i32 to index
        %get3A_1627 = arith.index_cast %get3A_1625 : i32 to index
        %get3A_1628 = arith.constant 0 : index
        %get3A_1629 = tpu.vector_load %arg5[%get3A_1626, %get3A_1627, %get3A_1628] {strides = array<i32>} : memref<26x2x64xf32, #tpu.memory_space<vmem>>, vector<16xf32>,
        %convert_element_type3A_1630 = arith.fptosi %get3A_1629 : vector<16xf32> to vector<16xi32>
        %swap3A_1631 = arith.constant 1 : i32
        %swap3A_1632 = arith.index_cast %swap3A_1631 : i32 to index
        %swap3A_1633 = arith.constant 0 : index
        %swap3A_1634 = tpu.vector_load %arg9[%swap3A_1632, %swap3A_1633] {strides = array<i32>} : memref<13x128xi32, #tpu.memory_space<vmem>>, vector<16xi32>,
        tpu.vector_store %arg9[%swap3A_1632, %swap3A_1633], %convert_element_type3A_1630 {strides = array<i32>} : memref<13x128xi32, #tpu.memory_space<vmem>>, vector<16xi32>,
        %get3A_1635 = arith.constant 2 : i32
        %get3A_1636 = arith.constant 1 : i32
        %get3A_1637 = arith.index_cast %get3A_1635 : i32 to index
        %get3A_1638 = arith.index_cast %get3A_1636 : i32 to index
        %get3A_1639 = arith.constant 16 : index
        %get3A_1640 = tpu.vector_load %arg5[%get3A_1637, %get3A_1638, %get3A_1639] {strides = array<i32>} : memref<26x2x64xf32, #tpu.memory_space<vmem>>, vector<16xf32>,
        %convert_element_type3A_1641 = arith.fptosi %get3A_1640 : vector<16xf32> to vector<16xi32>
        %swap3A_1642 = arith.constant 1 : i32
        %swap3A_1643 = arith.index_cast %swap3A_1642 : i32 to index
        %swap3A_1644 = arith.constant 16 : index
        %swap3A_1645 = tpu.vector_load %arg9[%swap3A_1643, %swap3A_1644] {strides = array<i32>} : memref<13x128xi32, #tpu.memory_space<vmem>>, vector<16xi32>,
        tpu.vector_store %arg9[%swap3A_1643, %swap3A_1644], %convert_element_type3A_1641 {strides = array<i32>} : memref<13x128xi32, #tpu.memory_space<vmem>>, vector<16xi32>,
        %get3A_1646 = arith.constant 2 : i32
        %get3A_1647 = arith.constant 1 : i32
        %get3A_1648 = arith.index_cast %get3A_1646 : i32 to index
        %get3A_1649 = arith.index_cast %get3A_1647 : i32 to index
        %get3A_1650 = arith.constant 32 : index
        %get3A_1651 = tpu.vector_load %arg5[%get3A_1648, %get3A_1649, %get3A_1650] {strides = array<i32>} : memref<26x2x64xf32, #tpu.memory_space<vmem>>, vector<16xf32>,
        %convert_element_type3A_1652 = arith.fptosi %get3A_1651 : vector<16xf32> to vector<16xi32>
        %swap3A_1653 = arith.constant 1 : i32
        %swap3A_1654 = arith.index_cast %swap3A_1653 : i32 to index
        %swap3A_1655 = arith.constant 32 : index
        %swap3A_1656 = tpu.vector_load %arg9[%swap3A_1654, %swap3A_1655] {strides = array<i32>} : memref<13x128xi32, #tpu.memory_space<vmem>>, vector<16xi32>,
        tpu.vector_store %arg9[%swap3A_1654, %swap3A_1655], %convert_element_type3A_1652 {strides = array<i32>} : memref<13x128xi32, #tpu.memory_space<vmem>>, vector<16xi32>,
        %get3A_1657 = arith.constant 2 : i32
        %get3A_1658 = arith.constant 1 : i32
        %get3A_1659 = arith.index_cast %get3A_1657 : i32 to index
        %get3A_1660 = arith.index_cast %get3A_1658 : i32 to index
        %get3A_1661 = arith.constant 48 : index
        %get3A_1662 = tpu.vector_load %arg5[%get3A_1659, %get3A_1660, %get3A_1661] {strides = array<i32>} : memref<26x2x64xf32, #tpu.memory_space<vmem>>, vector<16xf32>,
        %convert_element_type3A_1663 = arith.fptosi %get3A_1662 : vector<16xf32> to vector<16xi32>
        %swap3A_1664 = arith.constant 1 : i32
        %swap3A_1665 = arith.index_cast %swap3A_1664 : i32 to index
        %swap3A_1666 = arith.constant 48 : index
        %swap3A_1667 = tpu.vector_load %arg9[%swap3A_1665, %swap3A_1666] {strides = array<i32>} : memref<13x128xi32, #tpu.memory_space<vmem>>, vector<16xi32>,
        tpu.vector_store %arg9[%swap3A_1665, %swap3A_1666], %convert_element_type3A_1663 {strides = array<i32>} : memref<13x128xi32, #tpu.memory_space<vmem>>, vector<16xi32>,
        %get3A_1668 = arith.constant 3 : i32
        %get3A_1669 = arith.constant 1 : i32
        %get3A_1670 = arith.index_cast %get3A_1668 : i32 to index
        %get3A_1671 = arith.index_cast %get3A_1669 : i32 to index
        %get3A_1672 = arith.constant 0 : index
        %get3A_1673 = tpu.vector_load %arg5[%get3A_1670, %get3A_1671, %get3A_1672] {strides = array<i32>} : memref<26x2x64xf32, #tpu.memory_space<vmem>>, vector<16xf32>,
        %convert_element_type3A_1674 = arith.fptosi %get3A_1673 : vector<16xf32> to vector<16xi32>
        %swap3A_1675 = arith.constant 1 : i32
        %swap3A_1676 = arith.index_cast %swap3A_1675 : i32 to index
        %swap3A_1677 = arith.constant 64 : index
        %swap3A_1678 = tpu.vector_load %arg9[%swap3A_1676, %swap3A_1677] {strides = array<i32>} : memref<13x128xi32, #tpu.memory_space<vmem>>, vector<16xi32>,
        tpu.vector_store %arg9[%swap3A_1676, %swap3A_1677], %convert_element_type3A_1674 {strides = array<i32>} : memref<13x128xi32, #tpu.memory_space<vmem>>, vector<16xi32>,
        %get3A_1679 = arith.constant 3 : i32
        %get3A_1680 = arith.constant 1 : i32
        %get3A_1681 = arith.index_cast %get3A_1679 : i32 to index
        %get3A_1682 = arith.index_cast %get3A_1680 : i32 to index
        %get3A_1683 = arith.constant 16 : index
        %get3A_1684 = tpu.vector_load %arg5[%get3A_1681, %get3A_1682, %get3A_1683] {strides = array<i32>} : memref<26x2x64xf32, #tpu.memory_space<vmem>>, vector<16xf32>,
        %convert_element_type3A_1685 = arith.fptosi %get3A_1684 : vector<16xf32> to vector<16xi32>
        %swap3A_1686 = arith.constant 1 : i32
        %swap3A_1687 = arith.index_cast %swap3A_1686 : i32 to index
        %swap3A_1688 = arith.constant 80 : index
        %swap3A_1689 = tpu.vector_load %arg9[%swap3A_1687, %swap3A_1688] {strides = array<i32>} : memref<13x128xi32, #tpu.memory_space<vmem>>, vector<16xi32>,
        tpu.vector_store %arg9[%swap3A_1687, %swap3A_1688], %convert_element_type3A_1685 {strides = array<i32>} : memref<13x128xi32, #tpu.memory_space<vmem>>, vector<16xi32>,
        %get3A_1690 = arith.constant 3 : i32
        %get3A_1691 = arith.constant 1 : i32
        %get3A_1692 = arith.index_cast %get3A_1690 : i32 to index
        %get3A_1693 = arith.index_cast %get3A_1691 : i32 to index
        %get3A_1694 = arith.constant 32 : index
        %get3A_1695 = tpu.vector_load %arg5[%get3A_1692, %get3A_1693, %get3A_1694] {strides = array<i32>} : memref<26x2x64xf32, #tpu.memory_space<vmem>>, vector<16xf32>,
        %convert_element_type3A_1696 = arith.fptosi %get3A_1695 : vector<16xf32> to vector<16xi32>
        %swap3A_1697 = arith.constant 1 : i32
        %swap3A_1698 = arith.index_cast %swap3A_1697 : i32 to index
        %swap3A_1699 = arith.constant 96 : index
        %swap3A_1700 = tpu.vector_load %arg9[%swap3A_1698, %swap3A_1699] {strides = array<i32>} : memref<13x128xi32, #tpu.memory_space<vmem>>, vector<16xi32>,
        tpu.vector_store %arg9[%swap3A_1698, %swap3A_1699], %convert_element_type3A_1696 {strides = array<i32>} : memref<13x128xi32, #tpu.memory_space<vmem>>, vector<16xi32>,
        %get3A_1701 = arith.constant 3 : i32
        %get3A_1702 = arith.constant 1 : i32
        %get3A_1703 = arith.index_cast %get3A_1701 : i32 to index
        %get3A_1704 = arith.index_cast %get3A_1702 : i32 to index
        %get3A_1705 = arith.constant 48 : index
        %get3A_1706 = tpu.vector_load %arg5[%get3A_1703, %get3A_1704, %get3A_1705] {strides = array<i32>} : memref<26x2x64xf32, #tpu.memory_space<vmem>>, vector<16xf32>,
        %convert_element_type3A_1707 = arith.fptosi %get3A_1706 : vector<16xf32> to vector<16xi32>
        %swap3A_1708 = arith.constant 1 : i32
        %swap3A_1709 = arith.index_cast %swap3A_1708 : i32 to index
        %swap3A_1710 = arith.constant 112 : index
        %swap3A_1711 = tpu.vector_load %arg9[%swap3A_1709, %swap3A_1710] {strides = array<i32>} : memref<13x128xi32, #tpu.memory_space<vmem>>, vector<16xi32>,
        tpu.vector_store %arg9[%swap3A_1709, %swap3A_1710], %convert_element_type3A_1707 {strides = array<i32>} : memref<13x128xi32, #tpu.memory_space<vmem>>, vector<16xi32>,
        %get3A_1712 = arith.constant 4 : i32
        %get3A_1713 = arith.constant 1 : i32
        %get3A_1714 = arith.index_cast %get3A_1712 : i32 to index
        %get3A_1715 = arith.index_cast %get3A_1713 : i32 to index
        %get3A_1716 = arith.constant 0 : index
        %get3A_1717 = tpu.vector_load %arg5[%get3A_1714, %get3A_1715, %get3A_1716] {strides = array<i32>} : memref<26x2x64xf32, #tpu.memory_space<vmem>>, vector<16xf32>,
        %convert_element_type3A_1718 = arith.fptosi %get3A_1717 : vector<16xf32> to vector<16xi32>
        %swap3A_1719 = arith.constant 2 : i32
        %swap3A_1720 = arith.index_cast %swap3A_1719 : i32 to index
        %swap3A_1721 = arith.constant 0 : index
        %swap3A_1722 = tpu.vector_load %arg9[%swap3A_1720, %swap3A_1721] {strides = array<i32>} : memref<13x128xi32, #tpu.memory_space<vmem>>, vector<16xi32>,
        tpu.vector_store %arg9[%swap3A_1720, %swap3A_1721], %convert_element_type3A_1718 {strides = array<i32>} : memref<13x128xi32, #tpu.memory_space<vmem>>, vector<16xi32>,
        %get3A_1723 = arith.constant 4 : i32
        %get3A_1724 = arith.constant 1 : i32
        %get3A_1725 = arith.index_cast %get3A_1723 : i32 to index
        %get3A_1726 = arith.index_cast %get3A_1724 : i32 to index
        %get3A_1727 = arith.constant 16 : index
        %get3A_1728 = tpu.vector_load %arg5[%get3A_1725, %get3A_1726, %get3A_1727] {strides = array<i32>} : memref<26x2x64xf32, #tpu.memory_space<vmem>>, vector<16xf32>,
        %convert_element_type3A_1729 = arith.fptosi %get3A_1728 : vector<16xf32> to vector<16xi32>
        %swap3A_1730 = arith.constant 2 : i32
        %swap3A_1731 = arith.index_cast %swap3A_1730 : i32 to index
        %swap3A_1732 = arith.constant 16 : index
        %swap3A_1733 = tpu.vector_load %arg9[%swap3A_1731, %swap3A_1732] {strides = array<i32>} : memref<13x128xi32, #tpu.memory_space<vmem>>, vector<16xi32>,
        tpu.vector_store %arg9[%swap3A_1731, %swap3A_1732], %convert_element_type3A_1729 {strides = array<i32>} : memref<13x128xi32, #tpu.memory_space<vmem>>, vector<16xi32>,
        %get3A_1734 = arith.constant 4 : i32
        %get3A_1735 = arith.constant 1 : i32
        %get3A_1736 = arith.index_cast %get3A_1734 : i32 to index
        %get3A_1737 = arith.index_cast %get3A_1735 : i32 to index
        %get3A_1738 = arith.constant 32 : index
        %get3A_1739 = tpu.vector_load %arg5[%get3A_1736, %get3A_1737, %get3A_1738] {strides = array<i32>} : memref<26x2x64xf32, #tpu.memory_space<vmem>>, vector<16xf32>,
        %convert_element_type3A_1740 = arith.fptosi %get3A_1739 : vector<16xf32> to vector<16xi32>
        %swap3A_1741 = arith.constant 2 : i32
        %swap3A_1742 = arith.index_cast %swap3A_1741 : i32 to index
        %swap3A_1743 = arith.constant 32 : index
        %swap3A_1744 = tpu.vector_load %arg9[%swap3A_1742, %swap3A_1743] {strides = array<i32>} : memref<13x128xi32, #tpu.memory_space<vmem>>, vector<16xi32>,
        tpu.vector_store %arg9[%swap3A_1742, %swap3A_1743], %convert_element_type3A_1740 {strides = array<i32>} : memref<13x128xi32, #tpu.memory_space<vmem>>, vector<16xi32>,
        %get3A_1745 = arith.constant 4 : i32
        %get3A_1746 = arith.constant 1 : i32
        %get3A_1747 = arith.index_cast %get3A_1745 : i32 to index
        %get3A_1748 = arith.index_cast %get3A_1746 : i32 to index
        %get3A_1749 = arith.constant 48 : index
        %get3A_1750 = tpu.vector_load %arg5[%get3A_1747, %get3A_1748, %get3A_1749] {strides = array<i32>} : memref<26x2x64xf32, #tpu.memory_space<vmem>>, vector<16xf32>,
        %convert_element_type3A_1751 = arith.fptosi %get3A_1750 : vector<16xf32> to vector<16xi32>
        %swap3A_1752 = arith.constant 2 : i32
        %swap3A_1753 = arith.index_cast %swap3A_1752 : i32 to index
        %swap3A_1754 = arith.constant 48 : index
        %swap3A_1755 = tpu.vector_load %arg9[%swap3A_1753, %swap3A_1754] {strides = array<i32>} : memref<13x128xi32, #tpu.memory_space<vmem>>, vector<16xi32>,
        tpu.vector_store %arg9[%swap3A_1753, %swap3A_1754], %convert_element_type3A_1751 {strides = array<i32>} : memref<13x128xi32, #tpu.memory_space<vmem>>, vector<16xi32>,
        %get3A_1756 = arith.constant 5 : i32
        %get3A_1757 = arith.constant 1 : i32
        %get3A_1758 = arith.index_cast %get3A_1756 : i32 to index
        %get3A_1759 = arith.index_cast %get3A_1757 : i32 to index
        %get3A_1760 = arith.constant 0 : index
        %get3A_1761 = tpu.vector_load %arg5[%get3A_1758, %get3A_1759, %get3A_1760] {strides = array<i32>} : memref<26x2x64xf32, #tpu.memory_space<vmem>>, vector<16xf32>,
        %convert_element_type3A_1762 = arith.fptosi %get3A_1761 : vector<16xf32> to vector<16xi32>
        %swap3A_1763 = arith.constant 2 : i32
        %swap3A_1764 = arith.index_cast %swap3A_1763 : i32 to index
        %swap3A_1765 = arith.constant 64 : index
        %swap3A_1766 = tpu.vector_load %arg9[%swap3A_1764, %swap3A_1765] {strides = array<i32>} : memref<13x128xi32, #tpu.memory_space<vmem>>, vector<16xi32>,
        tpu.vector_store %arg9[%swap3A_1764, %swap3A_1765], %convert_element_type3A_1762 {strides = array<i32>} : memref<13x128xi32, #tpu.memory_space<vmem>>, vector<16xi32>,
        %get3A_1767 = arith.constant 5 : i32
        %get3A_1768 = arith.constant 1 : i32
        %get3A_1769 = arith.index_cast %get3A_1767 : i32 to index
        %get3A_1770 = arith.index_cast %get3A_1768 : i32 to index
        %get3A_1771 = arith.constant 16 : index
        %get3A_1772 = tpu.vector_load %arg5[%get3A_1769, %get3A_1770, %get3A_1771] {strides = array<i32>} : memref<26x2x64xf32, #tpu.memory_space<vmem>>, vector<16xf32>,
        %convert_element_type3A_1773 = arith.fptosi %get3A_1772 : vector<16xf32> to vector<16xi32>
        %swap3A_1774 = arith.constant 2 : i32
        %swap3A_1775 = arith.index_cast %swap3A_1774 : i32 to index
        %swap3A_1776 = arith.constant 80 : index
        %swap3A_1777 = tpu.vector_load %arg9[%swap3A_1775, %swap3A_1776] {strides = array<i32>} : memref<13x128xi32, #tpu.memory_space<vmem>>, vector<16xi32>,
        tpu.vector_store %arg9[%swap3A_1775, %swap3A_1776], %convert_element_type3A_1773 {strides = array<i32>} : memref<13x128xi32, #tpu.memory_space<vmem>>, vector<16xi32>,
        %get3A_1778 = arith.constant 5 : i32
        %get3A_1779 = arith.constant 1 : i32
        %get3A_1780 = arith.index_cast %get3A_1778 : i32 to index
        %get3A_1781 = arith.index_cast %get3A_1779 : i32 to index
        %get3A_1782 = arith.constant 32 : index
        %get3A_1783 = tpu.vector_load %arg5[%get3A_1780, %get3A_1781, %get3A_1782] {strides = array<i32>} : memref<26x2x64xf32, #tpu.memory_space<vmem>>, vector<16xf32>,
        %convert_element_type3A_1784 = arith.fptosi %get3A_1783 : vector<16xf32> to vector<16xi32>
        %swap3A_1785 = arith.constant 2 : i32
        %swap3A_1786 = arith.index_cast %swap3A_1785 : i32 to index
        %swap3A_1787 = arith.constant 96 : index
        %swap3A_1788 = tpu.vector_load %arg9[%swap3A_1786, %swap3A_1787] {strides = array<i32>} : memref<13x128xi32, #tpu.memory_space<vmem>>, vector<16xi32>,
        tpu.vector_store %arg9[%swap3A_1786, %swap3A_1787], %convert_element_type3A_1784 {strides = array<i32>} : memref<13x128xi32, #tpu.memory_space<vmem>>, vector<16xi32>,
        %get3A_1789 = arith.constant 5 : i32
        %get3A_1790 = arith.constant 1 : i32
        %get3A_1791 = arith.index_cast %get3A_1789 : i32 to index
        %get3A_1792 = arith.index_cast %get3A_1790 : i32 to index
        %get3A_1793 = arith.constant 48 : index
        %get3A_1794 = tpu.vector_load %arg5[%get3A_1791, %get3A_1792, %get3A_1793] {strides = array<i32>} : memref<26x2x64xf32, #tpu.memory_space<vmem>>, vector<16xf32>,
        %convert_element_type3A_1795 = arith.fptosi %get3A_1794 : vector<16xf32> to vector<16xi32>
        %swap3A_1796 = arith.constant 2 : i32
        %swap3A_1797 = arith.index_cast %swap3A_1796 : i32 to index
        %swap3A_1798 = arith.constant 112 : index
        %swap3A_1799 = tpu.vector_load %arg9[%swap3A_1797, %swap3A_1798] {strides = array<i32>} : memref<13x128xi32, #tpu.memory_space<vmem>>, vector<16xi32>,
        tpu.vector_store %arg9[%swap3A_1797, %swap3A_1798], %convert_element_type3A_1795 {strides = array<i32>} : memref<13x128xi32, #tpu.memory_space<vmem>>, vector<16xi32>,
        %get3A_1800 = arith.constant 6 : i32
        %get3A_1801 = arith.constant 1 : i32
        %get3A_1802 = arith.index_cast %get3A_1800 : i32 to index
        %get3A_1803 = arith.index_cast %get3A_1801 : i32 to index
        %get3A_1804 = arith.constant 0 : index
        %get3A_1805 = tpu.vector_load %arg5[%get3A_1802, %get3A_1803, %get3A_1804] {strides = array<i32>} : memref<26x2x64xf32, #tpu.memory_space<vmem>>, vector<16xf32>,
        %convert_element_type3A_1806 = arith.fptosi %get3A_1805 : vector<16xf32> to vector<16xi32>
        %swap3A_1807 = arith.constant 3 : i32
        %swap3A_1808 = arith.index_cast %swap3A_1807 : i32 to index
        %swap3A_1809 = arith.constant 0 : index
        %swap3A_1810 = tpu.vector_load %arg9[%swap3A_1808, %swap3A_1809] {strides = array<i32>} : memref<13x128xi32, #tpu.memory_space<vmem>>, vector<16xi32>,
        tpu.vector_store %arg9[%swap3A_1808, %swap3A_1809], %convert_element_type3A_1806 {strides = array<i32>} : memref<13x128xi32, #tpu.memory_space<vmem>>, vector<16xi32>,
        %get3A_1811 = arith.constant 6 : i32
        %get3A_1812 = arith.constant 1 : i32
        %get3A_1813 = arith.index_cast %get3A_1811 : i32 to index
        %get3A_1814 = arith.index_cast %get3A_1812 : i32 to index
        %get3A_1815 = arith.constant 16 : index
        %get3A_1816 = tpu.vector_load %arg5[%get3A_1813, %get3A_1814, %get3A_1815] {strides = array<i32>} : memref<26x2x64xf32, #tpu.memory_space<vmem>>, vector<16xf32>,
        %convert_element_type3A_1817 = arith.fptosi %get3A_1816 : vector<16xf32> to vector<16xi32>
        %swap3A_1818 = arith.constant 3 : i32
        %swap3A_1819 = arith.index_cast %swap3A_1818 : i32 to index
        %swap3A_1820 = arith.constant 16 : index
        %swap3A_1821 = tpu.vector_load %arg9[%swap3A_1819, %swap3A_1820] {strides = array<i32>} : memref<13x128xi32, #tpu.memory_space<vmem>>, vector<16xi32>,
        tpu.vector_store %arg9[%swap3A_1819, %swap3A_1820], %convert_element_type3A_1817 {strides = array<i32>} : memref<13x128xi32, #tpu.memory_space<vmem>>, vector<16xi32>,
        %get3A_1822 = arith.constant 6 : i32
        %get3A_1823 = arith.constant 1 : i32
        %get3A_1824 = arith.index_cast %get3A_1822 : i32 to index
        %get3A_1825 = arith.index_cast %get3A_1823 : i32 to index
        %get3A_1826 = arith.constant 32 : index
        %get3A_1827 = tpu.vector_load %arg5[%get3A_1824, %get3A_1825, %get3A_1826] {strides = array<i32>} : memref<26x2x64xf32, #tpu.memory_space<vmem>>, vector<16xf32>,
        %convert_element_type3A_1828 = arith.fptosi %get3A_1827 : vector<16xf32> to vector<16xi32>
        %swap3A_1829 = arith.constant 3 : i32
        %swap3A_1830 = arith.index_cast %swap3A_1829 : i32 to index
        %swap3A_1831 = arith.constant 32 : index
        %swap3A_1832 = tpu.vector_load %arg9[%swap3A_1830, %swap3A_1831] {strides = array<i32>} : memref<13x128xi32, #tpu.memory_space<vmem>>, vector<16xi32>,
        tpu.vector_store %arg9[%swap3A_1830, %swap3A_1831], %convert_element_type3A_1828 {strides = array<i32>} : memref<13x128xi32, #tpu.memory_space<vmem>>, vector<16xi32>,
        %get3A_1833 = arith.constant 6 : i32
        %get3A_1834 = arith.constant 1 : i32
        %get3A_1835 = arith.index_cast %get3A_1833 : i32 to index
        %get3A_1836 = arith.index_cast %get3A_1834 : i32 to index
        %get3A_1837 = arith.constant 48 : index
        %get3A_1838 = tpu.vector_load %arg5[%get3A_1835, %get3A_1836, %get3A_1837] {strides = array<i32>} : memref<26x2x64xf32, #tpu.memory_space<vmem>>, vector<16xf32>,
        %convert_element_type3A_1839 = arith.fptosi %get3A_1838 : vector<16xf32> to vector<16xi32>
        %swap3A_1840 = arith.constant 3 : i32
        %swap3A_1841 = arith.index_cast %swap3A_1840 : i32 to index
        %swap3A_1842 = arith.constant 48 : index
        %swap3A_1843 = tpu.vector_load %arg9[%swap3A_1841, %swap3A_1842] {strides = array<i32>} : memref<13x128xi32, #tpu.memory_space<vmem>>, vector<16xi32>,
        tpu.vector_store %arg9[%swap3A_1841, %swap3A_1842], %convert_element_type3A_1839 {strides = array<i32>} : memref<13x128xi32, #tpu.memory_space<vmem>>, vector<16xi32>,
        %get3A_1844 = arith.constant 7 : i32
        %get3A_1845 = arith.constant 1 : i32
        %get3A_1846 = arith.index_cast %get3A_1844 : i32 to index
        %get3A_1847 = arith.index_cast %get3A_1845 : i32 to index
        %get3A_1848 = arith.constant 0 : index
        %get3A_1849 = tpu.vector_load %arg5[%get3A_1846, %get3A_1847, %get3A_1848] {strides = array<i32>} : memref<26x2x64xf32, #tpu.memory_space<vmem>>, vector<16xf32>,
        %convert_element_type3A_1850 = arith.fptosi %get3A_1849 : vector<16xf32> to vector<16xi32>
        %swap3A_1851 = arith.constant 3 : i32
        %swap3A_1852 = arith.index_cast %swap3A_1851 : i32 to index
        %swap3A_1853 = arith.constant 64 : index
        %swap3A_1854 = tpu.vector_load %arg9[%swap3A_1852, %swap3A_1853] {strides = array<i32>} : memref<13x128xi32, #tpu.memory_space<vmem>>, vector<16xi32>,
        tpu.vector_store %arg9[%swap3A_1852, %swap3A_1853], %convert_element_type3A_1850 {strides = array<i32>} : memref<13x128xi32, #tpu.memory_space<vmem>>, vector<16xi32>,
        %get3A_1855 = arith.constant 7 : i32
        %get3A_1856 = arith.constant 1 : i32
        %get3A_1857 = arith.index_cast %get3A_1855 : i32 to index
        %get3A_1858 = arith.index_cast %get3A_1856 : i32 to index
        %get3A_1859 = arith.constant 16 : index
        %get3A_1860 = tpu.vector_load %arg5[%get3A_1857, %get3A_1858, %get3A_1859] {strides = array<i32>} : memref<26x2x64xf32, #tpu.memory_space<vmem>>, vector<16xf32>,
        %convert_element_type3A_1861 = arith.fptosi %get3A_1860 : vector<16xf32> to vector<16xi32>
        %swap3A_1862 = arith.constant 3 : i32
        %swap3A_1863 = arith.index_cast %swap3A_1862 : i32 to index
        %swap3A_1864 = arith.constant 80 : index
        %swap3A_1865 = tpu.vector_load %arg9[%swap3A_1863, %swap3A_1864] {strides = array<i32>} : memref<13x128xi32, #tpu.memory_space<vmem>>, vector<16xi32>,
        tpu.vector_store %arg9[%swap3A_1863, %swap3A_1864], %convert_element_type3A_1861 {strides = array<i32>} : memref<13x128xi32, #tpu.memory_space<vmem>>, vector<16xi32>,
        %get3A_1866 = arith.constant 7 : i32
        %get3A_1867 = arith.constant 1 : i32
        %get3A_1868 = arith.index_cast %get3A_1866 : i32 to index
        %get3A_1869 = arith.index_cast %get3A_1867 : i32 to index
        %get3A_1870 = arith.constant 32 : index
        %get3A_1871 = tpu.vector_load %arg5[%get3A_1868, %get3A_1869, %get3A_1870] {strides = array<i32>} : memref<26x2x64xf32, #tpu.memory_space<vmem>>, vector<16xf32>,
        %convert_element_type3A_1872 = arith.fptosi %get3A_1871 : vector<16xf32> to vector<16xi32>
        %swap3A_1873 = arith.constant 3 : i32
        %swap3A_1874 = arith.index_cast %swap3A_1873 : i32 to index
        %swap3A_1875 = arith.constant 96 : index
        %swap3A_1876 = tpu.vector_load %arg9[%swap3A_1874, %swap3A_1875] {strides = array<i32>} : memref<13x128xi32, #tpu.memory_space<vmem>>, vector<16xi32>,
        tpu.vector_store %arg9[%swap3A_1874, %swap3A_1875], %convert_element_type3A_1872 {strides = array<i32>} : memref<13x128xi32, #tpu.memory_space<vmem>>, vector<16xi32>,
        %get3A_1877 = arith.constant 7 : i32
        %get3A_1878 = arith.constant 1 : i32
        %get3A_1879 = arith.index_cast %get3A_1877 : i32 to index
        %get3A_1880 = arith.index_cast %get3A_1878 : i32 to index
        %get3A_1881 = arith.constant 48 : index
        %get3A_1882 = tpu.vector_load %arg5[%get3A_1879, %get3A_1880, %get3A_1881] {strides = array<i32>} : memref<26x2x64xf32, #tpu.memory_space<vmem>>, vector<16xf32>,
        %convert_element_type3A_1883 = arith.fptosi %get3A_1882 : vector<16xf32> to vector<16xi32>
        %swap3A_1884 = arith.constant 3 : i32
        %swap3A_1885 = arith.index_cast %swap3A_1884 : i32 to index
        %swap3A_1886 = arith.constant 112 : index
        %swap3A_1887 = tpu.vector_load %arg9[%swap3A_1885, %swap3A_1886] {strides = array<i32>} : memref<13x128xi32, #tpu.memory_space<vmem>>, vector<16xi32>,
        tpu.vector_store %arg9[%swap3A_1885, %swap3A_1886], %convert_element_type3A_1883 {strides = array<i32>} : memref<13x128xi32, #tpu.memory_space<vmem>>, vector<16xi32>,
        %get3A_1888 = arith.constant 8 : i32
        %get3A_1889 = arith.constant 1 : i32
        %get3A_1890 = arith.index_cast %get3A_1888 : i32 to index
        %get3A_1891 = arith.index_cast %get3A_1889 : i32 to index
        %get3A_1892 = arith.constant 0 : index
        %get3A_1893 = tpu.vector_load %arg5[%get3A_1890, %get3A_1891, %get3A_1892] {strides = array<i32>} : memref<26x2x64xf32, #tpu.memory_space<vmem>>, vector<16xf32>,
        %convert_element_type3A_1894 = arith.fptosi %get3A_1893 : vector<16xf32> to vector<16xi32>
        %swap3A_1895 = arith.constant 4 : i32
        %swap3A_1896 = arith.index_cast %swap3A_1895 : i32 to index
        %swap3A_1897 = arith.constant 0 : index
        %swap3A_1898 = tpu.vector_load %arg9[%swap3A_1896, %swap3A_1897] {strides = array<i32>} : memref<13x128xi32, #tpu.memory_space<vmem>>, vector<16xi32>,
        tpu.vector_store %arg9[%swap3A_1896, %swap3A_1897], %convert_element_type3A_1894 {strides = array<i32>} : memref<13x128xi32, #tpu.memory_space<vmem>>, vector<16xi32>,
        %get3A_1899 = arith.constant 8 : i32
        %get3A_1900 = arith.constant 1 : i32
        %get3A_1901 = arith.index_cast %get3A_1899 : i32 to index
        %get3A_1902 = arith.index_cast %get3A_1900 : i32 to index
        %get3A_1903 = arith.constant 16 : index
        %get3A_1904 = tpu.vector_load %arg5[%get3A_1901, %get3A_1902, %get3A_1903] {strides = array<i32>} : memref<26x2x64xf32, #tpu.memory_space<vmem>>, vector<16xf32>,
        %convert_element_type3A_1905 = arith.fptosi %get3A_1904 : vector<16xf32> to vector<16xi32>
        %swap3A_1906 = arith.constant 4 : i32
        %swap3A_1907 = arith.index_cast %swap3A_1906 : i32 to index
        %swap3A_1908 = arith.constant 16 : index
        %swap3A_1909 = tpu.vector_load %arg9[%swap3A_1907, %swap3A_1908] {strides = array<i32>} : memref<13x128xi32, #tpu.memory_space<vmem>>, vector<16xi32>,
        tpu.vector_store %arg9[%swap3A_1907, %swap3A_1908], %convert_element_type3A_1905 {strides = array<i32>} : memref<13x128xi32, #tpu.memory_space<vmem>>, vector<16xi32>,
        %get3A_1910 = arith.constant 8 : i32
        %get3A_1911 = arith.constant 1 : i32
        %get3A_1912 = arith.index_cast %get3A_1910 : i32 to index
        %get3A_1913 = arith.index_cast %get3A_1911 : i32 to index
        %get3A_1914 = arith.constant 32 : index
        %get3A_1915 = tpu.vector_load %arg5[%get3A_1912, %get3A_1913, %get3A_1914] {strides = array<i32>} : memref<26x2x64xf32, #tpu.memory_space<vmem>>, vector<16xf32>,
        %convert_element_type3A_1916 = arith.fptosi %get3A_1915 : vector<16xf32> to vector<16xi32>
        %swap3A_1917 = arith.constant 4 : i32
        %swap3A_1918 = arith.index_cast %swap3A_1917 : i32 to index
        %swap3A_1919 = arith.constant 32 : index
        %swap3A_1920 = tpu.vector_load %arg9[%swap3A_1918, %swap3A_1919] {strides = array<i32>} : memref<13x128xi32, #tpu.memory_space<vmem>>, vector<16xi32>,
        tpu.vector_store %arg9[%swap3A_1918, %swap3A_1919], %convert_element_type3A_1916 {strides = array<i32>} : memref<13x128xi32, #tpu.memory_space<vmem>>, vector<16xi32>,
        %get3A_1921 = arith.constant 8 : i32
        %get3A_1922 = arith.constant 1 : i32
        %get3A_1923 = arith.index_cast %get3A_1921 : i32 to index
        %get3A_1924 = arith.index_cast %get3A_1922 : i32 to index
        %get3A_1925 = arith.constant 48 : index
        %get3A_1926 = tpu.vector_load %arg5[%get3A_1923, %get3A_1924, %get3A_1925] {strides = array<i32>} : memref<26x2x64xf32, #tpu.memory_space<vmem>>, vector<16xf32>,
        %convert_element_type3A_1927 = arith.fptosi %get3A_1926 : vector<16xf32> to vector<16xi32>
        %swap3A_1928 = arith.constant 4 : i32
        %swap3A_1929 = arith.index_cast %swap3A_1928 : i32 to index
        %swap3A_1930 = arith.constant 48 : index
        %swap3A_1931 = tpu.vector_load %arg9[%swap3A_1929, %swap3A_1930] {strides = array<i32>} : memref<13x128xi32, #tpu.memory_space<vmem>>, vector<16xi32>,
        tpu.vector_store %arg9[%swap3A_1929, %swap3A_1930], %convert_element_type3A_1927 {strides = array<i32>} : memref<13x128xi32, #tpu.memory_space<vmem>>, vector<16xi32>,
        %get3A_1932 = arith.constant 9 : i32
        %get3A_1933 = arith.constant 1 : i32
        %get3A_1934 = arith.index_cast %get3A_1932 : i32 to index
        %get3A_1935 = arith.index_cast %get3A_1933 : i32 to index
        %get3A_1936 = arith.constant 0 : index
        %get3A_1937 = tpu.vector_load %arg5[%get3A_1934, %get3A_1935, %get3A_1936] {strides = array<i32>} : memref<26x2x64xf32, #tpu.memory_space<vmem>>, vector<16xf32>,
        %convert_element_type3A_1938 = arith.fptosi %get3A_1937 : vector<16xf32> to vector<16xi32>
        %swap3A_1939 = arith.constant 4 : i32
        %swap3A_1940 = arith.index_cast %swap3A_1939 : i32 to index
        %swap3A_1941 = arith.constant 64 : index
        %swap3A_1942 = tpu.vector_load %arg9[%swap3A_1940, %swap3A_1941] {strides = array<i32>} : memref<13x128xi32, #tpu.memory_space<vmem>>, vector<16xi32>,
        tpu.vector_store %arg9[%swap3A_1940, %swap3A_1941], %convert_element_type3A_1938 {strides = array<i32>} : memref<13x128xi32, #tpu.memory_space<vmem>>, vector<16xi32>,
        %get3A_1943 = arith.constant 9 : i32
        %get3A_1944 = arith.constant 1 : i32
        %get3A_1945 = arith.index_cast %get3A_1943 : i32 to index
        %get3A_1946 = arith.index_cast %get3A_1944 : i32 to index
        %get3A_1947 = arith.constant 16 : index
        %get3A_1948 = tpu.vector_load %arg5[%get3A_1945, %get3A_1946, %get3A_1947] {strides = array<i32>} : memref<26x2x64xf32, #tpu.memory_space<vmem>>, vector<16xf32>,
        %convert_element_type3A_1949 = arith.fptosi %get3A_1948 : vector<16xf32> to vector<16xi32>
        %swap3A_1950 = arith.constant 4 : i32
        %swap3A_1951 = arith.index_cast %swap3A_1950 : i32 to index
        %swap3A_1952 = arith.constant 80 : index
        %swap3A_1953 = tpu.vector_load %arg9[%swap3A_1951, %swap3A_1952] {strides = array<i32>} : memref<13x128xi32, #tpu.memory_space<vmem>>, vector<16xi32>,
        tpu.vector_store %arg9[%swap3A_1951, %swap3A_1952], %convert_element_type3A_1949 {strides = array<i32>} : memref<13x128xi32, #tpu.memory_space<vmem>>, vector<16xi32>,
        %get3A_1954 = arith.constant 9 : i32
        %get3A_1955 = arith.constant 1 : i32
        %get3A_1956 = arith.index_cast %get3A_1954 : i32 to index
        %get3A_1957 = arith.index_cast %get3A_1955 : i32 to index
        %get3A_1958 = arith.constant 32 : index
        %get3A_1959 = tpu.vector_load %arg5[%get3A_1956, %get3A_1957, %get3A_1958] {strides = array<i32>} : memref<26x2x64xf32, #tpu.memory_space<vmem>>, vector<16xf32>,
        %convert_element_type3A_1960 = arith.fptosi %get3A_1959 : vector<16xf32> to vector<16xi32>
        %swap3A_1961 = arith.constant 4 : i32
        %swap3A_1962 = arith.index_cast %swap3A_1961 : i32 to index
        %swap3A_1963 = arith.constant 96 : index
        %swap3A_1964 = tpu.vector_load %arg9[%swap3A_1962, %swap3A_1963] {strides = array<i32>} : memref<13x128xi32, #tpu.memory_space<vmem>>, vector<16xi32>,
        tpu.vector_store %arg9[%swap3A_1962, %swap3A_1963], %convert_element_type3A_1960 {strides = array<i32>} : memref<13x128xi32, #tpu.memory_space<vmem>>, vector<16xi32>,
        %get3A_1965 = arith.constant 9 : i32
        %get3A_1966 = arith.constant 1 : i32
        %get3A_1967 = arith.index_cast %get3A_1965 : i32 to index
        %get3A_1968 = arith.index_cast %get3A_1966 : i32 to index
        %get3A_1969 = arith.constant 48 : index
        %get3A_1970 = tpu.vector_load %arg5[%get3A_1967, %get3A_1968, %get3A_1969] {strides = array<i32>} : memref<26x2x64xf32, #tpu.memory_space<vmem>>, vector<16xf32>,
        %convert_element_type3A_1971 = arith.fptosi %get3A_1970 : vector<16xf32> to vector<16xi32>
        %swap3A_1972 = arith.constant 4 : i32
        %swap3A_1973 = arith.index_cast %swap3A_1972 : i32 to index
        %swap3A_1974 = arith.constant 112 : index
        %swap3A_1975 = tpu.vector_load %arg9[%swap3A_1973, %swap3A_1974] {strides = array<i32>} : memref<13x128xi32, #tpu.memory_space<vmem>>, vector<16xi32>,
        tpu.vector_store %arg9[%swap3A_1973, %swap3A_1974], %convert_element_type3A_1971 {strides = array<i32>} : memref<13x128xi32, #tpu.memory_space<vmem>>, vector<16xi32>,
        %get3A_1976 = arith.constant 10 : i32
        %get3A_1977 = arith.constant 1 : i32
        %get3A_1978 = arith.index_cast %get3A_1976 : i32 to index
        %get3A_1979 = arith.index_cast %get3A_1977 : i32 to index
        %get3A_1980 = arith.constant 0 : index
        %get3A_1981 = tpu.vector_load %arg5[%get3A_1978, %get3A_1979, %get3A_1980] {strides = array<i32>} : memref<26x2x64xf32, #tpu.memory_space<vmem>>, vector<16xf32>,
        %convert_element_type3A_1982 = arith.fptosi %get3A_1981 : vector<16xf32> to vector<16xi32>
        %swap3A_1983 = arith.constant 5 : i32
        %swap3A_1984 = arith.index_cast %swap3A_1983 : i32 to index
        %swap3A_1985 = arith.constant 0 : index
        %swap3A_1986 = tpu.vector_load %arg9[%swap3A_1984, %swap3A_1985] {strides = array<i32>} : memref<13x128xi32, #tpu.memory_space<vmem>>, vector<16xi32>,
        tpu.vector_store %arg9[%swap3A_1984, %swap3A_1985], %convert_element_type3A_1982 {strides = array<i32>} : memref<13x128xi32, #tpu.memory_space<vmem>>, vector<16xi32>,
        %get3A_1987 = arith.constant 10 : i32
        %get3A_1988 = arith.constant 1 : i32
        %get3A_1989 = arith.index_cast %get3A_1987 : i32 to index
        %get3A_1990 = arith.index_cast %get3A_1988 : i32 to index
        %get3A_1991 = arith.constant 16 : index
        %get3A_1992 = tpu.vector_load %arg5[%get3A_1989, %get3A_1990, %get3A_1991] {strides = array<i32>} : memref<26x2x64xf32, #tpu.memory_space<vmem>>, vector<16xf32>,
        %convert_element_type3A_1993 = arith.fptosi %get3A_1992 : vector<16xf32> to vector<16xi32>
        %swap3A_1994 = arith.constant 5 : i32
        %swap3A_1995 = arith.index_cast %swap3A_1994 : i32 to index
        %swap3A_1996 = arith.constant 16 : index
        %swap3A_1997 = tpu.vector_load %arg9[%swap3A_1995, %swap3A_1996] {strides = array<i32>} : memref<13x128xi32, #tpu.memory_space<vmem>>, vector<16xi32>,
        tpu.vector_store %arg9[%swap3A_1995, %swap3A_1996], %convert_element_type3A_1993 {strides = array<i32>} : memref<13x128xi32, #tpu.memory_space<vmem>>, vector<16xi32>,
        %get3A_1998 = arith.constant 10 : i32
        %get3A_1999 = arith.constant 1 : i32
        %get3A_2000 = arith.index_cast %get3A_1998 : i32 to index
        %get3A_2001 = arith.index_cast %get3A_1999 : i32 to index
        %get3A_2002 = arith.constant 32 : index
        %get3A_2003 = tpu.vector_load %arg5[%get3A_2000, %get3A_2001, %get3A_2002] {strides = array<i32>} : memref<26x2x64xf32, #tpu.memory_space<vmem>>, vector<16xf32>,
        %convert_element_type3A_2004 = arith.fptosi %get3A_2003 : vector<16xf32> to vector<16xi32>
        %swap3A_2005 = arith.constant 5 : i32
        %swap3A_2006 = arith.index_cast %swap3A_2005 : i32 to index
        %swap3A_2007 = arith.constant 32 : index
        %swap3A_2008 = tpu.vector_load %arg9[%swap3A_2006, %swap3A_2007] {strides = array<i32>} : memref<13x128xi32, #tpu.memory_space<vmem>>, vector<16xi32>,
        tpu.vector_store %arg9[%swap3A_2006, %swap3A_2007], %convert_element_type3A_2004 {strides = array<i32>} : memref<13x128xi32, #tpu.memory_space<vmem>>, vector<16xi32>,
        %get3A_2009 = arith.constant 10 : i32
        %get3A_2010 = arith.constant 1 : i32
        %get3A_2011 = arith.index_cast %get3A_2009 : i32 to index
        %get3A_2012 = arith.index_cast %get3A_2010 : i32 to index
        %get3A_2013 = arith.constant 48 : index
        %get3A_2014 = tpu.vector_load %arg5[%get3A_2011, %get3A_2012, %get3A_2013] {strides = array<i32>} : memref<26x2x64xf32, #tpu.memory_space<vmem>>, vector<16xf32>,
        %convert_element_type3A_2015 = arith.fptosi %get3A_2014 : vector<16xf32> to vector<16xi32>
        %swap3A_2016 = arith.constant 5 : i32
        %swap3A_2017 = arith.index_cast %swap3A_2016 : i32 to index
        %swap3A_2018 = arith.constant 48 : index
        %swap3A_2019 = tpu.vector_load %arg9[%swap3A_2017, %swap3A_2018] {strides = array<i32>} : memref<13x128xi32, #tpu.memory_space<vmem>>, vector<16xi32>,
        tpu.vector_store %arg9[%swap3A_2017, %swap3A_2018], %convert_element_type3A_2015 {strides = array<i32>} : memref<13x128xi32, #tpu.memory_space<vmem>>, vector<16xi32>,
        %get3A_2020 = arith.constant 11 : i32
        %get3A_2021 = arith.constant 1 : i32
        %get3A_2022 = arith.index_cast %get3A_2020 : i32 to index
        %get3A_2023 = arith.index_cast %get3A_2021 : i32 to index
        %get3A_2024 = arith.constant 0 : index
        %get3A_2025 = tpu.vector_load %arg5[%get3A_2022, %get3A_2023, %get3A_2024] {strides = array<i32>} : memref<26x2x64xf32, #tpu.memory_space<vmem>>, vector<16xf32>,
        %convert_element_type3A_2026 = arith.fptosi %get3A_2025 : vector<16xf32> to vector<16xi32>
        %swap3A_2027 = arith.constant 5 : i32
        %swap3A_2028 = arith.index_cast %swap3A_2027 : i32 to index
        %swap3A_2029 = arith.constant 64 : index
        %swap3A_2030 = tpu.vector_load %arg9[%swap3A_2028, %swap3A_2029] {strides = array<i32>} : memref<13x128xi32, #tpu.memory_space<vmem>>, vector<16xi32>,
        tpu.vector_store %arg9[%swap3A_2028, %swap3A_2029], %convert_element_type3A_2026 {strides = array<i32>} : memref<13x128xi32, #tpu.memory_space<vmem>>, vector<16xi32>,
        %get3A_2031 = arith.constant 11 : i32
        %get3A_2032 = arith.constant 1 : i32
        %get3A_2033 = arith.index_cast %get3A_2031 : i32 to index
        %get3A_2034 = arith.index_cast %get3A_2032 : i32 to index
        %get3A_2035 = arith.constant 16 : index
        %get3A_2036 = tpu.vector_load %arg5[%get3A_2033, %get3A_2034, %get3A_2035] {strides = array<i32>} : memref<26x2x64xf32, #tpu.memory_space<vmem>>, vector<16xf32>,
        %convert_element_type3A_2037 = arith.fptosi %get3A_2036 : vector<16xf32> to vector<16xi32>
        %swap3A_2038 = arith.constant 5 : i32
        %swap3A_2039 = arith.index_cast %swap3A_2038 : i32 to index
        %swap3A_2040 = arith.constant 80 : index
        %swap3A_2041 = tpu.vector_load %arg9[%swap3A_2039, %swap3A_2040] {strides = array<i32>} : memref<13x128xi32, #tpu.memory_space<vmem>>, vector<16xi32>,
        tpu.vector_store %arg9[%swap3A_2039, %swap3A_2040], %convert_element_type3A_2037 {strides = array<i32>} : memref<13x128xi32, #tpu.memory_space<vmem>>, vector<16xi32>,
        %get3A_2042 = arith.constant 11 : i32
        %get3A_2043 = arith.constant 1 : i32
        %get3A_2044 = arith.index_cast %get3A_2042 : i32 to index
        %get3A_2045 = arith.index_cast %get3A_2043 : i32 to index
        %get3A_2046 = arith.constant 32 : index
        %get3A_2047 = tpu.vector_load %arg5[%get3A_2044, %get3A_2045, %get3A_2046] {strides = array<i32>} : memref<26x2x64xf32, #tpu.memory_space<vmem>>, vector<16xf32>,
        %convert_element_type3A_2048 = arith.fptosi %get3A_2047 : vector<16xf32> to vector<16xi32>
        %swap3A_2049 = arith.constant 5 : i32
        %swap3A_2050 = arith.index_cast %swap3A_2049 : i32 to index
        %swap3A_2051 = arith.constant 96 : index
        %swap3A_2052 = tpu.vector_load %arg9[%swap3A_2050, %swap3A_2051] {strides = array<i32>} : memref<13x128xi32, #tpu.memory_space<vmem>>, vector<16xi32>,
        tpu.vector_store %arg9[%swap3A_2050, %swap3A_2051], %convert_element_type3A_2048 {strides = array<i32>} : memref<13x128xi32, #tpu.memory_space<vmem>>, vector<16xi32>,
        %get3A_2053 = arith.constant 11 : i32
        %get3A_2054 = arith.constant 1 : i32
        %get3A_2055 = arith.index_cast %get3A_2053 : i32 to index
        %get3A_2056 = arith.index_cast %get3A_2054 : i32 to index
        %get3A_2057 = arith.constant 48 : index
        %get3A_2058 = tpu.vector_load %arg5[%get3A_2055, %get3A_2056, %get3A_2057] {strides = array<i32>} : memref<26x2x64xf32, #tpu.memory_space<vmem>>, vector<16xf32>,
        %convert_element_type3A_2059 = arith.fptosi %get3A_2058 : vector<16xf32> to vector<16xi32>
        %swap3A_2060 = arith.constant 5 : i32
        %swap3A_2061 = arith.index_cast %swap3A_2060 : i32 to index
        %swap3A_2062 = arith.constant 112 : index
        %swap3A_2063 = tpu.vector_load %arg9[%swap3A_2061, %swap3A_2062] {strides = array<i32>} : memref<13x128xi32, #tpu.memory_space<vmem>>, vector<16xi32>,
        tpu.vector_store %arg9[%swap3A_2061, %swap3A_2062], %convert_element_type3A_2059 {strides = array<i32>} : memref<13x128xi32, #tpu.memory_space<vmem>>, vector<16xi32>,
        %get3A_2064 = arith.constant 12 : i32
        %get3A_2065 = arith.constant 1 : i32
        %get3A_2066 = arith.index_cast %get3A_2064 : i32 to index
        %get3A_2067 = arith.index_cast %get3A_2065 : i32 to index
        %get3A_2068 = arith.constant 0 : index
        %get3A_2069 = tpu.vector_load %arg5[%get3A_2066, %get3A_2067, %get3A_2068] {strides = array<i32>} : memref<26x2x64xf32, #tpu.memory_space<vmem>>, vector<16xf32>,
        %convert_element_type3A_2070 = arith.fptosi %get3A_2069 : vector<16xf32> to vector<16xi32>
        %swap3A_2071 = arith.constant 6 : i32
        %swap3A_2072 = arith.index_cast %swap3A_2071 : i32 to index
        %swap3A_2073 = arith.constant 0 : index
        %swap3A_2074 = tpu.vector_load %arg9[%swap3A_2072, %swap3A_2073] {strides = array<i32>} : memref<13x128xi32, #tpu.memory_space<vmem>>, vector<16xi32>,
        tpu.vector_store %arg9[%swap3A_2072, %swap3A_2073], %convert_element_type3A_2070 {strides = array<i32>} : memref<13x128xi32, #tpu.memory_space<vmem>>, vector<16xi32>,
        %get3A_2075 = arith.constant 12 : i32
        %get3A_2076 = arith.constant 1 : i32
        %get3A_2077 = arith.index_cast %get3A_2075 : i32 to index
        %get3A_2078 = arith.index_cast %get3A_2076 : i32 to index
        %get3A_2079 = arith.constant 16 : index
        %get3A_2080 = tpu.vector_load %arg5[%get3A_2077, %get3A_2078, %get3A_2079] {strides = array<i32>} : memref<26x2x64xf32, #tpu.memory_space<vmem>>, vector<16xf32>,
        %convert_element_type3A_2081 = arith.fptosi %get3A_2080 : vector<16xf32> to vector<16xi32>
        %swap3A_2082 = arith.constant 6 : i32
        %swap3A_2083 = arith.index_cast %swap3A_2082 : i32 to index
        %swap3A_2084 = arith.constant 16 : index
        %swap3A_2085 = tpu.vector_load %arg9[%swap3A_2083, %swap3A_2084] {strides = array<i32>} : memref<13x128xi32, #tpu.memory_space<vmem>>, vector<16xi32>,
        tpu.vector_store %arg9[%swap3A_2083, %swap3A_2084], %convert_element_type3A_2081 {strides = array<i32>} : memref<13x128xi32, #tpu.memory_space<vmem>>, vector<16xi32>,
        %get3A_2086 = arith.constant 12 : i32
        %get3A_2087 = arith.constant 1 : i32
        %get3A_2088 = arith.index_cast %get3A_2086 : i32 to index
        %get3A_2089 = arith.index_cast %get3A_2087 : i32 to index
        %get3A_2090 = arith.constant 32 : index
        %get3A_2091 = tpu.vector_load %arg5[%get3A_2088, %get3A_2089, %get3A_2090] {strides = array<i32>} : memref<26x2x64xf32, #tpu.memory_space<vmem>>, vector<16xf32>,
        %convert_element_type3A_2092 = arith.fptosi %get3A_2091 : vector<16xf32> to vector<16xi32>
        %swap3A_2093 = arith.constant 6 : i32
        %swap3A_2094 = arith.index_cast %swap3A_2093 : i32 to index
        %swap3A_2095 = arith.constant 32 : index
        %swap3A_2096 = tpu.vector_load %arg9[%swap3A_2094, %swap3A_2095] {strides = array<i32>} : memref<13x128xi32, #tpu.memory_space<vmem>>, vector<16xi32>,
        tpu.vector_store %arg9[%swap3A_2094, %swap3A_2095], %convert_element_type3A_2092 {strides = array<i32>} : memref<13x128xi32, #tpu.memory_space<vmem>>, vector<16xi32>,
        %get3A_2097 = arith.constant 12 : i32
        %get3A_2098 = arith.constant 1 : i32
        %get3A_2099 = arith.index_cast %get3A_2097 : i32 to index
        %get3A_2100 = arith.index_cast %get3A_2098 : i32 to index
        %get3A_2101 = arith.constant 48 : index
        %get3A_2102 = tpu.vector_load %arg5[%get3A_2099, %get3A_2100, %get3A_2101] {strides = array<i32>} : memref<26x2x64xf32, #tpu.memory_space<vmem>>, vector<16xf32>,
        %convert_element_type3A_2103 = arith.fptosi %get3A_2102 : vector<16xf32> to vector<16xi32>
        %swap3A_2104 = arith.constant 6 : i32
        %swap3A_2105 = arith.index_cast %swap3A_2104 : i32 to index
        %swap3A_2106 = arith.constant 48 : index
        %swap3A_2107 = tpu.vector_load %arg9[%swap3A_2105, %swap3A_2106] {strides = array<i32>} : memref<13x128xi32, #tpu.memory_space<vmem>>, vector<16xi32>,
        tpu.vector_store %arg9[%swap3A_2105, %swap3A_2106], %convert_element_type3A_2103 {strides = array<i32>} : memref<13x128xi32, #tpu.memory_space<vmem>>, vector<16xi32>,
        %get3A_2108 = arith.constant 13 : i32
        %get3A_2109 = arith.constant 1 : i32
        %get3A_2110 = arith.index_cast %get3A_2108 : i32 to index
        %get3A_2111 = arith.index_cast %get3A_2109 : i32 to index
        %get3A_2112 = arith.constant 0 : index
        %get3A_2113 = tpu.vector_load %arg5[%get3A_2110, %get3A_2111, %get3A_2112] {strides = array<i32>} : memref<26x2x64xf32, #tpu.memory_space<vmem>>, vector<16xf32>,
        %convert_element_type3A_2114 = arith.fptosi %get3A_2113 : vector<16xf32> to vector<16xi32>
        %swap3A_2115 = arith.constant 6 : i32
        %swap3A_2116 = arith.index_cast %swap3A_2115 : i32 to index
        %swap3A_2117 = arith.constant 64 : index
        %swap3A_2118 = tpu.vector_load %arg9[%swap3A_2116, %swap3A_2117] {strides = array<i32>} : memref<13x128xi32, #tpu.memory_space<vmem>>, vector<16xi32>,
        tpu.vector_store %arg9[%swap3A_2116, %swap3A_2117], %convert_element_type3A_2114 {strides = array<i32>} : memref<13x128xi32, #tpu.memory_space<vmem>>, vector<16xi32>,
        %get3A_2119 = arith.constant 13 : i32
        %get3A_2120 = arith.constant 1 : i32
        %get3A_2121 = arith.index_cast %get3A_2119 : i32 to index
        %get3A_2122 = arith.index_cast %get3A_2120 : i32 to index
        %get3A_2123 = arith.constant 16 : index
        %get3A_2124 = tpu.vector_load %arg5[%get3A_2121, %get3A_2122, %get3A_2123] {strides = array<i32>} : memref<26x2x64xf32, #tpu.memory_space<vmem>>, vector<16xf32>,
        %convert_element_type3A_2125 = arith.fptosi %get3A_2124 : vector<16xf32> to vector<16xi32>
        %swap3A_2126 = arith.constant 6 : i32
        %swap3A_2127 = arith.index_cast %swap3A_2126 : i32 to index
        %swap3A_2128 = arith.constant 80 : index
        %swap3A_2129 = tpu.vector_load %arg9[%swap3A_2127, %swap3A_2128] {strides = array<i32>} : memref<13x128xi32, #tpu.memory_space<vmem>>, vector<16xi32>,
        tpu.vector_store %arg9[%swap3A_2127, %swap3A_2128], %convert_element_type3A_2125 {strides = array<i32>} : memref<13x128xi32, #tpu.memory_space<vmem>>, vector<16xi32>,
        %get3A_2130 = arith.constant 13 : i32
        %get3A_2131 = arith.constant 1 : i32
        %get3A_2132 = arith.index_cast %get3A_2130 : i32 to index
        %get3A_2133 = arith.index_cast %get3A_2131 : i32 to index
        %get3A_2134 = arith.constant 32 : index
        %get3A_2135 = tpu.vector_load %arg5[%get3A_2132, %get3A_2133, %get3A_2134] {strides = array<i32>} : memref<26x2x64xf32, #tpu.memory_space<vmem>>, vector<16xf32>,
        %convert_element_type3A_2136 = arith.fptosi %get3A_2135 : vector<16xf32> to vector<16xi32>
        %swap3A_2137 = arith.constant 6 : i32
        %swap3A_2138 = arith.index_cast %swap3A_2137 : i32 to index
        %swap3A_2139 = arith.constant 96 : index
        %swap3A_2140 = tpu.vector_load %arg9[%swap3A_2138, %swap3A_2139] {strides = array<i32>} : memref<13x128xi32, #tpu.memory_space<vmem>>, vector<16xi32>,
        tpu.vector_store %arg9[%swap3A_2138, %swap3A_2139], %convert_element_type3A_2136 {strides = array<i32>} : memref<13x128xi32, #tpu.memory_space<vmem>>, vector<16xi32>,
        %get3A_2141 = arith.constant 13 : i32
        %get3A_2142 = arith.constant 1 : i32
        %get3A_2143 = arith.index_cast %get3A_2141 : i32 to index
        %get3A_2144 = arith.index_cast %get3A_2142 : i32 to index
        %get3A_2145 = arith.constant 48 : index
        %get3A_2146 = tpu.vector_load %arg5[%get3A_2143, %get3A_2144, %get3A_2145] {strides = array<i32>} : memref<26x2x64xf32, #tpu.memory_space<vmem>>, vector<16xf32>,
        %convert_element_type3A_2147 = arith.fptosi %get3A_2146 : vector<16xf32> to vector<16xi32>
        %swap3A_2148 = arith.constant 6 : i32
        %swap3A_2149 = arith.index_cast %swap3A_2148 : i32 to index
        %swap3A_2150 = arith.constant 112 : index
        %swap3A_2151 = tpu.vector_load %arg9[%swap3A_2149, %swap3A_2150] {strides = array<i32>} : memref<13x128xi32, #tpu.memory_space<vmem>>, vector<16xi32>,
        tpu.vector_store %arg9[%swap3A_2149, %swap3A_2150], %convert_element_type3A_2147 {strides = array<i32>} : memref<13x128xi32, #tpu.memory_space<vmem>>, vector<16xi32>,
        %get3A_2152 = arith.constant 14 : i32
        %get3A_2153 = arith.constant 1 : i32
        %get3A_2154 = arith.index_cast %get3A_2152 : i32 to index
        %get3A_2155 = arith.index_cast %get3A_2153 : i32 to index
        %get3A_2156 = arith.constant 0 : index
        %get3A_2157 = tpu.vector_load %arg5[%get3A_2154, %get3A_2155, %get3A_2156] {strides = array<i32>} : memref<26x2x64xf32, #tpu.memory_space<vmem>>, vector<16xf32>,
        %convert_element_type3A_2158 = arith.fptosi %get3A_2157 : vector<16xf32> to vector<16xi32>
        %swap3A_2159 = arith.constant 7 : i32
        %swap3A_2160 = arith.index_cast %swap3A_2159 : i32 to index
        %swap3A_2161 = arith.constant 0 : index
        %swap3A_2162 = tpu.vector_load %arg9[%swap3A_2160, %swap3A_2161] {strides = array<i32>} : memref<13x128xi32, #tpu.memory_space<vmem>>, vector<16xi32>,
        tpu.vector_store %arg9[%swap3A_2160, %swap3A_2161], %convert_element_type3A_2158 {strides = array<i32>} : memref<13x128xi32, #tpu.memory_space<vmem>>, vector<16xi32>,
        %get3A_2163 = arith.constant 14 : i32
        %get3A_2164 = arith.constant 1 : i32
        %get3A_2165 = arith.index_cast %get3A_2163 : i32 to index
        %get3A_2166 = arith.index_cast %get3A_2164 : i32 to index
        %get3A_2167 = arith.constant 16 : index
        %get3A_2168 = tpu.vector_load %arg5[%get3A_2165, %get3A_2166, %get3A_2167] {strides = array<i32>} : memref<26x2x64xf32, #tpu.memory_space<vmem>>, vector<16xf32>,
        %convert_element_type3A_2169 = arith.fptosi %get3A_2168 : vector<16xf32> to vector<16xi32>
        %swap3A_2170 = arith.constant 7 : i32
        %swap3A_2171 = arith.index_cast %swap3A_2170 : i32 to index
        %swap3A_2172 = arith.constant 16 : index
        %swap3A_2173 = tpu.vector_load %arg9[%swap3A_2171, %swap3A_2172] {strides = array<i32>} : memref<13x128xi32, #tpu.memory_space<vmem>>, vector<16xi32>,
        tpu.vector_store %arg9[%swap3A_2171, %swap3A_2172], %convert_element_type3A_2169 {strides = array<i32>} : memref<13x128xi32, #tpu.memory_space<vmem>>, vector<16xi32>,
        %get3A_2174 = arith.constant 14 : i32
        %get3A_2175 = arith.constant 1 : i32
        %get3A_2176 = arith.index_cast %get3A_2174 : i32 to index
        %get3A_2177 = arith.index_cast %get3A_2175 : i32 to index
        %get3A_2178 = arith.constant 32 : index
        %get3A_2179 = tpu.vector_load %arg5[%get3A_2176, %get3A_2177, %get3A_2178] {strides = array<i32>} : memref<26x2x64xf32, #tpu.memory_space<vmem>>, vector<16xf32>,
        %convert_element_type3A_2180 = arith.fptosi %get3A_2179 : vector<16xf32> to vector<16xi32>
        %swap3A_2181 = arith.constant 7 : i32
        %swap3A_2182 = arith.index_cast %swap3A_2181 : i32 to index
        %swap3A_2183 = arith.constant 32 : index
        %swap3A_2184 = tpu.vector_load %arg9[%swap3A_2182, %swap3A_2183] {strides = array<i32>} : memref<13x128xi32, #tpu.memory_space<vmem>>, vector<16xi32>,
        tpu.vector_store %arg9[%swap3A_2182, %swap3A_2183], %convert_element_type3A_2180 {strides = array<i32>} : memref<13x128xi32, #tpu.memory_space<vmem>>, vector<16xi32>,
        %get3A_2185 = arith.constant 14 : i32
        %get3A_2186 = arith.constant 1 : i32
        %get3A_2187 = arith.index_cast %get3A_2185 : i32 to index
        %get3A_2188 = arith.index_cast %get3A_2186 : i32 to index
        %get3A_2189 = arith.constant 48 : index
        %get3A_2190 = tpu.vector_load %arg5[%get3A_2187, %get3A_2188, %get3A_2189] {strides = array<i32>} : memref<26x2x64xf32, #tpu.memory_space<vmem>>, vector<16xf32>,
        %convert_element_type3A_2191 = arith.fptosi %get3A_2190 : vector<16xf32> to vector<16xi32>
        %swap3A_2192 = arith.constant 7 : i32
        %swap3A_2193 = arith.index_cast %swap3A_2192 : i32 to index
        %swap3A_2194 = arith.constant 48 : index
        %swap3A_2195 = tpu.vector_load %arg9[%swap3A_2193, %swap3A_2194] {strides = array<i32>} : memref<13x128xi32, #tpu.memory_space<vmem>>, vector<16xi32>,
        tpu.vector_store %arg9[%swap3A_2193, %swap3A_2194], %convert_element_type3A_2191 {strides = array<i32>} : memref<13x128xi32, #tpu.memory_space<vmem>>, vector<16xi32>,
        %get3A_2196 = arith.constant 15 : i32
        %get3A_2197 = arith.constant 1 : i32
        %get3A_2198 = arith.index_cast %get3A_2196 : i32 to index
        %get3A_2199 = arith.index_cast %get3A_2197 : i32 to index
        %get3A_2200 = arith.constant 0 : index
        %get3A_2201 = tpu.vector_load %arg5[%get3A_2198, %get3A_2199, %get3A_2200] {strides = array<i32>} : memref<26x2x64xf32, #tpu.memory_space<vmem>>, vector<16xf32>,
        %convert_element_type3A_2202 = arith.fptosi %get3A_2201 : vector<16xf32> to vector<16xi32>
        %swap3A_2203 = arith.constant 7 : i32
        %swap3A_2204 = arith.index_cast %swap3A_2203 : i32 to index
        %swap3A_2205 = arith.constant 64 : index
        %swap3A_2206 = tpu.vector_load %arg9[%swap3A_2204, %swap3A_2205] {strides = array<i32>} : memref<13x128xi32, #tpu.memory_space<vmem>>, vector<16xi32>,
        tpu.vector_store %arg9[%swap3A_2204, %swap3A_2205], %convert_element_type3A_2202 {strides = array<i32>} : memref<13x128xi32, #tpu.memory_space<vmem>>, vector<16xi32>,
        %get3A_2207 = arith.constant 15 : i32
        %get3A_2208 = arith.constant 1 : i32
        %get3A_2209 = arith.index_cast %get3A_2207 : i32 to index
        %get3A_2210 = arith.index_cast %get3A_2208 : i32 to index
        %get3A_2211 = arith.constant 16 : index
        %get3A_2212 = tpu.vector_load %arg5[%get3A_2209, %get3A_2210, %get3A_2211] {strides = array<i32>} : memref<26x2x64xf32, #tpu.memory_space<vmem>>, vector<16xf32>,
        %convert_element_type3A_2213 = arith.fptosi %get3A_2212 : vector<16xf32> to vector<16xi32>
        %swap3A_2214 = arith.constant 7 : i32
        %swap3A_2215 = arith.index_cast %swap3A_2214 : i32 to index
        %swap3A_2216 = arith.constant 80 : index
        %swap3A_2217 = tpu.vector_load %arg9[%swap3A_2215, %swap3A_2216] {strides = array<i32>} : memref<13x128xi32, #tpu.memory_space<vmem>>, vector<16xi32>,
        tpu.vector_store %arg9[%swap3A_2215, %swap3A_2216], %convert_element_type3A_2213 {strides = array<i32>} : memref<13x128xi32, #tpu.memory_space<vmem>>, vector<16xi32>,
        %get3A_2218 = arith.constant 15 : i32
        %get3A_2219 = arith.constant 1 : i32
        %get3A_2220 = arith.index_cast %get3A_2218 : i32 to index
        %get3A_2221 = arith.index_cast %get3A_2219 : i32 to index
        %get3A_2222 = arith.constant 32 : index
        %get3A_2223 = tpu.vector_load %arg5[%get3A_2220, %get3A_2221, %get3A_2222] {strides = array<i32>} : memref<26x2x64xf32, #tpu.memory_space<vmem>>, vector<16xf32>,
        %convert_element_type3A_2224 = arith.fptosi %get3A_2223 : vector<16xf32> to vector<16xi32>
        %swap3A_2225 = arith.constant 7 : i32
        %swap3A_2226 = arith.index_cast %swap3A_2225 : i32 to index
        %swap3A_2227 = arith.constant 96 : index
        %swap3A_2228 = tpu.vector_load %arg9[%swap3A_2226, %swap3A_2227] {strides = array<i32>} : memref<13x128xi32, #tpu.memory_space<vmem>>, vector<16xi32>,
        tpu.vector_store %arg9[%swap3A_2226, %swap3A_2227], %convert_element_type3A_2224 {strides = array<i32>} : memref<13x128xi32, #tpu.memory_space<vmem>>, vector<16xi32>,
        %get3A_2229 = arith.constant 15 : i32
        %get3A_2230 = arith.constant 1 : i32
        %get3A_2231 = arith.index_cast %get3A_2229 : i32 to index
        %get3A_2232 = arith.index_cast %get3A_2230 : i32 to index
        %get3A_2233 = arith.constant 48 : index
        %get3A_2234 = tpu.vector_load %arg5[%get3A_2231, %get3A_2232, %get3A_2233] {strides = array<i32>} : memref<26x2x64xf32, #tpu.memory_space<vmem>>, vector<16xf32>,
        %convert_element_type3A_2235 = arith.fptosi %get3A_2234 : vector<16xf32> to vector<16xi32>
        %swap3A_2236 = arith.constant 7 : i32
        %swap3A_2237 = arith.index_cast %swap3A_2236 : i32 to index
        %swap3A_2238 = arith.constant 112 : index
        %swap3A_2239 = tpu.vector_load %arg9[%swap3A_2237, %swap3A_2238] {strides = array<i32>} : memref<13x128xi32, #tpu.memory_space<vmem>>, vector<16xi32>,
        tpu.vector_store %arg9[%swap3A_2237, %swap3A_2238], %convert_element_type3A_2235 {strides = array<i32>} : memref<13x128xi32, #tpu.memory_space<vmem>>, vector<16xi32>,
        %get3A_2240 = arith.constant 16 : i32
        %get3A_2241 = arith.constant 1 : i32
        %get3A_2242 = arith.index_cast %get3A_2240 : i32 to index
        %get3A_2243 = arith.index_cast %get3A_2241 : i32 to index
        %get3A_2244 = arith.constant 0 : index
        %get3A_2245 = tpu.vector_load %arg5[%get3A_2242, %get3A_2243, %get3A_2244] {strides = array<i32>} : memref<26x2x64xf32, #tpu.memory_space<vmem>>, vector<16xf32>,
        %convert_element_type3A_2246 = arith.fptosi %get3A_2245 : vector<16xf32> to vector<16xi32>
        %swap3A_2247 = arith.constant 8 : i32
        %swap3A_2248 = arith.index_cast %swap3A_2247 : i32 to index
        %swap3A_2249 = arith.constant 0 : index
        %swap3A_2250 = tpu.vector_load %arg9[%swap3A_2248, %swap3A_2249] {strides = array<i32>} : memref<13x128xi32, #tpu.memory_space<vmem>>, vector<16xi32>,
        tpu.vector_store %arg9[%swap3A_2248, %swap3A_2249], %convert_element_type3A_2246 {strides = array<i32>} : memref<13x128xi32, #tpu.memory_space<vmem>>, vector<16xi32>,
        %get3A_2251 = arith.constant 16 : i32
        %get3A_2252 = arith.constant 1 : i32
        %get3A_2253 = arith.index_cast %get3A_2251 : i32 to index
        %get3A_2254 = arith.index_cast %get3A_2252 : i32 to index
        %get3A_2255 = arith.constant 16 : index
        %get3A_2256 = tpu.vector_load %arg5[%get3A_2253, %get3A_2254, %get3A_2255] {strides = array<i32>} : memref<26x2x64xf32, #tpu.memory_space<vmem>>, vector<16xf32>,
        %convert_element_type3A_2257 = arith.fptosi %get3A_2256 : vector<16xf32> to vector<16xi32>
        %swap3A_2258 = arith.constant 8 : i32
        %swap3A_2259 = arith.index_cast %swap3A_2258 : i32 to index
        %swap3A_2260 = arith.constant 16 : index
        %swap3A_2261 = tpu.vector_load %arg9[%swap3A_2259, %swap3A_2260] {strides = array<i32>} : memref<13x128xi32, #tpu.memory_space<vmem>>, vector<16xi32>,
        tpu.vector_store %arg9[%swap3A_2259, %swap3A_2260], %convert_element_type3A_2257 {strides = array<i32>} : memref<13x128xi32, #tpu.memory_space<vmem>>, vector<16xi32>,
        %get3A_2262 = arith.constant 16 : i32
        %get3A_2263 = arith.constant 1 : i32
        %get3A_2264 = arith.index_cast %get3A_2262 : i32 to index
        %get3A_2265 = arith.index_cast %get3A_2263 : i32 to index
        %get3A_2266 = arith.constant 32 : index
        %get3A_2267 = tpu.vector_load %arg5[%get3A_2264, %get3A_2265, %get3A_2266] {strides = array<i32>} : memref<26x2x64xf32, #tpu.memory_space<vmem>>, vector<16xf32>,
        %convert_element_type3A_2268 = arith.fptosi %get3A_2267 : vector<16xf32> to vector<16xi32>
        %swap3A_2269 = arith.constant 8 : i32
        %swap3A_2270 = arith.index_cast %swap3A_2269 : i32 to index
        %swap3A_2271 = arith.constant 32 : index
        %swap3A_2272 = tpu.vector_load %arg9[%swap3A_2270, %swap3A_2271] {strides = array<i32>} : memref<13x128xi32, #tpu.memory_space<vmem>>, vector<16xi32>,
        tpu.vector_store %arg9[%swap3A_2270, %swap3A_2271], %convert_element_type3A_2268 {strides = array<i32>} : memref<13x128xi32, #tpu.memory_space<vmem>>, vector<16xi32>,
        %get3A_2273 = arith.constant 16 : i32
        %get3A_2274 = arith.constant 1 : i32
        %get3A_2275 = arith.index_cast %get3A_2273 : i32 to index
        %get3A_2276 = arith.index_cast %get3A_2274 : i32 to index
        %get3A_2277 = arith.constant 48 : index
        %get3A_2278 = tpu.vector_load %arg5[%get3A_2275, %get3A_2276, %get3A_2277] {strides = array<i32>} : memref<26x2x64xf32, #tpu.memory_space<vmem>>, vector<16xf32>,
        %convert_element_type3A_2279 = arith.fptosi %get3A_2278 : vector<16xf32> to vector<16xi32>
        %swap3A_2280 = arith.constant 8 : i32
        %swap3A_2281 = arith.index_cast %swap3A_2280 : i32 to index
        %swap3A_2282 = arith.constant 48 : index
        %swap3A_2283 = tpu.vector_load %arg9[%swap3A_2281, %swap3A_2282] {strides = array<i32>} : memref<13x128xi32, #tpu.memory_space<vmem>>, vector<16xi32>,
        tpu.vector_store %arg9[%swap3A_2281, %swap3A_2282], %convert_element_type3A_2279 {strides = array<i32>} : memref<13x128xi32, #tpu.memory_space<vmem>>, vector<16xi32>,
        %get3A_2284 = arith.constant 17 : i32
        %get3A_2285 = arith.constant 1 : i32
        %get3A_2286 = arith.index_cast %get3A_2284 : i32 to index
        %get3A_2287 = arith.index_cast %get3A_2285 : i32 to index
        %get3A_2288 = arith.constant 0 : index
        %get3A_2289 = tpu.vector_load %arg5[%get3A_2286, %get3A_2287, %get3A_2288] {strides = array<i32>} : memref<26x2x64xf32, #tpu.memory_space<vmem>>, vector<16xf32>,
        %convert_element_type3A_2290 = arith.fptosi %get3A_2289 : vector<16xf32> to vector<16xi32>
        %swap3A_2291 = arith.constant 8 : i32
        %swap3A_2292 = arith.index_cast %swap3A_2291 : i32 to index
        %swap3A_2293 = arith.constant 64 : index
        %swap3A_2294 = tpu.vector_load %arg9[%swap3A_2292, %swap3A_2293] {strides = array<i32>} : memref<13x128xi32, #tpu.memory_space<vmem>>, vector<16xi32>,
        tpu.vector_store %arg9[%swap3A_2292, %swap3A_2293], %convert_element_type3A_2290 {strides = array<i32>} : memref<13x128xi32, #tpu.memory_space<vmem>>, vector<16xi32>,
        %get3A_2295 = arith.constant 17 : i32
        %get3A_2296 = arith.constant 1 : i32
        %get3A_2297 = arith.index_cast %get3A_2295 : i32 to index
        %get3A_2298 = arith.index_cast %get3A_2296 : i32 to index
        %get3A_2299 = arith.constant 16 : index
        %get3A_2300 = tpu.vector_load %arg5[%get3A_2297, %get3A_2298, %get3A_2299] {strides = array<i32>} : memref<26x2x64xf32, #tpu.memory_space<vmem>>, vector<16xf32>,
        %convert_element_type3A_2301 = arith.fptosi %get3A_2300 : vector<16xf32> to vector<16xi32>
        %swap3A_2302 = arith.constant 8 : i32
        %swap3A_2303 = arith.index_cast %swap3A_2302 : i32 to index
        %swap3A_2304 = arith.constant 80 : index
        %swap3A_2305 = tpu.vector_load %arg9[%swap3A_2303, %swap3A_2304] {strides = array<i32>} : memref<13x128xi32, #tpu.memory_space<vmem>>, vector<16xi32>,
        tpu.vector_store %arg9[%swap3A_2303, %swap3A_2304], %convert_element_type3A_2301 {strides = array<i32>} : memref<13x128xi32, #tpu.memory_space<vmem>>, vector<16xi32>,
        %get3A_2306 = arith.constant 17 : i32
        %get3A_2307 = arith.constant 1 : i32
        %get3A_2308 = arith.index_cast %get3A_2306 : i32 to index
        %get3A_2309 = arith.index_cast %get3A_2307 : i32 to index
        %get3A_2310 = arith.constant 32 : index
        %get3A_2311 = tpu.vector_load %arg5[%get3A_2308, %get3A_2309, %get3A_2310] {strides = array<i32>} : memref<26x2x64xf32, #tpu.memory_space<vmem>>, vector<16xf32>,
        %convert_element_type3A_2312 = arith.fptosi %get3A_2311 : vector<16xf32> to vector<16xi32>
        %swap3A_2313 = arith.constant 8 : i32
        %swap3A_2314 = arith.index_cast %swap3A_2313 : i32 to index
        %swap3A_2315 = arith.constant 96 : index
        %swap3A_2316 = tpu.vector_load %arg9[%swap3A_2314, %swap3A_2315] {strides = array<i32>} : memref<13x128xi32, #tpu.memory_space<vmem>>, vector<16xi32>,
        tpu.vector_store %arg9[%swap3A_2314, %swap3A_2315], %convert_element_type3A_2312 {strides = array<i32>} : memref<13x128xi32, #tpu.memory_space<vmem>>, vector<16xi32>,
        %get3A_2317 = arith.constant 17 : i32
        %get3A_2318 = arith.constant 1 : i32
        %get3A_2319 = arith.index_cast %get3A_2317 : i32 to index
        %get3A_2320 = arith.index_cast %get3A_2318 : i32 to index
        %get3A_2321 = arith.constant 48 : index
        %get3A_2322 = tpu.vector_load %arg5[%get3A_2319, %get3A_2320, %get3A_2321] {strides = array<i32>} : memref<26x2x64xf32, #tpu.memory_space<vmem>>, vector<16xf32>,
        %convert_element_type3A_2323 = arith.fptosi %get3A_2322 : vector<16xf32> to vector<16xi32>
        %swap3A_2324 = arith.constant 8 : i32
        %swap3A_2325 = arith.index_cast %swap3A_2324 : i32 to index
        %swap3A_2326 = arith.constant 112 : index
        %swap3A_2327 = tpu.vector_load %arg9[%swap3A_2325, %swap3A_2326] {strides = array<i32>} : memref<13x128xi32, #tpu.memory_space<vmem>>, vector<16xi32>,
        tpu.vector_store %arg9[%swap3A_2325, %swap3A_2326], %convert_element_type3A_2323 {strides = array<i32>} : memref<13x128xi32, #tpu.memory_space<vmem>>, vector<16xi32>,
        %get3A_2328 = arith.constant 18 : i32
        %get3A_2329 = arith.constant 1 : i32
        %get3A_2330 = arith.index_cast %get3A_2328 : i32 to index
        %get3A_2331 = arith.index_cast %get3A_2329 : i32 to index
        %get3A_2332 = arith.constant 0 : index
        %get3A_2333 = tpu.vector_load %arg5[%get3A_2330, %get3A_2331, %get3A_2332] {strides = array<i32>} : memref<26x2x64xf32, #tpu.memory_space<vmem>>, vector<16xf32>,
        %convert_element_type3A_2334 = arith.fptosi %get3A_2333 : vector<16xf32> to vector<16xi32>
        %swap3A_2335 = arith.constant 9 : i32
        %swap3A_2336 = arith.index_cast %swap3A_2335 : i32 to index
        %swap3A_2337 = arith.constant 0 : index
        %swap3A_2338 = tpu.vector_load %arg9[%swap3A_2336, %swap3A_2337] {strides = array<i32>} : memref<13x128xi32, #tpu.memory_space<vmem>>, vector<16xi32>,
        tpu.vector_store %arg9[%swap3A_2336, %swap3A_2337], %convert_element_type3A_2334 {strides = array<i32>} : memref<13x128xi32, #tpu.memory_space<vmem>>, vector<16xi32>,
        %get3A_2339 = arith.constant 18 : i32
        %get3A_2340 = arith.constant 1 : i32
        %get3A_2341 = arith.index_cast %get3A_2339 : i32 to index
        %get3A_2342 = arith.index_cast %get3A_2340 : i32 to index
        %get3A_2343 = arith.constant 16 : index
        %get3A_2344 = tpu.vector_load %arg5[%get3A_2341, %get3A_2342, %get3A_2343] {strides = array<i32>} : memref<26x2x64xf32, #tpu.memory_space<vmem>>, vector<16xf32>,
        %convert_element_type3A_2345 = arith.fptosi %get3A_2344 : vector<16xf32> to vector<16xi32>
        %swap3A_2346 = arith.constant 9 : i32
        %swap3A_2347 = arith.index_cast %swap3A_2346 : i32 to index
        %swap3A_2348 = arith.constant 16 : index
        %swap3A_2349 = tpu.vector_load %arg9[%swap3A_2347, %swap3A_2348] {strides = array<i32>} : memref<13x128xi32, #tpu.memory_space<vmem>>, vector<16xi32>,
        tpu.vector_store %arg9[%swap3A_2347, %swap3A_2348], %convert_element_type3A_2345 {strides = array<i32>} : memref<13x128xi32, #tpu.memory_space<vmem>>, vector<16xi32>,
        %get3A_2350 = arith.constant 18 : i32
        %get3A_2351 = arith.constant 1 : i32
        %get3A_2352 = arith.index_cast %get3A_2350 : i32 to index
        %get3A_2353 = arith.index_cast %get3A_2351 : i32 to index
        %get3A_2354 = arith.constant 32 : index
        %get3A_2355 = tpu.vector_load %arg5[%get3A_2352, %get3A_2353, %get3A_2354] {strides = array<i32>} : memref<26x2x64xf32, #tpu.memory_space<vmem>>, vector<16xf32>,
        %convert_element_type3A_2356 = arith.fptosi %get3A_2355 : vector<16xf32> to vector<16xi32>
        %swap3A_2357 = arith.constant 9 : i32
        %swap3A_2358 = arith.index_cast %swap3A_2357 : i32 to index
        %swap3A_2359 = arith.constant 32 : index
        %swap3A_2360 = tpu.vector_load %arg9[%swap3A_2358, %swap3A_2359] {strides = array<i32>} : memref<13x128xi32, #tpu.memory_space<vmem>>, vector<16xi32>,
        tpu.vector_store %arg9[%swap3A_2358, %swap3A_2359], %convert_element_type3A_2356 {strides = array<i32>} : memref<13x128xi32, #tpu.memory_space<vmem>>, vector<16xi32>,
        %get3A_2361 = arith.constant 18 : i32
        %get3A_2362 = arith.constant 1 : i32
        %get3A_2363 = arith.index_cast %get3A_2361 : i32 to index
        %get3A_2364 = arith.index_cast %get3A_2362 : i32 to index
        %get3A_2365 = arith.constant 48 : index
        %get3A_2366 = tpu.vector_load %arg5[%get3A_2363, %get3A_2364, %get3A_2365] {strides = array<i32>} : memref<26x2x64xf32, #tpu.memory_space<vmem>>, vector<16xf32>,
        %convert_element_type3A_2367 = arith.fptosi %get3A_2366 : vector<16xf32> to vector<16xi32>
        %swap3A_2368 = arith.constant 9 : i32
        %swap3A_2369 = arith.index_cast %swap3A_2368 : i32 to index
        %swap3A_2370 = arith.constant 48 : index
        %swap3A_2371 = tpu.vector_load %arg9[%swap3A_2369, %swap3A_2370] {strides = array<i32>} : memref<13x128xi32, #tpu.memory_space<vmem>>, vector<16xi32>,
        tpu.vector_store %arg9[%swap3A_2369, %swap3A_2370], %convert_element_type3A_2367 {strides = array<i32>} : memref<13x128xi32, #tpu.memory_space<vmem>>, vector<16xi32>,
        %get3A_2372 = arith.constant 19 : i32
        %get3A_2373 = arith.constant 1 : i32
        %get3A_2374 = arith.index_cast %get3A_2372 : i32 to index
        %get3A_2375 = arith.index_cast %get3A_2373 : i32 to index
        %get3A_2376 = arith.constant 0 : index
        %get3A_2377 = tpu.vector_load %arg5[%get3A_2374, %get3A_2375, %get3A_2376] {strides = array<i32>} : memref<26x2x64xf32, #tpu.memory_space<vmem>>, vector<16xf32>,
        %convert_element_type3A_2378 = arith.fptosi %get3A_2377 : vector<16xf32> to vector<16xi32>
        %swap3A_2379 = arith.constant 9 : i32
        %swap3A_2380 = arith.index_cast %swap3A_2379 : i32 to index
        %swap3A_2381 = arith.constant 64 : index
        %swap3A_2382 = tpu.vector_load %arg9[%swap3A_2380, %swap3A_2381] {strides = array<i32>} : memref<13x128xi32, #tpu.memory_space<vmem>>, vector<16xi32>,
        tpu.vector_store %arg9[%swap3A_2380, %swap3A_2381], %convert_element_type3A_2378 {strides = array<i32>} : memref<13x128xi32, #tpu.memory_space<vmem>>, vector<16xi32>,
        %get3A_2383 = arith.constant 19 : i32
        %get3A_2384 = arith.constant 1 : i32
        %get3A_2385 = arith.index_cast %get3A_2383 : i32 to index
        %get3A_2386 = arith.index_cast %get3A_2384 : i32 to index
        %get3A_2387 = arith.constant 16 : index
        %get3A_2388 = tpu.vector_load %arg5[%get3A_2385, %get3A_2386, %get3A_2387] {strides = array<i32>} : memref<26x2x64xf32, #tpu.memory_space<vmem>>, vector<16xf32>,
        %convert_element_type3A_2389 = arith.fptosi %get3A_2388 : vector<16xf32> to vector<16xi32>
        %swap3A_2390 = arith.constant 9 : i32
        %swap3A_2391 = arith.index_cast %swap3A_2390 : i32 to index
        %swap3A_2392 = arith.constant 80 : index
        %swap3A_2393 = tpu.vector_load %arg9[%swap3A_2391, %swap3A_2392] {strides = array<i32>} : memref<13x128xi32, #tpu.memory_space<vmem>>, vector<16xi32>,
        tpu.vector_store %arg9[%swap3A_2391, %swap3A_2392], %convert_element_type3A_2389 {strides = array<i32>} : memref<13x128xi32, #tpu.memory_space<vmem>>, vector<16xi32>,
        %get3A_2394 = arith.constant 19 : i32
        %get3A_2395 = arith.constant 1 : i32
        %get3A_2396 = arith.index_cast %get3A_2394 : i32 to index
        %get3A_2397 = arith.index_cast %get3A_2395 : i32 to index
        %get3A_2398 = arith.constant 32 : index
        %get3A_2399 = tpu.vector_load %arg5[%get3A_2396, %get3A_2397, %get3A_2398] {strides = array<i32>} : memref<26x2x64xf32, #tpu.memory_space<vmem>>, vector<16xf32>,
        %convert_element_type3A_2400 = arith.fptosi %get3A_2399 : vector<16xf32> to vector<16xi32>
        %swap3A_2401 = arith.constant 9 : i32
        %swap3A_2402 = arith.index_cast %swap3A_2401 : i32 to index
        %swap3A_2403 = arith.constant 96 : index
        %swap3A_2404 = tpu.vector_load %arg9[%swap3A_2402, %swap3A_2403] {strides = array<i32>} : memref<13x128xi32, #tpu.memory_space<vmem>>, vector<16xi32>,
        tpu.vector_store %arg9[%swap3A_2402, %swap3A_2403], %convert_element_type3A_2400 {strides = array<i32>} : memref<13x128xi32, #tpu.memory_space<vmem>>, vector<16xi32>,
        %get3A_2405 = arith.constant 19 : i32
        %get3A_2406 = arith.constant 1 : i32
        %get3A_2407 = arith.index_cast %get3A_2405 : i32 to index
        %get3A_2408 = arith.index_cast %get3A_2406 : i32 to index
        %get3A_2409 = arith.constant 48 : index
        %get3A_2410 = tpu.vector_load %arg5[%get3A_2407, %get3A_2408, %get3A_2409] {strides = array<i32>} : memref<26x2x64xf32, #tpu.memory_space<vmem>>, vector<16xf32>,
        %convert_element_type3A_2411 = arith.fptosi %get3A_2410 : vector<16xf32> to vector<16xi32>
        %swap3A_2412 = arith.constant 9 : i32
        %swap3A_2413 = arith.index_cast %swap3A_2412 : i32 to index
        %swap3A_2414 = arith.constant 112 : index
        %swap3A_2415 = tpu.vector_load %arg9[%swap3A_2413, %swap3A_2414] {strides = array<i32>} : memref<13x128xi32, #tpu.memory_space<vmem>>, vector<16xi32>,
        tpu.vector_store %arg9[%swap3A_2413, %swap3A_2414], %convert_element_type3A_2411 {strides = array<i32>} : memref<13x128xi32, #tpu.memory_space<vmem>>, vector<16xi32>,
        %get3A_2416 = arith.constant 20 : i32
        %get3A_2417 = arith.constant 1 : i32
        %get3A_2418 = arith.index_cast %get3A_2416 : i32 to index
        %get3A_2419 = arith.index_cast %get3A_2417 : i32 to index
        %get3A_2420 = arith.constant 0 : index
        %get3A_2421 = tpu.vector_load %arg5[%get3A_2418, %get3A_2419, %get3A_2420] {strides = array<i32>} : memref<26x2x64xf32, #tpu.memory_space<vmem>>, vector<16xf32>,
        %convert_element_type3A_2422 = arith.fptosi %get3A_2421 : vector<16xf32> to vector<16xi32>
        %swap3A_2423 = arith.constant 10 : i32
        %swap3A_2424 = arith.index_cast %swap3A_2423 : i32 to index
        %swap3A_2425 = arith.constant 0 : index
        %swap3A_2426 = tpu.vector_load %arg9[%swap3A_2424, %swap3A_2425] {strides = array<i32>} : memref<13x128xi32, #tpu.memory_space<vmem>>, vector<16xi32>,
        tpu.vector_store %arg9[%swap3A_2424, %swap3A_2425], %convert_element_type3A_2422 {strides = array<i32>} : memref<13x128xi32, #tpu.memory_space<vmem>>, vector<16xi32>,
        %get3A_2427 = arith.constant 20 : i32
        %get3A_2428 = arith.constant 1 : i32
        %get3A_2429 = arith.index_cast %get3A_2427 : i32 to index
        %get3A_2430 = arith.index_cast %get3A_2428 : i32 to index
        %get3A_2431 = arith.constant 16 : index
        %get3A_2432 = tpu.vector_load %arg5[%get3A_2429, %get3A_2430, %get3A_2431] {strides = array<i32>} : memref<26x2x64xf32, #tpu.memory_space<vmem>>, vector<16xf32>,
        %convert_element_type3A_2433 = arith.fptosi %get3A_2432 : vector<16xf32> to vector<16xi32>
        %swap3A_2434 = arith.constant 10 : i32
        %swap3A_2435 = arith.index_cast %swap3A_2434 : i32 to index
        %swap3A_2436 = arith.constant 16 : index
        %swap3A_2437 = tpu.vector_load %arg9[%swap3A_2435, %swap3A_2436] {strides = array<i32>} : memref<13x128xi32, #tpu.memory_space<vmem>>, vector<16xi32>,
        tpu.vector_store %arg9[%swap3A_2435, %swap3A_2436], %convert_element_type3A_2433 {strides = array<i32>} : memref<13x128xi32, #tpu.memory_space<vmem>>, vector<16xi32>,
        %get3A_2438 = arith.constant 20 : i32
        %get3A_2439 = arith.constant 1 : i32
        %get3A_2440 = arith.index_cast %get3A_2438 : i32 to index
        %get3A_2441 = arith.index_cast %get3A_2439 : i32 to index
        %get3A_2442 = arith.constant 32 : index
        %get3A_2443 = tpu.vector_load %arg5[%get3A_2440, %get3A_2441, %get3A_2442] {strides = array<i32>} : memref<26x2x64xf32, #tpu.memory_space<vmem>>, vector<16xf32>,
        %convert_element_type3A_2444 = arith.fptosi %get3A_2443 : vector<16xf32> to vector<16xi32>
        %swap3A_2445 = arith.constant 10 : i32
        %swap3A_2446 = arith.index_cast %swap3A_2445 : i32 to index
        %swap3A_2447 = arith.constant 32 : index
        %swap3A_2448 = tpu.vector_load %arg9[%swap3A_2446, %swap3A_2447] {strides = array<i32>} : memref<13x128xi32, #tpu.memory_space<vmem>>, vector<16xi32>,
        tpu.vector_store %arg9[%swap3A_2446, %swap3A_2447], %convert_element_type3A_2444 {strides = array<i32>} : memref<13x128xi32, #tpu.memory_space<vmem>>, vector<16xi32>,
        %get3A_2449 = arith.constant 20 : i32
        %get3A_2450 = arith.constant 1 : i32
        %get3A_2451 = arith.index_cast %get3A_2449 : i32 to index
        %get3A_2452 = arith.index_cast %get3A_2450 : i32 to index
        %get3A_2453 = arith.constant 48 : index
        %get3A_2454 = tpu.vector_load %arg5[%get3A_2451, %get3A_2452, %get3A_2453] {strides = array<i32>} : memref<26x2x64xf32, #tpu.memory_space<vmem>>, vector<16xf32>,
        %convert_element_type3A_2455 = arith.fptosi %get3A_2454 : vector<16xf32> to vector<16xi32>
        %swap3A_2456 = arith.constant 10 : i32
        %swap3A_2457 = arith.index_cast %swap3A_2456 : i32 to index
        %swap3A_2458 = arith.constant 48 : index
        %swap3A_2459 = tpu.vector_load %arg9[%swap3A_2457, %swap3A_2458] {strides = array<i32>} : memref<13x128xi32, #tpu.memory_space<vmem>>, vector<16xi32>,
        tpu.vector_store %arg9[%swap3A_2457, %swap3A_2458], %convert_element_type3A_2455 {strides = array<i32>} : memref<13x128xi32, #tpu.memory_space<vmem>>, vector<16xi32>,
        %get3A_2460 = arith.constant 21 : i32
        %get3A_2461 = arith.constant 1 : i32
        %get3A_2462 = arith.index_cast %get3A_2460 : i32 to index
        %get3A_2463 = arith.index_cast %get3A_2461 : i32 to index
        %get3A_2464 = arith.constant 0 : index
        %get3A_2465 = tpu.vector_load %arg5[%get3A_2462, %get3A_2463, %get3A_2464] {strides = array<i32>} : memref<26x2x64xf32, #tpu.memory_space<vmem>>, vector<16xf32>,
        %convert_element_type3A_2466 = arith.fptosi %get3A_2465 : vector<16xf32> to vector<16xi32>
        %swap3A_2467 = arith.constant 10 : i32
        %swap3A_2468 = arith.index_cast %swap3A_2467 : i32 to index
        %swap3A_2469 = arith.constant 64 : index
        %swap3A_2470 = tpu.vector_load %arg9[%swap3A_2468, %swap3A_2469] {strides = array<i32>} : memref<13x128xi32, #tpu.memory_space<vmem>>, vector<16xi32>,
        tpu.vector_store %arg9[%swap3A_2468, %swap3A_2469], %convert_element_type3A_2466 {strides = array<i32>} : memref<13x128xi32, #tpu.memory_space<vmem>>, vector<16xi32>,
        %get3A_2471 = arith.constant 21 : i32
        %get3A_2472 = arith.constant 1 : i32
        %get3A_2473 = arith.index_cast %get3A_2471 : i32 to index
        %get3A_2474 = arith.index_cast %get3A_2472 : i32 to index
        %get3A_2475 = arith.constant 16 : index
        %get3A_2476 = tpu.vector_load %arg5[%get3A_2473, %get3A_2474, %get3A_2475] {strides = array<i32>} : memref<26x2x64xf32, #tpu.memory_space<vmem>>, vector<16xf32>,
        %convert_element_type3A_2477 = arith.fptosi %get3A_2476 : vector<16xf32> to vector<16xi32>
        %swap3A_2478 = arith.constant 10 : i32
        %swap3A_2479 = arith.index_cast %swap3A_2478 : i32 to index
        %swap3A_2480 = arith.constant 80 : index
        %swap3A_2481 = tpu.vector_load %arg9[%swap3A_2479, %swap3A_2480] {strides = array<i32>} : memref<13x128xi32, #tpu.memory_space<vmem>>, vector<16xi32>,
        tpu.vector_store %arg9[%swap3A_2479, %swap3A_2480], %convert_element_type3A_2477 {strides = array<i32>} : memref<13x128xi32, #tpu.memory_space<vmem>>, vector<16xi32>,
        %get3A_2482 = arith.constant 21 : i32
        %get3A_2483 = arith.constant 1 : i32
        %get3A_2484 = arith.index_cast %get3A_2482 : i32 to index
        %get3A_2485 = arith.index_cast %get3A_2483 : i32 to index
        %get3A_2486 = arith.constant 32 : index
        %get3A_2487 = tpu.vector_load %arg5[%get3A_2484, %get3A_2485, %get3A_2486] {strides = array<i32>} : memref<26x2x64xf32, #tpu.memory_space<vmem>>, vector<16xf32>,
        %convert_element_type3A_2488 = arith.fptosi %get3A_2487 : vector<16xf32> to vector<16xi32>
        %swap3A_2489 = arith.constant 10 : i32
        %swap3A_2490 = arith.index_cast %swap3A_2489 : i32 to index
        %swap3A_2491 = arith.constant 96 : index
        %swap3A_2492 = tpu.vector_load %arg9[%swap3A_2490, %swap3A_2491] {strides = array<i32>} : memref<13x128xi32, #tpu.memory_space<vmem>>, vector<16xi32>,
        tpu.vector_store %arg9[%swap3A_2490, %swap3A_2491], %convert_element_type3A_2488 {strides = array<i32>} : memref<13x128xi32, #tpu.memory_space<vmem>>, vector<16xi32>,
        %get3A_2493 = arith.constant 21 : i32
        %get3A_2494 = arith.constant 1 : i32
        %get3A_2495 = arith.index_cast %get3A_2493 : i32 to index
        %get3A_2496 = arith.index_cast %get3A_2494 : i32 to index
        %get3A_2497 = arith.constant 48 : index
        %get3A_2498 = tpu.vector_load %arg5[%get3A_2495, %get3A_2496, %get3A_2497] {strides = array<i32>} : memref<26x2x64xf32, #tpu.memory_space<vmem>>, vector<16xf32>,
        %convert_element_type3A_2499 = arith.fptosi %get3A_2498 : vector<16xf32> to vector<16xi32>
        %swap3A_2500 = arith.constant 10 : i32
        %swap3A_2501 = arith.index_cast %swap3A_2500 : i32 to index
        %swap3A_2502 = arith.constant 112 : index
        %swap3A_2503 = tpu.vector_load %arg9[%swap3A_2501, %swap3A_2502] {strides = array<i32>} : memref<13x128xi32, #tpu.memory_space<vmem>>, vector<16xi32>,
        tpu.vector_store %arg9[%swap3A_2501, %swap3A_2502], %convert_element_type3A_2499 {strides = array<i32>} : memref<13x128xi32, #tpu.memory_space<vmem>>, vector<16xi32>,
        %get3A_2504 = arith.constant 22 : i32
        %get3A_2505 = arith.constant 1 : i32
        %get3A_2506 = arith.index_cast %get3A_2504 : i32 to index
        %get3A_2507 = arith.index_cast %get3A_2505 : i32 to index
        %get3A_2508 = arith.constant 0 : index
        %get3A_2509 = tpu.vector_load %arg5[%get3A_2506, %get3A_2507, %get3A_2508] {strides = array<i32>} : memref<26x2x64xf32, #tpu.memory_space<vmem>>, vector<16xf32>,
        %convert_element_type3A_2510 = arith.fptosi %get3A_2509 : vector<16xf32> to vector<16xi32>
        %swap3A_2511 = arith.constant 11 : i32
        %swap3A_2512 = arith.index_cast %swap3A_2511 : i32 to index
        %swap3A_2513 = arith.constant 0 : index
        %swap3A_2514 = tpu.vector_load %arg9[%swap3A_2512, %swap3A_2513] {strides = array<i32>} : memref<13x128xi32, #tpu.memory_space<vmem>>, vector<16xi32>,
        tpu.vector_store %arg9[%swap3A_2512, %swap3A_2513], %convert_element_type3A_2510 {strides = array<i32>} : memref<13x128xi32, #tpu.memory_space<vmem>>, vector<16xi32>,
        %get3A_2515 = arith.constant 22 : i32
        %get3A_2516 = arith.constant 1 : i32
        %get3A_2517 = arith.index_cast %get3A_2515 : i32 to index
        %get3A_2518 = arith.index_cast %get3A_2516 : i32 to index
        %get3A_2519 = arith.constant 16 : index
        %get3A_2520 = tpu.vector_load %arg5[%get3A_2517, %get3A_2518, %get3A_2519] {strides = array<i32>} : memref<26x2x64xf32, #tpu.memory_space<vmem>>, vector<16xf32>,
        %convert_element_type3A_2521 = arith.fptosi %get3A_2520 : vector<16xf32> to vector<16xi32>
        %swap3A_2522 = arith.constant 11 : i32
        %swap3A_2523 = arith.index_cast %swap3A_2522 : i32 to index
        %swap3A_2524 = arith.constant 16 : index
        %swap3A_2525 = tpu.vector_load %arg9[%swap3A_2523, %swap3A_2524] {strides = array<i32>} : memref<13x128xi32, #tpu.memory_space<vmem>>, vector<16xi32>,
        tpu.vector_store %arg9[%swap3A_2523, %swap3A_2524], %convert_element_type3A_2521 {strides = array<i32>} : memref<13x128xi32, #tpu.memory_space<vmem>>, vector<16xi32>,
        %get3A_2526 = arith.constant 22 : i32
        %get3A_2527 = arith.constant 1 : i32
        %get3A_2528 = arith.index_cast %get3A_2526 : i32 to index
        %get3A_2529 = arith.index_cast %get3A_2527 : i32 to index
        %get3A_2530 = arith.constant 32 : index
        %get3A_2531 = tpu.vector_load %arg5[%get3A_2528, %get3A_2529, %get3A_2530] {strides = array<i32>} : memref<26x2x64xf32, #tpu.memory_space<vmem>>, vector<16xf32>,
        %convert_element_type3A_2532 = arith.fptosi %get3A_2531 : vector<16xf32> to vector<16xi32>
        %swap3A_2533 = arith.constant 11 : i32
        %swap3A_2534 = arith.index_cast %swap3A_2533 : i32 to index
        %swap3A_2535 = arith.constant 32 : index
        %swap3A_2536 = tpu.vector_load %arg9[%swap3A_2534, %swap3A_2535] {strides = array<i32>} : memref<13x128xi32, #tpu.memory_space<vmem>>, vector<16xi32>,
        tpu.vector_store %arg9[%swap3A_2534, %swap3A_2535], %convert_element_type3A_2532 {strides = array<i32>} : memref<13x128xi32, #tpu.memory_space<vmem>>, vector<16xi32>,
        %get3A_2537 = arith.constant 22 : i32
        %get3A_2538 = arith.constant 1 : i32
        %get3A_2539 = arith.index_cast %get3A_2537 : i32 to index
        %get3A_2540 = arith.index_cast %get3A_2538 : i32 to index
        %get3A_2541 = arith.constant 48 : index
        %get3A_2542 = tpu.vector_load %arg5[%get3A_2539, %get3A_2540, %get3A_2541] {strides = array<i32>} : memref<26x2x64xf32, #tpu.memory_space<vmem>>, vector<16xf32>,
        %convert_element_type3A_2543 = arith.fptosi %get3A_2542 : vector<16xf32> to vector<16xi32>
        %swap3A_2544 = arith.constant 11 : i32
        %swap3A_2545 = arith.index_cast %swap3A_2544 : i32 to index
        %swap3A_2546 = arith.constant 48 : index
        %swap3A_2547 = tpu.vector_load %arg9[%swap3A_2545, %swap3A_2546] {strides = array<i32>} : memref<13x128xi32, #tpu.memory_space<vmem>>, vector<16xi32>,
        tpu.vector_store %arg9[%swap3A_2545, %swap3A_2546], %convert_element_type3A_2543 {strides = array<i32>} : memref<13x128xi32, #tpu.memory_space<vmem>>, vector<16xi32>,
        %get3A_2548 = arith.constant 23 : i32
        %get3A_2549 = arith.constant 1 : i32
        %get3A_2550 = arith.index_cast %get3A_2548 : i32 to index
        %get3A_2551 = arith.index_cast %get3A_2549 : i32 to index
        %get3A_2552 = arith.constant 0 : index
        %get3A_2553 = tpu.vector_load %arg5[%get3A_2550, %get3A_2551, %get3A_2552] {strides = array<i32>} : memref<26x2x64xf32, #tpu.memory_space<vmem>>, vector<16xf32>,
        %convert_element_type3A_2554 = arith.fptosi %get3A_2553 : vector<16xf32> to vector<16xi32>
        %swap3A_2555 = arith.constant 11 : i32
        %swap3A_2556 = arith.index_cast %swap3A_2555 : i32 to index
        %swap3A_2557 = arith.constant 64 : index
        %swap3A_2558 = tpu.vector_load %arg9[%swap3A_2556, %swap3A_2557] {strides = array<i32>} : memref<13x128xi32, #tpu.memory_space<vmem>>, vector<16xi32>,
        tpu.vector_store %arg9[%swap3A_2556, %swap3A_2557], %convert_element_type3A_2554 {strides = array<i32>} : memref<13x128xi32, #tpu.memory_space<vmem>>, vector<16xi32>,
        %get3A_2559 = arith.constant 23 : i32
        %get3A_2560 = arith.constant 1 : i32
        %get3A_2561 = arith.index_cast %get3A_2559 : i32 to index
        %get3A_2562 = arith.index_cast %get3A_2560 : i32 to index
        %get3A_2563 = arith.constant 16 : index
        %get3A_2564 = tpu.vector_load %arg5[%get3A_2561, %get3A_2562, %get3A_2563] {strides = array<i32>} : memref<26x2x64xf32, #tpu.memory_space<vmem>>, vector<16xf32>,
        %convert_element_type3A_2565 = arith.fptosi %get3A_2564 : vector<16xf32> to vector<16xi32>
        %swap3A_2566 = arith.constant 11 : i32
        %swap3A_2567 = arith.index_cast %swap3A_2566 : i32 to index
        %swap3A_2568 = arith.constant 80 : index
        %swap3A_2569 = tpu.vector_load %arg9[%swap3A_2567, %swap3A_2568] {strides = array<i32>} : memref<13x128xi32, #tpu.memory_space<vmem>>, vector<16xi32>,
        tpu.vector_store %arg9[%swap3A_2567, %swap3A_2568], %convert_element_type3A_2565 {strides = array<i32>} : memref<13x128xi32, #tpu.memory_space<vmem>>, vector<16xi32>,
        %get3A_2570 = arith.constant 23 : i32
        %get3A_2571 = arith.constant 1 : i32
        %get3A_2572 = arith.index_cast %get3A_2570 : i32 to index
        %get3A_2573 = arith.index_cast %get3A_2571 : i32 to index
        %get3A_2574 = arith.constant 32 : index
        %get3A_2575 = tpu.vector_load %arg5[%get3A_2572, %get3A_2573, %get3A_2574] {strides = array<i32>} : memref<26x2x64xf32, #tpu.memory_space<vmem>>, vector<16xf32>,
        %convert_element_type3A_2576 = arith.fptosi %get3A_2575 : vector<16xf32> to vector<16xi32>
        %swap3A_2577 = arith.constant 11 : i32
        %swap3A_2578 = arith.index_cast %swap3A_2577 : i32 to index
        %swap3A_2579 = arith.constant 96 : index
        %swap3A_2580 = tpu.vector_load %arg9[%swap3A_2578, %swap3A_2579] {strides = array<i32>} : memref<13x128xi32, #tpu.memory_space<vmem>>, vector<16xi32>,
        tpu.vector_store %arg9[%swap3A_2578, %swap3A_2579], %convert_element_type3A_2576 {strides = array<i32>} : memref<13x128xi32, #tpu.memory_space<vmem>>, vector<16xi32>,
        %get3A_2581 = arith.constant 23 : i32
        %get3A_2582 = arith.constant 1 : i32
        %get3A_2583 = arith.index_cast %get3A_2581 : i32 to index
        %get3A_2584 = arith.index_cast %get3A_2582 : i32 to index
        %get3A_2585 = arith.constant 48 : index
        %get3A_2586 = tpu.vector_load %arg5[%get3A_2583, %get3A_2584, %get3A_2585] {strides = array<i32>} : memref<26x2x64xf32, #tpu.memory_space<vmem>>, vector<16xf32>,
        %convert_element_type3A_2587 = arith.fptosi %get3A_2586 : vector<16xf32> to vector<16xi32>
        %swap3A_2588 = arith.constant 11 : i32
        %swap3A_2589 = arith.index_cast %swap3A_2588 : i32 to index
        %swap3A_2590 = arith.constant 112 : index
        %swap3A_2591 = tpu.vector_load %arg9[%swap3A_2589, %swap3A_2590] {strides = array<i32>} : memref<13x128xi32, #tpu.memory_space<vmem>>, vector<16xi32>,
        tpu.vector_store %arg9[%swap3A_2589, %swap3A_2590], %convert_element_type3A_2587 {strides = array<i32>} : memref<13x128xi32, #tpu.memory_space<vmem>>, vector<16xi32>,
        %get3A_2592 = arith.constant 24 : i32
        %get3A_2593 = arith.constant 1 : i32
        %get3A_2594 = arith.index_cast %get3A_2592 : i32 to index
        %get3A_2595 = arith.index_cast %get3A_2593 : i32 to index
        %get3A_2596 = arith.constant 0 : index
        %get3A_2597 = tpu.vector_load %arg5[%get3A_2594, %get3A_2595, %get3A_2596] {strides = array<i32>} : memref<26x2x64xf32, #tpu.memory_space<vmem>>, vector<16xf32>,
        %convert_element_type3A_2598 = arith.fptosi %get3A_2597 : vector<16xf32> to vector<16xi32>
        %swap3A_2599 = arith.constant 12 : i32
        %swap3A_2600 = arith.index_cast %swap3A_2599 : i32 to index
        %swap3A_2601 = arith.constant 0 : index
        %swap3A_2602 = tpu.vector_load %arg9[%swap3A_2600, %swap3A_2601] {strides = array<i32>} : memref<13x128xi32, #tpu.memory_space<vmem>>, vector<16xi32>,
        tpu.vector_store %arg9[%swap3A_2600, %swap3A_2601], %convert_element_type3A_2598 {strides = array<i32>} : memref<13x128xi32, #tpu.memory_space<vmem>>, vector<16xi32>,
        %get3A_2603 = arith.constant 24 : i32
        %get3A_2604 = arith.constant 1 : i32
        %get3A_2605 = arith.index_cast %get3A_2603 : i32 to index
        %get3A_2606 = arith.index_cast %get3A_2604 : i32 to index
        %get3A_2607 = arith.constant 16 : index
        %get3A_2608 = tpu.vector_load %arg5[%get3A_2605, %get3A_2606, %get3A_2607] {strides = array<i32>} : memref<26x2x64xf32, #tpu.memory_space<vmem>>, vector<16xf32>,
        %convert_element_type3A_2609 = arith.fptosi %get3A_2608 : vector<16xf32> to vector<16xi32>
        %swap3A_2610 = arith.constant 12 : i32
        %swap3A_2611 = arith.index_cast %swap3A_2610 : i32 to index
        %swap3A_2612 = arith.constant 16 : index
        %swap3A_2613 = tpu.vector_load %arg9[%swap3A_2611, %swap3A_2612] {strides = array<i32>} : memref<13x128xi32, #tpu.memory_space<vmem>>, vector<16xi32>,
        tpu.vector_store %arg9[%swap3A_2611, %swap3A_2612], %convert_element_type3A_2609 {strides = array<i32>} : memref<13x128xi32, #tpu.memory_space<vmem>>, vector<16xi32>,
        %get3A_2614 = arith.constant 24 : i32
        %get3A_2615 = arith.constant 1 : i32
        %get3A_2616 = arith.index_cast %get3A_2614 : i32 to index
        %get3A_2617 = arith.index_cast %get3A_2615 : i32 to index
        %get3A_2618 = arith.constant 32 : index
        %get3A_2619 = tpu.vector_load %arg5[%get3A_2616, %get3A_2617, %get3A_2618] {strides = array<i32>} : memref<26x2x64xf32, #tpu.memory_space<vmem>>, vector<16xf32>,
        %convert_element_type3A_2620 = arith.fptosi %get3A_2619 : vector<16xf32> to vector<16xi32>
        %swap3A_2621 = arith.constant 12 : i32
        %swap3A_2622 = arith.index_cast %swap3A_2621 : i32 to index
        %swap3A_2623 = arith.constant 32 : index
        %swap3A_2624 = tpu.vector_load %arg9[%swap3A_2622, %swap3A_2623] {strides = array<i32>} : memref<13x128xi32, #tpu.memory_space<vmem>>, vector<16xi32>,
        tpu.vector_store %arg9[%swap3A_2622, %swap3A_2623], %convert_element_type3A_2620 {strides = array<i32>} : memref<13x128xi32, #tpu.memory_space<vmem>>, vector<16xi32>,
        %get3A_2625 = arith.constant 24 : i32
        %get3A_2626 = arith.constant 1 : i32
        %get3A_2627 = arith.index_cast %get3A_2625 : i32 to index
        %get3A_2628 = arith.index_cast %get3A_2626 : i32 to index
        %get3A_2629 = arith.constant 48 : index
        %get3A_2630 = tpu.vector_load %arg5[%get3A_2627, %get3A_2628, %get3A_2629] {strides = array<i32>} : memref<26x2x64xf32, #tpu.memory_space<vmem>>, vector<16xf32>,
        %convert_element_type3A_2631 = arith.fptosi %get3A_2630 : vector<16xf32> to vector<16xi32>
        %swap3A_2632 = arith.constant 12 : i32
        %swap3A_2633 = arith.index_cast %swap3A_2632 : i32 to index
        %swap3A_2634 = arith.constant 48 : index
        %swap3A_2635 = tpu.vector_load %arg9[%swap3A_2633, %swap3A_2634] {strides = array<i32>} : memref<13x128xi32, #tpu.memory_space<vmem>>, vector<16xi32>,
        tpu.vector_store %arg9[%swap3A_2633, %swap3A_2634], %convert_element_type3A_2631 {strides = array<i32>} : memref<13x128xi32, #tpu.memory_space<vmem>>, vector<16xi32>,
        %get3A_2636 = arith.constant 25 : i32
        %get3A_2637 = arith.constant 1 : i32
        %get3A_2638 = arith.index_cast %get3A_2636 : i32 to index
        %get3A_2639 = arith.index_cast %get3A_2637 : i32 to index
        %get3A_2640 = arith.constant 0 : index
        %get3A_2641 = tpu.vector_load %arg5[%get3A_2638, %get3A_2639, %get3A_2640] {strides = array<i32>} : memref<26x2x64xf32, #tpu.memory_space<vmem>>, vector<16xf32>,
        %convert_element_type3A_2642 = arith.fptosi %get3A_2641 : vector<16xf32> to vector<16xi32>
        %swap3A_2643 = arith.constant 12 : i32
        %swap3A_2644 = arith.index_cast %swap3A_2643 : i32 to index
        %swap3A_2645 = arith.constant 64 : index
        %swap3A_2646 = tpu.vector_load %arg9[%swap3A_2644, %swap3A_2645] {strides = array<i32>} : memref<13x128xi32, #tpu.memory_space<vmem>>, vector<16xi32>,
        tpu.vector_store %arg9[%swap3A_2644, %swap3A_2645], %convert_element_type3A_2642 {strides = array<i32>} : memref<13x128xi32, #tpu.memory_space<vmem>>, vector<16xi32>,
        %get3A_2647 = arith.constant 25 : i32
        %get3A_2648 = arith.constant 1 : i32
        %get3A_2649 = arith.index_cast %get3A_2647 : i32 to index
        %get3A_2650 = arith.index_cast %get3A_2648 : i32 to index
        %get3A_2651 = arith.constant 16 : index
        %get3A_2652 = tpu.vector_load %arg5[%get3A_2649, %get3A_2650, %get3A_2651] {strides = array<i32>} : memref<26x2x64xf32, #tpu.memory_space<vmem>>, vector<16xf32>,
        %convert_element_type3A_2653 = arith.fptosi %get3A_2652 : vector<16xf32> to vector<16xi32>
        %swap3A_2654 = arith.constant 12 : i32
        %swap3A_2655 = arith.index_cast %swap3A_2654 : i32 to index
        %swap3A_2656 = arith.constant 80 : index
        %swap3A_2657 = tpu.vector_load %arg9[%swap3A_2655, %swap3A_2656] {strides = array<i32>} : memref<13x128xi32, #tpu.memory_space<vmem>>, vector<16xi32>,
        tpu.vector_store %arg9[%swap3A_2655, %swap3A_2656], %convert_element_type3A_2653 {strides = array<i32>} : memref<13x128xi32, #tpu.memory_space<vmem>>, vector<16xi32>,
        %get3A_2658 = arith.constant 25 : i32
        %get3A_2659 = arith.constant 1 : i32
        %get3A_2660 = arith.index_cast %get3A_2658 : i32 to index
        %get3A_2661 = arith.index_cast %get3A_2659 : i32 to index
        %get3A_2662 = arith.constant 32 : index
        %get3A_2663 = tpu.vector_load %arg5[%get3A_2660, %get3A_2661, %get3A_2662] {strides = array<i32>} : memref<26x2x64xf32, #tpu.memory_space<vmem>>, vector<16xf32>,
        %convert_element_type3A_2664 = arith.fptosi %get3A_2663 : vector<16xf32> to vector<16xi32>
        %swap3A_2665 = arith.constant 12 : i32
        %swap3A_2666 = arith.index_cast %swap3A_2665 : i32 to index
        %swap3A_2667 = arith.constant 96 : index
        %swap3A_2668 = tpu.vector_load %arg9[%swap3A_2666, %swap3A_2667] {strides = array<i32>} : memref<13x128xi32, #tpu.memory_space<vmem>>, vector<16xi32>,
        tpu.vector_store %arg9[%swap3A_2666, %swap3A_2667], %convert_element_type3A_2664 {strides = array<i32>} : memref<13x128xi32, #tpu.memory_space<vmem>>, vector<16xi32>,
        %get3A_2669 = arith.constant 25 : i32
        %get3A_2670 = arith.constant 1 : i32
        %get3A_2671 = arith.index_cast %get3A_2669 : i32 to index
        %get3A_2672 = arith.index_cast %get3A_2670 : i32 to index
        %get3A_2673 = arith.constant 48 : index
        %get3A_2674 = tpu.vector_load %arg5[%get3A_2671, %get3A_2672, %get3A_2673] {strides = array<i32>} : memref<26x2x64xf32, #tpu.memory_space<vmem>>, vector<16xf32>,
        %convert_element_type3A_2675 = arith.fptosi %get3A_2674 : vector<16xf32> to vector<16xi32>
        %swap3A_2676 = arith.constant 12 : i32
        %swap3A_2677 = arith.index_cast %swap3A_2676 : i32 to index
        %swap3A_2678 = arith.constant 112 : index
        %swap3A_2679 = tpu.vector_load %arg9[%swap3A_2677, %swap3A_2678] {strides = array<i32>} : memref<13x128xi32, #tpu.memory_space<vmem>>, vector<16xi32>,
        tpu.vector_store %arg9[%swap3A_2677, %swap3A_2678], %convert_element_type3A_2675 {strides = array<i32>} : memref<13x128xi32, #tpu.memory_space<vmem>>, vector<16xi32>,
        %dma_start3A_2680 = arith.constant 0 : i32
        %dma_start3A_2681 = arith.constant 0 : i32
        %dma_start3A_2682 = arith.constant 0 : i32
        %dma_start3A_2683 = tpu.memref_slice %arg6[%dma_start3A_2681, %dma_start3A_2682] : memref<1664x16xf32, #tpu.memory_space<vmem>> -> memref<128x16xf32, #tpu.memory_space<vmem>>
        %dma_start3A_2684 = arith.constant 0 : i32
        %dma_start3A_2685 = tpu.memref_slice %arg9[%dma_start3A_2680, %dma_start3A_2684] : memref<13x128xi32, #tpu.memory_space<vmem>> -> memref<1x128xi32, #tpu.memory_space<vmem>>
        %dma_start3A_2686 = tpu.memref_squeeze %dma_start3A_2685 : memref<1x128xi32, #tpu.memory_space<vmem>> -> memref<128xi32, #tpu.memory_space<vmem>>
        %dma_start3A_2687 = arith.constant 0 : i32
        %dma_start3A_2688 = arith.constant 0 : i32
        %dma_start3A_2689 = tpu.memref_slice %arg3[%dma_start3A_2687, %dma_start3A_2688] : memref<1000000x16xf32, #tpu.memory_space<hbm>> -> memref<1000000x16xf32, #tpu.memory_space<hbm>>
        tpu.enqueue_indirect_dma source(%dma_start3A_2689 : memref<1000000x16xf32, #tpu.memory_space<hbm>>) target(%dma_start3A_2683 : memref<128x16xf32, #tpu.memory_space<vmem>>) offsets(%dma_start3A_2686 : memref<128xi32, #tpu.memory_space<vmem>>) semaphore(%arg10 : memref<!tpu.dma_semaphore, #tpu.memory_space<semaphore_mem>>)
        %dma_start3A_2690 = arith.constant 1 : i32
        %dma_start3A_2691 = arith.constant 128 : i32
        %dma_start3A_2692 = arith.constant 0 : i32
        %dma_start3A_2693 = tpu.memref_slice %arg6[%dma_start3A_2691, %dma_start3A_2692] : memref<1664x16xf32, #tpu.memory_space<vmem>> -> memref<128x16xf32, #tpu.memory_space<vmem>>
        %dma_start3A_2694 = arith.constant 0 : i32
        %dma_start3A_2695 = tpu.memref_slice %arg9[%dma_start3A_2690, %dma_start3A_2694] : memref<13x128xi32, #tpu.memory_space<vmem>> -> memref<1x128xi32, #tpu.memory_space<vmem>>
        %dma_start3A_2696 = tpu.memref_squeeze %dma_start3A_2695 : memref<1x128xi32, #tpu.memory_space<vmem>> -> memref<128xi32, #tpu.memory_space<vmem>>
        %dma_start3A_2697 = arith.constant 0 : i32
        %dma_start3A_2698 = arith.constant 0 : i32
        %dma_start3A_2699 = tpu.memref_slice %arg3[%dma_start3A_2697, %dma_start3A_2698] : memref<1000000x16xf32, #tpu.memory_space<hbm>> -> memref<1000000x16xf32, #tpu.memory_space<hbm>>
        tpu.enqueue_indirect_dma source(%dma_start3A_2699 : memref<1000000x16xf32, #tpu.memory_space<hbm>>) target(%dma_start3A_2693 : memref<128x16xf32, #tpu.memory_space<vmem>>) offsets(%dma_start3A_2696 : memref<128xi32, #tpu.memory_space<vmem>>) semaphore(%arg10 : memref<!tpu.dma_semaphore, #tpu.memory_space<semaphore_mem>>)
        %dma_start3A_2700 = arith.constant 2 : i32
        %dma_start3A_2701 = arith.constant 256 : i32
        %dma_start3A_2702 = arith.constant 0 : i32
        %dma_start3A_2703 = tpu.memref_slice %arg6[%dma_start3A_2701, %dma_start3A_2702] : memref<1664x16xf32, #tpu.memory_space<vmem>> -> memref<128x16xf32, #tpu.memory_space<vmem>>
        %dma_start3A_2704 = arith.constant 0 : i32
        %dma_start3A_2705 = tpu.memref_slice %arg9[%dma_start3A_2700, %dma_start3A_2704] : memref<13x128xi32, #tpu.memory_space<vmem>> -> memref<1x128xi32, #tpu.memory_space<vmem>>
        %dma_start3A_2706 = tpu.memref_squeeze %dma_start3A_2705 : memref<1x128xi32, #tpu.memory_space<vmem>> -> memref<128xi32, #tpu.memory_space<vmem>>
        %dma_start3A_2707 = arith.constant 0 : i32
        %dma_start3A_2708 = arith.constant 0 : i32
        %dma_start3A_2709 = tpu.memref_slice %arg3[%dma_start3A_2707, %dma_start3A_2708] : memref<1000000x16xf32, #tpu.memory_space<hbm>> -> memref<1000000x16xf32, #tpu.memory_space<hbm>>
        tpu.enqueue_indirect_dma source(%dma_start3A_2709 : memref<1000000x16xf32, #tpu.memory_space<hbm>>) target(%dma_start3A_2703 : memref<128x16xf32, #tpu.memory_space<vmem>>) offsets(%dma_start3A_2706 : memref<128xi32, #tpu.memory_space<vmem>>) semaphore(%arg10 : memref<!tpu.dma_semaphore, #tpu.memory_space<semaphore_mem>>)
        %dma_start3A_2710 = arith.constant 3 : i32
        %dma_start3A_2711 = arith.constant 384 : i32
        %dma_start3A_2712 = arith.constant 0 : i32
        %dma_start3A_2713 = tpu.memref_slice %arg6[%dma_start3A_2711, %dma_start3A_2712] : memref<1664x16xf32, #tpu.memory_space<vmem>> -> memref<128x16xf32, #tpu.memory_space<vmem>>
        %dma_start3A_2714 = arith.constant 0 : i32
        %dma_start3A_2715 = tpu.memref_slice %arg9[%dma_start3A_2710, %dma_start3A_2714] : memref<13x128xi32, #tpu.memory_space<vmem>> -> memref<1x128xi32, #tpu.memory_space<vmem>>
        %dma_start3A_2716 = tpu.memref_squeeze %dma_start3A_2715 : memref<1x128xi32, #tpu.memory_space<vmem>> -> memref<128xi32, #tpu.memory_space<vmem>>
        %dma_start3A_2717 = arith.constant 0 : i32
        %dma_start3A_2718 = arith.constant 0 : i32
        %dma_start3A_2719 = tpu.memref_slice %arg3[%dma_start3A_2717, %dma_start3A_2718] : memref<1000000x16xf32, #tpu.memory_space<hbm>> -> memref<1000000x16xf32, #tpu.memory_space<hbm>>
        tpu.enqueue_indirect_dma source(%dma_start3A_2719 : memref<1000000x16xf32, #tpu.memory_space<hbm>>) target(%dma_start3A_2713 : memref<128x16xf32, #tpu.memory_space<vmem>>) offsets(%dma_start3A_2716 : memref<128xi32, #tpu.memory_space<vmem>>) semaphore(%arg10 : memref<!tpu.dma_semaphore, #tpu.memory_space<semaphore_mem>>)
        %dma_start3A_2720 = arith.constant 4 : i32
        %dma_start3A_2721 = arith.constant 512 : i32
        %dma_start3A_2722 = arith.constant 0 : i32
        %dma_start3A_2723 = tpu.memref_slice %arg6[%dma_start3A_2721, %dma_start3A_2722] : memref<1664x16xf32, #tpu.memory_space<vmem>> -> memref<128x16xf32, #tpu.memory_space<vmem>>
        %dma_start3A_2724 = arith.constant 0 : i32
        %dma_start3A_2725 = tpu.memref_slice %arg9[%dma_start3A_2720, %dma_start3A_2724] : memref<13x128xi32, #tpu.memory_space<vmem>> -> memref<1x128xi32, #tpu.memory_space<vmem>>
        %dma_start3A_2726 = tpu.memref_squeeze %dma_start3A_2725 : memref<1x128xi32, #tpu.memory_space<vmem>> -> memref<128xi32, #tpu.memory_space<vmem>>
        %dma_start3A_2727 = arith.constant 0 : i32
        %dma_start3A_2728 = arith.constant 0 : i32
        %dma_start3A_2729 = tpu.memref_slice %arg3[%dma_start3A_2727, %dma_start3A_2728] : memref<1000000x16xf32, #tpu.memory_space<hbm>> -> memref<1000000x16xf32, #tpu.memory_space<hbm>>
        tpu.enqueue_indirect_dma source(%dma_start3A_2729 : memref<1000000x16xf32, #tpu.memory_space<hbm>>) target(%dma_start3A_2723 : memref<128x16xf32, #tpu.memory_space<vmem>>) offsets(%dma_start3A_2726 : memref<128xi32, #tpu.memory_space<vmem>>) semaphore(%arg10 : memref<!tpu.dma_semaphore, #tpu.memory_space<semaphore_mem>>)
        %dma_start3A_2730 = arith.constant 5 : i32
        %dma_start3A_2731 = arith.constant 640 : i32
        %dma_start3A_2732 = arith.constant 0 : i32
        %dma_start3A_2733 = tpu.memref_slice %arg6[%dma_start3A_2731, %dma_start3A_2732] : memref<1664x16xf32, #tpu.memory_space<vmem>> -> memref<128x16xf32, #tpu.memory_space<vmem>>
        %dma_start3A_2734 = arith.constant 0 : i32
        %dma_start3A_2735 = tpu.memref_slice %arg9[%dma_start3A_2730, %dma_start3A_2734] : memref<13x128xi32, #tpu.memory_space<vmem>> -> memref<1x128xi32, #tpu.memory_space<vmem>>
        %dma_start3A_2736 = tpu.memref_squeeze %dma_start3A_2735 : memref<1x128xi32, #tpu.memory_space<vmem>> -> memref<128xi32, #tpu.memory_space<vmem>>
        %dma_start3A_2737 = arith.constant 0 : i32
        %dma_start3A_2738 = arith.constant 0 : i32
        %dma_start3A_2739 = tpu.memref_slice %arg3[%dma_start3A_2737, %dma_start3A_2738] : memref<1000000x16xf32, #tpu.memory_space<hbm>> -> memref<1000000x16xf32, #tpu.memory_space<hbm>>
        tpu.enqueue_indirect_dma source(%dma_start3A_2739 : memref<1000000x16xf32, #tpu.memory_space<hbm>>) target(%dma_start3A_2733 : memref<128x16xf32, #tpu.memory_space<vmem>>) offsets(%dma_start3A_2736 : memref<128xi32, #tpu.memory_space<vmem>>) semaphore(%arg10 : memref<!tpu.dma_semaphore, #tpu.memory_space<semaphore_mem>>)
        %dma_start3A_2740 = arith.constant 6 : i32
        %dma_start3A_2741 = arith.constant 768 : i32
        %dma_start3A_2742 = arith.constant 0 : i32
        %dma_start3A_2743 = tpu.memref_slice %arg6[%dma_start3A_2741, %dma_start3A_2742] : memref<1664x16xf32, #tpu.memory_space<vmem>> -> memref<128x16xf32, #tpu.memory_space<vmem>>
        %dma_start3A_2744 = arith.constant 0 : i32
        %dma_start3A_2745 = tpu.memref_slice %arg9[%dma_start3A_2740, %dma_start3A_2744] : memref<13x128xi32, #tpu.memory_space<vmem>> -> memref<1x128xi32, #tpu.memory_space<vmem>>
        %dma_start3A_2746 = tpu.memref_squeeze %dma_start3A_2745 : memref<1x128xi32, #tpu.memory_space<vmem>> -> memref<128xi32, #tpu.memory_space<vmem>>
        %dma_start3A_2747 = arith.constant 0 : i32
        %dma_start3A_2748 = arith.constant 0 : i32
        %dma_start3A_2749 = tpu.memref_slice %arg3[%dma_start3A_2747, %dma_start3A_2748] : memref<1000000x16xf32, #tpu.memory_space<hbm>> -> memref<1000000x16xf32, #tpu.memory_space<hbm>>
        tpu.enqueue_indirect_dma source(%dma_start3A_2749 : memref<1000000x16xf32, #tpu.memory_space<hbm>>) target(%dma_start3A_2743 : memref<128x16xf32, #tpu.memory_space<vmem>>) offsets(%dma_start3A_2746 : memref<128xi32, #tpu.memory_space<vmem>>) semaphore(%arg10 : memref<!tpu.dma_semaphore, #tpu.memory_space<semaphore_mem>>)
        %dma_start3A_2750 = arith.constant 7 : i32
        %dma_start3A_2751 = arith.constant 896 : i32
        %dma_start3A_2752 = arith.constant 0 : i32
        %dma_start3A_2753 = tpu.memref_slice %arg6[%dma_start3A_2751, %dma_start3A_2752] : memref<1664x16xf32, #tpu.memory_space<vmem>> -> memref<128x16xf32, #tpu.memory_space<vmem>>
        %dma_start3A_2754 = arith.constant 0 : i32
        %dma_start3A_2755 = tpu.memref_slice %arg9[%dma_start3A_2750, %dma_start3A_2754] : memref<13x128xi32, #tpu.memory_space<vmem>> -> memref<1x128xi32, #tpu.memory_space<vmem>>
        %dma_start3A_2756 = tpu.memref_squeeze %dma_start3A_2755 : memref<1x128xi32, #tpu.memory_space<vmem>> -> memref<128xi32, #tpu.memory_space<vmem>>
        %dma_start3A_2757 = arith.constant 0 : i32
        %dma_start3A_2758 = arith.constant 0 : i32
        %dma_start3A_2759 = tpu.memref_slice %arg3[%dma_start3A_2757, %dma_start3A_2758] : memref<1000000x16xf32, #tpu.memory_space<hbm>> -> memref<1000000x16xf32, #tpu.memory_space<hbm>>
        tpu.enqueue_indirect_dma source(%dma_start3A_2759 : memref<1000000x16xf32, #tpu.memory_space<hbm>>) target(%dma_start3A_2753 : memref<128x16xf32, #tpu.memory_space<vmem>>) offsets(%dma_start3A_2756 : memref<128xi32, #tpu.memory_space<vmem>>) semaphore(%arg10 : memref<!tpu.dma_semaphore, #tpu.memory_space<semaphore_mem>>)
        %dma_start3A_2760 = arith.constant 8 : i32
        %dma_start3A_2761 = arith.constant 1024 : i32
        %dma_start3A_2762 = arith.constant 0 : i32
        %dma_start3A_2763 = tpu.memref_slice %arg6[%dma_start3A_2761, %dma_start3A_2762] : memref<1664x16xf32, #tpu.memory_space<vmem>> -> memref<128x16xf32, #tpu.memory_space<vmem>>
        %dma_start3A_2764 = arith.constant 0 : i32
        %dma_start3A_2765 = tpu.memref_slice %arg9[%dma_start3A_2760, %dma_start3A_2764] : memref<13x128xi32, #tpu.memory_space<vmem>> -> memref<1x128xi32, #tpu.memory_space<vmem>>
        %dma_start3A_2766 = tpu.memref_squeeze %dma_start3A_2765 : memref<1x128xi32, #tpu.memory_space<vmem>> -> memref<128xi32, #tpu.memory_space<vmem>>
        %dma_start3A_2767 = arith.constant 0 : i32
        %dma_start3A_2768 = arith.constant 0 : i32
        %dma_start3A_2769 = tpu.memref_slice %arg3[%dma_start3A_2767, %dma_start3A_2768] : memref<1000000x16xf32, #tpu.memory_space<hbm>> -> memref<1000000x16xf32, #tpu.memory_space<hbm>>
        tpu.enqueue_indirect_dma source(%dma_start3A_2769 : memref<1000000x16xf32, #tpu.memory_space<hbm>>) target(%dma_start3A_2763 : memref<128x16xf32, #tpu.memory_space<vmem>>) offsets(%dma_start3A_2766 : memref<128xi32, #tpu.memory_space<vmem>>) semaphore(%arg10 : memref<!tpu.dma_semaphore, #tpu.memory_space<semaphore_mem>>)
        %dma_start3A_2770 = arith.constant 9 : i32
        %dma_start3A_2771 = arith.constant 1152 : i32
        %dma_start3A_2772 = arith.constant 0 : i32
        %dma_start3A_2773 = tpu.memref_slice %arg6[%dma_start3A_2771, %dma_start3A_2772] : memref<1664x16xf32, #tpu.memory_space<vmem>> -> memref<128x16xf32, #tpu.memory_space<vmem>>
        %dma_start3A_2774 = arith.constant 0 : i32
        %dma_start3A_2775 = tpu.memref_slice %arg9[%dma_start3A_2770, %dma_start3A_2774] : memref<13x128xi32, #tpu.memory_space<vmem>> -> memref<1x128xi32, #tpu.memory_space<vmem>>
        %dma_start3A_2776 = tpu.memref_squeeze %dma_start3A_2775 : memref<1x128xi32, #tpu.memory_space<vmem>> -> memref<128xi32, #tpu.memory_space<vmem>>
        %dma_start3A_2777 = arith.constant 0 : i32
        %dma_start3A_2778 = arith.constant 0 : i32
        %dma_start3A_2779 = tpu.memref_slice %arg3[%dma_start3A_2777, %dma_start3A_2778] : memref<1000000x16xf32, #tpu.memory_space<hbm>> -> memref<1000000x16xf32, #tpu.memory_space<hbm>>
        tpu.enqueue_indirect_dma source(%dma_start3A_2779 : memref<1000000x16xf32, #tpu.memory_space<hbm>>) target(%dma_start3A_2773 : memref<128x16xf32, #tpu.memory_space<vmem>>) offsets(%dma_start3A_2776 : memref<128xi32, #tpu.memory_space<vmem>>) semaphore(%arg10 : memref<!tpu.dma_semaphore, #tpu.memory_space<semaphore_mem>>)
        %dma_start3A_2780 = arith.constant 10 : i32
        %dma_start3A_2781 = arith.constant 1280 : i32
        %dma_start3A_2782 = arith.constant 0 : i32
        %dma_start3A_2783 = tpu.memref_slice %arg6[%dma_start3A_2781, %dma_start3A_2782] : memref<1664x16xf32, #tpu.memory_space<vmem>> -> memref<128x16xf32, #tpu.memory_space<vmem>>
        %dma_start3A_2784 = arith.constant 0 : i32
        %dma_start3A_2785 = tpu.memref_slice %arg9[%dma_start3A_2780, %dma_start3A_2784] : memref<13x128xi32, #tpu.memory_space<vmem>> -> memref<1x128xi32, #tpu.memory_space<vmem>>
        %dma_start3A_2786 = tpu.memref_squeeze %dma_start3A_2785 : memref<1x128xi32, #tpu.memory_space<vmem>> -> memref<128xi32, #tpu.memory_space<vmem>>
        %dma_start3A_2787 = arith.constant 0 : i32
        %dma_start3A_2788 = arith.constant 0 : i32
        %dma_start3A_2789 = tpu.memref_slice %arg3[%dma_start3A_2787, %dma_start3A_2788] : memref<1000000x16xf32, #tpu.memory_space<hbm>> -> memref<1000000x16xf32, #tpu.memory_space<hbm>>
        tpu.enqueue_indirect_dma source(%dma_start3A_2789 : memref<1000000x16xf32, #tpu.memory_space<hbm>>) target(%dma_start3A_2783 : memref<128x16xf32, #tpu.memory_space<vmem>>) offsets(%dma_start3A_2786 : memref<128xi32, #tpu.memory_space<vmem>>) semaphore(%arg10 : memref<!tpu.dma_semaphore, #tpu.memory_space<semaphore_mem>>)
        %dma_start3A_2790 = arith.constant 11 : i32
        %dma_start3A_2791 = arith.constant 1408 : i32
        %dma_start3A_2792 = arith.constant 0 : i32
        %dma_start3A_2793 = tpu.memref_slice %arg6[%dma_start3A_2791, %dma_start3A_2792] : memref<1664x16xf32, #tpu.memory_space<vmem>> -> memref<128x16xf32, #tpu.memory_space<vmem>>
        %dma_start3A_2794 = arith.constant 0 : i32
        %dma_start3A_2795 = tpu.memref_slice %arg9[%dma_start3A_2790, %dma_start3A_2794] : memref<13x128xi32, #tpu.memory_space<vmem>> -> memref<1x128xi32, #tpu.memory_space<vmem>>
        %dma_start3A_2796 = tpu.memref_squeeze %dma_start3A_2795 : memref<1x128xi32, #tpu.memory_space<vmem>> -> memref<128xi32, #tpu.memory_space<vmem>>
        %dma_start3A_2797 = arith.constant 0 : i32
        %dma_start3A_2798 = arith.constant 0 : i32
        %dma_start3A_2799 = tpu.memref_slice %arg3[%dma_start3A_2797, %dma_start3A_2798] : memref<1000000x16xf32, #tpu.memory_space<hbm>> -> memref<1000000x16xf32, #tpu.memory_space<hbm>>
        tpu.enqueue_indirect_dma source(%dma_start3A_2799 : memref<1000000x16xf32, #tpu.memory_space<hbm>>) target(%dma_start3A_2793 : memref<128x16xf32, #tpu.memory_space<vmem>>) offsets(%dma_start3A_2796 : memref<128xi32, #tpu.memory_space<vmem>>) semaphore(%arg10 : memref<!tpu.dma_semaphore, #tpu.memory_space<semaphore_mem>>)
        %dma_start3A_2800 = arith.constant 12 : i32
        %dma_start3A_2801 = arith.constant 1536 : i32
        %dma_start3A_2802 = arith.constant 0 : i32
        %dma_start3A_2803 = tpu.memref_slice %arg6[%dma_start3A_2801, %dma_start3A_2802] : memref<1664x16xf32, #tpu.memory_space<vmem>> -> memref<128x16xf32, #tpu.memory_space<vmem>>
        %dma_start3A_2804 = arith.constant 0 : i32
        %dma_start3A_2805 = tpu.memref_slice %arg9[%dma_start3A_2800, %dma_start3A_2804] : memref<13x128xi32, #tpu.memory_space<vmem>> -> memref<1x128xi32, #tpu.memory_space<vmem>>
        %dma_start3A_2806 = tpu.memref_squeeze %dma_start3A_2805 : memref<1x128xi32, #tpu.memory_space<vmem>> -> memref<128xi32, #tpu.memory_space<vmem>>
        %dma_start3A_2807 = arith.constant 0 : i32
        %dma_start3A_2808 = arith.constant 0 : i32
        %dma_start3A_2809 = tpu.memref_slice %arg3[%dma_start3A_2807, %dma_start3A_2808] : memref<1000000x16xf32, #tpu.memory_space<hbm>> -> memref<1000000x16xf32, #tpu.memory_space<hbm>>
        tpu.enqueue_indirect_dma source(%dma_start3A_2809 : memref<1000000x16xf32, #tpu.memory_space<hbm>>) target(%dma_start3A_2803 : memref<128x16xf32, #tpu.memory_space<vmem>>) offsets(%dma_start3A_2806 : memref<128xi32, #tpu.memory_space<vmem>>) semaphore(%arg10 : memref<!tpu.dma_semaphore, #tpu.memory_space<semaphore_mem>>)
      } else {
      }
      %mul3A_1446 = arith.constant 64 : i32
      %mul3A_1447 = arith.muli %select_n3A_42, %mul3A_1446 : i32
      %dma_wait3A_1448 = arith.constant 0 : i32
      %dma_wait3A_1449 = arith.constant 0 : i32
      %dma_wait3A_1450 = tpu.memref_slice %arg4[%dma_wait3A_1448, %dma_wait3A_1449, %select_n3A, %mul3A_1447] : memref<17x26x56x1024xf32, #tpu.memory_space<hbm>> -> memref<17x26x1x64xf32, #tpu.memory_space<hbm>>
      %dma_wait3A_1451 = tpu.memref_squeeze %dma_wait3A_1450 : memref<17x26x1x64xf32, #tpu.memory_space<hbm>> -> memref<17x26x64xf32, #tpu.memory_space<hbm>>
      %dma_wait3A_1452 = arith.constant 0 : i32
      %dma_wait3A_1453 = arith.constant 0 : i32
      %dma_wait3A_1454 = tpu.memref_slice %arg4[%dma_wait3A_1452, %dma_wait3A_1453, %select_n3A, %mul3A_1447] : memref<17x26x56x1024xf32, #tpu.memory_space<hbm>> -> memref<17x26x1x64xf32, #tpu.memory_space<hbm>>
      %dma_wait3A_1455 = tpu.memref_squeeze %dma_wait3A_1454 : memref<17x26x1x64xf32, #tpu.memory_space<hbm>> -> memref<17x26x64xf32, #tpu.memory_space<hbm>>
      tpu.wait_dma2 semaphore(%arg11 : memref<!tpu.dma_semaphore, #tpu.memory_space<semaphore_mem>>) src(%arg8 : memref<17x26x64xf32, #tpu.memory_space<vmem>>) dst(%dma_wait3A_1455 : memref<17x26x64xf32, #tpu.memory_space<hbm>>)
    }
    %scan3A_7 = arith.constant 25 : i32
    return
  }
}

</mosaic_0001>

<sc_bundles>
// kernel: kernel.3.cloned.1.call-start
scs
__scs_entry_jumppad:
0x0: {  	(pc) =	sbr.rel $0x88, $3  }
0x1: {  	(tag) =	ssettag $0x0;
	lr =	simm.s32 $0x1  }
0x2: {  	[smem:$0x3F9F] =	sst lr;
	_ =	strace $0xD0000000  }
0x3: {  	_ = 	snop  }
0x4: {  	_ = 	snop  }
0x5: {  	_ = 	snop  }
0x6: {  	_ = 	snop  }
0x7: {  	_ = 	snop  }
__scs_overlays_trampoline_lowered:
0x8: {  	[smem:$0x3FAE] =	sst s0  }
0x9: {  	[smem:$0x3FAF] =	sst s1  }
0xa: {  	[smem:$0x3FB0] =	sst s2  }
0xb: {  	[smem:$0x3FB1] =	sst s3  }
0xc: {  	[smem:$0x3FB2] =	sst s4  }
0xd: {  	[smem:$0x3FB3] =	sst s5  }
0xe: {  	[smem:$0x3FB4] =	sst s6  }
0xf: {  	[smem:$0x3FB5] =	sst s7  }
0x10: {  	[smem:$0x3FB6] =	sst s8  }
0x11: {  	[smem:$0x3FB7] =	sst s9;
	s0 =	simm.s32 @!p0 $0x0  }
0x12: {  	s1 =	sld [smem:$0x3F9D];
	s0 =	simm.s32 @p0 $0x1  }
0x13: {  	[smem:$0x3FB8] =	sst s0;
	s0 =	simm.s32 @!p1 $0x0  }
0x14: {  	s2 =	sld [smem:$0x3F9C];
	s0 =	simm.s32 @p1 $0x1  }
0x15: {  	[smem:$0x3FB9] =	sst s0;
	s0 =	simm.s32 @!p2 $0x0  }
0x16: {  	s3 =	sld [smem:$0x3FDB];
	s0 =	simm.s32 @p2 $0x1  }
0x17: {  	s4 =	simm.s32 $0x1BF5;
	[smem:$0x3FBB] =	sst s0  }
0x18: {  	s0 =	sld [smem:$0x3F9E];
	_ =	swait.ge [sflag:s4], $0x0  }
0x19: {  	s7 =	sld [smem:$0x3F9F]  }
0x1a: {  	s8 =	sadd.s32 $0xFFFFE003, lr  }
0x1b: {  	s9 =	sadd.s32 $0xFFFFFEF7, lr;
	s5 =	simm.s32 $0xFFFFFFFF;
	p2 =	slt.u32 s8, $0xFFFFF086  }
0x1c: {  	p1 =	slt.u32 s9, $0xF7A;
	s5 =	simm.s32 @!p2 $0x0  }
0x1d: {  	s5 =	simm.s32 @p1 $0x1;
	p0 =	seq.s32 s7, s2  }
0x1e: {  	s7 =	smul.u32 @!p0 $0xF7A, s2;
	p2 =	seq.s32 @!p0 s5, $0x0  }
0x1f: {  	s9 =	smul.u32 $0xF7A, s1;
	s8 =	simm.s32 @!p0 $0x1BF5;
	p2 =	por !p2, p0  }
0x20: {  	[sflag:s8] =	ssyncset.s32 @!p0 $0xFFFFF086;
	s6 =	sadd.s32 @!p0 s3, s7;
	s7 =	simm.s32 @!p0 $0x108  }
0x21: {  	s3 =	sadd.s32 s3, s9;
	s6 =	sadd.s32 @!p0 $0x88, s6;
	s7 =	simm.s32 @p2 $0x1082  }
0x22: {  	[simem:s7], [sflag:s8] =	dma.local @!p0 [hbm:s6], $0xF7A  }
0x23: {  	s9 =	sor.u32 $0xD0000000, s2;
	s6 =	simm.s32 $0x108;
	_ =	swait.ge @!p0 [sflag:s8], $0x0  }
0x24: {  	s3 =	sadd.s32 $0x88, s3;
	s6 =	simm.s32 @!p1 $0x1082;
	[sflag:s4] =	ssyncset.s32 $0xFFFFF086  }
0x25: {  	[simem:s6], [sflag:s4] =	dma.local [hbm:s3], $0xF7A  }
0x26: {  	[smem:$0x3F9F] =	sst s1;
	(tag) =	ssettag s2;
	_ =	strace s9  }
0x27: {  	s1 =	sld [smem:$0x3FAF]  }
0x28: {  	s2 =	sld [smem:$0x3FB0]  }
0x29: {  	s4 =	sld [smem:$0x3FB2]  }
0x2a: {  	p0 =	seq.s32 s5, $0x0;
	s5 =	sld [smem:$0x3FB3]  }
0x2b: {  	s6 =	sld [smem:$0x3FB4]  }
0x2c: {  	s7 =	sld [smem:$0x3FB5]  }
0x2d: {  	s3 =	simm.s32 $0x108;
	s8 =	sld [smem:$0x3FB6]  }
0x2e: {  	s3 =	simm.s32 @!p0 $0x1082;
	s9 =	sld [smem:$0x3FB7]  }
0x2f: {  	lr =	sadd.s32 s0, s3;
	s0 =	sld [smem:$0x3FAE]  }
0x30: {  	s3 =	sld [smem:$0x3FB1]  }
0x31: {  	[smem:$0x3FBA] =	sst s10  }
0x32: {  	s10 =	sld [smem:$0x3FB8];
	_ =	sdelay $0x3  }
0x33: {  	p0 =	seq.s32 s10, $0x1;
	s10 =	sld [smem:$0x3FBA];
	_ =	sdelay $0x3  }
0x34: {  	[smem:$0x3FBA] =	sst s10  }
0x35: {  	s10 =	sld [smem:$0x3FB9];
	_ =	sdelay $0x3  }
0x36: {  	p1 =	seq.s32 s10, $0x1;
	s10 =	sld [smem:$0x3FBA];
	_ =	sdelay $0x3  }
0x37: {  	[smem:$0x3FBA] =	sst s10  }
0x38: {  	s10 =	sld [smem:$0x3FBB]  }
0x39: {  	_ = 	snop;
	(pc) =	sbr.ind lr, $3  }
0x3a: {  	_ = 	snop  }
0x3b: {  	_ = 	snop  }
0x3c: {  	p2 =	seq.s32 s10, $0x1;
	s10 =	sld [smem:$0x3FBA]  }
0x3d: {  	_ =	shalt  }
0x3e: {  	_ =	shalt  }
0x3f: {  	_ =	shalt  }
0x40: {  	_ =	shalt  }
0x41: {  	_ =	shalt  }
0x42: {  	_ =	shalt  }
0x43: {  	_ =	shalt  }
0x44: {  	_ =	shalt  }
0x45: {  	_ =	shalt  }
0x46: {  	_ =	shalt  }
0x47: {  	_ =	shalt  }
0x48: {  	_ =	shalt  }
0x49: {  	_ =	shalt  }
0x4a: {  	_ =	shalt  }
0x4b: {  	_ =	shalt  }
0x4c: {  	_ =	shalt  }
0x4d: {  	_ =	shalt  }
0x4e: {  	_ =	shalt  }
0x4f: {  	_ =	shalt  }
0x50: {  	_ =	shalt  }
0x51: {  	_ =	shalt  }
0x52: {  	_ =	shalt  }
0x53: {  	_ =	shalt  }
0x54: {  	_ =	shalt  }
0x55: {  	_ =	shalt  }
0x56: {  	_ =	shalt  }
0x57: {  	_ =	shalt  }
0x58: {  	_ =	shalt  }
0x59: {  	_ =	shalt  }
0x5a: {  	_ =	shalt  }
0x5b: {  	_ =	shalt  }
0x5c: {  	_ =	shalt  }
0x5d: {  	_ =	shalt  }
0x5e: {  	_ =	shalt  }
0x5f: {  	_ =	shalt  }
0x60: {  	_ =	shalt  }
0x61: {  	_ =	shalt  }
0x62: {  	_ =	shalt  }
0x63: {  	_ =	shalt  }
0x64: {  	_ =	shalt  }
0x65: {  	_ =	shalt  }
0x66: {  	_ =	shalt  }
0x67: {  	_ =	shalt  }
0x68: {  	_ =	shalt  }
0x69: {  	_ =	shalt  }
0x6a: {  	_ =	shalt  }
0x6b: {  	_ =	shalt  }
0x6c: {  	_ =	shalt  }
0x6d: {  	_ =	shalt  }
0x6e: {  	_ =	shalt  }
0x6f: {  	_ =	shalt  }
0x70: {  	_ =	shalt  }
0x71: {  	_ =	shalt  }
0x72: {  	_ =	shalt  }
0x73: {  	_ =	shalt  }
0x74: {  	_ =	shalt  }
0x75: {  	_ =	shalt  }
0x76: {  	_ =	shalt  }
0x77: {  	_ =	shalt  }
0x78: {  	_ =	shalt  }
0x79: {  	_ =	shalt  }
0x7a: {  	_ =	shalt  }
0x7b: {  	_ =	shalt  }
0x7c: {  	_ =	shalt  }
0x7d: {  	_ =	shalt  }
0x7e: {  	_ =	shalt  }
0x7f: {  	_ =	shalt  }
0x80: {  	_ =	shalt  }
0x81: {  	_ =	shalt  }
0x82: {  	_ =	shalt  }
0x83: {  	_ =	shalt  }
0x84: {  	_ =	shalt  }
0x85: {  	_ =	shalt  }
0x86: {  	_ =	shalt  }
0x87: {  	_ =	shalt  }
.Lfunc_end0:
.L_simem_size_0:
called_computation_lowered:
.L_overlay_start_0:
0x88: {  	s2 =	sld [smem:$0x3FD9]  }
0x89: {  	s3 =	sld [smem:$0x3FFE];
	_ =	sdelay $0x1  }
0x8a: {  	s1 =	srdreg.scid  }
0x8b: {  	s0 =	sand.u32 $0x1, s1  }
0x8c: {  	s17 =	sshll.u32 s0, $0xA;
	s2 =	sadd.s32 s3, s2  }
0x8d: {  	s2 =	sadd.s32 s2, s17  }
0x8e: {  	[smem:$0x3FC6] =	sst s2  }
0x8f: {  	_ = 	snop  }
0x90: {  	s2 =	sld [smem:$0x3FC9]  }
0x91: {  	s18 =	sld [smem:$0x3FD0];
	(tm) =	ssettm $0x1  }
0x92: {  	s4 =	sld [smem:$0x3FFB];
	_ =	sdelay $0x3  }
0x93: {  	_ =	strace s4  }
0x94: {  	s4 =	sld [smem:$0x3FFC];
	_ =	sdelay $0x3  }
0x95: {  	_ =	strace s4  }
0x96: {  	s4 =	sld [smem:$0x3FFD];
	_ =	sdelay $0x3  }
0x97: {  	_ =	strace s4  }
0x98: {  	_ =	strace $0x8FFFFFFF  }
0x99: {  	s19 =	sld [smem:$0x3FDB];
	_ =	sdelay $0x1  }
0x9a: {  	s5 =	simm.s32 $_scs_section_size  }
0x9b: {  	s6 =	simm.s32 $_size__tile_overlayer_lowered;
	s7 =	simm.s32 $_tile_overlayer_lowered  }
0x9c: {  	s22 =	simm.s32 $0x1BFF;
	s21 =	sshll.u32 s7, $0x1;
	s4 =	sadd.s32 s5, s19  }
0x9d: {  	s8 =	simm.s32 $0x0;
	s20 =	sshll.u32 s6, $0x1;
	s6 =	sadd.s32 s21, s4  }
0x9e: {  	[timem:s8], [sflag:s22] =	dma.local [hbm:s6], s20  }
0x9f: {  	_ =	swait.ge [sflag:s22], s20  }
0xa0: {  	s5 =	ssub.s32 $0x0, s20;
	[sflag:s22] =	ssyncset.done $0x0  }
0xa1: {  	[sflag:s22] =	ssyncadd.s32 s5;
	_ =	sdelay $0x1  }
0xa2: {  	s23 =	simm.s32 $0x1B8B  }
0xa3: {  	_ =	swait.ge [sflag:s23], $0x1  }
0xa4: {  	[sflag:s23] =	ssyncset.done $0x0  }
0xa5: {  	s25 =	simm.s32 $0x1B8E;
	s24 =	sld [smem:$0x3FFE];
	[sflag:s23] =	ssyncadd.s32 $0xFFFFFFFF  }
0xa6: {  	s26 =	simm.s32 $execute0_lowered;
	[smem:$0x3FD2] =	sst s25  }
0xa7: {  	s6 =	sshll.u32 s26, $0x1;
	_ =	strace $0x80000046;
	[dreg:$0x1] =	wrdreg $0xFFFFFFFF  }
0xa8: {  	s28 =	simm.s32 $_size_execute0_lowered;
	s4 =	sadd.s32 s4, s6;
	[dreg:$0x0] =	wrdreg $0x0  }
0xa9: {  	s6 =	sshll.u32 s28, $0x1;
	[dreg:$0x2] =	wrdreg s4  }
0xaa: {  	[dreg:$0x3] =	wrdreg s6  }
0xab: {  	[dreg:$0x4] =	wrdreg $0xC0  }
0xac: {  	_ =	task [dreg:s8], $0x5FFFF  }
0xad: {  	[dreg:$0x1] =	wrdreg $0xFFFFFFFF  }
0xae: {  	[dreg:$0x0] =	wrdreg $0x60  }
0xaf: {  	[dreg:$0x2] =	wrdreg s2  }
0xb0: {  	[dreg:$0x3] =	wrdreg s18  }
0xb1: {  	[dreg:$0x4] =	wrdreg s24  }
0xb2: {  	[dreg:$0x5] =	wrdreg $0x9  }
0xb3: {  	_ =	task.clear_ibuf [dreg:s8], $0x6FFFF;
	_ =	strace $0x90000046  }
0xb4: {  	s29 =	simm.s32 $0x9;
	_ =	strace $0x80000048  }
0xb5: {  	_ =	swait.ge [sflag:s29], $0x1  }
0xb6: {  	[sflag:s29] =	ssyncadd.s32 $0xFFFFFFFF  }
0xb7: {  	_ =	strace $0x90000048  }
0xb8: {  	_ =	sfence  }
0xb9: {  	s30 =	sld [smem:$0x0];
	_ =	sdelay $0x2  }
0xba: {  	s31 =	sshll.u32 s1, $0xD;
	s1 =	sshrl.u32 s1, $0x2  }
0xbb: {  	s3 =	sand.u32 $0x4000, s31;
	s1 =	sadd.s32 s1, s30  }
0xbc: {  	s0 =	sor.u32 s3, s0;
	s1 =	sshll.u32 s1, $0x11  }
0xbd: {  	s0 =	sor.u32 s1, s0  }
0xbe: {  	s0 =	sadd.s32 $0x8F2B, s0  }
0xbf: {  	[sflag:s0] =	ssyncadd.remote.s32 $0x1  }
0xc0: {  	_ =	sfence.sel $0xFFFF  }
0xc1: {  	[dreg:$0x0] =	wrdreg $0xFFFFFFFF;
	(pc) =	sbr.abs _section_cstart, $3  }
0xc2: {  	[dreg:$0x1] =	wrdreg $0xFFFFFFFF  }
0xc3: {  	_ =	task.clear_ibuf [dreg:s8], $0x2FFFF;
	_ =	strace $0x9FFFFFFF  }
0xc4: {  	(tm) =	ssettm $0x7FFFFFFF  }
0xc5: {  	_ =	shalt  }
tec
execute0_lowered:
.L_overlay_start_1:
0x0: {  	(tag) =	ssettag $0x1  }
0x1: {  	s7 =	rddreg [dreg:$0x0]  }
0x2: {  	s2 =	rddreg [dreg:$0x1]  }
0x3: {  	s0 =	rddreg [dreg:$0x2];
	s10 =	simm.s32 $0x0;
	s5 =	stileid.u32  }
0x4: {  	s3 =	srdreg.scid;
	s11 =	simm.s32 $0x40;
	s12 =	simm.s32 $0x80  }
0x5: {  	s13 =	simm.s32 $0x3;
	s18 =	simm.s32 $0x1;
	s19 =	simm.s32 $0x7500  }
0x6: {  	s22 =	simm.s32 $0x2;
	[smem:$0x7FF] =	sst s10;
	s1 =	sshrl.u32 s5, $0x3  }
0x7: {  	v0 =	vlaneseq.u32;
	s4 =	sshll.u32 s5, $0x8;
	s3 =	sand.u32 $0x1, s3;
	s5 =	sshll.u32 s5, $0x1  }
0x8: {  	v0 =	vmul.u32 $0x18, v0;
	_ =	strace $0x80000047;
	s1 =	smul.u32 $0xD000, s1;
	s6 =	sand.u32 $0x700, s4  }
0x9: {  	s28 =	sor.u32 s3, s5;
	s29 =	sshll.u32 s3, $0x6;
	s3 =	ssub.s32 $0x2, s3  }
.Ltmp0:
0xa: {  	[dreg:$0x5] =	wrdreg s6;
	s4 =	sshll.u32 s28, $0x3;
	v1 =	vor.u32 $0x1, v0;
	v2 =	vor.u32 $0x2, v0;
	v3 =	vor.u32 $0x3, v0;
	(pc) =	sbr.rel .LBB2_1-.Ltmp0, $4  }
0xb: {  	[dreg:$0x6] =	wrdreg s29;
	s30 =	sshrl.u32 s3, $0x1;
	v4 =	vor.u32 $0x4, v0;
	v5 =	vor.u32 $0x5, v0;
	v6 =	vor.u32 $0x6, v0;
	s1 =	sor.u32 s6, s1  }
0xc: {  	v7 =	vor.u32 $0x7, v0;
	v8 =	vadd.s32 $0x8, v0;
	v9 =	vadd.s32 $0x9, v0;
	s4 =	sand.u32 $0x78, s4;
	s3 =	ssub.s32 s3, s30;
	s1 =	sor.u32 s29, s1  }
0xd: {  	v10 =	vadd.s32 $0xA, v0;
	v11 =	vadd.s32 $0xB, v0;
	v12 =	vadd.s32 $0xC, v0;
	s0 =	sadd.s32 s4, s0;
	s31 =	smax.u32 s3, $0x1;
	s1 =	sshrl.u32 s1, $0x3  }
0xe: {  	v13 =	vadd.s32 $0xD, v0;
	v14 =	vadd.s32 $0xE, v0;
	v15 =	vadd.s32 $0xF, v0;
	s9 =	sadd.s32 $0x400, s0;
	[dreg:$0x7] =	wrdreg s31;
	s8 =	sadd.s32 s7, s1  }
.LBB2_13:
0xf: {  	s10 =	rddreg [dreg:$0x4]  }
0x10: {  	s0 =	rddreg [dreg:$0x7];
	s10 =	sadd.s32 $0x1, s10  }
0x11: {  	p0 =	sne.s32 s10, s0  }
.Ltmp1:
0x12: {  	_ = 	snop;
	(pc) =	sbr.rel @!p0 .LBB2_14-.Ltmp1, $1  }
0x13: {  	_ =	sdelay $0x3  }
.LBB2_1:
0x14: {  	[dreg:$0x4] =	wrdreg s10;
	s0 =	simm.s32 $0x100  }
0x15: {  	s4 =	sadd.s32 $0x0, s8;
	s1 =	simm.s32 $0x80;
	s3 =	simm.s32 $0x0  }
.LBB2_2:
0x16: {  	[tilespmem:s3], [sflag:$0x3] =	stream.strided.gather [hbm4b:s4+s11], $0x80, s12, s11, $0x38;
	[tilespmem:$0x18600] =	vst v63  }
0x17: {  	s4 =	smov.u32 s0;
	s3 =	smov.u32 s1;
	p0 =	sne.s32 s0, $0x1900  }
.Ltmp2:
0x18: {  	s0 =	sadd.s32 $0x100, s0;
	(pc) =	sbr.rel @p0 .LBB2_2-.Ltmp2, $2  }
0x19: {  	_ =	sdelay $0x2  }
0x1a: {  	s1 =	sadd.s32 $0x80, s1;
	s4 =	sadd.s32 s4, s8  }
0x1b: {  	[tilespmem:s3], [sflag:$0x3] =	stream.strided.gather [hbm4b:s4+s11], $0x80, s12, s11, $0x38;
	[tilespmem:$0x18600] =	vst v63  }
0x1c: {  	_ =	swait.ge [sflag:s13], $0xD00  }
0x1d: {  	[sflag:s13] =	ssyncset.done $0x0  }
0x1e: {  	[sflag:s13] =	ssyncadd.s32 $0xFFFFF300  }
0x1f: {  	v16 =	vld [tilespmem:$0x40]  }
0x20: {  	v17 =	vld [tilespmem:$0x50]  }
0x21: {  	v18 =	vld [tilespmem:$0x60]  }
0x22: {  	v19 =	vld [tilespmem:$0x70]  }
0x23: {  	v20 =	vld [tilespmem:$0xC0]  }
0x24: {  	v21 =	vld [tilespmem:$0xD0];
	v16 =	vtrunc.f32 v16  }
0x25: {  	v22 =	vld [tilespmem:$0xE0];
	v17 =	vtrunc.f32 v17;
	v16 =	vcvt.f32.s32 v16  }
0x26: {  	v23 =	vld [tilespmem:$0xF0];
	v18 =	vtrunc.f32 v18;
	v17 =	vcvt.f32.s32 v17  }
0x27: {  	v28 =	vld [tilespmem:$0x140];
	v27 =	vtrunc.f32 v19;
	[tilespmem:$0x17F80] =	vst v16;
	v16 =	vcvt.f32.s32 v18  }
0x28: {  	v30 =	vld [tilespmem:$0x150];
	v29 =	vtrunc.f32 v20;
	[tilespmem:$0x17F90] =	vst v17;
	v17 =	vcvt.f32.s32 v27  }
0x29: {  	v32 =	vld [tilespmem:$0x160];
	v31 =	vtrunc.f32 v21;
	[tilespmem:$0x17FA0] =	vst v16;
	v16 =	vcvt.f32.s32 v29  }
0x2a: {  	v34 =	vld [tilespmem:$0x170];
	v33 =	vtrunc.f32 v22;
	[tilespmem:$0x17FB0] =	vst v17;
	v17 =	vcvt.f32.s32 v31  }
0x2b: {  	v36 =	vld [tilespmem:$0x1C0];
	v35 =	vtrunc.f32 v23;
	[tilespmem:$0x17FC0] =	vst v16;
	v16 =	vcvt.f32.s32 v33  }
0x2c: {  	v38 =	vld [tilespmem:$0x1D0];
	v37 =	vtrunc.f32 v28;
	[tilespmem:$0x17FD0] =	vst v17;
	v17 =	vcvt.f32.s32 v35  }
0x2d: {  	v40 =	vld [tilespmem:$0x1E0];
	v39 =	vtrunc.f32 v30;
	[tilespmem:$0x17FE0] =	vst v16;
	v16 =	vcvt.f32.s32 v37  }
0x2e: {  	v42 =	vld [tilespmem:$0x1F0];
	v41 =	vtrunc.f32 v32;
	[tilespmem:$0x17FF0] =	vst v17;
	v17 =	vcvt.f32.s32 v39  }
0x2f: {  	v44 =	vld [tilespmem:$0x240];
	v43 =	vtrunc.f32 v34;
	[tilespmem:$0x18000] =	vst v16;
	v16 =	vcvt.f32.s32 v41  }
0x30: {  	v46 =	vld [tilespmem:$0x250];
	v45 =	vtrunc.f32 v36;
	[tilespmem:$0x18010] =	vst v17;
	v17 =	vcvt.f32.s32 v43  }
0x31: {  	v48 =	vld [tilespmem:$0x260];
	v47 =	vtrunc.f32 v38;
	[tilespmem:$0x18020] =	vst v16;
	v16 =	vcvt.f32.s32 v45  }
0x32: {  	v50 =	vld [tilespmem:$0x270];
	v49 =	vtrunc.f32 v40;
	[tilespmem:$0x18030] =	vst v17;
	v17 =	vcvt.f32.s32 v47  }
0x33: {  	v52 =	vld [tilespmem:$0x2C0];
	v51 =	vtrunc.f32 v42;
	[tilespmem:$0x18040] =	vst v16;
	v16 =	vcvt.f32.s32 v49  }
0x34: {  	v54 =	vld [tilespmem:$0x2D0];
	v53 =	vtrunc.f32 v44;
	[tilespmem:$0x18050] =	vst v17;
	v17 =	vcvt.f32.s32 v51  }
0x35: {  	v56 =	vld [tilespmem:$0x2E0];
	v55 =	vtrunc.f32 v46;
	[tilespmem:$0x18060] =	vst v16;
	v16 =	vcvt.f32.s32 v53  }
0x36: {  	v58 =	vld [tilespmem:$0x2F0];
	v57 =	vtrunc.f32 v48;
	[tilespmem:$0x18070] =	vst v17;
	v17 =	vcvt.f32.s32 v55  }
0x37: {  	v60 =	vld [tilespmem:$0x340];
	v59 =	vtrunc.f32 v50;
	[tilespmem:$0x18080] =	vst v16;
	v16 =	vcvt.f32.s32 v57  }
0x38: {  	v62 =	vld [tilespmem:$0x350];
	v61 =	vtrunc.f32 v52;
	[tilespmem:$0x18090] =	vst v17;
	v17 =	vcvt.f32.s32 v59  }
0x39: {  	v24 =	vld [tilespmem:$0x360];
	v63 =	vtrunc.f32 v54;
	[tilespmem:$0x180A0] =	vst v16;
	v16 =	vcvt.f32.s32 v61  }
0x3a: {  	v26 =	vld [tilespmem:$0x370];
	v25 =	vtrunc.f32 v56;
	[tilespmem:$0x180B0] =	vst v17;
	v17 =	vcvt.f32.s32 v63  }
0x3b: {  	v28 =	vld [tilespmem:$0x3C0];
	v27 =	vtrunc.f32 v58;
	[tilespmem:$0x180C0] =	vst v16;
	v16 =	vcvt.f32.s32 v25  }
0x3c: {  	v30 =	vld [tilespmem:$0x3D0];
	v29 =	vtrunc.f32 v60;
	[tilespmem:$0x180D0] =	vst v17;
	v17 =	vcvt.f32.s32 v27  }
0x3d: {  	v32 =	vld [tilespmem:$0x3E0];
	v31 =	vtrunc.f32 v62;
	[tilespmem:$0x180E0] =	vst v16;
	v16 =	vcvt.f32.s32 v29  }
0x3e: {  	v34 =	vld [tilespmem:$0x3F0];
	v33 =	vtrunc.f32 v24;
	[tilespmem:$0x180F0] =	vst v17;
	v17 =	vcvt.f32.s32 v31  }
0x3f: {  	v36 =	vld [tilespmem:$0x440];
	v35 =	vtrunc.f32 v26;
	[tilespmem:$0x18100] =	vst v16;
	v16 =	vcvt.f32.s32 v33  }
0x40: {  	v38 =	vld [tilespmem:$0x450];
	v37 =	vtrunc.f32 v28;
	[tilespmem:$0x18110] =	vst v17;
	v17 =	vcvt.f32.s32 v35  }
0x41: {  	v40 =	vld [tilespmem:$0x460];
	v39 =	vtrunc.f32 v30;
	[tilespmem:$0x18120] =	vst v16;
	v16 =	vcvt.f32.s32 v37  }
0x42: {  	v42 =	vld [tilespmem:$0x470];
	v41 =	vtrunc.f32 v32;
	[tilespmem:$0x18130] =	vst v17;
	v17 =	vcvt.f32.s32 v39  }
0x43: {  	v44 =	vld [tilespmem:$0x4C0];
	v43 =	vtrunc.f32 v34;
	[tilespmem:$0x18140] =	vst v16;
	v16 =	vcvt.f32.s32 v41  }
0x44: {  	v46 =	vld [tilespmem:$0x4D0];
	v45 =	vtrunc.f32 v36;
	[tilespmem:$0x18150] =	vst v17;
	v17 =	vcvt.f32.s32 v43  }
0x45: {  	v48 =	vld [tilespmem:$0x4E0];
	v47 =	vtrunc.f32 v38;
	[tilespmem:$0x18160] =	vst v16;
	v16 =	vcvt.f32.s32 v45  }
0x46: {  	v50 =	vld [tilespmem:$0x4F0];
	v49 =	vtrunc.f32 v40;
	[tilespmem:$0x18170] =	vst v17;
	v17 =	vcvt.f32.s32 v47  }
0x47: {  	v52 =	vld [tilespmem:$0x540];
	v51 =	vtrunc.f32 v42;
	[tilespmem:$0x18180] =	vst v16;
	v16 =	vcvt.f32.s32 v49  }
0x48: {  	v54 =	vld [tilespmem:$0x550];
	v53 =	vtrunc.f32 v44;
	[tilespmem:$0x18190] =	vst v17;
	v17 =	vcvt.f32.s32 v51  }
0x49: {  	v56 =	vld [tilespmem:$0x560];
	v55 =	vtrunc.f32 v46;
	[tilespmem:$0x181A0] =	vst v16;
	v16 =	vcvt.f32.s32 v53  }
0x4a: {  	v58 =	vld [tilespmem:$0x570];
	v57 =	vtrunc.f32 v48;
	[tilespmem:$0x181B0] =	vst v17;
	v17 =	vcvt.f32.s32 v55  }
0x4b: {  	v60 =	vld [tilespmem:$0x5C0];
	v59 =	vtrunc.f32 v50;
	[tilespmem:$0x181C0] =	vst v16;
	v16 =	vcvt.f32.s32 v57  }
0x4c: {  	v62 =	vld [tilespmem:$0x5D0];
	v61 =	vtrunc.f32 v52;
	[tilespmem:$0x181D0] =	vst v17;
	v17 =	vcvt.f32.s32 v59  }
0x4d: {  	v24 =	vld [tilespmem:$0x5E0];
	v63 =	vtrunc.f32 v54;
	[tilespmem:$0x181E0] =	vst v16;
	v16 =	vcvt.f32.s32 v61  }
0x4e: {  	v26 =	vld [tilespmem:$0x5F0];
	v25 =	vtrunc.f32 v56;
	[tilespmem:$0x181F0] =	vst v17;
	v17 =	vcvt.f32.s32 v63  }
0x4f: {  	v28 =	vld [tilespmem:$0x640];
	v27 =	vtrunc.f32 v58;
	[tilespmem:$0x18200] =	vst v16;
	v16 =	vcvt.f32.s32 v25  }
0x50: {  	v30 =	vld [tilespmem:$0x650];
	v29 =	vtrunc.f32 v60;
	[tilespmem:$0x18210] =	vst v17;
	v17 =	vcvt.f32.s32 v27  }
0x51: {  	v32 =	vld [tilespmem:$0x660];
	v31 =	vtrunc.f32 v62;
	[tilespmem:$0x18220] =	vst v16;
	v16 =	vcvt.f32.s32 v29  }
0x52: {  	v34 =	vld [tilespmem:$0x670];
	v33 =	vtrunc.f32 v24;
	[tilespmem:$0x18230] =	vst v17;
	v17 =	vcvt.f32.s32 v31  }
0x53: {  	v36 =	vld [tilespmem:$0x6C0];
	v35 =	vtrunc.f32 v26;
	[tilespmem:$0x18240] =	vst v16;
	v16 =	vcvt.f32.s32 v33  }
0x54: {  	v38 =	vld [tilespmem:$0x6D0];
	v37 =	vtrunc.f32 v28;
	[tilespmem:$0x18250] =	vst v17;
	v17 =	vcvt.f32.s32 v35  }
0x55: {  	v40 =	vld [tilespmem:$0x6E0];
	v39 =	vtrunc.f32 v30;
	[tilespmem:$0x18260] =	vst v16;
	v16 =	vcvt.f32.s32 v37  }
0x56: {  	v42 =	vld [tilespmem:$0x6F0];
	v41 =	vtrunc.f32 v32;
	[tilespmem:$0x18270] =	vst v17;
	v17 =	vcvt.f32.s32 v39  }
0x57: {  	v44 =	vld [tilespmem:$0x740];
	v43 =	vtrunc.f32 v34;
	[tilespmem:$0x18280] =	vst v16;
	v16 =	vcvt.f32.s32 v41  }
0x58: {  	v46 =	vld [tilespmem:$0x750];
	v45 =	vtrunc.f32 v36;
	[tilespmem:$0x18290] =	vst v17;
	v17 =	vcvt.f32.s32 v43  }
0x59: {  	v48 =	vld [tilespmem:$0x760];
	v47 =	vtrunc.f32 v38;
	[tilespmem:$0x182A0] =	vst v16;
	v16 =	vcvt.f32.s32 v45  }
0x5a: {  	v50 =	vld [tilespmem:$0x770];
	v49 =	vtrunc.f32 v40;
	[tilespmem:$0x182B0] =	vst v17;
	v17 =	vcvt.f32.s32 v47  }
0x5b: {  	v52 =	vld [tilespmem:$0x7C0];
	v51 =	vtrunc.f32 v42;
	[tilespmem:$0x182C0] =	vst v16;
	v16 =	vcvt.f32.s32 v49  }
0x5c: {  	v54 =	vld [tilespmem:$0x7D0];
	v53 =	vtrunc.f32 v44;
	[tilespmem:$0x182D0] =	vst v17;
	v17 =	vcvt.f32.s32 v51  }
0x5d: {  	v56 =	vld [tilespmem:$0x7E0];
	v55 =	vtrunc.f32 v46;
	[tilespmem:$0x182E0] =	vst v16;
	v16 =	vcvt.f32.s32 v53  }
0x5e: {  	v58 =	vld [tilespmem:$0x7F0];
	v57 =	vtrunc.f32 v48;
	[tilespmem:$0x182F0] =	vst v17;
	v17 =	vcvt.f32.s32 v55  }
0x5f: {  	v60 =	vld [tilespmem:$0x840];
	v59 =	vtrunc.f32 v50;
	[tilespmem:$0x18300] =	vst v16;
	v16 =	vcvt.f32.s32 v57  }
0x60: {  	v62 =	vld [tilespmem:$0x850];
	v61 =	vtrunc.f32 v52;
	[tilespmem:$0x18310] =	vst v17;
	v17 =	vcvt.f32.s32 v59  }
0x61: {  	v24 =	vld [tilespmem:$0x860];
	v63 =	vtrunc.f32 v54;
	[tilespmem:$0x18320] =	vst v16;
	v16 =	vcvt.f32.s32 v61  }
0x62: {  	v26 =	vld [tilespmem:$0x870];
	v25 =	vtrunc.f32 v56;
	[tilespmem:$0x18330] =	vst v17;
	v17 =	vcvt.f32.s32 v63  }
0x63: {  	v28 =	vld [tilespmem:$0x8C0];
	v27 =	vtrunc.f32 v58;
	[tilespmem:$0x18340] =	vst v16;
	v16 =	vcvt.f32.s32 v25  }
0x64: {  	v30 =	vld [tilespmem:$0x8D0];
	v29 =	vtrunc.f32 v60;
	[tilespmem:$0x18350] =	vst v17;
	v17 =	vcvt.f32.s32 v27  }
0x65: {  	v32 =	vld [tilespmem:$0x8E0];
	v31 =	vtrunc.f32 v62;
	[tilespmem:$0x18360] =	vst v16;
	v16 =	vcvt.f32.s32 v29  }
0x66: {  	v34 =	vld [tilespmem:$0x8F0];
	v33 =	vtrunc.f32 v24;
	[tilespmem:$0x18370] =	vst v17;
	v17 =	vcvt.f32.s32 v31  }
0x67: {  	v36 =	vld [tilespmem:$0x940];
	v35 =	vtrunc.f32 v26;
	[tilespmem:$0x18380] =	vst v16;
	v16 =	vcvt.f32.s32 v33  }
0x68: {  	v38 =	vld [tilespmem:$0x950];
	v37 =	vtrunc.f32 v28;
	[tilespmem:$0x18390] =	vst v17;
	v17 =	vcvt.f32.s32 v35  }
0x69: {  	v40 =	vld [tilespmem:$0x960];
	v39 =	vtrunc.f32 v30;
	[tilespmem:$0x183A0] =	vst v16;
	v16 =	vcvt.f32.s32 v37  }
0x6a: {  	v42 =	vld [tilespmem:$0x970];
	v41 =	vtrunc.f32 v32;
	[tilespmem:$0x183B0] =	vst v17;
	v17 =	vcvt.f32.s32 v39  }
0x6b: {  	v44 =	vld [tilespmem:$0x9C0];
	v43 =	vtrunc.f32 v34;
	[tilespmem:$0x183C0] =	vst v16;
	v16 =	vcvt.f32.s32 v41  }
0x6c: {  	v46 =	vld [tilespmem:$0x9D0];
	v45 =	vtrunc.f32 v36;
	[tilespmem:$0x183D0] =	vst v17;
	v17 =	vcvt.f32.s32 v43  }
0x6d: {  	v48 =	vld [tilespmem:$0x9E0];
	v47 =	vtrunc.f32 v38;
	[tilespmem:$0x183E0] =	vst v16;
	v16 =	vcvt.f32.s32 v45  }
0x6e: {  	v50 =	vld [tilespmem:$0x9F0];
	v49 =	vtrunc.f32 v40;
	[tilespmem:$0x183F0] =	vst v17;
	v17 =	vcvt.f32.s32 v47  }
0x6f: {  	v52 =	vld [tilespmem:$0xA40];
	v51 =	vtrunc.f32 v42;
	[tilespmem:$0x18400] =	vst v16;
	v16 =	vcvt.f32.s32 v49  }
0x70: {  	v54 =	vld [tilespmem:$0xA50];
	v53 =	vtrunc.f32 v44;
	[tilespmem:$0x18410] =	vst v17;
	v17 =	vcvt.f32.s32 v51  }
0x71: {  	v56 =	vld [tilespmem:$0xA60];
	v55 =	vtrunc.f32 v46;
	[tilespmem:$0x18420] =	vst v16;
	v16 =	vcvt.f32.s32 v53  }
0x72: {  	v58 =	vld [tilespmem:$0xA70];
	v57 =	vtrunc.f32 v48;
	[tilespmem:$0x18430] =	vst v17;
	v17 =	vcvt.f32.s32 v55  }
0x73: {  	v60 =	vld [tilespmem:$0xAC0];
	v59 =	vtrunc.f32 v50;
	[tilespmem:$0x18440] =	vst v16;
	v16 =	vcvt.f32.s32 v57  }
0x74: {  	v62 =	vld [tilespmem:$0xAD0];
	v61 =	vtrunc.f32 v52;
	[tilespmem:$0x18450] =	vst v17;
	v17 =	vcvt.f32.s32 v59  }
0x75: {  	v24 =	vld [tilespmem:$0xAE0];
	v63 =	vtrunc.f32 v54;
	[tilespmem:$0x18460] =	vst v16;
	v16 =	vcvt.f32.s32 v61  }
0x76: {  	v26 =	vld [tilespmem:$0xAF0];
	v25 =	vtrunc.f32 v56;
	[tilespmem:$0x18470] =	vst v17;
	v17 =	vcvt.f32.s32 v63  }
0x77: {  	v28 =	vld [tilespmem:$0xB40];
	v27 =	vtrunc.f32 v58;
	[tilespmem:$0x18480] =	vst v16;
	v16 =	vcvt.f32.s32 v25  }
0x78: {  	v30 =	vld [tilespmem:$0xB50];
	v29 =	vtrunc.f32 v60;
	[tilespmem:$0x18490] =	vst v17;
	v17 =	vcvt.f32.s32 v27  }
0x79: {  	v32 =	vld [tilespmem:$0xB60];
	v31 =	vtrunc.f32 v62;
	[tilespmem:$0x184A0] =	vst v16;
	v16 =	vcvt.f32.s32 v29  }
0x7a: {  	v34 =	vld [tilespmem:$0xB70];
	v33 =	vtrunc.f32 v24;
	[tilespmem:$0x184B0] =	vst v17;
	v17 =	vcvt.f32.s32 v31  }
0x7b: {  	v36 =	vld [tilespmem:$0xBC0];
	v35 =	vtrunc.f32 v26;
	[tilespmem:$0x184C0] =	vst v16;
	v16 =	vcvt.f32.s32 v33  }
0x7c: {  	v38 =	vld [tilespmem:$0xBD0];
	v37 =	vtrunc.f32 v28;
	[tilespmem:$0x184D0] =	vst v17;
	v17 =	vcvt.f32.s32 v35  }
0x7d: {  	v40 =	vld [tilespmem:$0xBE0];
	v39 =	vtrunc.f32 v30;
	[tilespmem:$0x184E0] =	vst v16;
	v16 =	vcvt.f32.s32 v37  }
0x7e: {  	v42 =	vld [tilespmem:$0xBF0];
	v41 =	vtrunc.f32 v32;
	[tilespmem:$0x184F0] =	vst v17;
	v17 =	vcvt.f32.s32 v39  }
0x7f: {  	v44 =	vld [tilespmem:$0xC40];
	v43 =	vtrunc.f32 v34;
	[tilespmem:$0x18500] =	vst v16;
	v16 =	vcvt.f32.s32 v41  }
0x80: {  	v46 =	vld [tilespmem:$0xC50];
	v45 =	vtrunc.f32 v36;
	[tilespmem:$0x18510] =	vst v17;
	v17 =	vcvt.f32.s32 v43  }
0x81: {  	v48 =	vld [tilespmem:$0xC60];
	v47 =	vtrunc.f32 v38;
	[tilespmem:$0x18520] =	vst v16;
	v16 =	vcvt.f32.s32 v45  }
0x82: {  	v50 =	vld [tilespmem:$0xC70];
	v49 =	vtrunc.f32 v40;
	[tilespmem:$0x18530] =	vst v17;
	v17 =	vcvt.f32.s32 v47  }
0x83: {  	v52 =	vld [tilespmem:$0xCC0];
	v51 =	vtrunc.f32 v42;
	[tilespmem:$0x18540] =	vst v16;
	v16 =	vcvt.f32.s32 v49  }
0x84: {  	v54 =	vld [tilespmem:$0xCD0];
	v53 =	vtrunc.f32 v44;
	[tilespmem:$0x18550] =	vst v17;
	v17 =	vcvt.f32.s32 v51  }
0x85: {  	v56 =	vld [tilespmem:$0xCE0];
	v55 =	vtrunc.f32 v46;
	[tilespmem:$0x18560] =	vst v16;
	v16 =	vcvt.f32.s32 v53  }
0x86: {  	v58 =	vld [tilespmem:$0xCF0];
	v57 =	vtrunc.f32 v48;
	[tilespmem:$0x18570] =	vst v17;
	v17 =	vcvt.f32.s32 v55  }
0x87: {  	v59 =	vtrunc.f32 v50;
	[tilespmem:$0x18580] =	vst v16;
	v16 =	vcvt.f32.s32 v57  }
0x88: {  	v60 =	vtrunc.f32 v52;
	[tilespmem:$0x18590] =	vst v17;
	v17 =	vcvt.f32.s32 v59  }
0x89: {  	v61 =	vtrunc.f32 v54;
	[tilespmem:$0x185A0] =	vst v16;
	v16 =	vcvt.f32.s32 v60  }
0x8a: {  	v62 =	vtrunc.f32 v56;
	[tilespmem:$0x185B0] =	vst v17;
	v17 =	vcvt.f32.s32 v61  }
0x8b: {  	v63 =	vtrunc.f32 v58;
	[tilespmem:$0x185C0] =	vst v16;
	v16 =	vcvt.f32.s32 v62  }
0x8c: {  	[tilespmem:$0x185D0] =	vst v17;
	v17 =	vcvt.f32.s32 v63  }
0x8d: {  	[tilespmem:$0x185E0] =	vst v16  }
0x8e: {  	s0 =	simm.s32 $0x17F80;
	s1 =	simm.s32 $0xD00;
	[tilespmem:$0x185F0] =	vst v17  }
0x8f: {  	[tilespmem:s1], [sflag:$0x1] =	stream.indirect.gather [hbm4b:s2+s12], $0x10, s0, s12, $0xb8;
	[tilespmem:$0x18600] =	vst v63  }
0x90: {  	s28 =	simm.s32 $0x18000;
	s29 =	simm.s32 $0x1500  }
0x91: {  	[tilespmem:s29], [sflag:$0x1] =	stream.indirect.gather [hbm4b:s2+s12], $0x10, s28, s12, $0xb8;
	[tilespmem:$0x18600] =	vst v63  }
0x92: {  	s30 =	simm.s32 $0x18080;
	s31 =	simm.s32 $0x1D00  }
0x93: {  	[tilespmem:s31], [sflag:$0x1] =	stream.indirect.gather [hbm4b:s2+s12], $0x10, s30, s12, $0xb8;
	[tilespmem:$0x18600] =	vst v63  }
0x94: {  	s3 =	simm.s32 $0x2500;
	s1 =	simm.s32 $0x18100  }
0x95: {  	[tilespmem:s3], [sflag:$0x1] =	stream.indirect.gather [hbm4b:s2+s12], $0x10, s1, s12, $0xb8;
	[tilespmem:$0x18600] =	vst v63  }
0x96: {  	s4 =	simm.s32 $0x18180;
	s6 =	simm.s32 $0x2D00  }
0x97: {  	[tilespmem:s6], [sflag:$0x1] =	stream.indirect.gather [hbm4b:s2+s12], $0x10, s4, s12, $0xb8;
	[tilespmem:$0x18600] =	vst v63  }
0x98: {  	s7 =	simm.s32 $0x18200;
	s10 =	simm.s32 $0x3500  }
0x99: {  	[tilespmem:s10], [sflag:$0x1] =	stream.indirect.gather [hbm4b:s2+s12], $0x10, s7, s12, $0xb8;
	[tilespmem:$0x18600] =	vst v63  }
0x9a: {  	s14 =	simm.s32 $0x18280;
	s15 =	simm.s32 $0x3D00  }
0x9b: {  	[tilespmem:s15], [sflag:$0x1] =	stream.indirect.gather [hbm4b:s2+s12], $0x10, s14, s12, $0xb8;
	[tilespmem:$0x18600] =	vst v63  }
0x9c: {  	s16 =	simm.s32 $0x18300;
	s17 =	simm.s32 $0x4500  }
0x9d: {  	[tilespmem:s17], [sflag:$0x1] =	stream.indirect.gather [hbm4b:s2+s12], $0x10, s16, s12, $0xb8;
	[tilespmem:$0x18600] =	vst v63  }
0x9e: {  	s20 =	simm.s32 $0x18380;
	s21 =	simm.s32 $0x4D00  }
0x9f: {  	[tilespmem:s21], [sflag:$0x1] =	stream.indirect.gather [hbm4b:s2+s12], $0x10, s20, s12, $0xb8;
	[tilespmem:$0x18600] =	vst v63  }
0xa0: {  	s23 =	simm.s32 $0x18400;
	s24 =	simm.s32 $0x5500  }
0xa1: {  	[tilespmem:s24], [sflag:$0x1] =	stream.indirect.gather [hbm4b:s2+s12], $0x10, s23, s12, $0xb8;
	[tilespmem:$0x18600] =	vst v63  }
0xa2: {  	s25 =	simm.s32 $0x18480;
	s26 =	simm.s32 $0x5D00  }
0xa3: {  	[tilespmem:s26], [sflag:$0x1] =	stream.indirect.gather [hbm4b:s2+s12], $0x10, s25, s12, $0xb8;
	[tilespmem:$0x18600] =	vst v63  }
.Ltmp3:
0xa4: {  	_ = 	snop;
	(pc) =	sbr.rel .LBB2_4-.Ltmp3, $4  }
0xa5: {  	s28 =	simm.s32 $0x18500;
	s29 =	simm.s32 $0x6500  }
0xa6: {  	[tilespmem:s29], [sflag:$0x1] =	stream.indirect.gather [hbm4b:s2+s12], $0x10, s28, s12, $0xb8;
	[tilespmem:$0x18600] =	vst v63  }
0xa7: {  	s30 =	simm.s32 $0x18580;
	s31 =	simm.s32 $0x6D00;
	s23 =	simm.s32 $0x0  }
0xa8: {  	[tilespmem:s31], [sflag:$0x1] =	stream.indirect.gather [hbm4b:s2+s12], $0x10, s30, s12, $0xb8;
	[tilespmem:$0x18600] =	vst v63  }
.LBB2_12:
0xa9: {  	s23 =	sadd.s32 $0x1, s23  }
0xaa: {  	p0 =	sne.s32 s23, $0x19  }
.Ltmp4:
0xab: {  	_ = 	snop;
	(pc) =	sbr.rel @!p0 .LBB2_13-.Ltmp4, $4  }
0xac: {  	_ = 	snop  }
0xad: {  	_ =	swait.ge [sflag:s22], $0x6E80  }
0xae: {  	[sflag:s22] =	ssyncset.done $0x0  }
0xaf: {  	[sflag:s22] =	ssyncadd.s32 $0xFFFF9180  }
.LBB2_4:
0xb0: {  	_ =	swait.ge [sflag:s18], $0x800  }
0xb1: {  	[sflag:s18] =	ssyncset.done $0x0  }
0xb2: {  	[sflag:s18] =	ssyncadd.s32 $0xFFFFF800  }
0xb3: {  	_ =	swait.ge [sflag:s18], $0x800  }
0xb4: {  	[sflag:s18] =	ssyncset.done $0x0  }
0xb5: {  	[sflag:s18] =	ssyncadd.s32 $0xFFFFF800  }
0xb6: {  	_ =	swait.ge [sflag:s18], $0x800  }
0xb7: {  	[sflag:s18] =	ssyncset.done $0x0  }
0xb8: {  	[sflag:s18] =	ssyncadd.s32 $0xFFFFF800  }
0xb9: {  	_ =	swait.ge [sflag:s18], $0x800  }
0xba: {  	[sflag:s18] =	ssyncset.done $0x0  }
0xbb: {  	[sflag:s18] =	ssyncadd.s32 $0xFFFFF800  }
0xbc: {  	_ =	swait.ge [sflag:s18], $0x800  }
0xbd: {  	[sflag:s18] =	ssyncset.done $0x0  }
0xbe: {  	[sflag:s18] =	ssyncadd.s32 $0xFFFFF800  }
0xbf: {  	_ =	swait.ge [sflag:s18], $0x800  }
0xc0: {  	[sflag:s18] =	ssyncset.done $0x0  }
0xc1: {  	[sflag:s18] =	ssyncadd.s32 $0xFFFFF800  }
0xc2: {  	_ =	swait.ge [sflag:s18], $0x800  }
0xc3: {  	[sflag:s18] =	ssyncset.done $0x0  }
0xc4: {  	[sflag:s18] =	ssyncadd.s32 $0xFFFFF800  }
0xc5: {  	_ =	swait.ge [sflag:s18], $0x800  }
0xc6: {  	[sflag:s18] =	ssyncset.done $0x0  }
0xc7: {  	[sflag:s18] =	ssyncadd.s32 $0xFFFFF800  }
0xc8: {  	_ =	swait.ge [sflag:s18], $0x800  }
0xc9: {  	[sflag:s18] =	ssyncset.done $0x0  }
0xca: {  	[sflag:s18] =	ssyncadd.s32 $0xFFFFF800  }
0xcb: {  	_ =	swait.ge [sflag:s18], $0x800  }
0xcc: {  	[sflag:s18] =	ssyncset.done $0x0  }
0xcd: {  	[sflag:s18] =	ssyncadd.s32 $0xFFFFF800  }
0xce: {  	_ =	swait.ge [sflag:s18], $0x800  }
0xcf: {  	[sflag:s18] =	ssyncset.done $0x0  }
0xd0: {  	[sflag:s18] =	ssyncadd.s32 $0xFFFFF800  }
0xd1: {  	_ =	swait.ge [sflag:s18], $0x800  }
0xd2: {  	[sflag:s18] =	ssyncset.done $0x0  }
0xd3: {  	[sflag:s18] =	ssyncadd.s32 $0xFFFFF800  }
0xd4: {  	_ =	swait.ge [sflag:s18], $0x800  }
0xd5: {  	[sflag:s18] =	ssyncset.done $0x0  }
0xd6: {  	s0 =	simm.s32 $0xD40;
	[sflag:s18] =	ssyncadd.s32 $0xFFFFF800  }
0xd7: {  	s1 =	simm.s32 $0x2A0;
	s3 =	simm.s32 $0x5A0;
	v16 =	vld [tilespmem:s0+$0xFFFFFFC0]  }
.LBB2_5:
0xd8: {  	p0 =	sne.s32 s3, $0x26FA0;
	_ =	sdelay $0x2  }
0xd9: {  	s4 =	sshra.s32 s1, $0x2;
	s1 =	smov.u32 s3  }
0xda: {  	[tilespmem:s4+$0x7458] =	vst v16  }
0xdb: {  	v16 =	vld [tilespmem:s0+$0xFFFFFFD0];
	_ =	sdelay $0x4  }
0xdc: {  	[tilespmem:s4+$0x7470] =	vst v16  }
0xdd: {  	v16 =	vld [tilespmem:s0+$0xFFFFFFE0];
	_ =	sdelay $0x4  }
0xde: {  	[tilespmem:s4+$0x7488] =	vst v16  }
0xdf: {  	v16 =	vld [tilespmem:s0+$0xFFFFFFF0];
	_ =	sdelay $0x4  }
0xe0: {  	[tilespmem:s4+$0x74A0] =	vst v16  }
0xe1: {  	v16 =	vld [tilespmem:s0+$0x0];
	_ =	sdelay $0x4  }
0xe2: {  	[tilespmem:s4+$0x74B8] =	vst v16  }
0xe3: {  	v16 =	vld [tilespmem:s0+$0x10];
	_ =	sdelay $0x4  }
0xe4: {  	[tilespmem:s4+$0x74D0] =	vst v16  }
0xe5: {  	v16 =	vld [tilespmem:s0+$0x20];
	_ =	sdelay $0x4  }
0xe6: {  	[tilespmem:s4+$0x74E8] =	vst v16  }
0xe7: {  	v16 =	vld [tilespmem:s0+$0x30];
	_ =	sdelay $0x1  }
.Ltmp5:
0xe8: {  	(pc) =	sbr.rel @p0 .LBB2_5-.Ltmp5, $3  }
0xe9: {  	_ =	sdelay $0x1  }
0xea: {  	s0 =	sadd.s32 $0x80, s0;
	[tilespmem:s4+$0x7500] =	vst v16  }
0xeb: {  	s3 =	sadd.s32 $0x300, s3;
	v16 =	vld [tilespmem:s0+$0xFFFFFFC0]  }
0xec: {  	_ =	sdelay $0x2  }
0xed: {  	s1 =	sshra.s32 s1, $0x2  }
0xee: {  	[tilespmem:s1+$0x7458] =	vst v16  }
0xef: {  	v16 =	vld [tilespmem:s0+$0xFFFFFFD0];
	_ =	sdelay $0x4  }
0xf0: {  	[tilespmem:s1+$0x7470] =	vst v16  }
0xf1: {  	v16 =	vld [tilespmem:s0+$0xFFFFFFE0];
	_ =	sdelay $0x4  }
0xf2: {  	[tilespmem:s1+$0x7488] =	vst v16  }
0xf3: {  	v16 =	vld [tilespmem:s0+$0xFFFFFFF0];
	_ =	sdelay $0x4  }
0xf4: {  	[tilespmem:s1+$0x74A0] =	vst v16  }
0xf5: {  	v16 =	vld [tilespmem:s0+$0x0];
	_ =	sdelay $0x4  }
0xf6: {  	[tilespmem:s1+$0x74B8] =	vst v16  }
0xf7: {  	v16 =	vld [tilespmem:s0+$0x10];
	_ =	sdelay $0x4  }
0xf8: {  	[tilespmem:s1+$0x74D0] =	vst v16  }
0xf9: {  	v16 =	vld [tilespmem:s0+$0x20];
	_ =	sdelay $0x4  }
0xfa: {  	[tilespmem:s1+$0x74E8] =	vst v16  }
0xfb: {  	v16 =	vld [tilespmem:s0+$0x30];
	_ =	sdelay $0x4  }
0xfc: {  	[tilespmem:s1+$0x7500] =	vst v16  }
0xfd: {  	v16 =	vld [tilespmem:$0x0]  }
0xfe: {  	v17 =	vld [tilespmem:$0x10]  }
0xff: {  	v18 =	vld [tilespmem:$0x20]  }
0x100: {  	v19 =	vld [tilespmem:$0x30]  }
0x101: {  	v20 =	vld [tilespmem:$0x80]  }
0x102: {  	[tilespmem:$0x11100] =	vst v16;
	v16 =	vld [tilespmem:$0x90]  }
0x103: {  	[tilespmem:$0x11110] =	vst v17;
	v17 =	vld [tilespmem:$0xA0]  }
0x104: {  	[tilespmem:$0x11120] =	vst v18;
	v18 =	vld [tilespmem:$0xB0]  }
0x105: {  	[tilespmem:$0x11130] =	vst v19;
	v19 =	vld [tilespmem:$0x100]  }
0x106: {  	[tilespmem:$0x11140] =	vst v20;
	v20 =	vld [tilespmem:$0x110]  }
0x107: {  	[tilespmem:$0x11150] =	vst v16;
	v16 =	vld [tilespmem:$0x120]  }
0x108: {  	[tilespmem:$0x11160] =	vst v17;
	v17 =	vld [tilespmem:$0x130]  }
0x109: {  	[tilespmem:$0x11170] =	vst v18;
	v18 =	vld [tilespmem:$0x180]  }
0x10a: {  	[tilespmem:$0x11180] =	vst v19;
	v19 =	vld [tilespmem:$0x190]  }
0x10b: {  	[tilespmem:$0x11190] =	vst v20;
	v20 =	vld [tilespmem:$0x1A0]  }
0x10c: {  	[tilespmem:$0x111A0] =	vst v16;
	v16 =	vld [tilespmem:$0x1B0]  }
0x10d: {  	[tilespmem:$0x111B0] =	vst v17;
	v17 =	vld [tilespmem:$0x200]  }
0x10e: {  	[tilespmem:$0x111C0] =	vst v18;
	v18 =	vld [tilespmem:$0x210]  }
0x10f: {  	[tilespmem:$0x111D0] =	vst v19;
	v19 =	vld [tilespmem:$0x220]  }
0x110: {  	[tilespmem:$0x111E0] =	vst v20;
	v20 =	vld [tilespmem:$0x230]  }
0x111: {  	[tilespmem:$0x111F0] =	vst v16;
	v16 =	vld [tilespmem:$0x280]  }
0x112: {  	[tilespmem:$0x11200] =	vst v17;
	v17 =	vld [tilespmem:$0x290]  }
0x113: {  	[tilespmem:$0x11210] =	vst v18;
	v18 =	vld [tilespmem:$0x2A0]  }
0x114: {  	[tilespmem:$0x11220] =	vst v19;
	v19 =	vld [tilespmem:$0x2B0]  }
0x115: {  	[tilespmem:$0x11230] =	vst v20;
	v20 =	vld [tilespmem:$0x300]  }
0x116: {  	[tilespmem:$0x11240] =	vst v16;
	v16 =	vld [tilespmem:$0x310]  }
0x117: {  	[tilespmem:$0x11250] =	vst v17;
	v17 =	vld [tilespmem:$0x320]  }
0x118: {  	[tilespmem:$0x11260] =	vst v18;
	v18 =	vld [tilespmem:$0x330]  }
0x119: {  	[tilespmem:$0x11270] =	vst v19;
	v19 =	vld [tilespmem:$0x380]  }
0x11a: {  	[tilespmem:$0x11280] =	vst v20;
	v20 =	vld [tilespmem:$0x390]  }
0x11b: {  	[tilespmem:$0x11290] =	vst v16;
	v16 =	vld [tilespmem:$0x3A0]  }
0x11c: {  	[tilespmem:$0x112A0] =	vst v17;
	v17 =	vld [tilespmem:$0x3B0]  }
0x11d: {  	[tilespmem:$0x112B0] =	vst v18;
	v18 =	vld [tilespmem:$0x400]  }
0x11e: {  	[tilespmem:$0x112C0] =	vst v19;
	v19 =	vld [tilespmem:$0x410]  }
0x11f: {  	[tilespmem:$0x112D0] =	vst v20;
	v20 =	vld [tilespmem:$0x420]  }
0x120: {  	[tilespmem:$0x112E0] =	vst v16;
	v16 =	vld [tilespmem:$0x430]  }
0x121: {  	[tilespmem:$0x112F0] =	vst v17;
	v17 =	vld [tilespmem:$0x480]  }
0x122: {  	[tilespmem:$0x11300] =	vst v18;
	v18 =	vld [tilespmem:$0x490]  }
0x123: {  	[tilespmem:$0x11310] =	vst v19;
	v19 =	vld [tilespmem:$0x4A0]  }
0x124: {  	[tilespmem:$0x11320] =	vst v20;
	v20 =	vld [tilespmem:$0x4B0]  }
0x125: {  	[tilespmem:$0x11330] =	vst v16;
	v16 =	vld [tilespmem:$0x500]  }
0x126: {  	[tilespmem:$0x11340] =	vst v17;
	v17 =	vld [tilespmem:$0x510]  }
0x127: {  	[tilespmem:$0x11350] =	vst v18;
	v18 =	vld [tilespmem:$0x520]  }
0x128: {  	[tilespmem:$0x11360] =	vst v19;
	v19 =	vld [tilespmem:$0x530]  }
0x129: {  	[tilespmem:$0x11370] =	vst v20;
	v20 =	vld [tilespmem:$0x580]  }
0x12a: {  	[tilespmem:$0x11380] =	vst v16;
	v16 =	vld [tilespmem:$0x590]  }
0x12b: {  	[tilespmem:$0x11390] =	vst v17;
	v17 =	vld [tilespmem:$0x5A0]  }
0x12c: {  	[tilespmem:$0x113A0] =	vst v18;
	v18 =	vld [tilespmem:$0x5B0]  }
0x12d: {  	[tilespmem:$0x113B0] =	vst v19;
	v19 =	vld [tilespmem:$0x600]  }
0x12e: {  	[tilespmem:$0x113C0] =	vst v20;
	v20 =	vld [tilespmem:$0x610]  }
0x12f: {  	[tilespmem:$0x113D0] =	vst v16;
	v16 =	vld [tilespmem:$0x620]  }
0x130: {  	[tilespmem:$0x113E0] =	vst v17;
	v17 =	vld [tilespmem:$0x630]  }
0x131: {  	[tilespmem:$0x113F0] =	vst v18;
	v18 =	vld [tilespmem:$0x680]  }
0x132: {  	[tilespmem:$0x11400] =	vst v19;
	v19 =	vld [tilespmem:$0x690]  }
0x133: {  	[tilespmem:$0x11410] =	vst v20;
	v20 =	vld [tilespmem:$0x6A0]  }
0x134: {  	[tilespmem:$0x11420] =	vst v16;
	v16 =	vld [tilespmem:$0x6B0]  }
0x135: {  	[tilespmem:$0x11430] =	vst v17;
	v17 =	vld [tilespmem:$0x700]  }
0x136: {  	[tilespmem:$0x11440] =	vst v18;
	v18 =	vld [tilespmem:$0x710]  }
0x137: {  	[tilespmem:$0x11450] =	vst v19;
	v19 =	vld [tilespmem:$0x720]  }
0x138: {  	[tilespmem:$0x11460] =	vst v20;
	v20 =	vld [tilespmem:$0x730]  }
0x139: {  	[tilespmem:$0x11470] =	vst v16;
	v16 =	vld [tilespmem:$0x780]  }
0x13a: {  	[tilespmem:$0x11480] =	vst v17;
	v17 =	vld [tilespmem:$0x790]  }
0x13b: {  	[tilespmem:$0x11490] =	vst v18;
	v18 =	vld [tilespmem:$0x7A0]  }
0x13c: {  	[tilespmem:$0x114A0] =	vst v19;
	v19 =	vld [tilespmem:$0x7B0]  }
0x13d: {  	[tilespmem:$0x114B0] =	vst v20;
	v20 =	vld [tilespmem:$0x800]  }
0x13e: {  	[tilespmem:$0x114C0] =	vst v16;
	v16 =	vld [tilespmem:$0x810]  }
0x13f: {  	[tilespmem:$0x114D0] =	vst v17;
	v17 =	vld [tilespmem:$0x820]  }
0x140: {  	[tilespmem:$0x114E0] =	vst v18;
	v18 =	vld [tilespmem:$0x830]  }
0x141: {  	[tilespmem:$0x114F0] =	vst v19;
	v19 =	vld [tilespmem:$0x880]  }
0x142: {  	[tilespmem:$0x11500] =	vst v20;
	v20 =	vld [tilespmem:$0x890]  }
0x143: {  	[tilespmem:$0x11510] =	vst v16;
	v16 =	vld [tilespmem:$0x8A0]  }
0x144: {  	[tilespmem:$0x11520] =	vst v17;
	v17 =	vld [tilespmem:$0x8B0]  }
0x145: {  	[tilespmem:$0x11530] =	vst v18;
	v18 =	vld [tilespmem:$0x900]  }
0x146: {  	[tilespmem:$0x11540] =	vst v19;
	v19 =	vld [tilespmem:$0x910]  }
0x147: {  	[tilespmem:$0x11550] =	vst v20;
	v20 =	vld [tilespmem:$0x920]  }
0x148: {  	[tilespmem:$0x11560] =	vst v16;
	v16 =	vld [tilespmem:$0x930]  }
0x149: {  	[tilespmem:$0x11570] =	vst v17;
	v17 =	vld [tilespmem:$0x980]  }
0x14a: {  	[tilespmem:$0x11580] =	vst v18;
	v18 =	vld [tilespmem:$0x990]  }
0x14b: {  	[tilespmem:$0x11590] =	vst v19;
	v19 =	vld [tilespmem:$0x9A0]  }
0x14c: {  	[tilespmem:$0x115A0] =	vst v20;
	v20 =	vld [tilespmem:$0x9B0]  }
0x14d: {  	[tilespmem:$0x115B0] =	vst v16;
	v16 =	vld [tilespmem:$0xA00]  }
0x14e: {  	[tilespmem:$0x115C0] =	vst v17;
	v17 =	vld [tilespmem:$0xA10]  }
0x14f: {  	[tilespmem:$0x115D0] =	vst v18;
	v18 =	vld [tilespmem:$0xA20]  }
0x150: {  	[tilespmem:$0x115E0] =	vst v19;
	v19 =	vld [tilespmem:$0xA30]  }
0x151: {  	[tilespmem:$0x115F0] =	vst v20;
	v20 =	vld [tilespmem:$0xA80]  }
0x152: {  	[tilespmem:$0x11600] =	vst v16;
	v16 =	vld [tilespmem:$0xA90]  }
0x153: {  	[tilespmem:$0x11610] =	vst v17;
	v17 =	vld [tilespmem:$0xAA0]  }
0x154: {  	[tilespmem:$0x11620] =	vst v18;
	v18 =	vld [tilespmem:$0xAB0]  }
0x155: {  	[tilespmem:$0x11630] =	vst v19;
	v19 =	vld [tilespmem:$0xB00]  }
0x156: {  	[tilespmem:$0x11640] =	vst v20;
	v20 =	vld [tilespmem:$0xB10]  }
0x157: {  	[tilespmem:$0x11650] =	vst v16;
	v16 =	vld [tilespmem:$0xB20]  }
0x158: {  	[tilespmem:$0x11660] =	vst v17;
	v17 =	vld [tilespmem:$0xB30]  }
0x159: {  	[tilespmem:$0x11670] =	vst v18;
	v18 =	vld [tilespmem:$0xB80]  }
0x15a: {  	[tilespmem:$0x11680] =	vst v19;
	v19 =	vld [tilespmem:$0xB90]  }
0x15b: {  	[tilespmem:$0x11690] =	vst v20;
	v20 =	vld [tilespmem:$0xBA0]  }
0x15c: {  	[tilespmem:$0x116A0] =	vst v16;
	v16 =	vld [tilespmem:$0xBB0]  }
0x15d: {  	[tilespmem:$0x116B0] =	vst v17;
	v17 =	vld [tilespmem:$0xC00]  }
0x15e: {  	[tilespmem:$0x116C0] =	vst v18;
	v18 =	vld [tilespmem:$0xC10]  }
0x15f: {  	s26 =	simm.s32 $0x0;
	[tilespmem:$0x116D0] =	vst v19;
	v19 =	vld [tilespmem:$0xC20]  }
0x160: {  	v21 =	vmov s26;
	[tilespmem:$0x116E0] =	vst v20;
	v20 =	vld [tilespmem:$0xC30]  }
0x161: {  	v21 =	vmul.u32 $0x18, v21;
	[tilespmem:$0x116F0] =	vst v16;
	v16 =	vld [tilespmem:$0xC80]  }
0x162: {  	[tilespmem:$0x11700] =	vst v17;
	v17 =	vld [tilespmem:$0xC90]  }
0x163: {  	v21 =	vbroadcast v21, $0x0;
	[tilespmem:$0x11710] =	vst v18;
	v18 =	vld [tilespmem:$0xCA0]  }
0x164: {  	[tilespmem:$0x11720] =	vst v19;
	v19 =	vld [tilespmem:$0xCB0]  }
0x165: {  	[tilespmem:$0x11730] =	vst v20;
	v20 =	vadd.s32 v0, v21  }
0x166: {  	[tilespmem:$0x11740] =	vst v16  }
0x167: {  	[tilespmem:$0x11750] =	vst v17  }
0x168: {  	[tilespmem:$0x11760] =	vst v18  }
0x169: {  	[tilespmem:$0x11770] =	vst v19  }
0x16a: {  	v16 =	vld.idx.msk [tilespmem:v20+s19+$0x0], $0xffff  }
0x16b: {  	v17 =	vadd.s32 v1, v21  }
0x16c: {  	s6 =	sand.u32 $0x7C0, s26  }
0x16d: {  	s7 =	sand.u32 $0x20, s26;
	s0 =	sadd.s32 $0x11780, s6  }
0x16e: {  	s30 =	sor.u32 s7, s0  }
0x16f: {  	[tilespmem:s30+$0x0] =	vst v16  }
0x170: {  	v16 =	vld.idx.msk [tilespmem:v17+s19+$0x0], $0xffff  }
0x171: {  	v17 =	vadd.s32 v2, v21;
	_ =	sdelay $0x1  }
0x172: {  	s1 =	sadd.s32 $0x11E00, s6  }
0x173: {  	s3 =	sor.u32 s7, s1  }
0x174: {  	[tilespmem:s3+$0x0] =	vst v16  }
0x175: {  	v16 =	vld.idx.msk [tilespmem:v17+s19+$0x0], $0xffff  }
0x176: {  	v17 =	vadd.s32 v3, v21;
	_ =	sdelay $0x1  }
0x177: {  	s3 =	sadd.s32 $0x12480, s6  }
0x178: {  	s4 =	sor.u32 s7, s3  }
0x179: {  	[tilespmem:s4+$0x0] =	vst v16  }
0x17a: {  	v16 =	vld.idx.msk [tilespmem:v17+s19+$0x0], $0xffff  }
0x17b: {  	v17 =	vadd.s32 v4, v21;
	_ =	sdelay $0x1  }
0x17c: {  	s4 =	sadd.s32 $0x12B00, s6  }
0x17d: {  	s10 =	sor.u32 s7, s4  }
0x17e: {  	[tilespmem:s10+$0x0] =	vst v16  }
0x17f: {  	v16 =	vld.idx.msk [tilespmem:v17+s19+$0x0], $0xffff  }
0x180: {  	v17 =	vadd.s32 v5, v21;
	_ =	sdelay $0x1  }
0x181: {  	s10 =	sadd.s32 $0x13180, s6  }
0x182: {  	s14 =	sor.u32 s7, s10  }
0x183: {  	[tilespmem:s14+$0x0] =	vst v16  }
0x184: {  	v16 =	vld.idx.msk [tilespmem:v17+s19+$0x0], $0xffff  }
0x185: {  	v17 =	vadd.s32 v6, v21;
	_ =	sdelay $0x1  }
0x186: {  	s14 =	sor.u32 $0x13800, s6  }
0x187: {  	s15 =	sor.u32 s7, s14  }
0x188: {  	[tilespmem:s15+$0x0] =	vst v16  }
0x189: {  	v16 =	vld.idx.msk [tilespmem:v17+s19+$0x0], $0xffff  }
0x18a: {  	v17 =	vadd.s32 v7, v21;
	_ =	sdelay $0x1  }
0x18b: {  	s15 =	sadd.s32 $0x13E80, s6  }
0x18c: {  	s16 =	sor.u32 s7, s15  }
0x18d: {  	[tilespmem:s16+$0x0] =	vst v16  }
0x18e: {  	v16 =	vld.idx.msk [tilespmem:v17+s19+$0x0], $0xffff  }
0x18f: {  	v17 =	vadd.s32 v8, v21;
	_ =	sdelay $0x1  }
0x190: {  	s16 =	sadd.s32 $0x14500, s6  }
0x191: {  	s17 =	sor.u32 s7, s16  }
0x192: {  	[tilespmem:s17+$0x0] =	vst v16  }
0x193: {  	v16 =	vld.idx.msk [tilespmem:v17+s19+$0x0], $0xffff  }
0x194: {  	v17 =	vadd.s32 v9, v21;
	_ =	sdelay $0x1  }
0x195: {  	s17 =	sadd.s32 $0x14B80, s6  }
0x196: {  	s20 =	sor.u32 s7, s17  }
0x197: {  	[tilespmem:s20+$0x0] =	vst v16  }
0x198: {  	v16 =	vld.idx.msk [tilespmem:v17+s19+$0x0], $0xffff  }
0x199: {  	v17 =	vadd.s32 v10, v21;
	_ =	sdelay $0x1  }
0x19a: {  	s20 =	sadd.s32 $0x15200, s6  }
0x19b: {  	s24 =	sor.u32 s7, s20  }
0x19c: {  	[tilespmem:s24+$0x0] =	vst v16  }
0x19d: {  	v16 =	vld.idx.msk [tilespmem:v17+s19+$0x0], $0xffff  }
0x19e: {  	v17 =	vadd.s32 v11, v21;
	_ =	sdelay $0x1  }
0x19f: {  	s24 =	sadd.s32 $0x15880, s6  }
0x1a0: {  	s25 =	sor.u32 s7, s24  }
0x1a1: {  	[tilespmem:s25+$0x0] =	vst v16  }
0x1a2: {  	v16 =	vld.idx.msk [tilespmem:v17+s19+$0x0], $0xffff  }
0x1a3: {  	v17 =	vadd.s32 v12, v21;
	_ =	sdelay $0x1  }
0x1a4: {  	s25 =	sadd.s32 $0x15F00, s6  }
0x1a5: {  	s26 =	sor.u32 s7, s25  }
0x1a6: {  	[tilespmem:s26+$0x0] =	vst v16  }
0x1a7: {  	v16 =	vld.idx.msk [tilespmem:v17+s19+$0x0], $0xffff  }
0x1a8: {  	v17 =	vadd.s32 v13, v21;
	_ =	sdelay $0x1  }
0x1a9: {  	s30 =	sadd.s32 $0x16580, s6  }
0x1aa: {  	s31 =	sor.u32 s7, s30  }
0x1ab: {  	[tilespmem:s31+$0x0] =	vst v16  }
0x1ac: {  	v16 =	vld.idx.msk [tilespmem:v17+s19+$0x0], $0xffff  }
0x1ad: {  	v17 =	vadd.s32 v14, v21;
	_ =	sdelay $0x1  }
0x1ae: {  	s31 =	sadd.s32 $0x16C00, s6  }
0x1af: {  	s21 =	sor.u32 s7, s31  }
0x1b0: {  	[tilespmem:s21+$0x0] =	vst v16  }
0x1b1: {  	v16 =	vld.idx.msk [tilespmem:v17+s19+$0x0], $0xffff  }
0x1b2: {  	s29 =	simm.s32 $0x10;
	v17 =	vadd.s32 v15, v21  }
0x1b3: {  	v18 =	vmov s29  }
0x1b4: {  	v18 =	vmul.u32 $0x18, v18;
	s26 =	sadd.s32 $0x17280, s6  }
0x1b5: {  	s28 =	sor.u32 s7, s26  }
0x1b6: {  	[tilespmem:s28+$0x0] =	vst v16;
	v16 =	vbroadcast v18, $0x0  }
0x1b7: {  	v17 =	vld.idx.msk [tilespmem:v17+s19+$0x0], $0xffff  }
0x1b8: {  	v18 =	vadd.s32 v0, v16;
	_ =	sdelay $0x1  }
0x1b9: {  	s28 =	sadd.s32 $0x17900, s6  }
0x1ba: {  	s6 =	sor.u32 s7, s28  }
0x1bb: {  	[tilespmem:s6+$0x0] =	vst v17  }
0x1bc: {  	v17 =	vld.idx.msk [tilespmem:v18+s19+$0x0], $0xffff  }
0x1bd: {  	v18 =	vadd.s32 v1, v16;
	_ =	sdelay $0x1  }
0x1be: {  	s29 =	sand.u32 $0x30, s29  }
0x1bf: {  	s0 =	sor.u32 s29, s0  }
0x1c0: {  	[tilespmem:s0+$0x0] =	vst v17  }
0x1c1: {  	v17 =	vld.idx.msk [tilespmem:v18+s19+$0x0], $0xffff  }
0x1c2: {  	v18 =	vadd.s32 v2, v16;
	_ =	sdelay $0x2  }
0x1c3: {  	s1 =	sor.u32 s29, s1  }
0x1c4: {  	[tilespmem:s1+$0x0] =	vst v17  }
0x1c5: {  	v17 =	vld.idx.msk [tilespmem:v18+s19+$0x0], $0xffff  }
0x1c6: {  	v18 =	vadd.s32 v3, v16;
	_ =	sdelay $0x2  }
0x1c7: {  	s6 =	sor.u32 s29, s3  }
0x1c8: {  	[tilespmem:s6+$0x0] =	vst v17  }
0x1c9: {  	v17 =	vld.idx.msk [tilespmem:v18+s19+$0x0], $0xffff  }
0x1ca: {  	v18 =	vadd.s32 v4, v16;
	_ =	sdelay $0x2  }
0x1cb: {  	s7 =	sor.u32 s29, s4  }
0x1cc: {  	[tilespmem:s7+$0x0] =	vst v17  }
0x1cd: {  	v17 =	vld.idx.msk [tilespmem:v18+s19+$0x0], $0xffff  }
0x1ce: {  	v18 =	vadd.s32 v5, v16;
	_ =	sdelay $0x2  }
0x1cf: {  	s10 =	sor.u32 s29, s10  }
0x1d0: {  	[tilespmem:s10+$0x0] =	vst v17  }
0x1d1: {  	v17 =	vld.idx.msk [tilespmem:v18+s19+$0x0], $0xffff  }
0x1d2: {  	v18 =	vadd.s32 v6, v16;
	_ =	sdelay $0x2  }
0x1d3: {  	s14 =	sor.u32 s29, s14  }
0x1d4: {  	[tilespmem:s14+$0x0] =	vst v17  }
0x1d5: {  	v17 =	vld.idx.msk [tilespmem:v18+s19+$0x0], $0xffff  }
0x1d6: {  	v18 =	vadd.s32 v7, v16;
	_ =	sdelay $0x2  }
0x1d7: {  	s15 =	sor.u32 s29, s15  }
0x1d8: {  	[tilespmem:s15+$0x0] =	vst v17  }
0x1d9: {  	v17 =	vld.idx.msk [tilespmem:v18+s19+$0x0], $0xffff  }
0x1da: {  	v18 =	vadd.s32 v8, v16;
	_ =	sdelay $0x2  }
0x1db: {  	s16 =	sor.u32 s29, s16  }
0x1dc: {  	[tilespmem:s16+$0x0] =	vst v17  }
0x1dd: {  	v17 =	vld.idx.msk [tilespmem:v18+s19+$0x0], $0xffff  }
0x1de: {  	v18 =	vadd.s32 v9, v16;
	_ =	sdelay $0x2  }
0x1df: {  	s17 =	sor.u32 s29, s17  }
0x1e0: {  	[tilespmem:s17+$0x0] =	vst v17  }
0x1e1: {  	v17 =	vld.idx.msk [tilespmem:v18+s19+$0x0], $0xffff  }
0x1e2: {  	v18 =	vadd.s32 v10, v16;
	_ =	sdelay $0x2  }
0x1e3: {  	s21 =	sor.u32 s29, s20  }
0x1e4: {  	[tilespmem:s21+$0x0] =	vst v17  }
0x1e5: {  	v17 =	vld.idx.msk [tilespmem:v18+s19+$0x0], $0xffff  }
0x1e6: {  	v18 =	vadd.s32 v11, v16;
	_ =	sdelay $0x2  }
0x1e7: {  	s24 =	sor.u32 s29, s24  }
0x1e8: {  	[tilespmem:s24+$0x0] =	vst v17  }
0x1e9: {  	v17 =	vld.idx.msk [tilespmem:v18+s19+$0x0], $0xffff  }
0x1ea: {  	v18 =	vadd.s32 v12, v16;
	_ =	sdelay $0x2  }
0x1eb: {  	s25 =	sor.u32 s29, s25  }
0x1ec: {  	[tilespmem:s25+$0x0] =	vst v17  }
0x1ed: {  	v17 =	vld.idx.msk [tilespmem:v18+s19+$0x0], $0xffff  }
0x1ee: {  	v18 =	vadd.s32 v13, v16;
	_ =	sdelay $0x2  }
0x1ef: {  	s30 =	sor.u32 s29, s30  }
0x1f0: {  	[tilespmem:s30+$0x0] =	vst v17  }
0x1f1: {  	v17 =	vld.idx.msk [tilespmem:v18+s19+$0x0], $0xffff  }
0x1f2: {  	v18 =	vadd.s32 v14, v16;
	_ =	sdelay $0x2  }
0x1f3: {  	s31 =	sor.u32 s29, s31  }
0x1f4: {  	[tilespmem:s31+$0x0] =	vst v17  }
0x1f5: {  	v18 =	vld.idx.msk [tilespmem:v18+s19+$0x0], $0xffff  }
0x1f6: {  	v17 =	vadd.s32 v15, v16  }
0x1f7: {  	s0 =	simm.s32 $0x20;
	s24 =	simm.s32 $0x30;
	s25 =	simm.s32 $0x50  }
.LBB2_7:
0x1f8: {  	p0 =	sne.s32 s25, $0x670;
	v16 =	vmov s0  }
0x1f9: {  	s1 =	sor.u32 s29, s26;
	v16 =	vmul.u32 $0x18, v16  }
0x1fa: {  	[tilespmem:s1+$0x0] =	vst v18  }
0x1fb: {  	v16 =	vbroadcast v16, $0x0;
	v17 =	vld.idx.msk [tilespmem:v17+s19+$0x0], $0xffff;
	_ =	sdelay $0x1  }
0x1fc: {  	v18 =	vadd.s32 v0, v16;
	_ =	sdelay $0x2  }
0x1fd: {  	s1 =	sor.u32 s29, s28  }
0x1fe: {  	[tilespmem:s1+$0x0] =	vst v17  }
0x1ff: {  	v17 =	vld.idx.msk [tilespmem:v18+s19+$0x0], $0xffff;
	_ =	sdelay $0x1  }
0x200: {  	v18 =	vadd.s32 v1, v16  }
0x201: {  	s28 =	sand.u32 $0x7C0, s0  }
0x202: {  	s29 =	sand.u32 $0x20, s0;
	s30 =	sadd.s32 $0x11780, s28  }
0x203: {  	s0 =	sor.u32 s29, s30  }
0x204: {  	[tilespmem:s0+$0x0] =	vst v17  }
0x205: {  	v17 =	vld.idx.msk [tilespmem:v18+s19+$0x0], $0xffff;
	_ =	sdelay $0x1  }
0x206: {  	v18 =	vadd.s32 v2, v16;
	_ =	sdelay $0x1  }
0x207: {  	s31 =	sadd.s32 $0x11E00, s28  }
0x208: {  	s0 =	sor.u32 s29, s31  }
0x209: {  	[tilespmem:s0+$0x0] =	vst v17  }
0x20a: {  	v17 =	vld.idx.msk [tilespmem:v18+s19+$0x0], $0xffff;
	_ =	sdelay $0x1  }
0x20b: {  	v18 =	vadd.s32 v3, v16;
	_ =	sdelay $0x1  }
0x20c: {  	s0 =	sadd.s32 $0x12480, s28  }
0x20d: {  	s1 =	sor.u32 s29, s0  }
0x20e: {  	[tilespmem:s1+$0x0] =	vst v17  }
0x20f: {  	v17 =	vld.idx.msk [tilespmem:v18+s19+$0x0], $0xffff;
	_ =	sdelay $0x1  }
0x210: {  	v18 =	vadd.s32 v4, v16;
	_ =	sdelay $0x1  }
0x211: {  	s3 =	sadd.s32 $0x12B00, s28  }
0x212: {  	s1 =	sor.u32 s29, s3  }
0x213: {  	[tilespmem:s1+$0x0] =	vst v17  }
0x214: {  	v17 =	vld.idx.msk [tilespmem:v18+s19+$0x0], $0xffff;
	_ =	sdelay $0x1  }
0x215: {  	v18 =	vadd.s32 v5, v16;
	_ =	sdelay $0x1  }
0x216: {  	s10 =	sadd.s32 $0x13180, s28  }
0x217: {  	s1 =	sor.u32 s29, s10  }
0x218: {  	[tilespmem:s1+$0x0] =	vst v17  }
0x219: {  	v17 =	vld.idx.msk [tilespmem:v18+s19+$0x0], $0xffff;
	_ =	sdelay $0x1  }
0x21a: {  	v18 =	vadd.s32 v6, v16;
	_ =	sdelay $0x1  }
0x21b: {  	s4 =	sor.u32 $0x13800, s28  }
0x21c: {  	s1 =	sor.u32 s29, s4  }
0x21d: {  	[tilespmem:s1+$0x0] =	vst v17  }
0x21e: {  	v17 =	vld.idx.msk [tilespmem:v18+s19+$0x0], $0xffff;
	_ =	sdelay $0x1  }
0x21f: {  	v18 =	vadd.s32 v7, v16;
	_ =	sdelay $0x1  }
0x220: {  	s1 =	sadd.s32 $0x13E80, s28  }
0x221: {  	s6 =	sor.u32 s29, s1  }
0x222: {  	[tilespmem:s6+$0x0] =	vst v17  }
0x223: {  	v17 =	vld.idx.msk [tilespmem:v18+s19+$0x0], $0xffff;
	_ =	sdelay $0x1  }
0x224: {  	v18 =	vadd.s32 v8, v16;
	_ =	sdelay $0x1  }
0x225: {  	s14 =	sadd.s32 $0x14500, s28  }
0x226: {  	s6 =	sor.u32 s29, s14  }
0x227: {  	[tilespmem:s6+$0x0] =	vst v17  }
0x228: {  	v17 =	vld.idx.msk [tilespmem:v18+s19+$0x0], $0xffff;
	_ =	sdelay $0x1  }
0x229: {  	v18 =	vadd.s32 v9, v16;
	_ =	sdelay $0x1  }
0x22a: {  	s15 =	sadd.s32 $0x14B80, s28  }
0x22b: {  	s6 =	sor.u32 s29, s15  }
0x22c: {  	[tilespmem:s6+$0x0] =	vst v17  }
0x22d: {  	v17 =	vld.idx.msk [tilespmem:v18+s19+$0x0], $0xffff;
	_ =	sdelay $0x1  }
0x22e: {  	v18 =	vadd.s32 v10, v16;
	_ =	sdelay $0x1  }
0x22f: {  	s16 =	sadd.s32 $0x15200, s28  }
0x230: {  	s6 =	sor.u32 s29, s16  }
0x231: {  	[tilespmem:s6+$0x0] =	vst v17  }
0x232: {  	v17 =	vld.idx.msk [tilespmem:v18+s19+$0x0], $0xffff;
	_ =	sdelay $0x1  }
0x233: {  	v18 =	vadd.s32 v11, v16;
	_ =	sdelay $0x1  }
0x234: {  	s17 =	sadd.s32 $0x15880, s28  }
0x235: {  	s6 =	sor.u32 s29, s17  }
0x236: {  	[tilespmem:s6+$0x0] =	vst v17  }
0x237: {  	v17 =	vld.idx.msk [tilespmem:v18+s19+$0x0], $0xffff;
	_ =	sdelay $0x1  }
0x238: {  	v18 =	vadd.s32 v12, v16;
	_ =	sdelay $0x1  }
0x239: {  	s6 =	sadd.s32 $0x15F00, s28  }
0x23a: {  	s7 =	sor.u32 s29, s6  }
0x23b: {  	[tilespmem:s7+$0x0] =	vst v17  }
0x23c: {  	v17 =	vld.idx.msk [tilespmem:v18+s19+$0x0], $0xffff;
	_ =	sdelay $0x1  }
0x23d: {  	v18 =	vadd.s32 v13, v16;
	_ =	sdelay $0x1  }
0x23e: {  	s7 =	sadd.s32 $0x16580, s28  }
0x23f: {  	s20 =	sor.u32 s29, s7  }
0x240: {  	[tilespmem:s20+$0x0] =	vst v17  }
0x241: {  	v17 =	vld.idx.msk [tilespmem:v18+s19+$0x0], $0xffff;
	_ =	sdelay $0x1  }
0x242: {  	v18 =	vadd.s32 v14, v16;
	_ =	sdelay $0x1  }
0x243: {  	s20 =	sadd.s32 $0x16C00, s28  }
0x244: {  	s26 =	sor.u32 s29, s20  }
0x245: {  	[tilespmem:s26+$0x0] =	vst v17  }
0x246: {  	v17 =	vld.idx.msk [tilespmem:v18+s19+$0x0], $0xffff;
	_ =	sdelay $0x1  }
0x247: {  	v16 =	vadd.s32 v15, v16;
	_ =	sdelay $0x1  }
0x248: {  	s26 =	sadd.s32 $0x17280, s28;
	v18 =	vmov s24  }
0x249: {  	s21 =	sor.u32 s29, s26;
	v18 =	vmul.u32 $0x18, v18  }
0x24a: {  	[tilespmem:s21+$0x0] =	vst v17  }
0x24b: {  	v17 =	vld.idx.msk [tilespmem:v16+s19+$0x0], $0xffff;
	v16 =	vbroadcast v18, $0x0;
	_ =	sdelay $0x1  }
0x24c: {  	v18 =	vadd.s32 v0, v16;
	_ =	sdelay $0x1  }
0x24d: {  	s28 =	sadd.s32 $0x17900, s28  }
0x24e: {  	s21 =	sor.u32 s29, s28  }
0x24f: {  	[tilespmem:s21+$0x0] =	vst v17  }
0x250: {  	v17 =	vld.idx.msk [tilespmem:v18+s19+$0x0], $0xffff;
	_ =	sdelay $0x1  }
0x251: {  	v18 =	vadd.s32 v1, v16;
	_ =	sdelay $0x1  }
0x252: {  	s29 =	sand.u32 $0x30, s24;
	s24 =	smov.u32 s25  }
0x253: {  	s21 =	sor.u32 s29, s30  }
0x254: {  	[tilespmem:s21+$0x0] =	vst v17  }
0x255: {  	v17 =	vld.idx.msk [tilespmem:v18+s19+$0x0], $0xffff;
	_ =	sdelay $0x1  }
0x256: {  	v18 =	vadd.s32 v2, v16;
	_ =	sdelay $0x2  }
0x257: {  	s21 =	sor.u32 s29, s31  }
0x258: {  	[tilespmem:s21+$0x0] =	vst v17  }
0x259: {  	v17 =	vld.idx.msk [tilespmem:v18+s19+$0x0], $0xffff;
	_ =	sdelay $0x1  }
0x25a: {  	v18 =	vadd.s32 v3, v16;
	_ =	sdelay $0x2  }
0x25b: {  	s0 =	sor.u32 s29, s0  }
0x25c: {  	[tilespmem:s0+$0x0] =	vst v17  }
0x25d: {  	v17 =	vld.idx.msk [tilespmem:v18+s19+$0x0], $0xffff;
	_ =	sdelay $0x1  }
0x25e: {  	v18 =	vadd.s32 v4, v16;
	_ =	sdelay $0x2  }
0x25f: {  	s0 =	sor.u32 s29, s3  }
0x260: {  	[tilespmem:s0+$0x0] =	vst v17  }
0x261: {  	v17 =	vld.idx.msk [tilespmem:v18+s19+$0x0], $0xffff;
	_ =	sdelay $0x1  }
0x262: {  	v18 =	vadd.s32 v5, v16;
	_ =	sdelay $0x2  }
0x263: {  	s0 =	sor.u32 s29, s10  }
0x264: {  	[tilespmem:s0+$0x0] =	vst v17  }
0x265: {  	v17 =	vld.idx.msk [tilespmem:v18+s19+$0x0], $0xffff;
	_ =	sdelay $0x1  }
0x266: {  	v18 =	vadd.s32 v6, v16;
	_ =	sdelay $0x2  }
0x267: {  	s0 =	sor.u32 s29, s4  }
0x268: {  	[tilespmem:s0+$0x0] =	vst v17  }
0x269: {  	v17 =	vld.idx.msk [tilespmem:v18+s19+$0x0], $0xffff;
	_ =	sdelay $0x1  }
0x26a: {  	v18 =	vadd.s32 v7, v16;
	_ =	sdelay $0x2  }
0x26b: {  	s0 =	sor.u32 s29, s1  }
0x26c: {  	[tilespmem:s0+$0x0] =	vst v17  }
0x26d: {  	v17 =	vld.idx.msk [tilespmem:v18+s19+$0x0], $0xffff;
	_ =	sdelay $0x1  }
0x26e: {  	v18 =	vadd.s32 v8, v16;
	_ =	sdelay $0x2  }
0x26f: {  	s0 =	sor.u32 s29, s14  }
0x270: {  	[tilespmem:s0+$0x0] =	vst v17  }
0x271: {  	v17 =	vld.idx.msk [tilespmem:v18+s19+$0x0], $0xffff;
	_ =	sdelay $0x1  }
0x272: {  	v18 =	vadd.s32 v9, v16;
	_ =	sdelay $0x2  }
0x273: {  	s0 =	sor.u32 s29, s15  }
0x274: {  	[tilespmem:s0+$0x0] =	vst v17  }
0x275: {  	v17 =	vld.idx.msk [tilespmem:v18+s19+$0x0], $0xffff;
	_ =	sdelay $0x1  }
0x276: {  	v18 =	vadd.s32 v10, v16;
	_ =	sdelay $0x2  }
0x277: {  	s0 =	sor.u32 s29, s16  }
0x278: {  	[tilespmem:s0+$0x0] =	vst v17  }
0x279: {  	v17 =	vld.idx.msk [tilespmem:v18+s19+$0x0], $0xffff;
	_ =	sdelay $0x1  }
0x27a: {  	v18 =	vadd.s32 v11, v16;
	_ =	sdelay $0x2  }
0x27b: {  	s0 =	sor.u32 s29, s17  }
0x27c: {  	[tilespmem:s0+$0x0] =	vst v17  }
0x27d: {  	v17 =	vld.idx.msk [tilespmem:v18+s19+$0x0], $0xffff;
	_ =	sdelay $0x1  }
0x27e: {  	v18 =	vadd.s32 v12, v16;
	_ =	sdelay $0x2  }
0x27f: {  	s0 =	sor.u32 s29, s6  }
0x280: {  	[tilespmem:s0+$0x0] =	vst v17  }
0x281: {  	v17 =	vld.idx.msk [tilespmem:v18+s19+$0x0], $0xffff;
	_ =	sdelay $0x1  }
0x282: {  	v18 =	vadd.s32 v13, v16;
	_ =	sdelay $0x2  }
0x283: {  	s0 =	sor.u32 s29, s7  }
0x284: {  	[tilespmem:s0+$0x0] =	vst v17  }
0x285: {  	v17 =	vld.idx.msk [tilespmem:v18+s19+$0x0], $0xffff;
	_ =	sdelay $0x1  }
0x286: {  	v18 =	vadd.s32 v14, v16;
	_ =	sdelay $0x2  }
0x287: {  	s0 =	sor.u32 s29, s20  }
.Ltmp6:
0x288: {  	[tilespmem:s0+$0x0] =	vst v17;
	(pc) =	sbr.rel @p0 .LBB2_7-.Ltmp6, $3  }
0x289: {  	v18 =	vld.idx.msk [tilespmem:v18+s19+$0x0], $0xffff;
	_ =	sdelay $0x1  }
0x28a: {  	v17 =	vadd.s32 v15, v16  }
0x28b: {  	s25 =	sadd.s32 $0x20, s25;
	s0 =	sadd.s32 $0xFFFFFFF0, s24  }
0x28c: {  	v16 =	vmov s0  }
0x28d: {  	v16 =	vmul.u32 $0x18, v16  }
0x28e: {  	s1 =	sor.u32 s29, s26  }
0x28f: {  	[tilespmem:s1+$0x0] =	vst v18;
	v16 =	vbroadcast v16, $0x0  }
0x290: {  	v17 =	vld.idx.msk [tilespmem:v17+s19+$0x0], $0xffff  }
0x291: {  	v34 =	vadd.s32 v0, v16;
	_ =	sdelay $0x2  }
0x292: {  	s21 =	sor.u32 s29, s28  }
0x293: {  	[tilespmem:s21+$0x0] =	vst v17  }
0x294: {  	v17 =	vld.idx.msk [tilespmem:v34+s19+$0x0], $0xffff  }
0x295: {  	v35 =	vadd.s32 v1, v16  }
0x296: {  	s6 =	sand.u32 $0x7C0, s0  }
0x297: {  	s7 =	sand.u32 $0x20, s0;
	s0 =	sadd.s32 $0x11780, s6  }
0x298: {  	s25 =	sor.u32 s7, s0  }
0x299: {  	[tilespmem:s25+$0x0] =	vst v17  }
0x29a: {  	v17 =	vld.idx.msk [tilespmem:v35+s19+$0x0], $0xffff  }
0x29b: {  	v36 =	vadd.s32 v2, v16;
	_ =	sdelay $0x1  }
0x29c: {  	s1 =	sadd.s32 $0x11E00, s6  }
0x29d: {  	s3 =	sor.u32 s7, s1  }
0x29e: {  	[tilespmem:s3+$0x0] =	vst v17  }
0x29f: {  	v17 =	vld.idx.msk [tilespmem:v36+s19+$0x0], $0xffff  }
0x2a0: {  	v37 =	vadd.s32 v3, v16;
	_ =	sdelay $0x1  }
0x2a1: {  	s3 =	sadd.s32 $0x12480, s6  }
0x2a2: {  	s4 =	sor.u32 s7, s3  }
0x2a3: {  	[tilespmem:s4+$0x0] =	vst v17  }
0x2a4: {  	v17 =	vld.idx.msk [tilespmem:v37+s19+$0x0], $0xffff  }
0x2a5: {  	v38 =	vadd.s32 v4, v16;
	_ =	sdelay $0x1  }
0x2a6: {  	s4 =	sadd.s32 $0x12B00, s6  }
0x2a7: {  	s10 =	sor.u32 s7, s4  }
0x2a8: {  	[tilespmem:s10+$0x0] =	vst v17  }
0x2a9: {  	v17 =	vld.idx.msk [tilespmem:v38+s19+$0x0], $0xffff  }
0x2aa: {  	v39 =	vadd.s32 v5, v16;
	_ =	sdelay $0x1  }
0x2ab: {  	s10 =	sadd.s32 $0x13180, s6  }
0x2ac: {  	s14 =	sor.u32 s7, s10  }
0x2ad: {  	[tilespmem:s14+$0x0] =	vst v17  }
0x2ae: {  	v17 =	vld.idx.msk [tilespmem:v39+s19+$0x0], $0xffff  }
0x2af: {  	v40 =	vadd.s32 v6, v16;
	_ =	sdelay $0x1  }
0x2b0: {  	s14 =	sor.u32 $0x13800, s6  }
0x2b1: {  	s15 =	sor.u32 s7, s14  }
0x2b2: {  	[tilespmem:s15+$0x0] =	vst v17  }
0x2b3: {  	v17 =	vld.idx.msk [tilespmem:v40+s19+$0x0], $0xffff  }
0x2b4: {  	v41 =	vadd.s32 v7, v16;
	_ =	sdelay $0x1  }
0x2b5: {  	s15 =	sadd.s32 $0x13E80, s6  }
0x2b6: {  	s16 =	sor.u32 s7, s15  }
0x2b7: {  	[tilespmem:s16+$0x0] =	vst v17  }
0x2b8: {  	v17 =	vld.idx.msk [tilespmem:v41+s19+$0x0], $0xffff  }
0x2b9: {  	v42 =	vadd.s32 v8, v16;
	_ =	sdelay $0x1  }
0x2ba: {  	s16 =	sadd.s32 $0x14500, s6  }
0x2bb: {  	s17 =	sor.u32 s7, s16  }
0x2bc: {  	[tilespmem:s17+$0x0] =	vst v17  }
0x2bd: {  	v17 =	vld.idx.msk [tilespmem:v42+s19+$0x0], $0xffff  }
0x2be: {  	v43 =	vadd.s32 v9, v16;
	_ =	sdelay $0x1  }
0x2bf: {  	s17 =	sadd.s32 $0x14B80, s6  }
0x2c0: {  	s20 =	sor.u32 s7, s17  }
0x2c1: {  	[tilespmem:s20+$0x0] =	vst v17  }
0x2c2: {  	v17 =	vld.idx.msk [tilespmem:v43+s19+$0x0], $0xffff  }
0x2c3: {  	v44 =	vadd.s32 v10, v16;
	_ =	sdelay $0x1  }
0x2c4: {  	s20 =	sadd.s32 $0x15200, s6  }
0x2c5: {  	s21 =	sor.u32 s7, s20  }
0x2c6: {  	[tilespmem:s21+$0x0] =	vst v17  }
0x2c7: {  	v17 =	vld.idx.msk [tilespmem:v44+s19+$0x0], $0xffff  }
0x2c8: {  	v45 =	vadd.s32 v11, v16;
	_ =	sdelay $0x1  }
0x2c9: {  	s25 =	sadd.s32 $0x15880, s6  }
0x2ca: {  	s26 =	sor.u32 s7, s25  }
0x2cb: {  	[tilespmem:s26+$0x0] =	vst v17  }
0x2cc: {  	v17 =	vld.idx.msk [tilespmem:v45+s19+$0x0], $0xffff  }
0x2cd: {  	v46 =	vadd.s32 v12, v16;
	_ =	sdelay $0x1  }
0x2ce: {  	s26 =	sadd.s32 $0x15F00, s6  }
0x2cf: {  	s28 =	sor.u32 s7, s26  }
0x2d0: {  	[tilespmem:s28+$0x0] =	vst v17  }
0x2d1: {  	v17 =	vld.idx.msk [tilespmem:v46+s19+$0x0], $0xffff  }
0x2d2: {  	v47 =	vadd.s32 v13, v16;
	_ =	sdelay $0x1  }
0x2d3: {  	s28 =	sadd.s32 $0x16580, s6  }
0x2d4: {  	s29 =	sor.u32 s7, s28  }
0x2d5: {  	[tilespmem:s29+$0x0] =	vst v17  }
0x2d6: {  	v17 =	vld.idx.msk [tilespmem:v47+s19+$0x0], $0xffff  }
0x2d7: {  	v48 =	vadd.s32 v14, v16;
	_ =	sdelay $0x1  }
0x2d8: {  	s29 =	sadd.s32 $0x16C00, s6  }
0x2d9: {  	s30 =	sor.u32 s7, s29  }
0x2da: {  	[tilespmem:s30+$0x0] =	vst v17  }
0x2db: {  	v17 =	vld.idx.msk [tilespmem:v48+s19+$0x0], $0xffff  }
0x2dc: {  	v16 =	vadd.s32 v15, v16  }
0x2dd: {  	v49 =	vmov s24  }
0x2de: {  	v18 =	vmul.u32 $0x18, v49;
	s30 =	sadd.s32 $0x17280, s6  }
0x2df: {  	s31 =	sor.u32 s7, s30  }
0x2e0: {  	[tilespmem:s31+$0x0] =	vst v17;
	v17 =	vbroadcast v18, $0x0  }
0x2e1: {  	v16 =	vld.idx.msk [tilespmem:v16+s19+$0x0], $0xffff  }
0x2e2: {  	v18 =	vadd.s32 v0, v17;
	_ =	sdelay $0x1  }
0x2e3: {  	s6 =	sadd.s32 $0x17900, s6  }
0x2e4: {  	s7 =	sor.u32 s7, s6  }
0x2e5: {  	[tilespmem:s7+$0x0] =	vst v16  }
0x2e6: {  	v16 =	vld.idx.msk [tilespmem:v18+s19+$0x0], $0xffff  }
0x2e7: {  	v50 =	vadd.s32 v1, v17;
	_ =	sdelay $0x1  }
0x2e8: {  	s7 =	sand.u32 $0x30, s24  }
0x2e9: {  	s0 =	sor.u32 s7, s0  }
0x2ea: {  	[tilespmem:s0+$0x0] =	vst v16  }
0x2eb: {  	v16 =	vld.idx.msk [tilespmem:v50+s19+$0x0], $0xffff  }
0x2ec: {  	v51 =	vadd.s32 v2, v17;
	_ =	sdelay $0x2  }
0x2ed: {  	s24 =	sor.u32 s7, s1  }
0x2ee: {  	[tilespmem:s24+$0x0] =	vst v16  }
0x2ef: {  	v16 =	vld.idx.msk [tilespmem:v51+s19+$0x0], $0xffff  }
0x2f0: {  	v52 =	vadd.s32 v3, v17;
	_ =	sdelay $0x2  }
0x2f1: {  	s31 =	sor.u32 s7, s3  }
0x2f2: {  	[tilespmem:s31+$0x0] =	vst v16  }
0x2f3: {  	v16 =	vld.idx.msk [tilespmem:v52+s19+$0x0], $0xffff  }
0x2f4: {  	v53 =	vadd.s32 v4, v17;
	_ =	sdelay $0x2  }
0x2f5: {  	s1 =	sor.u32 s7, s4  }
0x2f6: {  	[tilespmem:s1+$0x0] =	vst v16  }
0x2f7: {  	v16 =	vld.idx.msk [tilespmem:v53+s19+$0x0], $0xffff  }
0x2f8: {  	v54 =	vadd.s32 v5, v17;
	_ =	sdelay $0x2  }
0x2f9: {  	s3 =	sor.u32 s7, s10  }
0x2fa: {  	[tilespmem:s3+$0x0] =	vst v16  }
0x2fb: {  	v16 =	vld.idx.msk [tilespmem:v54+s19+$0x0], $0xffff  }
0x2fc: {  	v55 =	vadd.s32 v6, v17;
	_ =	sdelay $0x2  }
0x2fd: {  	s4 =	sor.u32 s7, s14  }
0x2fe: {  	[tilespmem:s4+$0x0] =	vst v16  }
0x2ff: {  	v16 =	vld.idx.msk [tilespmem:v55+s19+$0x0], $0xffff  }
0x300: {  	v56 =	vadd.s32 v7, v17;
	_ =	sdelay $0x2  }
0x301: {  	s10 =	sor.u32 s7, s15  }
0x302: {  	[tilespmem:s10+$0x0] =	vst v16  }
0x303: {  	v16 =	vld.idx.msk [tilespmem:v56+s19+$0x0], $0xffff  }
0x304: {  	v57 =	vadd.s32 v8, v17;
	_ =	sdelay $0x2  }
0x305: {  	s14 =	sor.u32 s7, s16  }
0x306: {  	[tilespmem:s14+$0x0] =	vst v16  }
0x307: {  	v16 =	vld.idx.msk [tilespmem:v57+s19+$0x0], $0xffff  }
0x308: {  	v58 =	vadd.s32 v9, v17;
	_ =	sdelay $0x2  }
0x309: {  	s15 =	sor.u32 s7, s17  }
0x30a: {  	[tilespmem:s15+$0x0] =	vst v16  }
0x30b: {  	v16 =	vld.idx.msk [tilespmem:v58+s19+$0x0], $0xffff  }
0x30c: {  	v59 =	vadd.s32 v10, v17;
	_ =	sdelay $0x2  }
0x30d: {  	s16 =	sor.u32 s7, s20  }
0x30e: {  	[tilespmem:s16+$0x0] =	vst v16  }
0x30f: {  	v16 =	vld.idx.msk [tilespmem:v59+s19+$0x0], $0xffff  }
0x310: {  	v60 =	vadd.s32 v11, v17;
	_ =	sdelay $0x2  }
0x311: {  	s17 =	sor.u32 s7, s25  }
0x312: {  	[tilespmem:s17+$0x0] =	vst v16  }
0x313: {  	v16 =	vld.idx.msk [tilespmem:v60+s19+$0x0], $0xffff  }
0x314: {  	v61 =	vadd.s32 v12, v17;
	_ =	sdelay $0x2  }
0x315: {  	s20 =	sor.u32 s7, s26  }
0x316: {  	[tilespmem:s20+$0x0] =	vst v16  }
0x317: {  	v16 =	vld.idx.msk [tilespmem:v61+s19+$0x0], $0xffff  }
0x318: {  	v62 =	vadd.s32 v13, v17;
	_ =	sdelay $0x2  }
0x319: {  	s21 =	sor.u32 s7, s28  }
0x31a: {  	[tilespmem:s21+$0x0] =	vst v16  }
0x31b: {  	v16 =	vld.idx.msk [tilespmem:v62+s19+$0x0], $0xffff  }
0x31c: {  	v63 =	vadd.s32 v14, v17;
	_ =	sdelay $0x2  }
0x31d: {  	s24 =	sor.u32 s7, s29  }
0x31e: {  	[tilespmem:s24+$0x0] =	vst v16  }
0x31f: {  	v16 =	vld.idx.msk [tilespmem:v63+s19+$0x0], $0xffff  }
0x320: {  	v17 =	vadd.s32 v15, v17;
	_ =	sdelay $0x2  }
0x321: {  	s25 =	sor.u32 s7, s30  }
0x322: {  	[tilespmem:s25+$0x0] =	vst v16  }
0x323: {  	v16 =	vld.idx.msk [tilespmem:v17+s19+$0x0], $0xffff  }
0x324: {  	p0 =	seq.s32 s23, $0x18;
	s26 =	sshll.u32 s23, $0x5  }
.Ltmp7:
0x325: {  	s0 =	sor.u32 s5, s26;
	(pc) =	sbr.rel @p0 .LBB2_12-.Ltmp7, $4  }
0x326: {  	s28 =	sshll.u32 s0, $0x3  }
0x327: {  	s29 =	sor.u32 s7, s6;
	s1 =	sand.u32 $0x1F80, s28  }
0x328: {  	s30 =	simm.s32 $0xE000;
	s31 =	simm.s32 $0x11100;
	s1 =	sadd.s32 s1, s9;
	[tilespmem:s29+$0x0] =	vst v16  }
0x329: {  	[hbm4b:s1+s11] =	stream.strided.scatter [tilespmem:s31], [sflag:$0x2], $0x6E80, s30, s11, $0x38;
	[tilespmem:$0x18600] =	vst v63  }
0x32a: {  	s0 =	sshrl.u32 s0, $0x4  }
0x32b: {  	s0 =	smul.u32 $0xD000, s0  }
0x32c: {  	s1 =	rddreg [dreg:$0x6]  }
0x32d: {  	s30 =	rddreg [dreg:$0x5];
	s0 =	sor.u32 s1, s0  }
0x32e: {  	s0 =	sadd.s32 s30, s0  }
0x32f: {  	s0 =	sadd.s32 $0x1A000, s0  }
0x330: {  	s31 =	rddreg [dreg:$0x0];
	s0 =	sshrl.u32 s0, $0x3  }
0x331: {  	s3 =	simm.s32 $0x100;
	s0 =	sadd.s32 s31, s0  }
0x332: {  	s4 =	simm.s32 $0x80;
	s1 =	simm.s32 $0x0;
	s6 =	sadd.s32 $0x0, s0  }
.LBB2_10:
0x333: {  	[tilespmem:s1], [sflag:$0x3] =	stream.strided.gather [hbm4b:s6+s11], $0x80, s12, s11, $0x38;
	[tilespmem:$0x18600] =	vst v63  }
0x334: {  	s6 =	smov.u32 s3;
	s1 =	smov.u32 s4;
	p0 =	sne.s32 s3, $0x1900  }
.Ltmp8:
0x335: {  	s3 =	sadd.s32 $0x100, s3;
	(pc) =	sbr.rel @p0 .LBB2_10-.Ltmp8, $2  }
0x336: {  	_ =	sdelay $0x2  }
0x337: {  	s4 =	sadd.s32 $0x80, s4;
	s6 =	sadd.s32 s6, s0  }
0x338: {  	[tilespmem:s1], [sflag:$0x3] =	stream.strided.gather [hbm4b:s6+s11], $0x80, s12, s11, $0x38;
	[tilespmem:$0x18600] =	vst v63  }
0x339: {  	_ =	swait.ge [sflag:s13], $0xD00  }
0x33a: {  	[sflag:s13] =	ssyncset.done $0x0  }
0x33b: {  	[sflag:s13] =	ssyncadd.s32 $0xFFFFF300  }
0x33c: {  	v16 =	vld [tilespmem:$0x40]  }
0x33d: {  	v17 =	vld [tilespmem:$0x50]  }
0x33e: {  	v18 =	vld [tilespmem:$0x60]  }
0x33f: {  	v19 =	vld [tilespmem:$0x70]  }
0x340: {  	v20 =	vld [tilespmem:$0xC0]  }
0x341: {  	v21 =	vld [tilespmem:$0xD0];
	v16 =	vtrunc.f32 v16  }
0x342: {  	v22 =	vld [tilespmem:$0xE0];
	v17 =	vtrunc.f32 v17;
	v16 =	vcvt.f32.s32 v16  }
0x343: {  	v23 =	vld [tilespmem:$0xF0];
	v18 =	vtrunc.f32 v18;
	v17 =	vcvt.f32.s32 v17  }
0x344: {  	v28 =	vld [tilespmem:$0x140];
	v27 =	vtrunc.f32 v19;
	[tilespmem:$0x17F80] =	vst v16;
	v16 =	vcvt.f32.s32 v18  }
0x345: {  	v30 =	vld [tilespmem:$0x150];
	v29 =	vtrunc.f32 v20;
	[tilespmem:$0x17F90] =	vst v17;
	v17 =	vcvt.f32.s32 v27  }
0x346: {  	v32 =	vld [tilespmem:$0x160];
	v31 =	vtrunc.f32 v21;
	[tilespmem:$0x17FA0] =	vst v16;
	v16 =	vcvt.f32.s32 v29  }
0x347: {  	v34 =	vld [tilespmem:$0x170];
	v33 =	vtrunc.f32 v22;
	[tilespmem:$0x17FB0] =	vst v17;
	v17 =	vcvt.f32.s32 v31  }
0x348: {  	v36 =	vld [tilespmem:$0x1C0];
	v35 =	vtrunc.f32 v23;
	[tilespmem:$0x17FC0] =	vst v16;
	v16 =	vcvt.f32.s32 v33  }
0x349: {  	v38 =	vld [tilespmem:$0x1D0];
	v37 =	vtrunc.f32 v28;
	[tilespmem:$0x17FD0] =	vst v17;
	v17 =	vcvt.f32.s32 v35  }
0x34a: {  	v40 =	vld [tilespmem:$0x1E0];
	v39 =	vtrunc.f32 v30;
	[tilespmem:$0x17FE0] =	vst v16;
	v16 =	vcvt.f32.s32 v37  }
0x34b: {  	v42 =	vld [tilespmem:$0x1F0];
	v41 =	vtrunc.f32 v32;
	[tilespmem:$0x17FF0] =	vst v17;
	v17 =	vcvt.f32.s32 v39  }
0x34c: {  	v44 =	vld [tilespmem:$0x240];
	v43 =	vtrunc.f32 v34;
	[tilespmem:$0x18000] =	vst v16;
	v16 =	vcvt.f32.s32 v41  }
0x34d: {  	v46 =	vld [tilespmem:$0x250];
	v45 =	vtrunc.f32 v36;
	[tilespmem:$0x18010] =	vst v17;
	v17 =	vcvt.f32.s32 v43  }
0x34e: {  	v48 =	vld [tilespmem:$0x260];
	v47 =	vtrunc.f32 v38;
	[tilespmem:$0x18020] =	vst v16;
	v16 =	vcvt.f32.s32 v45  }
0x34f: {  	v50 =	vld [tilespmem:$0x270];
	v49 =	vtrunc.f32 v40;
	[tilespmem:$0x18030] =	vst v17;
	v17 =	vcvt.f32.s32 v47  }
0x350: {  	v52 =	vld [tilespmem:$0x2C0];
	v51 =	vtrunc.f32 v42;
	[tilespmem:$0x18040] =	vst v16;
	v16 =	vcvt.f32.s32 v49  }
0x351: {  	v54 =	vld [tilespmem:$0x2D0];
	v53 =	vtrunc.f32 v44;
	[tilespmem:$0x18050] =	vst v17;
	v17 =	vcvt.f32.s32 v51  }
0x352: {  	v56 =	vld [tilespmem:$0x2E0];
	v55 =	vtrunc.f32 v46;
	[tilespmem:$0x18060] =	vst v16;
	v16 =	vcvt.f32.s32 v53  }
0x353: {  	v58 =	vld [tilespmem:$0x2F0];
	v57 =	vtrunc.f32 v48;
	[tilespmem:$0x18070] =	vst v17;
	v17 =	vcvt.f32.s32 v55  }
0x354: {  	v60 =	vld [tilespmem:$0x340];
	v59 =	vtrunc.f32 v50;
	[tilespmem:$0x18080] =	vst v16;
	v16 =	vcvt.f32.s32 v57  }
0x355: {  	v62 =	vld [tilespmem:$0x350];
	v61 =	vtrunc.f32 v52;
	[tilespmem:$0x18090] =	vst v17;
	v17 =	vcvt.f32.s32 v59  }
0x356: {  	v24 =	vld [tilespmem:$0x360];
	v63 =	vtrunc.f32 v54;
	[tilespmem:$0x180A0] =	vst v16;
	v16 =	vcvt.f32.s32 v61  }
0x357: {  	v26 =	vld [tilespmem:$0x370];
	v25 =	vtrunc.f32 v56;
	[tilespmem:$0x180B0] =	vst v17;
	v17 =	vcvt.f32.s32 v63  }
0x358: {  	v28 =	vld [tilespmem:$0x3C0];
	v27 =	vtrunc.f32 v58;
	[tilespmem:$0x180C0] =	vst v16;
	v16 =	vcvt.f32.s32 v25  }
0x359: {  	v30 =	vld [tilespmem:$0x3D0];
	v29 =	vtrunc.f32 v60;
	[tilespmem:$0x180D0] =	vst v17;
	v17 =	vcvt.f32.s32 v27  }
0x35a: {  	v32 =	vld [tilespmem:$0x3E0];
	v31 =	vtrunc.f32 v62;
	[tilespmem:$0x180E0] =	vst v16;
	v16 =	vcvt.f32.s32 v29  }
0x35b: {  	v34 =	vld [tilespmem:$0x3F0];
	v33 =	vtrunc.f32 v24;
	[tilespmem:$0x180F0] =	vst v17;
	v17 =	vcvt.f32.s32 v31  }
0x35c: {  	v36 =	vld [tilespmem:$0x440];
	v35 =	vtrunc.f32 v26;
	[tilespmem:$0x18100] =	vst v16;
	v16 =	vcvt.f32.s32 v33  }
0x35d: {  	v38 =	vld [tilespmem:$0x450];
	v37 =	vtrunc.f32 v28;
	[tilespmem:$0x18110] =	vst v17;
	v17 =	vcvt.f32.s32 v35  }
0x35e: {  	v40 =	vld [tilespmem:$0x460];
	v39 =	vtrunc.f32 v30;
	[tilespmem:$0x18120] =	vst v16;
	v16 =	vcvt.f32.s32 v37  }
0x35f: {  	v42 =	vld [tilespmem:$0x470];
	v41 =	vtrunc.f32 v32;
	[tilespmem:$0x18130] =	vst v17;
	v17 =	vcvt.f32.s32 v39  }
0x360: {  	v44 =	vld [tilespmem:$0x4C0];
	v43 =	vtrunc.f32 v34;
	[tilespmem:$0x18140] =	vst v16;
	v16 =	vcvt.f32.s32 v41  }
0x361: {  	v46 =	vld [tilespmem:$0x4D0];
	v45 =	vtrunc.f32 v36;
	[tilespmem:$0x18150] =	vst v17;
	v17 =	vcvt.f32.s32 v43  }
0x362: {  	v48 =	vld [tilespmem:$0x4E0];
	v47 =	vtrunc.f32 v38;
	[tilespmem:$0x18160] =	vst v16;
	v16 =	vcvt.f32.s32 v45  }
0x363: {  	v50 =	vld [tilespmem:$0x4F0];
	v49 =	vtrunc.f32 v40;
	[tilespmem:$0x18170] =	vst v17;
	v17 =	vcvt.f32.s32 v47  }
0x364: {  	v52 =	vld [tilespmem:$0x540];
	v51 =	vtrunc.f32 v42;
	[tilespmem:$0x18180] =	vst v16;
	v16 =	vcvt.f32.s32 v49  }
0x365: {  	v54 =	vld [tilespmem:$0x550];
	v53 =	vtrunc.f32 v44;
	[tilespmem:$0x18190] =	vst v17;
	v17 =	vcvt.f32.s32 v51  }
0x366: {  	v56 =	vld [tilespmem:$0x560];
	v55 =	vtrunc.f32 v46;
	[tilespmem:$0x181A0] =	vst v16;
	v16 =	vcvt.f32.s32 v53  }
0x367: {  	v58 =	vld [tilespmem:$0x570];
	v57 =	vtrunc.f32 v48;
	[tilespmem:$0x181B0] =	vst v17;
	v17 =	vcvt.f32.s32 v55  }
0x368: {  	v60 =	vld [tilespmem:$0x5C0];
	v59 =	vtrunc.f32 v50;
	[tilespmem:$0x181C0] =	vst v16;
	v16 =	vcvt.f32.s32 v57  }
0x369: {  	v62 =	vld [tilespmem:$0x5D0];
	v61 =	vtrunc.f32 v52;
	[tilespmem:$0x181D0] =	vst v17;
	v17 =	vcvt.f32.s32 v59  }
0x36a: {  	v24 =	vld [tilespmem:$0x5E0];
	v63 =	vtrunc.f32 v54;
	[tilespmem:$0x181E0] =	vst v16;
	v16 =	vcvt.f32.s32 v61  }
0x36b: {  	v26 =	vld [tilespmem:$0x5F0];
	v25 =	vtrunc.f32 v56;
	[tilespmem:$0x181F0] =	vst v17;
	v17 =	vcvt.f32.s32 v63  }
0x36c: {  	v28 =	vld [tilespmem:$0x640];
	v27 =	vtrunc.f32 v58;
	[tilespmem:$0x18200] =	vst v16;
	v16 =	vcvt.f32.s32 v25  }
0x36d: {  	v30 =	vld [tilespmem:$0x650];
	v29 =	vtrunc.f32 v60;
	[tilespmem:$0x18210] =	vst v17;
	v17 =	vcvt.f32.s32 v27  }
0x36e: {  	v32 =	vld [tilespmem:$0x660];
	v31 =	vtrunc.f32 v62;
	[tilespmem:$0x18220] =	vst v16;
	v16 =	vcvt.f32.s32 v29  }
0x36f: {  	v34 =	vld [tilespmem:$0x670];
	v33 =	vtrunc.f32 v24;
	[tilespmem:$0x18230] =	vst v17;
	v17 =	vcvt.f32.s32 v31  }
0x370: {  	v36 =	vld [tilespmem:$0x6C0];
	v35 =	vtrunc.f32 v26;
	[tilespmem:$0x18240] =	vst v16;
	v16 =	vcvt.f32.s32 v33  }
0x371: {  	v38 =	vld [tilespmem:$0x6D0];
	v37 =	vtrunc.f32 v28;
	[tilespmem:$0x18250] =	vst v17;
	v17 =	vcvt.f32.s32 v35  }
0x372: {  	v40 =	vld [tilespmem:$0x6E0];
	v39 =	vtrunc.f32 v30;
	[tilespmem:$0x18260] =	vst v16;
	v16 =	vcvt.f32.s32 v37  }
0x373: {  	v42 =	vld [tilespmem:$0x6F0];
	v41 =	vtrunc.f32 v32;
	[tilespmem:$0x18270] =	vst v17;
	v17 =	vcvt.f32.s32 v39  }
0x374: {  	v44 =	vld [tilespmem:$0x740];
	v43 =	vtrunc.f32 v34;
	[tilespmem:$0x18280] =	vst v16;
	v16 =	vcvt.f32.s32 v41  }
0x375: {  	v46 =	vld [tilespmem:$0x750];
	v45 =	vtrunc.f32 v36;
	[tilespmem:$0x18290] =	vst v17;
	v17 =	vcvt.f32.s32 v43  }
0x376: {  	v48 =	vld [tilespmem:$0x760];
	v47 =	vtrunc.f32 v38;
	[tilespmem:$0x182A0] =	vst v16;
	v16 =	vcvt.f32.s32 v45  }
0x377: {  	v50 =	vld [tilespmem:$0x770];
	v49 =	vtrunc.f32 v40;
	[tilespmem:$0x182B0] =	vst v17;
	v17 =	vcvt.f32.s32 v47  }
0x378: {  	v52 =	vld [tilespmem:$0x7C0];
	v51 =	vtrunc.f32 v42;
	[tilespmem:$0x182C0] =	vst v16;
	v16 =	vcvt.f32.s32 v49  }
0x379: {  	v54 =	vld [tilespmem:$0x7D0];
	v53 =	vtrunc.f32 v44;
	[tilespmem:$0x182D0] =	vst v17;
	v17 =	vcvt.f32.s32 v51  }
0x37a: {  	v56 =	vld [tilespmem:$0x7E0];
	v55 =	vtrunc.f32 v46;
	[tilespmem:$0x182E0] =	vst v16;
	v16 =	vcvt.f32.s32 v53  }
0x37b: {  	v58 =	vld [tilespmem:$0x7F0];
	v57 =	vtrunc.f32 v48;
	[tilespmem:$0x182F0] =	vst v17;
	v17 =	vcvt.f32.s32 v55  }
0x37c: {  	v60 =	vld [tilespmem:$0x840];
	v59 =	vtrunc.f32 v50;
	[tilespmem:$0x18300] =	vst v16;
	v16 =	vcvt.f32.s32 v57  }
0x37d: {  	v62 =	vld [tilespmem:$0x850];
	v61 =	vtrunc.f32 v52;
	[tilespmem:$0x18310] =	vst v17;
	v17 =	vcvt.f32.s32 v59  }
0x37e: {  	v24 =	vld [tilespmem:$0x860];
	v63 =	vtrunc.f32 v54;
	[tilespmem:$0x18320] =	vst v16;
	v16 =	vcvt.f32.s32 v61  }
0x37f: {  	v26 =	vld [tilespmem:$0x870];
	v25 =	vtrunc.f32 v56;
	[tilespmem:$0x18330] =	vst v17;
	v17 =	vcvt.f32.s32 v63  }
0x380: {  	v28 =	vld [tilespmem:$0x8C0];
	v27 =	vtrunc.f32 v58;
	[tilespmem:$0x18340] =	vst v16;
	v16 =	vcvt.f32.s32 v25  }
0x381: {  	v30 =	vld [tilespmem:$0x8D0];
	v29 =	vtrunc.f32 v60;
	[tilespmem:$0x18350] =	vst v17;
	v17 =	vcvt.f32.s32 v27  }
0x382: {  	v32 =	vld [tilespmem:$0x8E0];
	v31 =	vtrunc.f32 v62;
	[tilespmem:$0x18360] =	vst v16;
	v16 =	vcvt.f32.s32 v29  }
0x383: {  	v34 =	vld [tilespmem:$0x8F0];
	v33 =	vtrunc.f32 v24;
	[tilespmem:$0x18370] =	vst v17;
	v17 =	vcvt.f32.s32 v31  }
0x384: {  	v36 =	vld [tilespmem:$0x940];
	v35 =	vtrunc.f32 v26;
	[tilespmem:$0x18380] =	vst v16;
	v16 =	vcvt.f32.s32 v33  }
0x385: {  	v38 =	vld [tilespmem:$0x950];
	v37 =	vtrunc.f32 v28;
	[tilespmem:$0x18390] =	vst v17;
	v17 =	vcvt.f32.s32 v35  }
0x386: {  	v40 =	vld [tilespmem:$0x960];
	v39 =	vtrunc.f32 v30;
	[tilespmem:$0x183A0] =	vst v16;
	v16 =	vcvt.f32.s32 v37  }
0x387: {  	v42 =	vld [tilespmem:$0x970];
	v41 =	vtrunc.f32 v32;
	[tilespmem:$0x183B0] =	vst v17;
	v17 =	vcvt.f32.s32 v39  }
0x388: {  	v44 =	vld [tilespmem:$0x9C0];
	v43 =	vtrunc.f32 v34;
	[tilespmem:$0x183C0] =	vst v16;
	v16 =	vcvt.f32.s32 v41  }
0x389: {  	v46 =	vld [tilespmem:$0x9D0];
	v45 =	vtrunc.f32 v36;
	[tilespmem:$0x183D0] =	vst v17;
	v17 =	vcvt.f32.s32 v43  }
0x38a: {  	v48 =	vld [tilespmem:$0x9E0];
	v47 =	vtrunc.f32 v38;
	[tilespmem:$0x183E0] =	vst v16;
	v16 =	vcvt.f32.s32 v45  }
0x38b: {  	v50 =	vld [tilespmem:$0x9F0];
	v49 =	vtrunc.f32 v40;
	[tilespmem:$0x183F0] =	vst v17;
	v17 =	vcvt.f32.s32 v47  }
0x38c: {  	v52 =	vld [tilespmem:$0xA40];
	v51 =	vtrunc.f32 v42;
	[tilespmem:$0x18400] =	vst v16;
	v16 =	vcvt.f32.s32 v49  }
0x38d: {  	v54 =	vld [tilespmem:$0xA50];
	v53 =	vtrunc.f32 v44;
	[tilespmem:$0x18410] =	vst v17;
	v17 =	vcvt.f32.s32 v51  }
0x38e: {  	v56 =	vld [tilespmem:$0xA60];
	v55 =	vtrunc.f32 v46;
	[tilespmem:$0x18420] =	vst v16;
	v16 =	vcvt.f32.s32 v53  }
0x38f: {  	v58 =	vld [tilespmem:$0xA70];
	v57 =	vtrunc.f32 v48;
	[tilespmem:$0x18430] =	vst v17;
	v17 =	vcvt.f32.s32 v55  }
0x390: {  	v60 =	vld [tilespmem:$0xAC0];
	v59 =	vtrunc.f32 v50;
	[tilespmem:$0x18440] =	vst v16;
	v16 =	vcvt.f32.s32 v57  }
0x391: {  	v62 =	vld [tilespmem:$0xAD0];
	v61 =	vtrunc.f32 v52;
	[tilespmem:$0x18450] =	vst v17;
	v17 =	vcvt.f32.s32 v59  }
0x392: {  	v24 =	vld [tilespmem:$0xAE0];
	v63 =	vtrunc.f32 v54;
	[tilespmem:$0x18460] =	vst v16;
	v16 =	vcvt.f32.s32 v61  }
0x393: {  	v26 =	vld [tilespmem:$0xAF0];
	v25 =	vtrunc.f32 v56;
	[tilespmem:$0x18470] =	vst v17;
	v17 =	vcvt.f32.s32 v63  }
0x394: {  	v28 =	vld [tilespmem:$0xB40];
	v27 =	vtrunc.f32 v58;
	[tilespmem:$0x18480] =	vst v16;
	v16 =	vcvt.f32.s32 v25  }
0x395: {  	v30 =	vld [tilespmem:$0xB50];
	v29 =	vtrunc.f32 v60;
	[tilespmem:$0x18490] =	vst v17;
	v17 =	vcvt.f32.s32 v27  }
0x396: {  	v32 =	vld [tilespmem:$0xB60];
	v31 =	vtrunc.f32 v62;
	[tilespmem:$0x184A0] =	vst v16;
	v16 =	vcvt.f32.s32 v29  }
0x397: {  	v34 =	vld [tilespmem:$0xB70];
	v33 =	vtrunc.f32 v24;
	[tilespmem:$0x184B0] =	vst v17;
	v17 =	vcvt.f32.s32 v31  }
0x398: {  	v36 =	vld [tilespmem:$0xBC0];
	v35 =	vtrunc.f32 v26;
	[tilespmem:$0x184C0] =	vst v16;
	v16 =	vcvt.f32.s32 v33  }
0x399: {  	v38 =	vld [tilespmem:$0xBD0];
	v37 =	vtrunc.f32 v28;
	[tilespmem:$0x184D0] =	vst v17;
	v17 =	vcvt.f32.s32 v35  }
0x39a: {  	v40 =	vld [tilespmem:$0xBE0];
	v39 =	vtrunc.f32 v30;
	[tilespmem:$0x184E0] =	vst v16;
	v16 =	vcvt.f32.s32 v37  }
0x39b: {  	v42 =	vld [tilespmem:$0xBF0];
	v41 =	vtrunc.f32 v32;
	[tilespmem:$0x184F0] =	vst v17;
	v17 =	vcvt.f32.s32 v39  }
0x39c: {  	v44 =	vld [tilespmem:$0xC40];
	v43 =	vtrunc.f32 v34;
	[tilespmem:$0x18500] =	vst v16;
	v16 =	vcvt.f32.s32 v41  }
0x39d: {  	v46 =	vld [tilespmem:$0xC50];
	v45 =	vtrunc.f32 v36;
	[tilespmem:$0x18510] =	vst v17;
	v17 =	vcvt.f32.s32 v43  }
0x39e: {  	v48 =	vld [tilespmem:$0xC60];
	v47 =	vtrunc.f32 v38;
	[tilespmem:$0x18520] =	vst v16;
	v16 =	vcvt.f32.s32 v45  }
0x39f: {  	v50 =	vld [tilespmem:$0xC70];
	v49 =	vtrunc.f32 v40;
	[tilespmem:$0x18530] =	vst v17;
	v17 =	vcvt.f32.s32 v47  }
0x3a0: {  	v52 =	vld [tilespmem:$0xCC0];
	v51 =	vtrunc.f32 v42;
	[tilespmem:$0x18540] =	vst v16;
	v16 =	vcvt.f32.s32 v49  }
0x3a1: {  	v54 =	vld [tilespmem:$0xCD0];
	v53 =	vtrunc.f32 v44;
	[tilespmem:$0x18550] =	vst v17;
	v17 =	vcvt.f32.s32 v51  }
0x3a2: {  	v56 =	vld [tilespmem:$0xCE0];
	v55 =	vtrunc.f32 v46;
	[tilespmem:$0x18560] =	vst v16;
	v16 =	vcvt.f32.s32 v53  }
0x3a3: {  	v58 =	vld [tilespmem:$0xCF0];
	v57 =	vtrunc.f32 v48;
	[tilespmem:$0x18570] =	vst v17;
	v17 =	vcvt.f32.s32 v55  }
0x3a4: {  	v59 =	vtrunc.f32 v50;
	[tilespmem:$0x18580] =	vst v16;
	v16 =	vcvt.f32.s32 v57  }
0x3a5: {  	v60 =	vtrunc.f32 v52;
	[tilespmem:$0x18590] =	vst v17;
	v17 =	vcvt.f32.s32 v59  }
0x3a6: {  	v61 =	vtrunc.f32 v54;
	[tilespmem:$0x185A0] =	vst v16;
	v16 =	vcvt.f32.s32 v60  }
0x3a7: {  	v62 =	vtrunc.f32 v56;
	[tilespmem:$0x185B0] =	vst v17;
	v17 =	vcvt.f32.s32 v61  }
0x3a8: {  	v63 =	vtrunc.f32 v58;
	[tilespmem:$0x185C0] =	vst v16;
	v16 =	vcvt.f32.s32 v62  }
0x3a9: {  	[tilespmem:$0x185D0] =	vst v17;
	v17 =	vcvt.f32.s32 v63  }
0x3aa: {  	[tilespmem:$0x185E0] =	vst v16  }
0x3ab: {  	s0 =	simm.s32 $0x17F80;
	s24 =	simm.s32 $0xD00;
	[tilespmem:$0x185F0] =	vst v17  }
0x3ac: {  	[tilespmem:s24], [sflag:$0x1] =	stream.indirect.gather [hbm4b:s2+s12], $0x10, s0, s12, $0xb8;
	[tilespmem:$0x18600] =	vst v63  }
0x3ad: {  	s25 =	simm.s32 $0x18000;
	s26 =	simm.s32 $0x1500  }
0x3ae: {  	[tilespmem:s26], [sflag:$0x1] =	stream.indirect.gather [hbm4b:s2+s12], $0x10, s25, s12, $0xb8;
	[tilespmem:$0x18600] =	vst v63  }
0x3af: {  	s28 =	simm.s32 $0x18080;
	s29 =	simm.s32 $0x1D00  }
0x3b0: {  	[tilespmem:s29], [sflag:$0x1] =	stream.indirect.gather [hbm4b:s2+s12], $0x10, s28, s12, $0xb8;
	[tilespmem:$0x18600] =	vst v63  }
0x3b1: {  	s30 =	simm.s32 $0x18100;
	s31 =	simm.s32 $0x2500  }
0x3b2: {  	[tilespmem:s31], [sflag:$0x1] =	stream.indirect.gather [hbm4b:s2+s12], $0x10, s30, s12, $0xb8;
	[tilespmem:$0x18600] =	vst v63  }
0x3b3: {  	s3 =	simm.s32 $0x18180;
	s4 =	simm.s32 $0x2D00  }
0x3b4: {  	[tilespmem:s4], [sflag:$0x1] =	stream.indirect.gather [hbm4b:s2+s12], $0x10, s3, s12, $0xb8;
	[tilespmem:$0x18600] =	vst v63  }
0x3b5: {  	s6 =	simm.s32 $0x18200;
	s7 =	simm.s32 $0x3500  }
0x3b6: {  	[tilespmem:s7], [sflag:$0x1] =	stream.indirect.gather [hbm4b:s2+s12], $0x10, s6, s12, $0xb8;
	[tilespmem:$0x18600] =	vst v63  }
0x3b7: {  	s10 =	simm.s32 $0x18280;
	s14 =	simm.s32 $0x3D00  }
0x3b8: {  	[tilespmem:s14], [sflag:$0x1] =	stream.indirect.gather [hbm4b:s2+s12], $0x10, s10, s12, $0xb8;
	[tilespmem:$0x18600] =	vst v63  }
0x3b9: {  	s15 =	simm.s32 $0x18300;
	s16 =	simm.s32 $0x4500  }
0x3ba: {  	[tilespmem:s16], [sflag:$0x1] =	stream.indirect.gather [hbm4b:s2+s12], $0x10, s15, s12, $0xb8;
	[tilespmem:$0x18600] =	vst v63  }
0x3bb: {  	s17 =	simm.s32 $0x18380;
	s20 =	simm.s32 $0x4D00  }
0x3bc: {  	[tilespmem:s20], [sflag:$0x1] =	stream.indirect.gather [hbm4b:s2+s12], $0x10, s17, s12, $0xb8;
	[tilespmem:$0x18600] =	vst v63  }
0x3bd: {  	s21 =	simm.s32 $0x18400;
	s24 =	simm.s32 $0x5500  }
0x3be: {  	[tilespmem:s24], [sflag:$0x1] =	stream.indirect.gather [hbm4b:s2+s12], $0x10, s21, s12, $0xb8;
	[tilespmem:$0x18600] =	vst v63  }
0x3bf: {  	s25 =	simm.s32 $0x18480;
	s26 =	simm.s32 $0x5D00  }
0x3c0: {  	[tilespmem:s26], [sflag:$0x1] =	stream.indirect.gather [hbm4b:s2+s12], $0x10, s25, s12, $0xb8;
	[tilespmem:$0x18600] =	vst v63  }
.Ltmp9:
0x3c1: {  	_ = 	snop;
	(pc) =	sbr.rel .LBB2_12-.Ltmp9, $4  }
0x3c2: {  	s28 =	simm.s32 $0x18500;
	s29 =	simm.s32 $0x6500  }
0x3c3: {  	[tilespmem:s29], [sflag:$0x1] =	stream.indirect.gather [hbm4b:s2+s12], $0x10, s28, s12, $0xb8;
	[tilespmem:$0x18600] =	vst v63  }
0x3c4: {  	s30 =	simm.s32 $0x18580;
	s31 =	simm.s32 $0x6D00  }
0x3c5: {  	[tilespmem:s31], [sflag:$0x1] =	stream.indirect.gather [hbm4b:s2+s12], $0x10, s30, s12, $0xb8;
	[tilespmem:$0x18600] =	vst v63  }
.LBB2_14:
0x3c6: {  	_ =	sfence.sel $0x180000  }
0x3c7: {  	[bflag:$0x0] =	sbarrier.arrive $0xFFFF  }
0x3c8: {  	_ =	strace $0x90000047  }
0x3c9: {  	s0 =	stileid.u32;
	[bflag:$0x2] =	sbarrier.arrive $0xFFFF  }
0x3ca: {  	p0 =	sne.s32 s0, $0x0;
	s0 =	rddreg [dreg:$0x3]  }
0x3cb: {  	s0 =	sadd.s32 @!p0 $0x100000, s0  }
0x3cc: {  	[sflag:s0] =	ssyncadd.tile.s32 @!p0 $0x1;
	_ =	shalt  }
.Lfunc_end2:
_tile_overlayer_lowered:
.L_overlay_start_2:
0x3cd: {  	(tag) =	ssettag $0x2  }
0x3ce: {  	s0 =	rddreg [dreg:$0x0];
	s2 =	stileid.u32  }
0x3cf: {  	s1 =	rddreg [dreg:$0x1];
	p0 =	sne.s32 s2, $0x0  }
0x3d0: {  	s3 =	rddreg [dreg:$0x2];
	[bflag:$0x3] =	sbarrier.arrive $0xFFFF;
	s2 =	simm.s32 @!p0 $0x1C03  }
0x3d1: {  	[timem:s3], [sflag:s2] =	dma.local @!p0 [hbm:s0], s1  }
0x3d2: {  	s0 =	simm.s32 @!p0 $0x3  }
0x3d3: {  	_ =	swait.ge @!p0 [sflag:s0], s1  }
0x3d4: {  	s1 =	ssub.s32 @!p0 $0x0, s1;
	[sflag:s0] =	ssyncset.done @!p0 $0x0  }
0x3d5: {  	[sflag:s0] =	ssyncadd.s32 @!p0 s1  }
0x3d6: {  	[bflag:$0x3] =	sbarrier.arrive $0xFFFF  }
0x3d7: {  	_ =	shalt  }

</sc_bundles>
